<compile_context>
chip_gen: v7x
topology: tpu7x:2x2x1
jax: 0.10.2.dev20260603
libtpu: 0.0.44.dev20260713+nightly
codegen_flags: <defaults>
</compile_context>

<pallas_src>
import functools

import jax
import jax.numpy as jnp
from jax import lax
from jax.experimental import pallas as pl
from jax.experimental.pallas import tpu as pltpu
from jax.experimental.pallas import tpu_sc as plsc

N = 10000
E = 320000
D = 128
C = 32
FC = 512
NOUT = 10

NC = 2
NS = 16
NW = NC * NS
CH = 128
EPW = 10240
NCH = EPW // CH
E_PAD = EPW * NW
PAD_ROW = N
N_ACC = 10112
RPS = N_ACC // NS

def _deg_body(e0_hbm, e1_hbm, zeros_hbm, ones_hbm, out_hbm,
              dst_v, ones_v, acc_sh):
    c = lax.axis_index("c")
    s = lax.axis_index("s")
    pltpu.sync_copy(zeros_hbm.at[pl.ds(s * RPS, RPS)],
                    acc_sh.at[pl.ds(s * RPS, RPS)])

    @pl.when(c == 0)
    def _copy0():
        pltpu.sync_copy(e0_hbm.at[1, s], dst_v.at[pl.ds(0, NCH0)])

    @pl.when(c == 1)
    def _copy1():
        pltpu.sync_copy(e1_hbm.at[1, s], dst_v.at[pl.ds(0, NCH1)])

    pltpu.sync_copy(ones_hbm, ones_v)
    plsc.subcore_barrier()
    nch = jnp.where(c == 0, NCH0, NCH1)

    @pl.loop(0, nch)
    def _chunk(j):
        pltpu.sync_copy(ones_v, acc_sh.at[dst_v.at[j]], add=True)

    plsc.subcore_barrier()
    pltpu.sync_copy(acc_sh.at[pl.ds(s * RPS, RPS)],
                    out_hbm.at[c, pl.ds(s * RPS, RPS)])


NBUF = 8
NCH0 = 80
NCH1 = 80
EC0 = NS * NCH0 * CH
NCHMX = max(NCH0, NCH1)


def _prop_body(g_hbm, e0_hbm, e1_hbm, zeros_hbm, out_hbm,
               src_v, dst_v, bufs, acc_sh, g_sh, gsems, ssems):
    c = lax.axis_index("c")
    s = lax.axis_index("s")
    pltpu.sync_copy(zeros_hbm.at[pl.ds(s * RPS, RPS)],
                    acc_sh.at[pl.ds(s * RPS, RPS)])
    pltpu.sync_copy(g_hbm.at[pl.ds(s * RPS, RPS)],
                    g_sh.at[pl.ds(s * RPS, RPS)])

    @pl.when(c == 0)
    def _copy0():
        pltpu.sync_copy(e0_hbm.at[0, s], src_v.at[pl.ds(0, NCH0)])
        pltpu.sync_copy(e0_hbm.at[1, s], dst_v.at[pl.ds(0, NCH0)])

    @pl.when(c == 1)
    def _copy1():
        pltpu.sync_copy(e1_hbm.at[0, s], src_v.at[pl.ds(0, NCH1)])
        pltpu.sync_copy(e1_hbm.at[1, s], dst_v.at[pl.ds(0, NCH1)])

    plsc.subcore_barrier()
    nch = jnp.where(c == 0, NCH0, NCH1)

    for b in range(NBUF):
        pltpu.async_copy(g_sh.at[src_v.at[b]], bufs.at[b], gsems.at[b])

    @pl.loop(0, nch, step=NBUF)
    def _group(j):
        for b in range(NBUF):
            pltpu.make_async_copy(
                g_sh.at[src_v.at[j + b]], bufs.at[b], gsems.at[b]).wait()
            pltpu.async_copy(
                bufs.at[b], acc_sh.at[dst_v.at[j + b]], ssems.at[b], add=True)
        for b in range(NBUF):
            pltpu.make_async_copy(
                bufs.at[b], acc_sh.at[dst_v.at[j + b]], ssems.at[b]).wait()
            pltpu.async_copy(
                g_sh.at[src_v.at[lax.rem(j + NBUF + b, nch)]],
                bufs.at[b], gsems.at[b])

    for b in range(NBUF):
        pltpu.make_async_copy(
            g_sh.at[src_v.at[b]], bufs.at[b], gsems.at[b]).wait()

    plsc.subcore_barrier()
    pltpu.sync_copy(acc_sh.at[pl.ds(s * RPS, RPS)],
                    out_hbm.at[c, pl.ds(s * RPS, RPS)])


def _tc1_body(degp_ref, x_ref, w1_ref, g1_ref, dinv_ref):
    deg = degp_ref[0, :N, 0:1] + degp_ref[1, :N, 0:1] + 1.0
    dinv = lax.rsqrt(jnp.maximum(deg, 1.0))
    xw = jnp.dot(x_ref[...], w1_ref[...], preferred_element_type=jnp.float32)
    g1_ref[:N, :] = dinv * xw
    g1_ref[N:, :] = jnp.zeros((N_ACC - N, C), jnp.float32)
    dinv_ref[:N, :] = dinv
    dinv_ref[N:, :] = jnp.zeros((N_ACC - N, 1), jnp.float32)


def _elu(x):
    return jnp.where(x > 0, x, jnp.exp(jnp.minimum(x, 0.0)) - 1.0)


def _tc2_body(p_ref, g1_ref, dinv_ref, b1_ref, w2_ref, g2_ref):
    dinv = dinv_ref[:N, :]
    pre = (dinv * (p_ref[0, :N, :] + p_ref[1, :N, :] + g1_ref[:N, :])
           + b1_ref[...][None, :])
    h1 = _elu(pre)
    hw = jnp.dot(h1, w2_ref[...], preferred_element_type=jnp.float32)
    g2_ref[:N, :] = dinv * hw
    g2_ref[N:, :] = jnp.zeros((N_ACC - N, C), jnp.float32)


@functools.lru_cache(maxsize=None)
def _build_sc_kernels():
    mesh = plsc.VectorSubcoreMesh(
        core_axis_name="c", subcore_axis_name="s",
        num_cores=NC, num_subcores=NS)
    params = pltpu.CompilerParams(use_tc_tiling_on_sc=False)
    deg_k = pl.kernel(
        _deg_body,
        out_type=jax.ShapeDtypeStruct((NC, N_ACC, 16), jnp.float32),
        mesh=mesh,
        compiler_params=params,
        scratch_types=[
            pltpu.VMEM((NCHMX, CH), jnp.int32),
            pltpu.VMEM((CH, 16), jnp.float32),
            pltpu.VMEM_SHARED((N_ACC, 16), jnp.float32),
        ],
    )
    prop_k = pl.kernel(
        _prop_body,
        out_type=jax.ShapeDtypeStruct((NC, N_ACC, C), jnp.float32),
        mesh=mesh,
        compiler_params=params,
        scratch_types=[
            pltpu.VMEM((NCHMX, CH), jnp.int32),
            pltpu.VMEM((NCHMX, CH), jnp.int32),
            pltpu.VMEM((NBUF, CH, C), jnp.float32),
            pltpu.VMEM_SHARED((N_ACC, C), jnp.float32),
            pltpu.VMEM_SHARED((N_ACC, C), jnp.float32),
            pltpu.SemaphoreType.DMA((NBUF,)),
            pltpu.SemaphoreType.DMA((NBUF,)),
        ],
    )
    return deg_k, prop_k


def _deg_call(e0, e1, zeros16, ones16):
    return _build_sc_kernels()[0](e0, e1, zeros16, ones16)


def _prop_call(g, e0, e1, zeros32):
    return _build_sc_kernels()[1](g, e0, e1, zeros32)


def _tc3_body(p_ref, g2_ref, dinv_ref, b2_ref, h2_ref):
    dinv = dinv_ref[:N, :]
    pre = (dinv * (p_ref[0, :N, :] + p_ref[1, :N, :] + g2_ref[:N, :])
           + b2_ref[...][None, :])
    h2_ref[...] = _elu(pre)


KB = 6400
KSTEPS = (N * C) // KB


def _matvec_body(flat_ref, wfc1_ref, bfc1_ref, wfc2_ref, bfc2_ref,
                 out_ref, acc_ref):
    k = pl.program_id(0)

    @pl.when(k == 0)
    def _init():
        acc_ref[...] = bfc1_ref[...]

    acc_ref[...] += jnp.dot(flat_ref[...], wfc1_ref[...],
                            preferred_element_type=jnp.float32)

    @pl.when(k == KSTEPS - 1)
    def _head():
        fc = jnp.maximum(acc_ref[...], 0.0)
        logits = jnp.dot(fc, wfc2_ref[...],
                         preferred_element_type=jnp.float32) + bfc2_ref[...]
        m = jnp.max(logits, axis=-1, keepdims=True)
        e = jnp.exp(logits - m)
        out_ref[...] = e / jnp.sum(e, axis=-1, keepdims=True)


def kernel(x, edge_index, W1, b1, W2, b2, Wfc1, bfc1, Wfc2, bfc2):
    pad = jnp.full((2, E_PAD - E), PAD_ROW, dtype=jnp.int32)
    flat = jnp.concatenate([edge_index, pad], axis=1)
    e0 = flat[:, :EC0].reshape(2, NS, NCH0, CH)
    e1 = flat[:, EC0:].reshape(2, NS, NCH1, CH)
    zeros16 = jnp.zeros((N_ACC, 16), jnp.float32)
    zeros32 = jnp.zeros((N_ACC, C), jnp.float32)
    ones16 = jnp.ones((CH, 16), jnp.float32)

    degp = _deg_call(e0, e1, zeros16, ones16)

    g1, dinv = pl.pallas_call(
        _tc1_body,
        out_shape=[
            jax.ShapeDtypeStruct((N_ACC, C), jnp.float32),
            jax.ShapeDtypeStruct((N_ACC, 1), jnp.float32),
        ],
    )(degp, x, W1)

    p1 = _prop_call(g1, e0, e1, zeros32)

    g2 = pl.pallas_call(
        _tc2_body,
        out_shape=jax.ShapeDtypeStruct((N_ACC, C), jnp.float32),
    )(p1, g1, dinv, b1, W2)

    p2 = _prop_call(g2, e0, e1, zeros32)

    h2 = pl.pallas_call(
        _tc3_body,
        out_shape=jax.ShapeDtypeStruct((N, C), jnp.float32),
    )(p2, g2, dinv, b2)

    flat = h2.reshape(1, N * C)

    out = pl.pallas_call(
        _matvec_body,
        grid=(KSTEPS,),
        in_specs=[
            pl.BlockSpec((1, KB), lambda k: (0, k)),
            pl.BlockSpec((KB, FC), lambda k: (k, 0)),
            pl.BlockSpec((1, FC), lambda k: (0, 0)),
            pl.BlockSpec((FC, NOUT), lambda k: (0, 0)),
            pl.BlockSpec((1, NOUT), lambda k: (0, 0)),
        ],
        out_specs=pl.BlockSpec((1, NOUT), lambda k: (0, 0)),
        out_shape=jax.ShapeDtypeStruct((1, NOUT), jnp.float32),
        scratch_shapes=[pltpu.VMEM((1, FC), jnp.float32)],
    )(flat, Wfc1, bfc1.reshape(1, FC), Wfc2, bfc2.reshape(1, NOUT))

    return out

# --- scband reference (transcript-rebuilt; emitter-appended) ---
"""Pipeline reference for scband-net-4922032521431 (READ-ONLY COPY).

The authoritative reference and input builder live on the scoring server;
editing this copy changes nothing except your own understanding.
"""

import jax, jax.numpy as jnp
import numpy as np

N = 10000
E = 320000
D = 128
C = 32
FC = 512
NOUT = 10


def setup_inputs(seed: int = 0) -> dict:
    key = jax.random.key(seed)
    ks = jax.random.split(key, 12)
    x = jax.random.normal(ks[0], (N, D), dtype=jnp.float32)
    edge_index = jax.random.randint(ks[1], (2, E), 0, N, dtype=jnp.int32)
    W1 = jax.random.normal(ks[2], (D, C), dtype=jnp.float32) * (1.0 / np.sqrt(D))
    b1 = jnp.zeros((C,), dtype=jnp.float32)
    W2 = jax.random.normal(ks[3], (C, C), dtype=jnp.float32) * (1.0 / np.sqrt(C))
    b2 = jnp.zeros((C,), dtype=jnp.float32)
    Wfc1 = jax.random.normal(ks[4], (N * C, FC), dtype=jnp.float32) * (1.0 / np.sqrt(N * C))
    bfc1 = jnp.zeros((FC,), dtype=jnp.float32)
    Wfc2 = jax.random.normal(ks[5], (FC, NOUT), dtype=jnp.float32) * (1.0 / np.sqrt(FC))
    bfc2 = jnp.zeros((NOUT,), dtype=jnp.float32)
    return {"x": x, "edge_index": edge_index, "W1": W1, "b1": b1, "W2": W2, "b2": b2,
            "Wfc1": Wfc1, "bfc1": bfc1, "Wfc2": Wfc2, "bfc2": bfc2}


def reference(x, edge_index, W1, b1, W2, b2, Wfc1, bfc1, Wfc2, bfc2):
    # GraphConv (spektral GCNConv): out = D^-1/2 (A+I) D^-1/2 X W + b, implemented
    # in edge-list form with gather + scatter-add (segment_sum).
    src = edge_index[0]
    dst = edge_index[1]
    loops = jnp.arange(N, dtype=src.dtype)
    src = jnp.concatenate([src, loops])
    dst = jnp.concatenate([dst, loops])
    deg = jax.ops.segment_sum(jnp.ones(src.shape[0], dtype=jnp.float32), dst, num_segments=N)
    dinv = 1.0 / jnp.sqrt(jnp.maximum(deg, 1.0))
    norm = dinv[src] * dinv[dst]

    def propagate(h):
        msgs = h[src] * norm[:, None]
        return jax.ops.segment_sum(msgs, dst, num_segments=N)

    h = jax.nn.elu(propagate(x @ W1) + b1)
    h = jax.nn.elu(propagate(h @ W2) + b2)
    flat = h.reshape(1, N * C)
    fc = jax.nn.relu(flat @ Wfc1 + bfc1)
    out = jax.nn.softmax(fc @ Wfc2 + bfc2, axis=-1)
    return out

if __name__ == "__main__":
    import jax
    _d = setup_inputs()
    print(jax.jit(kernel)(*tuple(_d.values())))

</pallas_src>

<mosaic_0001>
#map = affine_map<(d0, d1) -> (0, 0, 0, 0)>
#map1 = affine_map<(d0, d1) -> (0, 0)>
#map2 = affine_map<(d0, d1) -> (0, 0, 0)>
module attributes {stable_mosaic.version = 14 : i64} {
  func.func @_deg_body(%arg0: i32, %arg1: i32, %arg2: memref<2x16x80x128xi32, #tpu.memory_space<hbm>>, %arg3: memref<2x16x80x128xi32, #tpu.memory_space<hbm>>, %arg4: memref<10112x16xf32, #tpu.memory_space<hbm>>, %arg5: memref<128x16xf32, #tpu.memory_space<hbm>>, %arg6: memref<2x10112x16xf32, #tpu.memory_space<hbm>>, %arg7: memref<80x128xi32, #tpu.memory_space<vmem>>, %arg8: memref<128x16xf32, #tpu.memory_space<vmem>>, %arg9: memref<10112x16xf32, #tpu.memory_space<vmem_shared>>) attributes {dimension_semantics = [#tpu.dimension_semantics<core_parallel>, #tpu.dimension_semantics<subcore_parallel>], iteration_bounds = array<i64: 2, 16>, scalar_prefetch = 0 : i64, scratch_operands = 3 : i64, tpu.core_type = #tpu.core_type<sc_vector_subcore>, window_params = [{transform_indices = #map}, {transform_indices = #map}, {transform_indices = #map1}, {transform_indices = #map1}, {transform_indices = #map2}]} {
    %mul3A = arith.constant 632 : i32
    %mul3A_0 = arith.muli %arg1, %mul3A : i32
    %mul3A_1 = arith.constant 632 : i32
    %mul3A_2 = arith.muli %arg1, %mul3A_1 : i32
    "tpu.region"() ({
      %run_scoped3A = tpu.sem_alloc : memref<!tpu.dma_semaphore, #tpu.memory_space<semaphore_mem>>
      %dma_start3A = arith.constant 0 : i32
      %dma_start3A_33 = tpu.memref_slice %arg9[%mul3A_2, %dma_start3A] : memref<10112x16xf32, #tpu.memory_space<vmem_shared>> -> memref<632x16xf32, #tpu.memory_space<vmem_shared>>
      %dma_start3A_34 = arith.constant 0 : i32
      %dma_start3A_35 = tpu.memref_slice %arg4[%mul3A_0, %dma_start3A_34] : memref<10112x16xf32, #tpu.memory_space<hbm>> -> memref<632x16xf32, #tpu.memory_space<hbm>>
      tpu.enqueue_dma source(%dma_start3A_35 : memref<632x16xf32, #tpu.memory_space<hbm>>) target(%dma_start3A_33 : memref<632x16xf32, #tpu.memory_space<vmem_shared>>) target_semaphore(%run_scoped3A : memref<!tpu.dma_semaphore, #tpu.memory_space<semaphore_mem>>)
      %dma_wait3A = arith.constant 0 : i32
      %dma_wait3A_36 = tpu.memref_slice %arg9[%mul3A_2, %dma_wait3A] : memref<10112x16xf32, #tpu.memory_space<vmem_shared>> -> memref<632x16xf32, #tpu.memory_space<vmem_shared>>
      %dma_wait3A_37 = arith.constant 0 : i32
      %dma_wait3A_38 = tpu.memref_slice %arg4[%mul3A_0, %dma_wait3A_37] : memref<10112x16xf32, #tpu.memory_space<hbm>> -> memref<632x16xf32, #tpu.memory_space<hbm>>
      tpu.wait_dma2 semaphore(%run_scoped3A : memref<!tpu.dma_semaphore, #tpu.memory_space<semaphore_mem>>) src(%dma_wait3A_38 : memref<632x16xf32, #tpu.memory_space<hbm>>) dst(%dma_wait3A_36 : memref<632x16xf32, #tpu.memory_space<vmem_shared>>)
      tpu.yield
    }) : () -> ()
    %eq3A = arith.constant 0 : i32
    %eq3A_3 = arith.cmpi eq, %arg0, %eq3A : i32
    %convert_element_type3A = arith.extui %eq3A_3 : i1 to i32
    %cond3A = arith.constant 0 : i32
    %cond3A_4 = arith.cmpi ne, %convert_element_type3A, %cond3A : i32
    scf.if %cond3A_4 {
      %run_scoped3A = arith.constant 1 : i32
      "tpu.region"() ({
        %run_scoped3A_33 = tpu.sem_alloc : memref<!tpu.dma_semaphore, #tpu.memory_space<semaphore_mem>>
        %dma_start3A = arith.constant 0 : i32
        %dma_start3A_34 = arith.constant 0 : i32
        %dma_start3A_35 = tpu.memref_slice %arg7[%dma_start3A, %dma_start3A_34] : memref<80x128xi32, #tpu.memory_space<vmem>> -> memref<80x128xi32, #tpu.memory_space<vmem>>
        %dma_start3A_36 = arith.constant 0 : i32
        %dma_start3A_37 = arith.constant 0 : i32
        %dma_start3A_38 = tpu.memref_slice %arg2[%run_scoped3A, %arg1, %dma_start3A_36, %dma_start3A_37] : memref<2x16x80x128xi32, #tpu.memory_space<hbm>> -> memref<1x1x80x128xi32, #tpu.memory_space<hbm>>
        %dma_start3A_39 = tpu.memref_squeeze %dma_start3A_38 : memref<1x1x80x128xi32, #tpu.memory_space<hbm>> -> memref<80x128xi32, #tpu.memory_space<hbm>>
        %dma_start3A_40 = arith.constant 0 : i32
        %dma_start3A_41 = arith.constant 0 : i32
        %dma_start3A_42 = tpu.memref_slice %arg7[%dma_start3A_40, %dma_start3A_41] : memref<80x128xi32, #tpu.memory_space<vmem>> -> memref<80x128xi32, #tpu.memory_space<vmem>>
        %dma_start3A_43 = arith.constant 0 : i32
        %dma_start3A_44 = arith.constant 0 : i32
        %dma_start3A_45 = tpu.memref_slice %arg2[%run_scoped3A, %arg1, %dma_start3A_43, %dma_start3A_44] : memref<2x16x80x128xi32, #tpu.memory_space<hbm>> -> memref<1x1x80x128xi32, #tpu.memory_space<hbm>>
        %dma_start3A_46 = tpu.memref_squeeze %dma_start3A_45 : memref<1x1x80x128xi32, #tpu.memory_space<hbm>> -> memref<80x128xi32, #tpu.memory_space<hbm>>
        tpu.enqueue_dma source(%dma_start3A_46 : memref<80x128xi32, #tpu.memory_space<hbm>>) target(%dma_start3A_42 : memref<80x128xi32, #tpu.memory_space<vmem>>) target_semaphore(%run_scoped3A_33 : memref<!tpu.dma_semaphore, #tpu.memory_space<semaphore_mem>>)
        %dma_wait3A = arith.constant 0 : i32
        %dma_wait3A_47 = arith.constant 0 : i32
        %dma_wait3A_48 = tpu.memref_slice %arg7[%dma_wait3A, %dma_wait3A_47] : memref<80x128xi32, #tpu.memory_space<vmem>> -> memref<80x128xi32, #tpu.memory_space<vmem>>
        %dma_wait3A_49 = arith.constant 0 : i32
        %dma_wait3A_50 = arith.constant 0 : i32
        %dma_wait3A_51 = tpu.memref_slice %arg2[%run_scoped3A, %arg1, %dma_wait3A_49, %dma_wait3A_50] : memref<2x16x80x128xi32, #tpu.memory_space<hbm>> -> memref<1x1x80x128xi32, #tpu.memory_space<hbm>>
        %dma_wait3A_52 = tpu.memref_squeeze %dma_wait3A_51 : memref<1x1x80x128xi32, #tpu.memory_space<hbm>> -> memref<80x128xi32, #tpu.memory_space<hbm>>
        %dma_wait3A_53 = arith.constant 0 : i32
        %dma_wait3A_54 = arith.constant 0 : i32
        %dma_wait3A_55 = tpu.memref_slice %arg7[%dma_wait3A_53, %dma_wait3A_54] : memref<80x128xi32, #tpu.memory_space<vmem>> -> memref<80x128xi32, #tpu.memory_space<vmem>>
        %dma_wait3A_56 = arith.constant 0 : i32
        %dma_wait3A_57 = arith.constant 0 : i32
        %dma_wait3A_58 = tpu.memref_slice %arg2[%run_scoped3A, %arg1, %dma_wait3A_56, %dma_wait3A_57] : memref<2x16x80x128xi32, #tpu.memory_space<hbm>> -> memref<1x1x80x128xi32, #tpu.memory_space<hbm>>
        %dma_wait3A_59 = tpu.memref_squeeze %dma_wait3A_58 : memref<1x1x80x128xi32, #tpu.memory_space<hbm>> -> memref<80x128xi32, #tpu.memory_space<hbm>>
        tpu.wait_dma2 semaphore(%run_scoped3A_33 : memref<!tpu.dma_semaphore, #tpu.memory_space<semaphore_mem>>) src(%dma_wait3A_59 : memref<80x128xi32, #tpu.memory_space<hbm>>) dst(%dma_wait3A_55 : memref<80x128xi32, #tpu.memory_space<vmem>>)
        tpu.yield
      }) : () -> ()
    } else {
    }
    %eq3A_5 = arith.constant 1 : i32
    %eq3A_6 = arith.cmpi eq, %arg0, %eq3A_5 : i32
    %convert_element_type3A_7 = arith.extui %eq3A_6 : i1 to i32
    %cond3A_8 = arith.constant 0 : i32
    %cond3A_9 = arith.cmpi ne, %convert_element_type3A_7, %cond3A_8 : i32
    scf.if %cond3A_9 {
      %run_scoped3A = arith.constant 1 : i32
      "tpu.region"() ({
        %run_scoped3A_33 = tpu.sem_alloc : memref<!tpu.dma_semaphore, #tpu.memory_space<semaphore_mem>>
        %dma_start3A = arith.constant 0 : i32
        %dma_start3A_34 = arith.constant 0 : i32
        %dma_start3A_35 = tpu.memref_slice %arg7[%dma_start3A, %dma_start3A_34] : memref<80x128xi32, #tpu.memory_space<vmem>> -> memref<80x128xi32, #tpu.memory_space<vmem>>
        %dma_start3A_36 = arith.constant 0 : i32
        %dma_start3A_37 = arith.constant 0 : i32
        %dma_start3A_38 = tpu.memref_slice %arg3[%run_scoped3A, %arg1, %dma_start3A_36, %dma_start3A_37] : memref<2x16x80x128xi32, #tpu.memory_space<hbm>> -> memref<1x1x80x128xi32, #tpu.memory_space<hbm>>
        %dma_start3A_39 = tpu.memref_squeeze %dma_start3A_38 : memref<1x1x80x128xi32, #tpu.memory_space<hbm>> -> memref<80x128xi32, #tpu.memory_space<hbm>>
        %dma_start3A_40 = arith.constant 0 : i32
        %dma_start3A_41 = arith.constant 0 : i32
        %dma_start3A_42 = tpu.memref_slice %arg7[%dma_start3A_40, %dma_start3A_41] : memref<80x128xi32, #tpu.memory_space<vmem>> -> memref<80x128xi32, #tpu.memory_space<vmem>>
        %dma_start3A_43 = arith.constant 0 : i32
        %dma_start3A_44 = arith.constant 0 : i32
        %dma_start3A_45 = tpu.memref_slice %arg3[%run_scoped3A, %arg1, %dma_start3A_43, %dma_start3A_44] : memref<2x16x80x128xi32, #tpu.memory_space<hbm>> -> memref<1x1x80x128xi32, #tpu.memory_space<hbm>>
        %dma_start3A_46 = tpu.memref_squeeze %dma_start3A_45 : memref<1x1x80x128xi32, #tpu.memory_space<hbm>> -> memref<80x128xi32, #tpu.memory_space<hbm>>
        tpu.enqueue_dma source(%dma_start3A_46 : memref<80x128xi32, #tpu.memory_space<hbm>>) target(%dma_start3A_42 : memref<80x128xi32, #tpu.memory_space<vmem>>) target_semaphore(%run_scoped3A_33 : memref<!tpu.dma_semaphore, #tpu.memory_space<semaphore_mem>>)
        %dma_wait3A = arith.constant 0 : i32
        %dma_wait3A_47 = arith.constant 0 : i32
        %dma_wait3A_48 = tpu.memref_slice %arg7[%dma_wait3A, %dma_wait3A_47] : memref<80x128xi32, #tpu.memory_space<vmem>> -> memref<80x128xi32, #tpu.memory_space<vmem>>
        %dma_wait3A_49 = arith.constant 0 : i32
        %dma_wait3A_50 = arith.constant 0 : i32
        %dma_wait3A_51 = tpu.memref_slice %arg3[%run_scoped3A, %arg1, %dma_wait3A_49, %dma_wait3A_50] : memref<2x16x80x128xi32, #tpu.memory_space<hbm>> -> memref<1x1x80x128xi32, #tpu.memory_space<hbm>>
        %dma_wait3A_52 = tpu.memref_squeeze %dma_wait3A_51 : memref<1x1x80x128xi32, #tpu.memory_space<hbm>> -> memref<80x128xi32, #tpu.memory_space<hbm>>
        %dma_wait3A_53 = arith.constant 0 : i32
        %dma_wait3A_54 = arith.constant 0 : i32
        %dma_wait3A_55 = tpu.memref_slice %arg7[%dma_wait3A_53, %dma_wait3A_54] : memref<80x128xi32, #tpu.memory_space<vmem>> -> memref<80x128xi32, #tpu.memory_space<vmem>>
        %dma_wait3A_56 = arith.constant 0 : i32
        %dma_wait3A_57 = arith.constant 0 : i32
        %dma_wait3A_58 = tpu.memref_slice %arg3[%run_scoped3A, %arg1, %dma_wait3A_56, %dma_wait3A_57] : memref<2x16x80x128xi32, #tpu.memory_space<hbm>> -> memref<1x1x80x128xi32, #tpu.memory_space<hbm>>
        %dma_wait3A_59 = tpu.memref_squeeze %dma_wait3A_58 : memref<1x1x80x128xi32, #tpu.memory_space<hbm>> -> memref<80x128xi32, #tpu.memory_space<hbm>>
        tpu.wait_dma2 semaphore(%run_scoped3A_33 : memref<!tpu.dma_semaphore, #tpu.memory_space<semaphore_mem>>) src(%dma_wait3A_59 : memref<80x128xi32, #tpu.memory_space<hbm>>) dst(%dma_wait3A_55 : memref<80x128xi32, #tpu.memory_space<vmem>>)
        tpu.yield
      }) : () -> ()
    } else {
    }
    "tpu.region"() ({
      %run_scoped3A = tpu.sem_alloc : memref<!tpu.dma_semaphore, #tpu.memory_space<semaphore_mem>>
      tpu.enqueue_dma source(%arg5 : memref<128x16xf32, #tpu.memory_space<hbm>>) target(%arg8 : memref<128x16xf32, #tpu.memory_space<vmem>>) target_semaphore(%run_scoped3A : memref<!tpu.dma_semaphore, #tpu.memory_space<semaphore_mem>>)
      tpu.wait_dma2 semaphore(%run_scoped3A : memref<!tpu.dma_semaphore, #tpu.memory_space<semaphore_mem>>) src(%arg5 : memref<128x16xf32, #tpu.memory_space<hbm>>) dst(%arg8 : memref<128x16xf32, #tpu.memory_space<vmem>>)
      tpu.yield
    }) : () -> ()
    %barrier3A = arith.constant 0 : index
    tpu.barrier barrier_id(%barrier3A)
    %eq3A_10 = arith.constant 0 : i32
    %eq3A_11 = arith.cmpi eq, %arg0, %eq3A_10 : i32
    %jit3A = arith.constant 80 : i32
    %jit3A_12 = arith.constant 80 : i32
    %select_n3A = arith.select %eq3A_11, %jit3A, %jit3A_12 : i32
    %sub3A = arith.constant 0 : i32
    %sub3A_13 = arith.subi %select_n3A, %sub3A : i32
    %sub3A_14 = arith.constant 1 : i32
    %sub3A_15 = arith.constant 1 : i32
    %sub3A_16 = arith.subi %sub3A_14, %sub3A_15 : i32
    %add3A = arith.addi %sub3A_13, %sub3A_16 : i32
    %div3A = arith.constant 1 : i32
    %div3A_17 = arith.divsi %add3A, %div3A : i32
    %while3A = arith.constant 1 : i32
    %while3A_18 = arith.constant 0 : i32
    %while3A_19 = arith.constant 0 : i32
    %while3A_20 = arith.subi %div3A_17, %while3A_19 : i32
    %while3A_21 = arith.addi %while3A_19, %while3A_20 : i32
    %while3A_22 = arith.constant 1 : i32
    %while3A_23 = arith.divsi %while3A_20, %while3A_22 : i32
    %while3A_24 = arith.muli %while3A_23, %while3A_22 : i32
    %while3A_25 = arith.addi %while3A_19, %while3A_24 : i32
    %while3A_26 = arith.constant 1 : i32
    scf.for %while3A_33 = %while3A_19 to %while3A_25 step %while3A_26  : i32 {
      %mul3A_34 = arith.muli %while3A_33, %while3A : i32
      %add3A_35 = arith.addi %while3A_18, %mul3A_34 : i32
      "tpu.region"() ({
        %run_scoped3A = tpu.sem_alloc : memref<!tpu.dma_semaphore, #tpu.memory_space<semaphore_mem>>
        %dma_start3A = arith.constant 0 : i32
        %dma_start3A_36 = tpu.memref_slice %arg7[%add3A_35, %dma_start3A] : memref<80x128xi32, #tpu.memory_space<vmem>> -> memref<1x128xi32, #tpu.memory_space<vmem>>
        %dma_start3A_37 = tpu.memref_squeeze %dma_start3A_36 : memref<1x128xi32, #tpu.memory_space<vmem>> -> memref<128xi32, #tpu.memory_space<vmem>>
        %dma_start3A_38 = arith.constant 0 : i32
        %dma_start3A_39 = arith.constant 0 : i32
        %dma_start3A_40 = tpu.memref_slice %arg9[%dma_start3A_38, %dma_start3A_39] : memref<10112x16xf32, #tpu.memory_space<vmem_shared>> -> memref<10112x16xf32, #tpu.memory_space<vmem_shared>>
        tpu.enqueue_indirect_dma source(%arg8 : memref<128x16xf32, #tpu.memory_space<vmem>>) target(%dma_start3A_40 : memref<10112x16xf32, #tpu.memory_space<vmem_shared>>) offsets(%dma_start3A_37 : memref<128xi32, #tpu.memory_space<vmem>>) semaphore(%run_scoped3A : memref<!tpu.dma_semaphore, #tpu.memory_space<semaphore_mem>>) {add = true}
        %dma_wait3A = arith.constant 0 : i32
        %dma_wait3A_41 = tpu.memref_slice %arg7[%add3A_35, %dma_wait3A] : memref<80x128xi32, #tpu.memory_space<vmem>> -> memref<1x128xi32, #tpu.memory_space<vmem>>
        %dma_wait3A_42 = tpu.memref_squeeze %dma_wait3A_41 : memref<1x128xi32, #tpu.memory_space<vmem>> -> memref<128xi32, #tpu.memory_space<vmem>>
        %dma_wait3A_43 = arith.constant 0 : i32
        %dma_wait3A_44 = arith.constant 0 : i32
        %dma_wait3A_45 = tpu.memref_slice %arg9[%dma_wait3A_43, %dma_wait3A_44] : memref<10112x16xf32, #tpu.memory_space<vmem_shared>> -> memref<10112x16xf32, #tpu.memory_space<vmem_shared>>
        tpu.wait_indirect_dma semaphore(%run_scoped3A : memref<!tpu.dma_semaphore, #tpu.memory_space<semaphore_mem>>) src(%arg8 : memref<128x16xf32, #tpu.memory_space<vmem>>) dst(%dma_wait3A_45 : memref<10112x16xf32, #tpu.memory_space<vmem_shared>>)
        tpu.yield
      }) : () -> ()
    }
    %while3A_27 = arith.constant 1 : i32
    scf.for %while3A_33 = %while3A_25 to %while3A_21 step %while3A_27  : i32 {
      %mul3A_34 = arith.muli %while3A_33, %while3A : i32
      %add3A_35 = arith.addi %while3A_18, %mul3A_34 : i32
      "tpu.region"() ({
        %run_scoped3A = tpu.sem_alloc : memref<!tpu.dma_semaphore, #tpu.memory_space<semaphore_mem>>
        %dma_start3A = arith.constant 0 : i32
        %dma_start3A_36 = tpu.memref_slice %arg7[%add3A_35, %dma_start3A] : memref<80x128xi32, #tpu.memory_space<vmem>> -> memref<1x128xi32, #tpu.memory_space<vmem>>
        %dma_start3A_37 = tpu.memref_squeeze %dma_start3A_36 : memref<1x128xi32, #tpu.memory_space<vmem>> -> memref<128xi32, #tpu.memory_space<vmem>>
        %dma_start3A_38 = arith.constant 0 : i32
        %dma_start3A_39 = arith.constant 0 : i32
        %dma_start3A_40 = tpu.memref_slice %arg9[%dma_start3A_38, %dma_start3A_39] : memref<10112x16xf32, #tpu.memory_space<vmem_shared>> -> memref<10112x16xf32, #tpu.memory_space<vmem_shared>>
        tpu.enqueue_indirect_dma source(%arg8 : memref<128x16xf32, #tpu.memory_space<vmem>>) target(%dma_start3A_40 : memref<10112x16xf32, #tpu.memory_space<vmem_shared>>) offsets(%dma_start3A_37 : memref<128xi32, #tpu.memory_space<vmem>>) semaphore(%run_scoped3A : memref<!tpu.dma_semaphore, #tpu.memory_space<semaphore_mem>>) {add = true}
        %dma_wait3A = arith.constant 0 : i32
        %dma_wait3A_41 = tpu.memref_slice %arg7[%add3A_35, %dma_wait3A] : memref<80x128xi32, #tpu.memory_space<vmem>> -> memref<1x128xi32, #tpu.memory_space<vmem>>
        %dma_wait3A_42 = tpu.memref_squeeze %dma_wait3A_41 : memref<1x128xi32, #tpu.memory_space<vmem>> -> memref<128xi32, #tpu.memory_space<vmem>>
        %dma_wait3A_43 = arith.constant 0 : i32
        %dma_wait3A_44 = arith.constant 0 : i32
        %dma_wait3A_45 = tpu.memref_slice %arg9[%dma_wait3A_43, %dma_wait3A_44] : memref<10112x16xf32, #tpu.memory_space<vmem_shared>> -> memref<10112x16xf32, #tpu.memory_space<vmem_shared>>
        tpu.wait_indirect_dma semaphore(%run_scoped3A : memref<!tpu.dma_semaphore, #tpu.memory_space<semaphore_mem>>) src(%arg8 : memref<128x16xf32, #tpu.memory_space<vmem>>) dst(%dma_wait3A_45 : memref<10112x16xf32, #tpu.memory_space<vmem_shared>>)
        tpu.yield
      }) : () -> ()
    }
    %barrier3A_28 = arith.constant 0 : index
    tpu.barrier barrier_id(%barrier3A_28)
    %mul3A_29 = arith.constant 632 : i32
    %mul3A_30 = arith.muli %arg1, %mul3A_29 : i32
    %mul3A_31 = arith.constant 632 : i32
    %mul3A_32 = arith.muli %arg1, %mul3A_31 : i32
    "tpu.region"() ({
      %run_scoped3A = tpu.sem_alloc : memref<!tpu.dma_semaphore, #tpu.memory_space<semaphore_mem>>
      %dma_start3A = arith.constant 0 : i32
      %dma_start3A_33 = tpu.memref_slice %arg6[%arg0, %mul3A_32, %dma_start3A] : memref<2x10112x16xf32, #tpu.memory_space<hbm>> -> memref<1x632x16xf32, #tpu.memory_space<hbm>>
      %dma_start3A_34 = tpu.memref_squeeze %dma_start3A_33 : memref<1x632x16xf32, #tpu.memory_space<hbm>> -> memref<632x16xf32, #tpu.memory_space<hbm>>
      %dma_start3A_35 = arith.constant 0 : i32
      %dma_start3A_36 = tpu.memref_slice %arg9[%mul3A_30, %dma_start3A_35] : memref<10112x16xf32, #tpu.memory_space<vmem_shared>> -> memref<632x16xf32, #tpu.memory_space<vmem_shared>>
      tpu.enqueue_dma source(%dma_start3A_36 : memref<632x16xf32, #tpu.memory_space<vmem_shared>>) target(%dma_start3A_34 : memref<632x16xf32, #tpu.memory_space<hbm>>) target_semaphore(%run_scoped3A : memref<!tpu.dma_semaphore, #tpu.memory_space<semaphore_mem>>)
      %dma_wait3A = arith.constant 0 : i32
      %dma_wait3A_37 = tpu.memref_slice %arg6[%arg0, %mul3A_32, %dma_wait3A] : memref<2x10112x16xf32, #tpu.memory_space<hbm>> -> memref<1x632x16xf32, #tpu.memory_space<hbm>>
      %dma_wait3A_38 = tpu.memref_squeeze %dma_wait3A_37 : memref<1x632x16xf32, #tpu.memory_space<hbm>> -> memref<632x16xf32, #tpu.memory_space<hbm>>
      %dma_wait3A_39 = arith.constant 0 : i32
      %dma_wait3A_40 = tpu.memref_slice %arg9[%mul3A_30, %dma_wait3A_39] : memref<10112x16xf32, #tpu.memory_space<vmem_shared>> -> memref<632x16xf32, #tpu.memory_space<vmem_shared>>
      tpu.wait_dma2 semaphore(%run_scoped3A : memref<!tpu.dma_semaphore, #tpu.memory_space<semaphore_mem>>) src(%dma_wait3A_40 : memref<632x16xf32, #tpu.memory_space<vmem_shared>>) dst(%dma_wait3A_38 : memref<632x16xf32, #tpu.memory_space<hbm>>)
      tpu.yield
    }) : () -> ()
    return
  }
}

#map = affine_map<(d0, d1) -> (0, 0)>
#map1 = affine_map<(d0, d1) -> (0, 0, 0, 0)>
#map2 = affine_map<(d0, d1) -> (0, 0, 0)>
module attributes {stable_mosaic.version = 14 : i64} {
  func.func @_prop_body(%arg0: i32, %arg1: i32, %arg2: memref<10112x32xf32, #tpu.memory_space<hbm>>, %arg3: memref<2x16x80x128xi32, #tpu.memory_space<hbm>>, %arg4: memref<2x16x80x128xi32, #tpu.memory_space<hbm>>, %arg5: memref<10112x32xf32, #tpu.memory_space<hbm>>, %arg6: memref<2x10112x32xf32, #tpu.memory_space<hbm>>, %arg7: memref<80x128xi32, #tpu.memory_space<vmem>>, %arg8: memref<80x128xi32, #tpu.memory_space<vmem>>, %arg9: memref<8x128x32xf32, #tpu.memory_space<vmem>>, %arg10: memref<10112x32xf32, #tpu.memory_space<vmem_shared>>, %arg11: memref<10112x32xf32, #tpu.memory_space<vmem_shared>>, %arg12: memref<8x!tpu.dma_semaphore, #tpu.memory_space<semaphore_mem>>, %arg13: memref<8x!tpu.dma_semaphore, #tpu.memory_space<semaphore_mem>>) attributes {dimension_semantics = [#tpu.dimension_semantics<core_parallel>, #tpu.dimension_semantics<subcore_parallel>], iteration_bounds = array<i64: 2, 16>, scalar_prefetch = 0 : i64, scratch_operands = 7 : i64, tpu.core_type = #tpu.core_type<sc_vector_subcore>, window_params = [{transform_indices = #map}, {transform_indices = #map1}, {transform_indices = #map1}, {transform_indices = #map}, {transform_indices = #map2}]} {
    %mul3A = arith.constant 632 : i32
    %mul3A_0 = arith.muli %arg1, %mul3A : i32
    %mul3A_1 = arith.constant 632 : i32
    %mul3A_2 = arith.muli %arg1, %mul3A_1 : i32
    "tpu.region"() ({
      %run_scoped3A = tpu.sem_alloc : memref<!tpu.dma_semaphore, #tpu.memory_space<semaphore_mem>>
      %dma_start3A_275 = arith.constant 0 : i32
      %dma_start3A_276 = tpu.memref_slice %arg10[%mul3A_2, %dma_start3A_275] : memref<10112x32xf32, #tpu.memory_space<vmem_shared>> -> memref<632x32xf32, #tpu.memory_space<vmem_shared>>
      %dma_start3A_277 = arith.constant 0 : i32
      %dma_start3A_278 = tpu.memref_slice %arg5[%mul3A_0, %dma_start3A_277] : memref<10112x32xf32, #tpu.memory_space<hbm>> -> memref<632x32xf32, #tpu.memory_space<hbm>>
      tpu.enqueue_dma source(%dma_start3A_278 : memref<632x32xf32, #tpu.memory_space<hbm>>) target(%dma_start3A_276 : memref<632x32xf32, #tpu.memory_space<vmem_shared>>) target_semaphore(%run_scoped3A : memref<!tpu.dma_semaphore, #tpu.memory_space<semaphore_mem>>)
      %dma_wait3A_279 = arith.constant 0 : i32
      %dma_wait3A_280 = tpu.memref_slice %arg10[%mul3A_2, %dma_wait3A_279] : memref<10112x32xf32, #tpu.memory_space<vmem_shared>> -> memref<632x32xf32, #tpu.memory_space<vmem_shared>>
      %dma_wait3A_281 = arith.constant 0 : i32
      %dma_wait3A_282 = tpu.memref_slice %arg5[%mul3A_0, %dma_wait3A_281] : memref<10112x32xf32, #tpu.memory_space<hbm>> -> memref<632x32xf32, #tpu.memory_space<hbm>>
      tpu.wait_dma2 semaphore(%run_scoped3A : memref<!tpu.dma_semaphore, #tpu.memory_space<semaphore_mem>>) src(%dma_wait3A_282 : memref<632x32xf32, #tpu.memory_space<hbm>>) dst(%dma_wait3A_280 : memref<632x32xf32, #tpu.memory_space<vmem_shared>>)
      tpu.yield
    }) : () -> ()
    %mul3A_3 = arith.constant 632 : i32
    %mul3A_4 = arith.muli %arg1, %mul3A_3 : i32
    %mul3A_5 = arith.constant 632 : i32
    %mul3A_6 = arith.muli %arg1, %mul3A_5 : i32
    "tpu.region"() ({
      %run_scoped3A = tpu.sem_alloc : memref<!tpu.dma_semaphore, #tpu.memory_space<semaphore_mem>>
      %dma_start3A_275 = arith.constant 0 : i32
      %dma_start3A_276 = tpu.memref_slice %arg11[%mul3A_6, %dma_start3A_275] : memref<10112x32xf32, #tpu.memory_space<vmem_shared>> -> memref<632x32xf32, #tpu.memory_space<vmem_shared>>
      %dma_start3A_277 = arith.constant 0 : i32
      %dma_start3A_278 = tpu.memref_slice %arg2[%mul3A_4, %dma_start3A_277] : memref<10112x32xf32, #tpu.memory_space<hbm>> -> memref<632x32xf32, #tpu.memory_space<hbm>>
      tpu.enqueue_dma source(%dma_start3A_278 : memref<632x32xf32, #tpu.memory_space<hbm>>) target(%dma_start3A_276 : memref<632x32xf32, #tpu.memory_space<vmem_shared>>) target_semaphore(%run_scoped3A : memref<!tpu.dma_semaphore, #tpu.memory_space<semaphore_mem>>)
      %dma_wait3A_279 = arith.constant 0 : i32
      %dma_wait3A_280 = tpu.memref_slice %arg11[%mul3A_6, %dma_wait3A_279] : memref<10112x32xf32, #tpu.memory_space<vmem_shared>> -> memref<632x32xf32, #tpu.memory_space<vmem_shared>>
      %dma_wait3A_281 = arith.constant 0 : i32
      %dma_wait3A_282 = tpu.memref_slice %arg2[%mul3A_4, %dma_wait3A_281] : memref<10112x32xf32, #tpu.memory_space<hbm>> -> memref<632x32xf32, #tpu.memory_space<hbm>>
      tpu.wait_dma2 semaphore(%run_scoped3A : memref<!tpu.dma_semaphore, #tpu.memory_space<semaphore_mem>>) src(%dma_wait3A_282 : memref<632x32xf32, #tpu.memory_space<hbm>>) dst(%dma_wait3A_280 : memref<632x32xf32, #tpu.memory_space<vmem_shared>>)
      tpu.yield
    }) : () -> ()
    %eq3A = arith.constant 0 : i32
    %eq3A_7 = arith.cmpi eq, %arg0, %eq3A : i32
    %convert_element_type3A = arith.extui %eq3A_7 : i1 to i32
    %cond3A = arith.constant 0 : i32
    %cond3A_8 = arith.cmpi ne, %convert_element_type3A, %cond3A : i32
    scf.if %cond3A_8 {
      %run_scoped3A = arith.constant 0 : i32
      "tpu.region"() ({
        %run_scoped3A_276 = tpu.sem_alloc : memref<!tpu.dma_semaphore, #tpu.memory_space<semaphore_mem>>
        %dma_start3A_277 = arith.constant 0 : i32
        %dma_start3A_278 = arith.constant 0 : i32
        %dma_start3A_279 = tpu.memref_slice %arg7[%dma_start3A_277, %dma_start3A_278] : memref<80x128xi32, #tpu.memory_space<vmem>> -> memref<80x128xi32, #tpu.memory_space<vmem>>
        %dma_start3A_280 = arith.constant 0 : i32
        %dma_start3A_281 = arith.constant 0 : i32
        %dma_start3A_282 = tpu.memref_slice %arg3[%run_scoped3A, %arg1, %dma_start3A_280, %dma_start3A_281] : memref<2x16x80x128xi32, #tpu.memory_space<hbm>> -> memref<1x1x80x128xi32, #tpu.memory_space<hbm>>
        %dma_start3A_283 = tpu.memref_squeeze %dma_start3A_282 : memref<1x1x80x128xi32, #tpu.memory_space<hbm>> -> memref<80x128xi32, #tpu.memory_space<hbm>>
        %dma_start3A_284 = arith.constant 0 : i32
        %dma_start3A_285 = arith.constant 0 : i32
        %dma_start3A_286 = tpu.memref_slice %arg7[%dma_start3A_284, %dma_start3A_285] : memref<80x128xi32, #tpu.memory_space<vmem>> -> memref<80x128xi32, #tpu.memory_space<vmem>>
        %dma_start3A_287 = arith.constant 0 : i32
        %dma_start3A_288 = arith.constant 0 : i32
        %dma_start3A_289 = tpu.memref_slice %arg3[%run_scoped3A, %arg1, %dma_start3A_287, %dma_start3A_288] : memref<2x16x80x128xi32, #tpu.memory_space<hbm>> -> memref<1x1x80x128xi32, #tpu.memory_space<hbm>>
        %dma_start3A_290 = tpu.memref_squeeze %dma_start3A_289 : memref<1x1x80x128xi32, #tpu.memory_space<hbm>> -> memref<80x128xi32, #tpu.memory_space<hbm>>
        tpu.enqueue_dma source(%dma_start3A_290 : memref<80x128xi32, #tpu.memory_space<hbm>>) target(%dma_start3A_286 : memref<80x128xi32, #tpu.memory_space<vmem>>) target_semaphore(%run_scoped3A_276 : memref<!tpu.dma_semaphore, #tpu.memory_space<semaphore_mem>>)
        %dma_wait3A_291 = arith.constant 0 : i32
        %dma_wait3A_292 = arith.constant 0 : i32
        %dma_wait3A_293 = tpu.memref_slice %arg7[%dma_wait3A_291, %dma_wait3A_292] : memref<80x128xi32, #tpu.memory_space<vmem>> -> memref<80x128xi32, #tpu.memory_space<vmem>>
        %dma_wait3A_294 = arith.constant 0 : i32
        %dma_wait3A_295 = arith.constant 0 : i32
        %dma_wait3A_296 = tpu.memref_slice %arg3[%run_scoped3A, %arg1, %dma_wait3A_294, %dma_wait3A_295] : memref<2x16x80x128xi32, #tpu.memory_space<hbm>> -> memref<1x1x80x128xi32, #tpu.memory_space<hbm>>
        %dma_wait3A_297 = tpu.memref_squeeze %dma_wait3A_296 : memref<1x1x80x128xi32, #tpu.memory_space<hbm>> -> memref<80x128xi32, #tpu.memory_space<hbm>>
        %dma_wait3A_298 = arith.constant 0 : i32
        %dma_wait3A_299 = arith.constant 0 : i32
        %dma_wait3A_300 = tpu.memref_slice %arg7[%dma_wait3A_298, %dma_wait3A_299] : memref<80x128xi32, #tpu.memory_space<vmem>> -> memref<80x128xi32, #tpu.memory_space<vmem>>
        %dma_wait3A_301 = arith.constant 0 : i32
        %dma_wait3A_302 = arith.constant 0 : i32
        %dma_wait3A_303 = tpu.memref_slice %arg3[%run_scoped3A, %arg1, %dma_wait3A_301, %dma_wait3A_302] : memref<2x16x80x128xi32, #tpu.memory_space<hbm>> -> memref<1x1x80x128xi32, #tpu.memory_space<hbm>>
        %dma_wait3A_304 = tpu.memref_squeeze %dma_wait3A_303 : memref<1x1x80x128xi32, #tpu.memory_space<hbm>> -> memref<80x128xi32, #tpu.memory_space<hbm>>
        tpu.wait_dma2 semaphore(%run_scoped3A_276 : memref<!tpu.dma_semaphore, #tpu.memory_space<semaphore_mem>>) src(%dma_wait3A_304 : memref<80x128xi32, #tpu.memory_space<hbm>>) dst(%dma_wait3A_300 : memref<80x128xi32, #tpu.memory_space<vmem>>)
        tpu.yield
      }) : () -> ()
      %run_scoped3A_275 = arith.constant 1 : i32
      "tpu.region"() ({
        %run_scoped3A_276 = tpu.sem_alloc : memref<!tpu.dma_semaphore, #tpu.memory_space<semaphore_mem>>
        %dma_start3A_277 = arith.constant 0 : i32
        %dma_start3A_278 = arith.constant 0 : i32
        %dma_start3A_279 = tpu.memref_slice %arg8[%dma_start3A_277, %dma_start3A_278] : memref<80x128xi32, #tpu.memory_space<vmem>> -> memref<80x128xi32, #tpu.memory_space<vmem>>
        %dma_start3A_280 = arith.constant 0 : i32
        %dma_start3A_281 = arith.constant 0 : i32
        %dma_start3A_282 = tpu.memref_slice %arg3[%run_scoped3A_275, %arg1, %dma_start3A_280, %dma_start3A_281] : memref<2x16x80x128xi32, #tpu.memory_space<hbm>> -> memref<1x1x80x128xi32, #tpu.memory_space<hbm>>
        %dma_start3A_283 = tpu.memref_squeeze %dma_start3A_282 : memref<1x1x80x128xi32, #tpu.memory_space<hbm>> -> memref<80x128xi32, #tpu.memory_space<hbm>>
        %dma_start3A_284 = arith.constant 0 : i32
        %dma_start3A_285 = arith.constant 0 : i32
        %dma_start3A_286 = tpu.memref_slice %arg8[%dma_start3A_284, %dma_start3A_285] : memref<80x128xi32, #tpu.memory_space<vmem>> -> memref<80x128xi32, #tpu.memory_space<vmem>>
        %dma_start3A_287 = arith.constant 0 : i32
        %dma_start3A_288 = arith.constant 0 : i32
        %dma_start3A_289 = tpu.memref_slice %arg3[%run_scoped3A_275, %arg1, %dma_start3A_287, %dma_start3A_288] : memref<2x16x80x128xi32, #tpu.memory_space<hbm>> -> memref<1x1x80x128xi32, #tpu.memory_space<hbm>>
        %dma_start3A_290 = tpu.memref_squeeze %dma_start3A_289 : memref<1x1x80x128xi32, #tpu.memory_space<hbm>> -> memref<80x128xi32, #tpu.memory_space<hbm>>
        tpu.enqueue_dma source(%dma_start3A_290 : memref<80x128xi32, #tpu.memory_space<hbm>>) target(%dma_start3A_286 : memref<80x128xi32, #tpu.memory_space<vmem>>) target_semaphore(%run_scoped3A_276 : memref<!tpu.dma_semaphore, #tpu.memory_space<semaphore_mem>>)
        %dma_wait3A_291 = arith.constant 0 : i32
        %dma_wait3A_292 = arith.constant 0 : i32
        %dma_wait3A_293 = tpu.memref_slice %arg8[%dma_wait3A_291, %dma_wait3A_292] : memref<80x128xi32, #tpu.memory_space<vmem>> -> memref<80x128xi32, #tpu.memory_space<vmem>>
        %dma_wait3A_294 = arith.constant 0 : i32
        %dma_wait3A_295 = arith.constant 0 : i32
        %dma_wait3A_296 = tpu.memref_slice %arg3[%run_scoped3A_275, %arg1, %dma_wait3A_294, %dma_wait3A_295] : memref<2x16x80x128xi32, #tpu.memory_space<hbm>> -> memref<1x1x80x128xi32, #tpu.memory_space<hbm>>
        %dma_wait3A_297 = tpu.memref_squeeze %dma_wait3A_296 : memref<1x1x80x128xi32, #tpu.memory_space<hbm>> -> memref<80x128xi32, #tpu.memory_space<hbm>>
        %dma_wait3A_298 = arith.constant 0 : i32
        %dma_wait3A_299 = arith.constant 0 : i32
        %dma_wait3A_300 = tpu.memref_slice %arg8[%dma_wait3A_298, %dma_wait3A_299] : memref<80x128xi32, #tpu.memory_space<vmem>> -> memref<80x128xi32, #tpu.memory_space<vmem>>
        %dma_wait3A_301 = arith.constant 0 : i32
        %dma_wait3A_302 = arith.constant 0 : i32
        %dma_wait3A_303 = tpu.memref_slice %arg3[%run_scoped3A_275, %arg1, %dma_wait3A_301, %dma_wait3A_302] : memref<2x16x80x128xi32, #tpu.memory_space<hbm>> -> memref<1x1x80x128xi32, #tpu.memory_space<hbm>>
        %dma_wait3A_304 = tpu.memref_squeeze %dma_wait3A_303 : memref<1x1x80x128xi32, #tpu.memory_space<hbm>> -> memref<80x128xi32, #tpu.memory_space<hbm>>
        tpu.wait_dma2 semaphore(%run_scoped3A_276 : memref<!tpu.dma_semaphore, #tpu.memory_space<semaphore_mem>>) src(%dma_wait3A_304 : memref<80x128xi32, #tpu.memory_space<hbm>>) dst(%dma_wait3A_300 : memref<80x128xi32, #tpu.memory_space<vmem>>)
        tpu.yield
      }) : () -> ()
    } else {
    }
    %eq3A_9 = arith.constant 1 : i32
    %eq3A_10 = arith.cmpi eq, %arg0, %eq3A_9 : i32
    %convert_element_type3A_11 = arith.extui %eq3A_10 : i1 to i32
    %cond3A_12 = arith.constant 0 : i32
    %cond3A_13 = arith.cmpi ne, %convert_element_type3A_11, %cond3A_12 : i32
    scf.if %cond3A_13 {
      %run_scoped3A = arith.constant 0 : i32
      "tpu.region"() ({
        %run_scoped3A_276 = tpu.sem_alloc : memref<!tpu.dma_semaphore, #tpu.memory_space<semaphore_mem>>
        %dma_start3A_277 = arith.constant 0 : i32
        %dma_start3A_278 = arith.constant 0 : i32
        %dma_start3A_279 = tpu.memref_slice %arg7[%dma_start3A_277, %dma_start3A_278] : memref<80x128xi32, #tpu.memory_space<vmem>> -> memref<80x128xi32, #tpu.memory_space<vmem>>
        %dma_start3A_280 = arith.constant 0 : i32
        %dma_start3A_281 = arith.constant 0 : i32
        %dma_start3A_282 = tpu.memref_slice %arg4[%run_scoped3A, %arg1, %dma_start3A_280, %dma_start3A_281] : memref<2x16x80x128xi32, #tpu.memory_space<hbm>> -> memref<1x1x80x128xi32, #tpu.memory_space<hbm>>
        %dma_start3A_283 = tpu.memref_squeeze %dma_start3A_282 : memref<1x1x80x128xi32, #tpu.memory_space<hbm>> -> memref<80x128xi32, #tpu.memory_space<hbm>>
        %dma_start3A_284 = arith.constant 0 : i32
        %dma_start3A_285 = arith.constant 0 : i32
        %dma_start3A_286 = tpu.memref_slice %arg7[%dma_start3A_284, %dma_start3A_285] : memref<80x128xi32, #tpu.memory_space<vmem>> -> memref<80x128xi32, #tpu.memory_space<vmem>>
        %dma_start3A_287 = arith.constant 0 : i32
        %dma_start3A_288 = arith.constant 0 : i32
        %dma_start3A_289 = tpu.memref_slice %arg4[%run_scoped3A, %arg1, %dma_start3A_287, %dma_start3A_288] : memref<2x16x80x128xi32, #tpu.memory_space<hbm>> -> memref<1x1x80x128xi32, #tpu.memory_space<hbm>>
        %dma_start3A_290 = tpu.memref_squeeze %dma_start3A_289 : memref<1x1x80x128xi32, #tpu.memory_space<hbm>> -> memref<80x128xi32, #tpu.memory_space<hbm>>
        tpu.enqueue_dma source(%dma_start3A_290 : memref<80x128xi32, #tpu.memory_space<hbm>>) target(%dma_start3A_286 : memref<80x128xi32, #tpu.memory_space<vmem>>) target_semaphore(%run_scoped3A_276 : memref<!tpu.dma_semaphore, #tpu.memory_space<semaphore_mem>>)
        %dma_wait3A_291 = arith.constant 0 : i32
        %dma_wait3A_292 = arith.constant 0 : i32
        %dma_wait3A_293 = tpu.memref_slice %arg7[%dma_wait3A_291, %dma_wait3A_292] : memref<80x128xi32, #tpu.memory_space<vmem>> -> memref<80x128xi32, #tpu.memory_space<vmem>>
        %dma_wait3A_294 = arith.constant 0 : i32
        %dma_wait3A_295 = arith.constant 0 : i32
        %dma_wait3A_296 = tpu.memref_slice %arg4[%run_scoped3A, %arg1, %dma_wait3A_294, %dma_wait3A_295] : memref<2x16x80x128xi32, #tpu.memory_space<hbm>> -> memref<1x1x80x128xi32, #tpu.memory_space<hbm>>
        %dma_wait3A_297 = tpu.memref_squeeze %dma_wait3A_296 : memref<1x1x80x128xi32, #tpu.memory_space<hbm>> -> memref<80x128xi32, #tpu.memory_space<hbm>>
        %dma_wait3A_298 = arith.constant 0 : i32
        %dma_wait3A_299 = arith.constant 0 : i32
        %dma_wait3A_300 = tpu.memref_slice %arg7[%dma_wait3A_298, %dma_wait3A_299] : memref<80x128xi32, #tpu.memory_space<vmem>> -> memref<80x128xi32, #tpu.memory_space<vmem>>
        %dma_wait3A_301 = arith.constant 0 : i32
        %dma_wait3A_302 = arith.constant 0 : i32
        %dma_wait3A_303 = tpu.memref_slice %arg4[%run_scoped3A, %arg1, %dma_wait3A_301, %dma_wait3A_302] : memref<2x16x80x128xi32, #tpu.memory_space<hbm>> -> memref<1x1x80x128xi32, #tpu.memory_space<hbm>>
        %dma_wait3A_304 = tpu.memref_squeeze %dma_wait3A_303 : memref<1x1x80x128xi32, #tpu.memory_space<hbm>> -> memref<80x128xi32, #tpu.memory_space<hbm>>
        tpu.wait_dma2 semaphore(%run_scoped3A_276 : memref<!tpu.dma_semaphore, #tpu.memory_space<semaphore_mem>>) src(%dma_wait3A_304 : memref<80x128xi32, #tpu.memory_space<hbm>>) dst(%dma_wait3A_300 : memref<80x128xi32, #tpu.memory_space<vmem>>)
        tpu.yield
      }) : () -> ()
      %run_scoped3A_275 = arith.constant 1 : i32
      "tpu.region"() ({
        %run_scoped3A_276 = tpu.sem_alloc : memref<!tpu.dma_semaphore, #tpu.memory_space<semaphore_mem>>
        %dma_start3A_277 = arith.constant 0 : i32
        %dma_start3A_278 = arith.constant 0 : i32
        %dma_start3A_279 = tpu.memref_slice %arg8[%dma_start3A_277, %dma_start3A_278] : memref<80x128xi32, #tpu.memory_space<vmem>> -> memref<80x128xi32, #tpu.memory_space<vmem>>
        %dma_start3A_280 = arith.constant 0 : i32
        %dma_start3A_281 = arith.constant 0 : i32
        %dma_start3A_282 = tpu.memref_slice %arg4[%run_scoped3A_275, %arg1, %dma_start3A_280, %dma_start3A_281] : memref<2x16x80x128xi32, #tpu.memory_space<hbm>> -> memref<1x1x80x128xi32, #tpu.memory_space<hbm>>
        %dma_start3A_283 = tpu.memref_squeeze %dma_start3A_282 : memref<1x1x80x128xi32, #tpu.memory_space<hbm>> -> memref<80x128xi32, #tpu.memory_space<hbm>>
        %dma_start3A_284 = arith.constant 0 : i32
        %dma_start3A_285 = arith.constant 0 : i32
        %dma_start3A_286 = tpu.memref_slice %arg8[%dma_start3A_284, %dma_start3A_285] : memref<80x128xi32, #tpu.memory_space<vmem>> -> memref<80x128xi32, #tpu.memory_space<vmem>>
        %dma_start3A_287 = arith.constant 0 : i32
        %dma_start3A_288 = arith.constant 0 : i32
        %dma_start3A_289 = tpu.memref_slice %arg4[%run_scoped3A_275, %arg1, %dma_start3A_287, %dma_start3A_288] : memref<2x16x80x128xi32, #tpu.memory_space<hbm>> -> memref<1x1x80x128xi32, #tpu.memory_space<hbm>>
        %dma_start3A_290 = tpu.memref_squeeze %dma_start3A_289 : memref<1x1x80x128xi32, #tpu.memory_space<hbm>> -> memref<80x128xi32, #tpu.memory_space<hbm>>
        tpu.enqueue_dma source(%dma_start3A_290 : memref<80x128xi32, #tpu.memory_space<hbm>>) target(%dma_start3A_286 : memref<80x128xi32, #tpu.memory_space<vmem>>) target_semaphore(%run_scoped3A_276 : memref<!tpu.dma_semaphore, #tpu.memory_space<semaphore_mem>>)
        %dma_wait3A_291 = arith.constant 0 : i32
        %dma_wait3A_292 = arith.constant 0 : i32
        %dma_wait3A_293 = tpu.memref_slice %arg8[%dma_wait3A_291, %dma_wait3A_292] : memref<80x128xi32, #tpu.memory_space<vmem>> -> memref<80x128xi32, #tpu.memory_space<vmem>>
        %dma_wait3A_294 = arith.constant 0 : i32
        %dma_wait3A_295 = arith.constant 0 : i32
        %dma_wait3A_296 = tpu.memref_slice %arg4[%run_scoped3A_275, %arg1, %dma_wait3A_294, %dma_wait3A_295] : memref<2x16x80x128xi32, #tpu.memory_space<hbm>> -> memref<1x1x80x128xi32, #tpu.memory_space<hbm>>
        %dma_wait3A_297 = tpu.memref_squeeze %dma_wait3A_296 : memref<1x1x80x128xi32, #tpu.memory_space<hbm>> -> memref<80x128xi32, #tpu.memory_space<hbm>>
        %dma_wait3A_298 = arith.constant 0 : i32
        %dma_wait3A_299 = arith.constant 0 : i32
        %dma_wait3A_300 = tpu.memref_slice %arg8[%dma_wait3A_298, %dma_wait3A_299] : memref<80x128xi32, #tpu.memory_space<vmem>> -> memref<80x128xi32, #tpu.memory_space<vmem>>
        %dma_wait3A_301 = arith.constant 0 : i32
        %dma_wait3A_302 = arith.constant 0 : i32
        %dma_wait3A_303 = tpu.memref_slice %arg4[%run_scoped3A_275, %arg1, %dma_wait3A_301, %dma_wait3A_302] : memref<2x16x80x128xi32, #tpu.memory_space<hbm>> -> memref<1x1x80x128xi32, #tpu.memory_space<hbm>>
        %dma_wait3A_304 = tpu.memref_squeeze %dma_wait3A_303 : memref<1x1x80x128xi32, #tpu.memory_space<hbm>> -> memref<80x128xi32, #tpu.memory_space<hbm>>
        tpu.wait_dma2 semaphore(%run_scoped3A_276 : memref<!tpu.dma_semaphore, #tpu.memory_space<semaphore_mem>>) src(%dma_wait3A_304 : memref<80x128xi32, #tpu.memory_space<hbm>>) dst(%dma_wait3A_300 : memref<80x128xi32, #tpu.memory_space<vmem>>)
        tpu.yield
      }) : () -> ()
    } else {
    }
    %barrier3A = arith.constant 0 : index
    tpu.barrier barrier_id(%barrier3A)
    %eq3A_14 = arith.constant 0 : i32
    %eq3A_15 = arith.cmpi eq, %arg0, %eq3A_14 : i32
    %jit3A = arith.constant 80 : i32
    %jit3A_16 = arith.constant 80 : i32
    %select_n3A = arith.select %eq3A_15, %jit3A, %jit3A_16 : i32
    %dma_start3A = arith.constant 0 : i32
    %dma_start3A_17 = arith.constant 0 : i32
    %dma_start3A_18 = arith.constant 0 : i32
    %dma_start3A_19 = arith.constant 0 : i32
    %dma_start3A_20 = arith.constant 0 : i32
    %dma_start3A_21 = tpu.memref_slice %arg9[%dma_start3A_17, %dma_start3A_19, %dma_start3A_20] : memref<8x128x32xf32, #tpu.memory_space<vmem>> -> memref<1x128x32xf32, #tpu.memory_space<vmem>>
    %dma_start3A_22 = tpu.memref_squeeze %dma_start3A_21 : memref<1x128x32xf32, #tpu.memory_space<vmem>> -> memref<128x32xf32, #tpu.memory_space<vmem>>
    %dma_start3A_23 = arith.constant 0 : i32
    %dma_start3A_24 = tpu.memref_slice %arg7[%dma_start3A, %dma_start3A_23] : memref<80x128xi32, #tpu.memory_space<vmem>> -> memref<1x128xi32, #tpu.memory_space<vmem>>
    %dma_start3A_25 = tpu.memref_squeeze %dma_start3A_24 : memref<1x128xi32, #tpu.memory_space<vmem>> -> memref<128xi32, #tpu.memory_space<vmem>>
    %dma_start3A_26 = arith.constant 0 : i32
    %dma_start3A_27 = arith.constant 0 : i32
    %dma_start3A_28 = tpu.memref_slice %arg11[%dma_start3A_26, %dma_start3A_27] : memref<10112x32xf32, #tpu.memory_space<vmem_shared>> -> memref<10112x32xf32, #tpu.memory_space<vmem_shared>>
    %dma_start3A_29 = tpu.memref_slice %arg12[%dma_start3A_18] : memref<8x!tpu.dma_semaphore, #tpu.memory_space<semaphore_mem>> -> memref<1x!tpu.dma_semaphore, #tpu.memory_space<semaphore_mem>>
    %dma_start3A_30 = tpu.memref_squeeze %dma_start3A_29 : memref<1x!tpu.dma_semaphore, #tpu.memory_space<semaphore_mem>> -> memref<!tpu.dma_semaphore, #tpu.memory_space<semaphore_mem>>
    tpu.enqueue_indirect_dma source(%dma_start3A_28 : memref<10112x32xf32, #tpu.memory_space<vmem_shared>>) target(%dma_start3A_22 : memref<128x32xf32, #tpu.memory_space<vmem>>) offsets(%dma_start3A_25 : memref<128xi32, #tpu.memory_space<vmem>>) semaphore(%dma_start3A_30 : memref<!tpu.dma_semaphore, #tpu.memory_space<semaphore_mem>>)
    %dma_start3A_31 = arith.constant 1 : i32
    %dma_start3A_32 = arith.constant 1 : i32
    %dma_start3A_33 = arith.constant 1 : i32
    %dma_start3A_34 = arith.constant 0 : i32
    %dma_start3A_35 = arith.constant 0 : i32
    %dma_start3A_36 = tpu.memref_slice %arg9[%dma_start3A_32, %dma_start3A_34, %dma_start3A_35] : memref<8x128x32xf32, #tpu.memory_space<vmem>> -> memref<1x128x32xf32, #tpu.memory_space<vmem>>
    %dma_start3A_37 = tpu.memref_squeeze %dma_start3A_36 : memref<1x128x32xf32, #tpu.memory_space<vmem>> -> memref<128x32xf32, #tpu.memory_space<vmem>>
    %dma_start3A_38 = arith.constant 0 : i32
    %dma_start3A_39 = tpu.memref_slice %arg7[%dma_start3A_31, %dma_start3A_38] : memref<80x128xi32, #tpu.memory_space<vmem>> -> memref<1x128xi32, #tpu.memory_space<vmem>>
    %dma_start3A_40 = tpu.memref_squeeze %dma_start3A_39 : memref<1x128xi32, #tpu.memory_space<vmem>> -> memref<128xi32, #tpu.memory_space<vmem>>
    %dma_start3A_41 = arith.constant 0 : i32
    %dma_start3A_42 = arith.constant 0 : i32
    %dma_start3A_43 = tpu.memref_slice %arg11[%dma_start3A_41, %dma_start3A_42] : memref<10112x32xf32, #tpu.memory_space<vmem_shared>> -> memref<10112x32xf32, #tpu.memory_space<vmem_shared>>
    %dma_start3A_44 = tpu.memref_slice %arg12[%dma_start3A_33] : memref<8x!tpu.dma_semaphore, #tpu.memory_space<semaphore_mem>> -> memref<1x!tpu.dma_semaphore, #tpu.memory_space<semaphore_mem>>
    %dma_start3A_45 = tpu.memref_squeeze %dma_start3A_44 : memref<1x!tpu.dma_semaphore, #tpu.memory_space<semaphore_mem>> -> memref<!tpu.dma_semaphore, #tpu.memory_space<semaphore_mem>>
    tpu.enqueue_indirect_dma source(%dma_start3A_43 : memref<10112x32xf32, #tpu.memory_space<vmem_shared>>) target(%dma_start3A_37 : memref<128x32xf32, #tpu.memory_space<vmem>>) offsets(%dma_start3A_40 : memref<128xi32, #tpu.memory_space<vmem>>) semaphore(%dma_start3A_45 : memref<!tpu.dma_semaphore, #tpu.memory_space<semaphore_mem>>)
    %dma_start3A_46 = arith.constant 2 : i32
    %dma_start3A_47 = arith.constant 2 : i32
    %dma_start3A_48 = arith.constant 2 : i32
    %dma_start3A_49 = arith.constant 0 : i32
    %dma_start3A_50 = arith.constant 0 : i32
    %dma_start3A_51 = tpu.memref_slice %arg9[%dma_start3A_47, %dma_start3A_49, %dma_start3A_50] : memref<8x128x32xf32, #tpu.memory_space<vmem>> -> memref<1x128x32xf32, #tpu.memory_space<vmem>>
    %dma_start3A_52 = tpu.memref_squeeze %dma_start3A_51 : memref<1x128x32xf32, #tpu.memory_space<vmem>> -> memref<128x32xf32, #tpu.memory_space<vmem>>
    %dma_start3A_53 = arith.constant 0 : i32
    %dma_start3A_54 = tpu.memref_slice %arg7[%dma_start3A_46, %dma_start3A_53] : memref<80x128xi32, #tpu.memory_space<vmem>> -> memref<1x128xi32, #tpu.memory_space<vmem>>
    %dma_start3A_55 = tpu.memref_squeeze %dma_start3A_54 : memref<1x128xi32, #tpu.memory_space<vmem>> -> memref<128xi32, #tpu.memory_space<vmem>>
    %dma_start3A_56 = arith.constant 0 : i32
    %dma_start3A_57 = arith.constant 0 : i32
    %dma_start3A_58 = tpu.memref_slice %arg11[%dma_start3A_56, %dma_start3A_57] : memref<10112x32xf32, #tpu.memory_space<vmem_shared>> -> memref<10112x32xf32, #tpu.memory_space<vmem_shared>>
    %dma_start3A_59 = tpu.memref_slice %arg12[%dma_start3A_48] : memref<8x!tpu.dma_semaphore, #tpu.memory_space<semaphore_mem>> -> memref<1x!tpu.dma_semaphore, #tpu.memory_space<semaphore_mem>>
    %dma_start3A_60 = tpu.memref_squeeze %dma_start3A_59 : memref<1x!tpu.dma_semaphore, #tpu.memory_space<semaphore_mem>> -> memref<!tpu.dma_semaphore, #tpu.memory_space<semaphore_mem>>
    tpu.enqueue_indirect_dma source(%dma_start3A_58 : memref<10112x32xf32, #tpu.memory_space<vmem_shared>>) target(%dma_start3A_52 : memref<128x32xf32, #tpu.memory_space<vmem>>) offsets(%dma_start3A_55 : memref<128xi32, #tpu.memory_space<vmem>>) semaphore(%dma_start3A_60 : memref<!tpu.dma_semaphore, #tpu.memory_space<semaphore_mem>>)
    %dma_start3A_61 = arith.constant 3 : i32
    %dma_start3A_62 = arith.constant 3 : i32
    %dma_start3A_63 = arith.constant 3 : i32
    %dma_start3A_64 = arith.constant 0 : i32
    %dma_start3A_65 = arith.constant 0 : i32
    %dma_start3A_66 = tpu.memref_slice %arg9[%dma_start3A_62, %dma_start3A_64, %dma_start3A_65] : memref<8x128x32xf32, #tpu.memory_space<vmem>> -> memref<1x128x32xf32, #tpu.memory_space<vmem>>
    %dma_start3A_67 = tpu.memref_squeeze %dma_start3A_66 : memref<1x128x32xf32, #tpu.memory_space<vmem>> -> memref<128x32xf32, #tpu.memory_space<vmem>>
    %dma_start3A_68 = arith.constant 0 : i32
    %dma_start3A_69 = tpu.memref_slice %arg7[%dma_start3A_61, %dma_start3A_68] : memref<80x128xi32, #tpu.memory_space<vmem>> -> memref<1x128xi32, #tpu.memory_space<vmem>>
    %dma_start3A_70 = tpu.memref_squeeze %dma_start3A_69 : memref<1x128xi32, #tpu.memory_space<vmem>> -> memref<128xi32, #tpu.memory_space<vmem>>
    %dma_start3A_71 = arith.constant 0 : i32
    %dma_start3A_72 = arith.constant 0 : i32
    %dma_start3A_73 = tpu.memref_slice %arg11[%dma_start3A_71, %dma_start3A_72] : memref<10112x32xf32, #tpu.memory_space<vmem_shared>> -> memref<10112x32xf32, #tpu.memory_space<vmem_shared>>
    %dma_start3A_74 = tpu.memref_slice %arg12[%dma_start3A_63] : memref<8x!tpu.dma_semaphore, #tpu.memory_space<semaphore_mem>> -> memref<1x!tpu.dma_semaphore, #tpu.memory_space<semaphore_mem>>
    %dma_start3A_75 = tpu.memref_squeeze %dma_start3A_74 : memref<1x!tpu.dma_semaphore, #tpu.memory_space<semaphore_mem>> -> memref<!tpu.dma_semaphore, #tpu.memory_space<semaphore_mem>>
    tpu.enqueue_indirect_dma source(%dma_start3A_73 : memref<10112x32xf32, #tpu.memory_space<vmem_shared>>) target(%dma_start3A_67 : memref<128x32xf32, #tpu.memory_space<vmem>>) offsets(%dma_start3A_70 : memref<128xi32, #tpu.memory_space<vmem>>) semaphore(%dma_start3A_75 : memref<!tpu.dma_semaphore, #tpu.memory_space<semaphore_mem>>)
    %dma_start3A_76 = arith.constant 4 : i32
    %dma_start3A_77 = arith.constant 4 : i32
    %dma_start3A_78 = arith.constant 4 : i32
    %dma_start3A_79 = arith.constant 0 : i32
    %dma_start3A_80 = arith.constant 0 : i32
    %dma_start3A_81 = tpu.memref_slice %arg9[%dma_start3A_77, %dma_start3A_79, %dma_start3A_80] : memref<8x128x32xf32, #tpu.memory_space<vmem>> -> memref<1x128x32xf32, #tpu.memory_space<vmem>>
    %dma_start3A_82 = tpu.memref_squeeze %dma_start3A_81 : memref<1x128x32xf32, #tpu.memory_space<vmem>> -> memref<128x32xf32, #tpu.memory_space<vmem>>
    %dma_start3A_83 = arith.constant 0 : i32
    %dma_start3A_84 = tpu.memref_slice %arg7[%dma_start3A_76, %dma_start3A_83] : memref<80x128xi32, #tpu.memory_space<vmem>> -> memref<1x128xi32, #tpu.memory_space<vmem>>
    %dma_start3A_85 = tpu.memref_squeeze %dma_start3A_84 : memref<1x128xi32, #tpu.memory_space<vmem>> -> memref<128xi32, #tpu.memory_space<vmem>>
    %dma_start3A_86 = arith.constant 0 : i32
    %dma_start3A_87 = arith.constant 0 : i32
    %dma_start3A_88 = tpu.memref_slice %arg11[%dma_start3A_86, %dma_start3A_87] : memref<10112x32xf32, #tpu.memory_space<vmem_shared>> -> memref<10112x32xf32, #tpu.memory_space<vmem_shared>>
    %dma_start3A_89 = tpu.memref_slice %arg12[%dma_start3A_78] : memref<8x!tpu.dma_semaphore, #tpu.memory_space<semaphore_mem>> -> memref<1x!tpu.dma_semaphore, #tpu.memory_space<semaphore_mem>>
    %dma_start3A_90 = tpu.memref_squeeze %dma_start3A_89 : memref<1x!tpu.dma_semaphore, #tpu.memory_space<semaphore_mem>> -> memref<!tpu.dma_semaphore, #tpu.memory_space<semaphore_mem>>
    tpu.enqueue_indirect_dma source(%dma_start3A_88 : memref<10112x32xf32, #tpu.memory_space<vmem_shared>>) target(%dma_start3A_82 : memref<128x32xf32, #tpu.memory_space<vmem>>) offsets(%dma_start3A_85 : memref<128xi32, #tpu.memory_space<vmem>>) semaphore(%dma_start3A_90 : memref<!tpu.dma_semaphore, #tpu.memory_space<semaphore_mem>>)
    %dma_start3A_91 = arith.constant 5 : i32
    %dma_start3A_92 = arith.constant 5 : i32
    %dma_start3A_93 = arith.constant 5 : i32
    %dma_start3A_94 = arith.constant 0 : i32
    %dma_start3A_95 = arith.constant 0 : i32
    %dma_start3A_96 = tpu.memref_slice %arg9[%dma_start3A_92, %dma_start3A_94, %dma_start3A_95] : memref<8x128x32xf32, #tpu.memory_space<vmem>> -> memref<1x128x32xf32, #tpu.memory_space<vmem>>
    %dma_start3A_97 = tpu.memref_squeeze %dma_start3A_96 : memref<1x128x32xf32, #tpu.memory_space<vmem>> -> memref<128x32xf32, #tpu.memory_space<vmem>>
    %dma_start3A_98 = arith.constant 0 : i32
    %dma_start3A_99 = tpu.memref_slice %arg7[%dma_start3A_91, %dma_start3A_98] : memref<80x128xi32, #tpu.memory_space<vmem>> -> memref<1x128xi32, #tpu.memory_space<vmem>>
    %dma_start3A_100 = tpu.memref_squeeze %dma_start3A_99 : memref<1x128xi32, #tpu.memory_space<vmem>> -> memref<128xi32, #tpu.memory_space<vmem>>
    %dma_start3A_101 = arith.constant 0 : i32
    %dma_start3A_102 = arith.constant 0 : i32
    %dma_start3A_103 = tpu.memref_slice %arg11[%dma_start3A_101, %dma_start3A_102] : memref<10112x32xf32, #tpu.memory_space<vmem_shared>> -> memref<10112x32xf32, #tpu.memory_space<vmem_shared>>
    %dma_start3A_104 = tpu.memref_slice %arg12[%dma_start3A_93] : memref<8x!tpu.dma_semaphore, #tpu.memory_space<semaphore_mem>> -> memref<1x!tpu.dma_semaphore, #tpu.memory_space<semaphore_mem>>
    %dma_start3A_105 = tpu.memref_squeeze %dma_start3A_104 : memref<1x!tpu.dma_semaphore, #tpu.memory_space<semaphore_mem>> -> memref<!tpu.dma_semaphore, #tpu.memory_space<semaphore_mem>>
    tpu.enqueue_indirect_dma source(%dma_start3A_103 : memref<10112x32xf32, #tpu.memory_space<vmem_shared>>) target(%dma_start3A_97 : memref<128x32xf32, #tpu.memory_space<vmem>>) offsets(%dma_start3A_100 : memref<128xi32, #tpu.memory_space<vmem>>) semaphore(%dma_start3A_105 : memref<!tpu.dma_semaphore, #tpu.memory_space<semaphore_mem>>)
    %dma_start3A_106 = arith.constant 6 : i32
    %dma_start3A_107 = arith.constant 6 : i32
    %dma_start3A_108 = arith.constant 6 : i32
    %dma_start3A_109 = arith.constant 0 : i32
    %dma_start3A_110 = arith.constant 0 : i32
    %dma_start3A_111 = tpu.memref_slice %arg9[%dma_start3A_107, %dma_start3A_109, %dma_start3A_110] : memref<8x128x32xf32, #tpu.memory_space<vmem>> -> memref<1x128x32xf32, #tpu.memory_space<vmem>>
    %dma_start3A_112 = tpu.memref_squeeze %dma_start3A_111 : memref<1x128x32xf32, #tpu.memory_space<vmem>> -> memref<128x32xf32, #tpu.memory_space<vmem>>
    %dma_start3A_113 = arith.constant 0 : i32
    %dma_start3A_114 = tpu.memref_slice %arg7[%dma_start3A_106, %dma_start3A_113] : memref<80x128xi32, #tpu.memory_space<vmem>> -> memref<1x128xi32, #tpu.memory_space<vmem>>
    %dma_start3A_115 = tpu.memref_squeeze %dma_start3A_114 : memref<1x128xi32, #tpu.memory_space<vmem>> -> memref<128xi32, #tpu.memory_space<vmem>>
    %dma_start3A_116 = arith.constant 0 : i32
    %dma_start3A_117 = arith.constant 0 : i32
    %dma_start3A_118 = tpu.memref_slice %arg11[%dma_start3A_116, %dma_start3A_117] : memref<10112x32xf32, #tpu.memory_space<vmem_shared>> -> memref<10112x32xf32, #tpu.memory_space<vmem_shared>>
    %dma_start3A_119 = tpu.memref_slice %arg12[%dma_start3A_108] : memref<8x!tpu.dma_semaphore, #tpu.memory_space<semaphore_mem>> -> memref<1x!tpu.dma_semaphore, #tpu.memory_space<semaphore_mem>>
    %dma_start3A_120 = tpu.memref_squeeze %dma_start3A_119 : memref<1x!tpu.dma_semaphore, #tpu.memory_space<semaphore_mem>> -> memref<!tpu.dma_semaphore, #tpu.memory_space<semaphore_mem>>
    tpu.enqueue_indirect_dma source(%dma_start3A_118 : memref<10112x32xf32, #tpu.memory_space<vmem_shared>>) target(%dma_start3A_112 : memref<128x32xf32, #tpu.memory_space<vmem>>) offsets(%dma_start3A_115 : memref<128xi32, #tpu.memory_space<vmem>>) semaphore(%dma_start3A_120 : memref<!tpu.dma_semaphore, #tpu.memory_space<semaphore_mem>>)
    %dma_start3A_121 = arith.constant 7 : i32
    %dma_start3A_122 = arith.constant 7 : i32
    %dma_start3A_123 = arith.constant 7 : i32
    %dma_start3A_124 = arith.constant 0 : i32
    %dma_start3A_125 = arith.constant 0 : i32
    %dma_start3A_126 = tpu.memref_slice %arg9[%dma_start3A_122, %dma_start3A_124, %dma_start3A_125] : memref<8x128x32xf32, #tpu.memory_space<vmem>> -> memref<1x128x32xf32, #tpu.memory_space<vmem>>
    %dma_start3A_127 = tpu.memref_squeeze %dma_start3A_126 : memref<1x128x32xf32, #tpu.memory_space<vmem>> -> memref<128x32xf32, #tpu.memory_space<vmem>>
    %dma_start3A_128 = arith.constant 0 : i32
    %dma_start3A_129 = tpu.memref_slice %arg7[%dma_start3A_121, %dma_start3A_128] : memref<80x128xi32, #tpu.memory_space<vmem>> -> memref<1x128xi32, #tpu.memory_space<vmem>>
    %dma_start3A_130 = tpu.memref_squeeze %dma_start3A_129 : memref<1x128xi32, #tpu.memory_space<vmem>> -> memref<128xi32, #tpu.memory_space<vmem>>
    %dma_start3A_131 = arith.constant 0 : i32
    %dma_start3A_132 = arith.constant 0 : i32
    %dma_start3A_133 = tpu.memref_slice %arg11[%dma_start3A_131, %dma_start3A_132] : memref<10112x32xf32, #tpu.memory_space<vmem_shared>> -> memref<10112x32xf32, #tpu.memory_space<vmem_shared>>
    %dma_start3A_134 = tpu.memref_slice %arg12[%dma_start3A_123] : memref<8x!tpu.dma_semaphore, #tpu.memory_space<semaphore_mem>> -> memref<1x!tpu.dma_semaphore, #tpu.memory_space<semaphore_mem>>
    %dma_start3A_135 = tpu.memref_squeeze %dma_start3A_134 : memref<1x!tpu.dma_semaphore, #tpu.memory_space<semaphore_mem>> -> memref<!tpu.dma_semaphore, #tpu.memory_space<semaphore_mem>>
    tpu.enqueue_indirect_dma source(%dma_start3A_133 : memref<10112x32xf32, #tpu.memory_space<vmem_shared>>) target(%dma_start3A_127 : memref<128x32xf32, #tpu.memory_space<vmem>>) offsets(%dma_start3A_130 : memref<128xi32, #tpu.memory_space<vmem>>) semaphore(%dma_start3A_135 : memref<!tpu.dma_semaphore, #tpu.memory_space<semaphore_mem>>)
    %sub3A = arith.constant 0 : i32
    %sub3A_136 = arith.subi %select_n3A, %sub3A : i32
    %sub3A_137 = arith.constant 8 : i32
    %sub3A_138 = arith.constant 1 : i32
    %sub3A_139 = arith.subi %sub3A_137, %sub3A_138 : i32
    %add3A = arith.addi %sub3A_136, %sub3A_139 : i32
    %div3A = arith.constant 8 : i32
    %div3A_140 = arith.divsi %add3A, %div3A : i32
    %while3A = arith.constant 8 : i32
    %while3A_141 = arith.constant 0 : i32
    %while3A_142 = arith.constant 0 : i32
    %while3A_143 = arith.subi %div3A_140, %while3A_142 : i32
    %while3A_144 = arith.addi %while3A_142, %while3A_143 : i32
    %while3A_145 = arith.constant 1 : i32
    %while3A_146 = arith.divsi %while3A_143, %while3A_145 : i32
    %while3A_147 = arith.muli %while3A_146, %while3A_145 : i32
    %while3A_148 = arith.addi %while3A_142, %while3A_147 : i32
    %while3A_149 = arith.constant 1 : i32
    scf.for %while3A_275 = %while3A_142 to %while3A_148 step %while3A_149  : i32 {
      %mul3A_276 = arith.muli %while3A_275, %while3A : i32
      %add3A_277 = arith.addi %while3A_141, %mul3A_276 : i32
      %add3A_278 = arith.constant 0 : i32
      %add3A_279 = arith.addi %add3A_277, %add3A_278 : i32
      %dma_wait3A_280 = arith.constant 0 : i32
      %dma_wait3A_281 = arith.constant 0 : i32
      %dma_wait3A_282 = arith.constant 0 : i32
      %dma_wait3A_283 = arith.constant 0 : i32
      %dma_wait3A_284 = tpu.memref_slice %arg9[%dma_wait3A_280, %dma_wait3A_282, %dma_wait3A_283] : memref<8x128x32xf32, #tpu.memory_space<vmem>> -> memref<1x128x32xf32, #tpu.memory_space<vmem>>
      %dma_wait3A_285 = tpu.memref_squeeze %dma_wait3A_284 : memref<1x128x32xf32, #tpu.memory_space<vmem>> -> memref<128x32xf32, #tpu.memory_space<vmem>>
      %dma_wait3A_286 = arith.constant 0 : i32
      %dma_wait3A_287 = tpu.memref_slice %arg7[%add3A_279, %dma_wait3A_286] : memref<80x128xi32, #tpu.memory_space<vmem>> -> memref<1x128xi32, #tpu.memory_space<vmem>>
      %dma_wait3A_288 = tpu.memref_squeeze %dma_wait3A_287 : memref<1x128xi32, #tpu.memory_space<vmem>> -> memref<128xi32, #tpu.memory_space<vmem>>
      %dma_wait3A_289 = arith.constant 0 : i32
      %dma_wait3A_290 = arith.constant 0 : i32
      %dma_wait3A_291 = tpu.memref_slice %arg11[%dma_wait3A_289, %dma_wait3A_290] : memref<10112x32xf32, #tpu.memory_space<vmem_shared>> -> memref<10112x32xf32, #tpu.memory_space<vmem_shared>>
      %dma_wait3A_292 = tpu.memref_slice %arg12[%dma_wait3A_281] : memref<8x!tpu.dma_semaphore, #tpu.memory_space<semaphore_mem>> -> memref<1x!tpu.dma_semaphore, #tpu.memory_space<semaphore_mem>>
      %dma_wait3A_293 = tpu.memref_squeeze %dma_wait3A_292 : memref<1x!tpu.dma_semaphore, #tpu.memory_space<semaphore_mem>> -> memref<!tpu.dma_semaphore, #tpu.memory_space<semaphore_mem>>
      tpu.wait_indirect_dma semaphore(%dma_wait3A_293 : memref<!tpu.dma_semaphore, #tpu.memory_space<semaphore_mem>>) src(%dma_wait3A_291 : memref<10112x32xf32, #tpu.memory_space<vmem_shared>>) dst(%dma_wait3A_285 : memref<128x32xf32, #tpu.memory_space<vmem>>)
      %add3A_294 = arith.constant 0 : i32
      %add3A_295 = arith.addi %add3A_277, %add3A_294 : i32
      %dma_start3A_296 = arith.constant 0 : i32
      %dma_start3A_297 = arith.constant 0 : i32
      %dma_start3A_298 = arith.constant 0 : i32
      %dma_start3A_299 = arith.constant 0 : i32
      %dma_start3A_300 = tpu.memref_slice %arg9[%dma_start3A_296, %dma_start3A_298, %dma_start3A_299] : memref<8x128x32xf32, #tpu.memory_space<vmem>> -> memref<1x128x32xf32, #tpu.memory_space<vmem>>
      %dma_start3A_301 = tpu.memref_squeeze %dma_start3A_300 : memref<1x128x32xf32, #tpu.memory_space<vmem>> -> memref<128x32xf32, #tpu.memory_space<vmem>>
      %dma_start3A_302 = arith.constant 0 : i32
      %dma_start3A_303 = tpu.memref_slice %arg8[%add3A_295, %dma_start3A_302] : memref<80x128xi32, #tpu.memory_space<vmem>> -> memref<1x128xi32, #tpu.memory_space<vmem>>
      %dma_start3A_304 = tpu.memref_squeeze %dma_start3A_303 : memref<1x128xi32, #tpu.memory_space<vmem>> -> memref<128xi32, #tpu.memory_space<vmem>>
      %dma_start3A_305 = arith.constant 0 : i32
      %dma_start3A_306 = arith.constant 0 : i32
      %dma_start3A_307 = tpu.memref_slice %arg10[%dma_start3A_305, %dma_start3A_306] : memref<10112x32xf32, #tpu.memory_space<vmem_shared>> -> memref<10112x32xf32, #tpu.memory_space<vmem_shared>>
      %dma_start3A_308 = tpu.memref_slice %arg13[%dma_start3A_297] : memref<8x!tpu.dma_semaphore, #tpu.memory_space<semaphore_mem>> -> memref<1x!tpu.dma_semaphore, #tpu.memory_space<semaphore_mem>>
      %dma_start3A_309 = tpu.memref_squeeze %dma_start3A_308 : memref<1x!tpu.dma_semaphore, #tpu.memory_space<semaphore_mem>> -> memref<!tpu.dma_semaphore, #tpu.memory_space<semaphore_mem>>
      tpu.enqueue_indirect_dma source(%dma_start3A_301 : memref<128x32xf32, #tpu.memory_space<vmem>>) target(%dma_start3A_307 : memref<10112x32xf32, #tpu.memory_space<vmem_shared>>) offsets(%dma_start3A_304 : memref<128xi32, #tpu.memory_space<vmem>>) semaphore(%dma_start3A_309 : memref<!tpu.dma_semaphore, #tpu.memory_space<semaphore_mem>>) {add = true}
      %add3A_310 = arith.constant 1 : i32
      %add3A_311 = arith.addi %add3A_277, %add3A_310 : i32
      %dma_wait3A_312 = arith.constant 1 : i32
      %dma_wait3A_313 = arith.constant 1 : i32
      %dma_wait3A_314 = arith.constant 0 : i32
      %dma_wait3A_315 = arith.constant 0 : i32
      %dma_wait3A_316 = tpu.memref_slice %arg9[%dma_wait3A_312, %dma_wait3A_314, %dma_wait3A_315] : memref<8x128x32xf32, #tpu.memory_space<vmem>> -> memref<1x128x32xf32, #tpu.memory_space<vmem>>
      %dma_wait3A_317 = tpu.memref_squeeze %dma_wait3A_316 : memref<1x128x32xf32, #tpu.memory_space<vmem>> -> memref<128x32xf32, #tpu.memory_space<vmem>>
      %dma_wait3A_318 = arith.constant 0 : i32
      %dma_wait3A_319 = tpu.memref_slice %arg7[%add3A_311, %dma_wait3A_318] : memref<80x128xi32, #tpu.memory_space<vmem>> -> memref<1x128xi32, #tpu.memory_space<vmem>>
      %dma_wait3A_320 = tpu.memref_squeeze %dma_wait3A_319 : memref<1x128xi32, #tpu.memory_space<vmem>> -> memref<128xi32, #tpu.memory_space<vmem>>
      %dma_wait3A_321 = arith.constant 0 : i32
      %dma_wait3A_322 = arith.constant 0 : i32
      %dma_wait3A_323 = tpu.memref_slice %arg11[%dma_wait3A_321, %dma_wait3A_322] : memref<10112x32xf32, #tpu.memory_space<vmem_shared>> -> memref<10112x32xf32, #tpu.memory_space<vmem_shared>>
      %dma_wait3A_324 = tpu.memref_slice %arg12[%dma_wait3A_313] : memref<8x!tpu.dma_semaphore, #tpu.memory_space<semaphore_mem>> -> memref<1x!tpu.dma_semaphore, #tpu.memory_space<semaphore_mem>>
      %dma_wait3A_325 = tpu.memref_squeeze %dma_wait3A_324 : memref<1x!tpu.dma_semaphore, #tpu.memory_space<semaphore_mem>> -> memref<!tpu.dma_semaphore, #tpu.memory_space<semaphore_mem>>
      tpu.wait_indirect_dma semaphore(%dma_wait3A_325 : memref<!tpu.dma_semaphore, #tpu.memory_space<semaphore_mem>>) src(%dma_wait3A_323 : memref<10112x32xf32, #tpu.memory_space<vmem_shared>>) dst(%dma_wait3A_317 : memref<128x32xf32, #tpu.memory_space<vmem>>)
      %add3A_326 = arith.constant 1 : i32
      %add3A_327 = arith.addi %add3A_277, %add3A_326 : i32
      %dma_start3A_328 = arith.constant 1 : i32
      %dma_start3A_329 = arith.constant 1 : i32
      %dma_start3A_330 = arith.constant 0 : i32
      %dma_start3A_331 = arith.constant 0 : i32
      %dma_start3A_332 = tpu.memref_slice %arg9[%dma_start3A_328, %dma_start3A_330, %dma_start3A_331] : memref<8x128x32xf32, #tpu.memory_space<vmem>> -> memref<1x128x32xf32, #tpu.memory_space<vmem>>
      %dma_start3A_333 = tpu.memref_squeeze %dma_start3A_332 : memref<1x128x32xf32, #tpu.memory_space<vmem>> -> memref<128x32xf32, #tpu.memory_space<vmem>>
      %dma_start3A_334 = arith.constant 0 : i32
      %dma_start3A_335 = tpu.memref_slice %arg8[%add3A_327, %dma_start3A_334] : memref<80x128xi32, #tpu.memory_space<vmem>> -> memref<1x128xi32, #tpu.memory_space<vmem>>
      %dma_start3A_336 = tpu.memref_squeeze %dma_start3A_335 : memref<1x128xi32, #tpu.memory_space<vmem>> -> memref<128xi32, #tpu.memory_space<vmem>>
      %dma_start3A_337 = arith.constant 0 : i32
      %dma_start3A_338 = arith.constant 0 : i32
      %dma_start3A_339 = tpu.memref_slice %arg10[%dma_start3A_337, %dma_start3A_338] : memref<10112x32xf32, #tpu.memory_space<vmem_shared>> -> memref<10112x32xf32, #tpu.memory_space<vmem_shared>>
      %dma_start3A_340 = tpu.memref_slice %arg13[%dma_start3A_329] : memref<8x!tpu.dma_semaphore, #tpu.memory_space<semaphore_mem>> -> memref<1x!tpu.dma_semaphore, #tpu.memory_space<semaphore_mem>>
      %dma_start3A_341 = tpu.memref_squeeze %dma_start3A_340 : memref<1x!tpu.dma_semaphore, #tpu.memory_space<semaphore_mem>> -> memref<!tpu.dma_semaphore, #tpu.memory_space<semaphore_mem>>
      tpu.enqueue_indirect_dma source(%dma_start3A_333 : memref<128x32xf32, #tpu.memory_space<vmem>>) target(%dma_start3A_339 : memref<10112x32xf32, #tpu.memory_space<vmem_shared>>) offsets(%dma_start3A_336 : memref<128xi32, #tpu.memory_space<vmem>>) semaphore(%dma_start3A_341 : memref<!tpu.dma_semaphore, #tpu.memory_space<semaphore_mem>>) {add = true}
      %add3A_342 = arith.constant 2 : i32
      %add3A_343 = arith.addi %add3A_277, %add3A_342 : i32
      %dma_wait3A_344 = arith.constant 2 : i32
      %dma_wait3A_345 = arith.constant 2 : i32
      %dma_wait3A_346 = arith.constant 0 : i32
      %dma_wait3A_347 = arith.constant 0 : i32
      %dma_wait3A_348 = tpu.memref_slice %arg9[%dma_wait3A_344, %dma_wait3A_346, %dma_wait3A_347] : memref<8x128x32xf32, #tpu.memory_space<vmem>> -> memref<1x128x32xf32, #tpu.memory_space<vmem>>
      %dma_wait3A_349 = tpu.memref_squeeze %dma_wait3A_348 : memref<1x128x32xf32, #tpu.memory_space<vmem>> -> memref<128x32xf32, #tpu.memory_space<vmem>>
      %dma_wait3A_350 = arith.constant 0 : i32
      %dma_wait3A_351 = tpu.memref_slice %arg7[%add3A_343, %dma_wait3A_350] : memref<80x128xi32, #tpu.memory_space<vmem>> -> memref<1x128xi32, #tpu.memory_space<vmem>>
      %dma_wait3A_352 = tpu.memref_squeeze %dma_wait3A_351 : memref<1x128xi32, #tpu.memory_space<vmem>> -> memref<128xi32, #tpu.memory_space<vmem>>
      %dma_wait3A_353 = arith.constant 0 : i32
      %dma_wait3A_354 = arith.constant 0 : i32
      %dma_wait3A_355 = tpu.memref_slice %arg11[%dma_wait3A_353, %dma_wait3A_354] : memref<10112x32xf32, #tpu.memory_space<vmem_shared>> -> memref<10112x32xf32, #tpu.memory_space<vmem_shared>>
      %dma_wait3A_356 = tpu.memref_slice %arg12[%dma_wait3A_345] : memref<8x!tpu.dma_semaphore, #tpu.memory_space<semaphore_mem>> -> memref<1x!tpu.dma_semaphore, #tpu.memory_space<semaphore_mem>>
      %dma_wait3A_357 = tpu.memref_squeeze %dma_wait3A_356 : memref<1x!tpu.dma_semaphore, #tpu.memory_space<semaphore_mem>> -> memref<!tpu.dma_semaphore, #tpu.memory_space<semaphore_mem>>
      tpu.wait_indirect_dma semaphore(%dma_wait3A_357 : memref<!tpu.dma_semaphore, #tpu.memory_space<semaphore_mem>>) src(%dma_wait3A_355 : memref<10112x32xf32, #tpu.memory_space<vmem_shared>>) dst(%dma_wait3A_349 : memref<128x32xf32, #tpu.memory_space<vmem>>)
      %add3A_358 = arith.constant 2 : i32
      %add3A_359 = arith.addi %add3A_277, %add3A_358 : i32
      %dma_start3A_360 = arith.constant 2 : i32
      %dma_start3A_361 = arith.constant 2 : i32
      %dma_start3A_362 = arith.constant 0 : i32
      %dma_start3A_363 = arith.constant 0 : i32
      %dma_start3A_364 = tpu.memref_slice %arg9[%dma_start3A_360, %dma_start3A_362, %dma_start3A_363] : memref<8x128x32xf32, #tpu.memory_space<vmem>> -> memref<1x128x32xf32, #tpu.memory_space<vmem>>
      %dma_start3A_365 = tpu.memref_squeeze %dma_start3A_364 : memref<1x128x32xf32, #tpu.memory_space<vmem>> -> memref<128x32xf32, #tpu.memory_space<vmem>>
      %dma_start3A_366 = arith.constant 0 : i32
      %dma_start3A_367 = tpu.memref_slice %arg8[%add3A_359, %dma_start3A_366] : memref<80x128xi32, #tpu.memory_space<vmem>> -> memref<1x128xi32, #tpu.memory_space<vmem>>
      %dma_start3A_368 = tpu.memref_squeeze %dma_start3A_367 : memref<1x128xi32, #tpu.memory_space<vmem>> -> memref<128xi32, #tpu.memory_space<vmem>>
      %dma_start3A_369 = arith.constant 0 : i32
      %dma_start3A_370 = arith.constant 0 : i32
      %dma_start3A_371 = tpu.memref_slice %arg10[%dma_start3A_369, %dma_start3A_370] : memref<10112x32xf32, #tpu.memory_space<vmem_shared>> -> memref<10112x32xf32, #tpu.memory_space<vmem_shared>>
      %dma_start3A_372 = tpu.memref_slice %arg13[%dma_start3A_361] : memref<8x!tpu.dma_semaphore, #tpu.memory_space<semaphore_mem>> -> memref<1x!tpu.dma_semaphore, #tpu.memory_space<semaphore_mem>>
      %dma_start3A_373 = tpu.memref_squeeze %dma_start3A_372 : memref<1x!tpu.dma_semaphore, #tpu.memory_space<semaphore_mem>> -> memref<!tpu.dma_semaphore, #tpu.memory_space<semaphore_mem>>
      tpu.enqueue_indirect_dma source(%dma_start3A_365 : memref<128x32xf32, #tpu.memory_space<vmem>>) target(%dma_start3A_371 : memref<10112x32xf32, #tpu.memory_space<vmem_shared>>) offsets(%dma_start3A_368 : memref<128xi32, #tpu.memory_space<vmem>>) semaphore(%dma_start3A_373 : memref<!tpu.dma_semaphore, #tpu.memory_space<semaphore_mem>>) {add = true}
      %add3A_374 = arith.constant 3 : i32
      %add3A_375 = arith.addi %add3A_277, %add3A_374 : i32
      %dma_wait3A_376 = arith.constant 3 : i32
      %dma_wait3A_377 = arith.constant 3 : i32
      %dma_wait3A_378 = arith.constant 0 : i32
      %dma_wait3A_379 = arith.constant 0 : i32
      %dma_wait3A_380 = tpu.memref_slice %arg9[%dma_wait3A_376, %dma_wait3A_378, %dma_wait3A_379] : memref<8x128x32xf32, #tpu.memory_space<vmem>> -> memref<1x128x32xf32, #tpu.memory_space<vmem>>
      %dma_wait3A_381 = tpu.memref_squeeze %dma_wait3A_380 : memref<1x128x32xf32, #tpu.memory_space<vmem>> -> memref<128x32xf32, #tpu.memory_space<vmem>>
      %dma_wait3A_382 = arith.constant 0 : i32
      %dma_wait3A_383 = tpu.memref_slice %arg7[%add3A_375, %dma_wait3A_382] : memref<80x128xi32, #tpu.memory_space<vmem>> -> memref<1x128xi32, #tpu.memory_space<vmem>>
      %dma_wait3A_384 = tpu.memref_squeeze %dma_wait3A_383 : memref<1x128xi32, #tpu.memory_space<vmem>> -> memref<128xi32, #tpu.memory_space<vmem>>
      %dma_wait3A_385 = arith.constant 0 : i32
      %dma_wait3A_386 = arith.constant 0 : i32
      %dma_wait3A_387 = tpu.memref_slice %arg11[%dma_wait3A_385, %dma_wait3A_386] : memref<10112x32xf32, #tpu.memory_space<vmem_shared>> -> memref<10112x32xf32, #tpu.memory_space<vmem_shared>>
      %dma_wait3A_388 = tpu.memref_slice %arg12[%dma_wait3A_377] : memref<8x!tpu.dma_semaphore, #tpu.memory_space<semaphore_mem>> -> memref<1x!tpu.dma_semaphore, #tpu.memory_space<semaphore_mem>>
      %dma_wait3A_389 = tpu.memref_squeeze %dma_wait3A_388 : memref<1x!tpu.dma_semaphore, #tpu.memory_space<semaphore_mem>> -> memref<!tpu.dma_semaphore, #tpu.memory_space<semaphore_mem>>
      tpu.wait_indirect_dma semaphore(%dma_wait3A_389 : memref<!tpu.dma_semaphore, #tpu.memory_space<semaphore_mem>>) src(%dma_wait3A_387 : memref<10112x32xf32, #tpu.memory_space<vmem_shared>>) dst(%dma_wait3A_381 : memref<128x32xf32, #tpu.memory_space<vmem>>)
      %add3A_390 = arith.constant 3 : i32
      %add3A_391 = arith.addi %add3A_277, %add3A_390 : i32
      %dma_start3A_392 = arith.constant 3 : i32
      %dma_start3A_393 = arith.constant 3 : i32
      %dma_start3A_394 = arith.constant 0 : i32
      %dma_start3A_395 = arith.constant 0 : i32
      %dma_start3A_396 = tpu.memref_slice %arg9[%dma_start3A_392, %dma_start3A_394, %dma_start3A_395] : memref<8x128x32xf32, #tpu.memory_space<vmem>> -> memref<1x128x32xf32, #tpu.memory_space<vmem>>
      %dma_start3A_397 = tpu.memref_squeeze %dma_start3A_396 : memref<1x128x32xf32, #tpu.memory_space<vmem>> -> memref<128x32xf32, #tpu.memory_space<vmem>>
      %dma_start3A_398 = arith.constant 0 : i32
      %dma_start3A_399 = tpu.memref_slice %arg8[%add3A_391, %dma_start3A_398] : memref<80x128xi32, #tpu.memory_space<vmem>> -> memref<1x128xi32, #tpu.memory_space<vmem>>
      %dma_start3A_400 = tpu.memref_squeeze %dma_start3A_399 : memref<1x128xi32, #tpu.memory_space<vmem>> -> memref<128xi32, #tpu.memory_space<vmem>>
      %dma_start3A_401 = arith.constant 0 : i32
      %dma_start3A_402 = arith.constant 0 : i32
      %dma_start3A_403 = tpu.memref_slice %arg10[%dma_start3A_401, %dma_start3A_402] : memref<10112x32xf32, #tpu.memory_space<vmem_shared>> -> memref<10112x32xf32, #tpu.memory_space<vmem_shared>>
      %dma_start3A_404 = tpu.memref_slice %arg13[%dma_start3A_393] : memref<8x!tpu.dma_semaphore, #tpu.memory_space<semaphore_mem>> -> memref<1x!tpu.dma_semaphore, #tpu.memory_space<semaphore_mem>>
      %dma_start3A_405 = tpu.memref_squeeze %dma_start3A_404 : memref<1x!tpu.dma_semaphore, #tpu.memory_space<semaphore_mem>> -> memref<!tpu.dma_semaphore, #tpu.memory_space<semaphore_mem>>
      tpu.enqueue_indirect_dma source(%dma_start3A_397 : memref<128x32xf32, #tpu.memory_space<vmem>>) target(%dma_start3A_403 : memref<10112x32xf32, #tpu.memory_space<vmem_shared>>) offsets(%dma_start3A_400 : memref<128xi32, #tpu.memory_space<vmem>>) semaphore(%dma_start3A_405 : memref<!tpu.dma_semaphore, #tpu.memory_space<semaphore_mem>>) {add = true}
      %add3A_406 = arith.constant 4 : i32
      %add3A_407 = arith.addi %add3A_277, %add3A_406 : i32
      %dma_wait3A_408 = arith.constant 4 : i32
      %dma_wait3A_409 = arith.constant 4 : i32
      %dma_wait3A_410 = arith.constant 0 : i32
      %dma_wait3A_411 = arith.constant 0 : i32
      %dma_wait3A_412 = tpu.memref_slice %arg9[%dma_wait3A_408, %dma_wait3A_410, %dma_wait3A_411] : memref<8x128x32xf32, #tpu.memory_space<vmem>> -> memref<1x128x32xf32, #tpu.memory_space<vmem>>
      %dma_wait3A_413 = tpu.memref_squeeze %dma_wait3A_412 : memref<1x128x32xf32, #tpu.memory_space<vmem>> -> memref<128x32xf32, #tpu.memory_space<vmem>>
      %dma_wait3A_414 = arith.constant 0 : i32
      %dma_wait3A_415 = tpu.memref_slice %arg7[%add3A_407, %dma_wait3A_414] : memref<80x128xi32, #tpu.memory_space<vmem>> -> memref<1x128xi32, #tpu.memory_space<vmem>>
      %dma_wait3A_416 = tpu.memref_squeeze %dma_wait3A_415 : memref<1x128xi32, #tpu.memory_space<vmem>> -> memref<128xi32, #tpu.memory_space<vmem>>
      %dma_wait3A_417 = arith.constant 0 : i32
      %dma_wait3A_418 = arith.constant 0 : i32
      %dma_wait3A_419 = tpu.memref_slice %arg11[%dma_wait3A_417, %dma_wait3A_418] : memref<10112x32xf32, #tpu.memory_space<vmem_shared>> -> memref<10112x32xf32, #tpu.memory_space<vmem_shared>>
      %dma_wait3A_420 = tpu.memref_slice %arg12[%dma_wait3A_409] : memref<8x!tpu.dma_semaphore, #tpu.memory_space<semaphore_mem>> -> memref<1x!tpu.dma_semaphore, #tpu.memory_space<semaphore_mem>>
      %dma_wait3A_421 = tpu.memref_squeeze %dma_wait3A_420 : memref<1x!tpu.dma_semaphore, #tpu.memory_space<semaphore_mem>> -> memref<!tpu.dma_semaphore, #tpu.memory_space<semaphore_mem>>
      tpu.wait_indirect_dma semaphore(%dma_wait3A_421 : memref<!tpu.dma_semaphore, #tpu.memory_space<semaphore_mem>>) src(%dma_wait3A_419 : memref<10112x32xf32, #tpu.memory_space<vmem_shared>>) dst(%dma_wait3A_413 : memref<128x32xf32, #tpu.memory_space<vmem>>)
      %add3A_422 = arith.constant 4 : i32
      %add3A_423 = arith.addi %add3A_277, %add3A_422 : i32
      %dma_start3A_424 = arith.constant 4 : i32
      %dma_start3A_425 = arith.constant 4 : i32
      %dma_start3A_426 = arith.constant 0 : i32
      %dma_start3A_427 = arith.constant 0 : i32
      %dma_start3A_428 = tpu.memref_slice %arg9[%dma_start3A_424, %dma_start3A_426, %dma_start3A_427] : memref<8x128x32xf32, #tpu.memory_space<vmem>> -> memref<1x128x32xf32, #tpu.memory_space<vmem>>
      %dma_start3A_429 = tpu.memref_squeeze %dma_start3A_428 : memref<1x128x32xf32, #tpu.memory_space<vmem>> -> memref<128x32xf32, #tpu.memory_space<vmem>>
      %dma_start3A_430 = arith.constant 0 : i32
      %dma_start3A_431 = tpu.memref_slice %arg8[%add3A_423, %dma_start3A_430] : memref<80x128xi32, #tpu.memory_space<vmem>> -> memref<1x128xi32, #tpu.memory_space<vmem>>
      %dma_start3A_432 = tpu.memref_squeeze %dma_start3A_431 : memref<1x128xi32, #tpu.memory_space<vmem>> -> memref<128xi32, #tpu.memory_space<vmem>>
      %dma_start3A_433 = arith.constant 0 : i32
      %dma_start3A_434 = arith.constant 0 : i32
      %dma_start3A_435 = tpu.memref_slice %arg10[%dma_start3A_433, %dma_start3A_434] : memref<10112x32xf32, #tpu.memory_space<vmem_shared>> -> memref<10112x32xf32, #tpu.memory_space<vmem_shared>>
      %dma_start3A_436 = tpu.memref_slice %arg13[%dma_start3A_425] : memref<8x!tpu.dma_semaphore, #tpu.memory_space<semaphore_mem>> -> memref<1x!tpu.dma_semaphore, #tpu.memory_space<semaphore_mem>>
      %dma_start3A_437 = tpu.memref_squeeze %dma_start3A_436 : memref<1x!tpu.dma_semaphore, #tpu.memory_space<semaphore_mem>> -> memref<!tpu.dma_semaphore, #tpu.memory_space<semaphore_mem>>
      tpu.enqueue_indirect_dma source(%dma_start3A_429 : memref<128x32xf32, #tpu.memory_space<vmem>>) target(%dma_start3A_435 : memref<10112x32xf32, #tpu.memory_space<vmem_shared>>) offsets(%dma_start3A_432 : memref<128xi32, #tpu.memory_space<vmem>>) semaphore(%dma_start3A_437 : memref<!tpu.dma_semaphore, #tpu.memory_space<semaphore_mem>>) {add = true}
      %add3A_438 = arith.constant 5 : i32
      %add3A_439 = arith.addi %add3A_277, %add3A_438 : i32
      %dma_wait3A_440 = arith.constant 5 : i32
      %dma_wait3A_441 = arith.constant 5 : i32
      %dma_wait3A_442 = arith.constant 0 : i32
      %dma_wait3A_443 = arith.constant 0 : i32
      %dma_wait3A_444 = tpu.memref_slice %arg9[%dma_wait3A_440, %dma_wait3A_442, %dma_wait3A_443] : memref<8x128x32xf32, #tpu.memory_space<vmem>> -> memref<1x128x32xf32, #tpu.memory_space<vmem>>
      %dma_wait3A_445 = tpu.memref_squeeze %dma_wait3A_444 : memref<1x128x32xf32, #tpu.memory_space<vmem>> -> memref<128x32xf32, #tpu.memory_space<vmem>>
      %dma_wait3A_446 = arith.constant 0 : i32
      %dma_wait3A_447 = tpu.memref_slice %arg7[%add3A_439, %dma_wait3A_446] : memref<80x128xi32, #tpu.memory_space<vmem>> -> memref<1x128xi32, #tpu.memory_space<vmem>>
      %dma_wait3A_448 = tpu.memref_squeeze %dma_wait3A_447 : memref<1x128xi32, #tpu.memory_space<vmem>> -> memref<128xi32, #tpu.memory_space<vmem>>
      %dma_wait3A_449 = arith.constant 0 : i32
      %dma_wait3A_450 = arith.constant 0 : i32
      %dma_wait3A_451 = tpu.memref_slice %arg11[%dma_wait3A_449, %dma_wait3A_450] : memref<10112x32xf32, #tpu.memory_space<vmem_shared>> -> memref<10112x32xf32, #tpu.memory_space<vmem_shared>>
      %dma_wait3A_452 = tpu.memref_slice %arg12[%dma_wait3A_441] : memref<8x!tpu.dma_semaphore, #tpu.memory_space<semaphore_mem>> -> memref<1x!tpu.dma_semaphore, #tpu.memory_space<semaphore_mem>>
      %dma_wait3A_453 = tpu.memref_squeeze %dma_wait3A_452 : memref<1x!tpu.dma_semaphore, #tpu.memory_space<semaphore_mem>> -> memref<!tpu.dma_semaphore, #tpu.memory_space<semaphore_mem>>
      tpu.wait_indirect_dma semaphore(%dma_wait3A_453 : memref<!tpu.dma_semaphore, #tpu.memory_space<semaphore_mem>>) src(%dma_wait3A_451 : memref<10112x32xf32, #tpu.memory_space<vmem_shared>>) dst(%dma_wait3A_445 : memref<128x32xf32, #tpu.memory_space<vmem>>)
      %add3A_454 = arith.constant 5 : i32
      %add3A_455 = arith.addi %add3A_277, %add3A_454 : i32
      %dma_start3A_456 = arith.constant 5 : i32
      %dma_start3A_457 = arith.constant 5 : i32
      %dma_start3A_458 = arith.constant 0 : i32
      %dma_start3A_459 = arith.constant 0 : i32
      %dma_start3A_460 = tpu.memref_slice %arg9[%dma_start3A_456, %dma_start3A_458, %dma_start3A_459] : memref<8x128x32xf32, #tpu.memory_space<vmem>> -> memref<1x128x32xf32, #tpu.memory_space<vmem>>
      %dma_start3A_461 = tpu.memref_squeeze %dma_start3A_460 : memref<1x128x32xf32, #tpu.memory_space<vmem>> -> memref<128x32xf32, #tpu.memory_space<vmem>>
      %dma_start3A_462 = arith.constant 0 : i32
      %dma_start3A_463 = tpu.memref_slice %arg8[%add3A_455, %dma_start3A_462] : memref<80x128xi32, #tpu.memory_space<vmem>> -> memref<1x128xi32, #tpu.memory_space<vmem>>
      %dma_start3A_464 = tpu.memref_squeeze %dma_start3A_463 : memref<1x128xi32, #tpu.memory_space<vmem>> -> memref<128xi32, #tpu.memory_space<vmem>>
      %dma_start3A_465 = arith.constant 0 : i32
      %dma_start3A_466 = arith.constant 0 : i32
      %dma_start3A_467 = tpu.memref_slice %arg10[%dma_start3A_465, %dma_start3A_466] : memref<10112x32xf32, #tpu.memory_space<vmem_shared>> -> memref<10112x32xf32, #tpu.memory_space<vmem_shared>>
      %dma_start3A_468 = tpu.memref_slice %arg13[%dma_start3A_457] : memref<8x!tpu.dma_semaphore, #tpu.memory_space<semaphore_mem>> -> memref<1x!tpu.dma_semaphore, #tpu.memory_space<semaphore_mem>>
      %dma_start3A_469 = tpu.memref_squeeze %dma_start3A_468 : memref<1x!tpu.dma_semaphore, #tpu.memory_space<semaphore_mem>> -> memref<!tpu.dma_semaphore, #tpu.memory_space<semaphore_mem>>
      tpu.enqueue_indirect_dma source(%dma_start3A_461 : memref<128x32xf32, #tpu.memory_space<vmem>>) target(%dma_start3A_467 : memref<10112x32xf32, #tpu.memory_space<vmem_shared>>) offsets(%dma_start3A_464 : memref<128xi32, #tpu.memory_space<vmem>>) semaphore(%dma_start3A_469 : memref<!tpu.dma_semaphore, #tpu.memory_space<semaphore_mem>>) {add = true}
      %add3A_470 = arith.constant 6 : i32
      %add3A_471 = arith.addi %add3A_277, %add3A_470 : i32
      %dma_wait3A_472 = arith.constant 6 : i32
      %dma_wait3A_473 = arith.constant 6 : i32
      %dma_wait3A_474 = arith.constant 0 : i32
      %dma_wait3A_475 = arith.constant 0 : i32
      %dma_wait3A_476 = tpu.memref_slice %arg9[%dma_wait3A_472, %dma_wait3A_474, %dma_wait3A_475] : memref<8x128x32xf32, #tpu.memory_space<vmem>> -> memref<1x128x32xf32, #tpu.memory_space<vmem>>
      %dma_wait3A_477 = tpu.memref_squeeze %dma_wait3A_476 : memref<1x128x32xf32, #tpu.memory_space<vmem>> -> memref<128x32xf32, #tpu.memory_space<vmem>>
      %dma_wait3A_478 = arith.constant 0 : i32
      %dma_wait3A_479 = tpu.memref_slice %arg7[%add3A_471, %dma_wait3A_478] : memref<80x128xi32, #tpu.memory_space<vmem>> -> memref<1x128xi32, #tpu.memory_space<vmem>>
      %dma_wait3A_480 = tpu.memref_squeeze %dma_wait3A_479 : memref<1x128xi32, #tpu.memory_space<vmem>> -> memref<128xi32, #tpu.memory_space<vmem>>
      %dma_wait3A_481 = arith.constant 0 : i32
      %dma_wait3A_482 = arith.constant 0 : i32
      %dma_wait3A_483 = tpu.memref_slice %arg11[%dma_wait3A_481, %dma_wait3A_482] : memref<10112x32xf32, #tpu.memory_space<vmem_shared>> -> memref<10112x32xf32, #tpu.memory_space<vmem_shared>>
      %dma_wait3A_484 = tpu.memref_slice %arg12[%dma_wait3A_473] : memref<8x!tpu.dma_semaphore, #tpu.memory_space<semaphore_mem>> -> memref<1x!tpu.dma_semaphore, #tpu.memory_space<semaphore_mem>>
      %dma_wait3A_485 = tpu.memref_squeeze %dma_wait3A_484 : memref<1x!tpu.dma_semaphore, #tpu.memory_space<semaphore_mem>> -> memref<!tpu.dma_semaphore, #tpu.memory_space<semaphore_mem>>
      tpu.wait_indirect_dma semaphore(%dma_wait3A_485 : memref<!tpu.dma_semaphore, #tpu.memory_space<semaphore_mem>>) src(%dma_wait3A_483 : memref<10112x32xf32, #tpu.memory_space<vmem_shared>>) dst(%dma_wait3A_477 : memref<128x32xf32, #tpu.memory_space<vmem>>)
      %add3A_486 = arith.constant 6 : i32
      %add3A_487 = arith.addi %add3A_277, %add3A_486 : i32
      %dma_start3A_488 = arith.constant 6 : i32
      %dma_start3A_489 = arith.constant 6 : i32
      %dma_start3A_490 = arith.constant 0 : i32
      %dma_start3A_491 = arith.constant 0 : i32
      %dma_start3A_492 = tpu.memref_slice %arg9[%dma_start3A_488, %dma_start3A_490, %dma_start3A_491] : memref<8x128x32xf32, #tpu.memory_space<vmem>> -> memref<1x128x32xf32, #tpu.memory_space<vmem>>
      %dma_start3A_493 = tpu.memref_squeeze %dma_start3A_492 : memref<1x128x32xf32, #tpu.memory_space<vmem>> -> memref<128x32xf32, #tpu.memory_space<vmem>>
      %dma_start3A_494 = arith.constant 0 : i32
      %dma_start3A_495 = tpu.memref_slice %arg8[%add3A_487, %dma_start3A_494] : memref<80x128xi32, #tpu.memory_space<vmem>> -> memref<1x128xi32, #tpu.memory_space<vmem>>
      %dma_start3A_496 = tpu.memref_squeeze %dma_start3A_495 : memref<1x128xi32, #tpu.memory_space<vmem>> -> memref<128xi32, #tpu.memory_space<vmem>>
      %dma_start3A_497 = arith.constant 0 : i32
      %dma_start3A_498 = arith.constant 0 : i32
      %dma_start3A_499 = tpu.memref_slice %arg10[%dma_start3A_497, %dma_start3A_498] : memref<10112x32xf32, #tpu.memory_space<vmem_shared>> -> memref<10112x32xf32, #tpu.memory_space<vmem_shared>>
      %dma_start3A_500 = tpu.memref_slice %arg13[%dma_start3A_489] : memref<8x!tpu.dma_semaphore, #tpu.memory_space<semaphore_mem>> -> memref<1x!tpu.dma_semaphore, #tpu.memory_space<semaphore_mem>>
      %dma_start3A_501 = tpu.memref_squeeze %dma_start3A_500 : memref<1x!tpu.dma_semaphore, #tpu.memory_space<semaphore_mem>> -> memref<!tpu.dma_semaphore, #tpu.memory_space<semaphore_mem>>
      tpu.enqueue_indirect_dma source(%dma_start3A_493 : memref<128x32xf32, #tpu.memory_space<vmem>>) target(%dma_start3A_499 : memref<10112x32xf32, #tpu.memory_space<vmem_shared>>) offsets(%dma_start3A_496 : memref<128xi32, #tpu.memory_space<vmem>>) semaphore(%dma_start3A_501 : memref<!tpu.dma_semaphore, #tpu.memory_space<semaphore_mem>>) {add = true}
      %add3A_502 = arith.constant 7 : i32
      %add3A_503 = arith.addi %add3A_277, %add3A_502 : i32
      %dma_wait3A_504 = arith.constant 7 : i32
      %dma_wait3A_505 = arith.constant 7 : i32
      %dma_wait3A_506 = arith.constant 0 : i32
      %dma_wait3A_507 = arith.constant 0 : i32
      %dma_wait3A_508 = tpu.memref_slice %arg9[%dma_wait3A_504, %dma_wait3A_506, %dma_wait3A_507] : memref<8x128x32xf32, #tpu.memory_space<vmem>> -> memref<1x128x32xf32, #tpu.memory_space<vmem>>
      %dma_wait3A_509 = tpu.memref_squeeze %dma_wait3A_508 : memref<1x128x32xf32, #tpu.memory_space<vmem>> -> memref<128x32xf32, #tpu.memory_space<vmem>>
      %dma_wait3A_510 = arith.constant 0 : i32
      %dma_wait3A_511 = tpu.memref_slice %arg7[%add3A_503, %dma_wait3A_510] : memref<80x128xi32, #tpu.memory_space<vmem>> -> memref<1x128xi32, #tpu.memory_space<vmem>>
      %dma_wait3A_512 = tpu.memref_squeeze %dma_wait3A_511 : memref<1x128xi32, #tpu.memory_space<vmem>> -> memref<128xi32, #tpu.memory_space<vmem>>
      %dma_wait3A_513 = arith.constant 0 : i32
      %dma_wait3A_514 = arith.constant 0 : i32
      %dma_wait3A_515 = tpu.memref_slice %arg11[%dma_wait3A_513, %dma_wait3A_514] : memref<10112x32xf32, #tpu.memory_space<vmem_shared>> -> memref<10112x32xf32, #tpu.memory_space<vmem_shared>>
      %dma_wait3A_516 = tpu.memref_slice %arg12[%dma_wait3A_505] : memref<8x!tpu.dma_semaphore, #tpu.memory_space<semaphore_mem>> -> memref<1x!tpu.dma_semaphore, #tpu.memory_space<semaphore_mem>>
      %dma_wait3A_517 = tpu.memref_squeeze %dma_wait3A_516 : memref<1x!tpu.dma_semaphore, #tpu.memory_space<semaphore_mem>> -> memref<!tpu.dma_semaphore, #tpu.memory_space<semaphore_mem>>
      tpu.wait_indirect_dma semaphore(%dma_wait3A_517 : memref<!tpu.dma_semaphore, #tpu.memory_space<semaphore_mem>>) src(%dma_wait3A_515 : memref<10112x32xf32, #tpu.memory_space<vmem_shared>>) dst(%dma_wait3A_509 : memref<128x32xf32, #tpu.memory_space<vmem>>)
      %add3A_518 = arith.constant 7 : i32
      %add3A_519 = arith.addi %add3A_277, %add3A_518 : i32
      %dma_start3A_520 = arith.constant 7 : i32
      %dma_start3A_521 = arith.constant 7 : i32
      %dma_start3A_522 = arith.constant 0 : i32
      %dma_start3A_523 = arith.constant 0 : i32
      %dma_start3A_524 = tpu.memref_slice %arg9[%dma_start3A_520, %dma_start3A_522, %dma_start3A_523] : memref<8x128x32xf32, #tpu.memory_space<vmem>> -> memref<1x128x32xf32, #tpu.memory_space<vmem>>
      %dma_start3A_525 = tpu.memref_squeeze %dma_start3A_524 : memref<1x128x32xf32, #tpu.memory_space<vmem>> -> memref<128x32xf32, #tpu.memory_space<vmem>>
      %dma_start3A_526 = arith.constant 0 : i32
      %dma_start3A_527 = tpu.memref_slice %arg8[%add3A_519, %dma_start3A_526] : memref<80x128xi32, #tpu.memory_space<vmem>> -> memref<1x128xi32, #tpu.memory_space<vmem>>
      %dma_start3A_528 = tpu.memref_squeeze %dma_start3A_527 : memref<1x128xi32, #tpu.memory_space<vmem>> -> memref<128xi32, #tpu.memory_space<vmem>>
      %dma_start3A_529 = arith.constant 0 : i32
      %dma_start3A_530 = arith.constant 0 : i32
      %dma_start3A_531 = tpu.memref_slice %arg10[%dma_start3A_529, %dma_start3A_530] : memref<10112x32xf32, #tpu.memory_space<vmem_shared>> -> memref<10112x32xf32, #tpu.memory_space<vmem_shared>>
      %dma_start3A_532 = tpu.memref_slice %arg13[%dma_start3A_521] : memref<8x!tpu.dma_semaphore, #tpu.memory_space<semaphore_mem>> -> memref<1x!tpu.dma_semaphore, #tpu.memory_space<semaphore_mem>>
      %dma_start3A_533 = tpu.memref_squeeze %dma_start3A_532 : memref<1x!tpu.dma_semaphore, #tpu.memory_space<semaphore_mem>> -> memref<!tpu.dma_semaphore, #tpu.memory_space<semaphore_mem>>
      tpu.enqueue_indirect_dma source(%dma_start3A_525 : memref<128x32xf32, #tpu.memory_space<vmem>>) target(%dma_start3A_531 : memref<10112x32xf32, #tpu.memory_space<vmem_shared>>) offsets(%dma_start3A_528 : memref<128xi32, #tpu.memory_space<vmem>>) semaphore(%dma_start3A_533 : memref<!tpu.dma_semaphore, #tpu.memory_space<semaphore_mem>>) {add = true}
      %add3A_534 = arith.constant 0 : i32
      %add3A_535 = arith.addi %add3A_277, %add3A_534 : i32
      %dma_wait3A_536 = arith.constant 0 : i32
      %dma_wait3A_537 = arith.constant 0 : i32
      %dma_wait3A_538 = arith.constant 0 : i32
      %dma_wait3A_539 = arith.constant 0 : i32
      %dma_wait3A_540 = tpu.memref_slice %arg9[%dma_wait3A_536, %dma_wait3A_538, %dma_wait3A_539] : memref<8x128x32xf32, #tpu.memory_space<vmem>> -> memref<1x128x32xf32, #tpu.memory_space<vmem>>
      %dma_wait3A_541 = tpu.memref_squeeze %dma_wait3A_540 : memref<1x128x32xf32, #tpu.memory_space<vmem>> -> memref<128x32xf32, #tpu.memory_space<vmem>>
      %dma_wait3A_542 = arith.constant 0 : i32
      %dma_wait3A_543 = tpu.memref_slice %arg8[%add3A_535, %dma_wait3A_542] : memref<80x128xi32, #tpu.memory_space<vmem>> -> memref<1x128xi32, #tpu.memory_space<vmem>>
      %dma_wait3A_544 = tpu.memref_squeeze %dma_wait3A_543 : memref<1x128xi32, #tpu.memory_space<vmem>> -> memref<128xi32, #tpu.memory_space<vmem>>
      %dma_wait3A_545 = arith.constant 0 : i32
      %dma_wait3A_546 = arith.constant 0 : i32
      %dma_wait3A_547 = tpu.memref_slice %arg10[%dma_wait3A_545, %dma_wait3A_546] : memref<10112x32xf32, #tpu.memory_space<vmem_shared>> -> memref<10112x32xf32, #tpu.memory_space<vmem_shared>>
      %dma_wait3A_548 = tpu.memref_slice %arg13[%dma_wait3A_537] : memref<8x!tpu.dma_semaphore, #tpu.memory_space<semaphore_mem>> -> memref<1x!tpu.dma_semaphore, #tpu.memory_space<semaphore_mem>>
      %dma_wait3A_549 = tpu.memref_squeeze %dma_wait3A_548 : memref<1x!tpu.dma_semaphore, #tpu.memory_space<semaphore_mem>> -> memref<!tpu.dma_semaphore, #tpu.memory_space<semaphore_mem>>
      tpu.wait_indirect_dma semaphore(%dma_wait3A_549 : memref<!tpu.dma_semaphore, #tpu.memory_space<semaphore_mem>>) src(%dma_wait3A_541 : memref<128x32xf32, #tpu.memory_space<vmem>>) dst(%dma_wait3A_547 : memref<10112x32xf32, #tpu.memory_space<vmem_shared>>)
      %add3A_550 = arith.constant 8 : i32
      %add3A_551 = arith.addi %add3A_277, %add3A_550 : i32
      %add3A_552 = arith.constant 0 : i32
      %add3A_553 = arith.addi %add3A_551, %add3A_552 : i32
      %rem3A = arith.remsi %add3A_553, %select_n3A : i32
      %dma_start3A_554 = arith.constant 0 : i32
      %dma_start3A_555 = arith.constant 0 : i32
      %dma_start3A_556 = arith.constant 0 : i32
      %dma_start3A_557 = arith.constant 0 : i32
      %dma_start3A_558 = tpu.memref_slice %arg9[%dma_start3A_554, %dma_start3A_556, %dma_start3A_557] : memref<8x128x32xf32, #tpu.memory_space<vmem>> -> memref<1x128x32xf32, #tpu.memory_space<vmem>>
      %dma_start3A_559 = tpu.memref_squeeze %dma_start3A_558 : memref<1x128x32xf32, #tpu.memory_space<vmem>> -> memref<128x32xf32, #tpu.memory_space<vmem>>
      %dma_start3A_560 = arith.constant 0 : i32
      %dma_start3A_561 = tpu.memref_slice %arg7[%rem3A, %dma_start3A_560] : memref<80x128xi32, #tpu.memory_space<vmem>> -> memref<1x128xi32, #tpu.memory_space<vmem>>
      %dma_start3A_562 = tpu.memref_squeeze %dma_start3A_561 : memref<1x128xi32, #tpu.memory_space<vmem>> -> memref<128xi32, #tpu.memory_space<vmem>>
      %dma_start3A_563 = arith.constant 0 : i32
      %dma_start3A_564 = arith.constant 0 : i32
      %dma_start3A_565 = tpu.memref_slice %arg11[%dma_start3A_563, %dma_start3A_564] : memref<10112x32xf32, #tpu.memory_space<vmem_shared>> -> memref<10112x32xf32, #tpu.memory_space<vmem_shared>>
      %dma_start3A_566 = tpu.memref_slice %arg12[%dma_start3A_555] : memref<8x!tpu.dma_semaphore, #tpu.memory_space<semaphore_mem>> -> memref<1x!tpu.dma_semaphore, #tpu.memory_space<semaphore_mem>>
      %dma_start3A_567 = tpu.memref_squeeze %dma_start3A_566 : memref<1x!tpu.dma_semaphore, #tpu.memory_space<semaphore_mem>> -> memref<!tpu.dma_semaphore, #tpu.memory_space<semaphore_mem>>
      tpu.enqueue_indirect_dma source(%dma_start3A_565 : memref<10112x32xf32, #tpu.memory_space<vmem_shared>>) target(%dma_start3A_559 : memref<128x32xf32, #tpu.memory_space<vmem>>) offsets(%dma_start3A_562 : memref<128xi32, #tpu.memory_space<vmem>>) semaphore(%dma_start3A_567 : memref<!tpu.dma_semaphore, #tpu.memory_space<semaphore_mem>>)
      %add3A_568 = arith.constant 1 : i32
      %add3A_569 = arith.addi %add3A_277, %add3A_568 : i32
      %dma_wait3A_570 = arith.constant 1 : i32
      %dma_wait3A_571 = arith.constant 1 : i32
      %dma_wait3A_572 = arith.constant 0 : i32
      %dma_wait3A_573 = arith.constant 0 : i32
      %dma_wait3A_574 = tpu.memref_slice %arg9[%dma_wait3A_570, %dma_wait3A_572, %dma_wait3A_573] : memref<8x128x32xf32, #tpu.memory_space<vmem>> -> memref<1x128x32xf32, #tpu.memory_space<vmem>>
      %dma_wait3A_575 = tpu.memref_squeeze %dma_wait3A_574 : memref<1x128x32xf32, #tpu.memory_space<vmem>> -> memref<128x32xf32, #tpu.memory_space<vmem>>
      %dma_wait3A_576 = arith.constant 0 : i32
      %dma_wait3A_577 = tpu.memref_slice %arg8[%add3A_569, %dma_wait3A_576] : memref<80x128xi32, #tpu.memory_space<vmem>> -> memref<1x128xi32, #tpu.memory_space<vmem>>
      %dma_wait3A_578 = tpu.memref_squeeze %dma_wait3A_577 : memref<1x128xi32, #tpu.memory_space<vmem>> -> memref<128xi32, #tpu.memory_space<vmem>>
      %dma_wait3A_579 = arith.constant 0 : i32
      %dma_wait3A_580 = arith.constant 0 : i32
      %dma_wait3A_581 = tpu.memref_slice %arg10[%dma_wait3A_579, %dma_wait3A_580] : memref<10112x32xf32, #tpu.memory_space<vmem_shared>> -> memref<10112x32xf32, #tpu.memory_space<vmem_shared>>
      %dma_wait3A_582 = tpu.memref_slice %arg13[%dma_wait3A_571] : memref<8x!tpu.dma_semaphore, #tpu.memory_space<semaphore_mem>> -> memref<1x!tpu.dma_semaphore, #tpu.memory_space<semaphore_mem>>
      %dma_wait3A_583 = tpu.memref_squeeze %dma_wait3A_582 : memref<1x!tpu.dma_semaphore, #tpu.memory_space<semaphore_mem>> -> memref<!tpu.dma_semaphore, #tpu.memory_space<semaphore_mem>>
      tpu.wait_indirect_dma semaphore(%dma_wait3A_583 : memref<!tpu.dma_semaphore, #tpu.memory_space<semaphore_mem>>) src(%dma_wait3A_575 : memref<128x32xf32, #tpu.memory_space<vmem>>) dst(%dma_wait3A_581 : memref<10112x32xf32, #tpu.memory_space<vmem_shared>>)
      %add3A_584 = arith.constant 8 : i32
      %add3A_585 = arith.addi %add3A_277, %add3A_584 : i32
      %add3A_586 = arith.constant 1 : i32
      %add3A_587 = arith.addi %add3A_585, %add3A_586 : i32
      %rem3A_588 = arith.remsi %add3A_587, %select_n3A : i32
      %dma_start3A_589 = arith.constant 1 : i32
      %dma_start3A_590 = arith.constant 1 : i32
      %dma_start3A_591 = arith.constant 0 : i32
      %dma_start3A_592 = arith.constant 0 : i32
      %dma_start3A_593 = tpu.memref_slice %arg9[%dma_start3A_589, %dma_start3A_591, %dma_start3A_592] : memref<8x128x32xf32, #tpu.memory_space<vmem>> -> memref<1x128x32xf32, #tpu.memory_space<vmem>>
      %dma_start3A_594 = tpu.memref_squeeze %dma_start3A_593 : memref<1x128x32xf32, #tpu.memory_space<vmem>> -> memref<128x32xf32, #tpu.memory_space<vmem>>
      %dma_start3A_595 = arith.constant 0 : i32
      %dma_start3A_596 = tpu.memref_slice %arg7[%rem3A_588, %dma_start3A_595] : memref<80x128xi32, #tpu.memory_space<vmem>> -> memref<1x128xi32, #tpu.memory_space<vmem>>
      %dma_start3A_597 = tpu.memref_squeeze %dma_start3A_596 : memref<1x128xi32, #tpu.memory_space<vmem>> -> memref<128xi32, #tpu.memory_space<vmem>>
      %dma_start3A_598 = arith.constant 0 : i32
      %dma_start3A_599 = arith.constant 0 : i32
      %dma_start3A_600 = tpu.memref_slice %arg11[%dma_start3A_598, %dma_start3A_599] : memref<10112x32xf32, #tpu.memory_space<vmem_shared>> -> memref<10112x32xf32, #tpu.memory_space<vmem_shared>>
      %dma_start3A_601 = tpu.memref_slice %arg12[%dma_start3A_590] : memref<8x!tpu.dma_semaphore, #tpu.memory_space<semaphore_mem>> -> memref<1x!tpu.dma_semaphore, #tpu.memory_space<semaphore_mem>>
      %dma_start3A_602 = tpu.memref_squeeze %dma_start3A_601 : memref<1x!tpu.dma_semaphore, #tpu.memory_space<semaphore_mem>> -> memref<!tpu.dma_semaphore, #tpu.memory_space<semaphore_mem>>
      tpu.enqueue_indirect_dma source(%dma_start3A_600 : memref<10112x32xf32, #tpu.memory_space<vmem_shared>>) target(%dma_start3A_594 : memref<128x32xf32, #tpu.memory_space<vmem>>) offsets(%dma_start3A_597 : memref<128xi32, #tpu.memory_space<vmem>>) semaphore(%dma_start3A_602 : memref<!tpu.dma_semaphore, #tpu.memory_space<semaphore_mem>>)
      %add3A_603 = arith.constant 2 : i32
      %add3A_604 = arith.addi %add3A_277, %add3A_603 : i32
      %dma_wait3A_605 = arith.constant 2 : i32
      %dma_wait3A_606 = arith.constant 2 : i32
      %dma_wait3A_607 = arith.constant 0 : i32
      %dma_wait3A_608 = arith.constant 0 : i32
      %dma_wait3A_609 = tpu.memref_slice %arg9[%dma_wait3A_605, %dma_wait3A_607, %dma_wait3A_608] : memref<8x128x32xf32, #tpu.memory_space<vmem>> -> memref<1x128x32xf32, #tpu.memory_space<vmem>>
      %dma_wait3A_610 = tpu.memref_squeeze %dma_wait3A_609 : memref<1x128x32xf32, #tpu.memory_space<vmem>> -> memref<128x32xf32, #tpu.memory_space<vmem>>
      %dma_wait3A_611 = arith.constant 0 : i32
      %dma_wait3A_612 = tpu.memref_slice %arg8[%add3A_604, %dma_wait3A_611] : memref<80x128xi32, #tpu.memory_space<vmem>> -> memref<1x128xi32, #tpu.memory_space<vmem>>
      %dma_wait3A_613 = tpu.memref_squeeze %dma_wait3A_612 : memref<1x128xi32, #tpu.memory_space<vmem>> -> memref<128xi32, #tpu.memory_space<vmem>>
      %dma_wait3A_614 = arith.constant 0 : i32
      %dma_wait3A_615 = arith.constant 0 : i32
      %dma_wait3A_616 = tpu.memref_slice %arg10[%dma_wait3A_614, %dma_wait3A_615] : memref<10112x32xf32, #tpu.memory_space<vmem_shared>> -> memref<10112x32xf32, #tpu.memory_space<vmem_shared>>
      %dma_wait3A_617 = tpu.memref_slice %arg13[%dma_wait3A_606] : memref<8x!tpu.dma_semaphore, #tpu.memory_space<semaphore_mem>> -> memref<1x!tpu.dma_semaphore, #tpu.memory_space<semaphore_mem>>
      %dma_wait3A_618 = tpu.memref_squeeze %dma_wait3A_617 : memref<1x!tpu.dma_semaphore, #tpu.memory_space<semaphore_mem>> -> memref<!tpu.dma_semaphore, #tpu.memory_space<semaphore_mem>>
      tpu.wait_indirect_dma semaphore(%dma_wait3A_618 : memref<!tpu.dma_semaphore, #tpu.memory_space<semaphore_mem>>) src(%dma_wait3A_610 : memref<128x32xf32, #tpu.memory_space<vmem>>) dst(%dma_wait3A_616 : memref<10112x32xf32, #tpu.memory_space<vmem_shared>>)
      %add3A_619 = arith.constant 8 : i32
      %add3A_620 = arith.addi %add3A_277, %add3A_619 : i32
      %add3A_621 = arith.constant 2 : i32
      %add3A_622 = arith.addi %add3A_620, %add3A_621 : i32
      %rem3A_623 = arith.remsi %add3A_622, %select_n3A : i32
      %dma_start3A_624 = arith.constant 2 : i32
      %dma_start3A_625 = arith.constant 2 : i32
      %dma_start3A_626 = arith.constant 0 : i32
      %dma_start3A_627 = arith.constant 0 : i32
      %dma_start3A_628 = tpu.memref_slice %arg9[%dma_start3A_624, %dma_start3A_626, %dma_start3A_627] : memref<8x128x32xf32, #tpu.memory_space<vmem>> -> memref<1x128x32xf32, #tpu.memory_space<vmem>>
      %dma_start3A_629 = tpu.memref_squeeze %dma_start3A_628 : memref<1x128x32xf32, #tpu.memory_space<vmem>> -> memref<128x32xf32, #tpu.memory_space<vmem>>
      %dma_start3A_630 = arith.constant 0 : i32
      %dma_start3A_631 = tpu.memref_slice %arg7[%rem3A_623, %dma_start3A_630] : memref<80x128xi32, #tpu.memory_space<vmem>> -> memref<1x128xi32, #tpu.memory_space<vmem>>
      %dma_start3A_632 = tpu.memref_squeeze %dma_start3A_631 : memref<1x128xi32, #tpu.memory_space<vmem>> -> memref<128xi32, #tpu.memory_space<vmem>>
      %dma_start3A_633 = arith.constant 0 : i32
      %dma_start3A_634 = arith.constant 0 : i32
      %dma_start3A_635 = tpu.memref_slice %arg11[%dma_start3A_633, %dma_start3A_634] : memref<10112x32xf32, #tpu.memory_space<vmem_shared>> -> memref<10112x32xf32, #tpu.memory_space<vmem_shared>>
      %dma_start3A_636 = tpu.memref_slice %arg12[%dma_start3A_625] : memref<8x!tpu.dma_semaphore, #tpu.memory_space<semaphore_mem>> -> memref<1x!tpu.dma_semaphore, #tpu.memory_space<semaphore_mem>>
      %dma_start3A_637 = tpu.memref_squeeze %dma_start3A_636 : memref<1x!tpu.dma_semaphore, #tpu.memory_space<semaphore_mem>> -> memref<!tpu.dma_semaphore, #tpu.memory_space<semaphore_mem>>
      tpu.enqueue_indirect_dma source(%dma_start3A_635 : memref<10112x32xf32, #tpu.memory_space<vmem_shared>>) target(%dma_start3A_629 : memref<128x32xf32, #tpu.memory_space<vmem>>) offsets(%dma_start3A_632 : memref<128xi32, #tpu.memory_space<vmem>>) semaphore(%dma_start3A_637 : memref<!tpu.dma_semaphore, #tpu.memory_space<semaphore_mem>>)
      %add3A_638 = arith.constant 3 : i32
      %add3A_639 = arith.addi %add3A_277, %add3A_638 : i32
      %dma_wait3A_640 = arith.constant 3 : i32
      %dma_wait3A_641 = arith.constant 3 : i32
      %dma_wait3A_642 = arith.constant 0 : i32
      %dma_wait3A_643 = arith.constant 0 : i32
      %dma_wait3A_644 = tpu.memref_slice %arg9[%dma_wait3A_640, %dma_wait3A_642, %dma_wait3A_643] : memref<8x128x32xf32, #tpu.memory_space<vmem>> -> memref<1x128x32xf32, #tpu.memory_space<vmem>>
      %dma_wait3A_645 = tpu.memref_squeeze %dma_wait3A_644 : memref<1x128x32xf32, #tpu.memory_space<vmem>> -> memref<128x32xf32, #tpu.memory_space<vmem>>
      %dma_wait3A_646 = arith.constant 0 : i32
      %dma_wait3A_647 = tpu.memref_slice %arg8[%add3A_639, %dma_wait3A_646] : memref<80x128xi32, #tpu.memory_space<vmem>> -> memref<1x128xi32, #tpu.memory_space<vmem>>
      %dma_wait3A_648 = tpu.memref_squeeze %dma_wait3A_647 : memref<1x128xi32, #tpu.memory_space<vmem>> -> memref<128xi32, #tpu.memory_space<vmem>>
      %dma_wait3A_649 = arith.constant 0 : i32
      %dma_wait3A_650 = arith.constant 0 : i32
      %dma_wait3A_651 = tpu.memref_slice %arg10[%dma_wait3A_649, %dma_wait3A_650] : memref<10112x32xf32, #tpu.memory_space<vmem_shared>> -> memref<10112x32xf32, #tpu.memory_space<vmem_shared>>
      %dma_wait3A_652 = tpu.memref_slice %arg13[%dma_wait3A_641] : memref<8x!tpu.dma_semaphore, #tpu.memory_space<semaphore_mem>> -> memref<1x!tpu.dma_semaphore, #tpu.memory_space<semaphore_mem>>
      %dma_wait3A_653 = tpu.memref_squeeze %dma_wait3A_652 : memref<1x!tpu.dma_semaphore, #tpu.memory_space<semaphore_mem>> -> memref<!tpu.dma_semaphore, #tpu.memory_space<semaphore_mem>>
      tpu.wait_indirect_dma semaphore(%dma_wait3A_653 : memref<!tpu.dma_semaphore, #tpu.memory_space<semaphore_mem>>) src(%dma_wait3A_645 : memref<128x32xf32, #tpu.memory_space<vmem>>) dst(%dma_wait3A_651 : memref<10112x32xf32, #tpu.memory_space<vmem_shared>>)
      %add3A_654 = arith.constant 8 : i32
      %add3A_655 = arith.addi %add3A_277, %add3A_654 : i32
      %add3A_656 = arith.constant 3 : i32
      %add3A_657 = arith.addi %add3A_655, %add3A_656 : i32
      %rem3A_658 = arith.remsi %add3A_657, %select_n3A : i32
      %dma_start3A_659 = arith.constant 3 : i32
      %dma_start3A_660 = arith.constant 3 : i32
      %dma_start3A_661 = arith.constant 0 : i32
      %dma_start3A_662 = arith.constant 0 : i32
      %dma_start3A_663 = tpu.memref_slice %arg9[%dma_start3A_659, %dma_start3A_661, %dma_start3A_662] : memref<8x128x32xf32, #tpu.memory_space<vmem>> -> memref<1x128x32xf32, #tpu.memory_space<vmem>>
      %dma_start3A_664 = tpu.memref_squeeze %dma_start3A_663 : memref<1x128x32xf32, #tpu.memory_space<vmem>> -> memref<128x32xf32, #tpu.memory_space<vmem>>
      %dma_start3A_665 = arith.constant 0 : i32
      %dma_start3A_666 = tpu.memref_slice %arg7[%rem3A_658, %dma_start3A_665] : memref<80x128xi32, #tpu.memory_space<vmem>> -> memref<1x128xi32, #tpu.memory_space<vmem>>
      %dma_start3A_667 = tpu.memref_squeeze %dma_start3A_666 : memref<1x128xi32, #tpu.memory_space<vmem>> -> memref<128xi32, #tpu.memory_space<vmem>>
      %dma_start3A_668 = arith.constant 0 : i32
      %dma_start3A_669 = arith.constant 0 : i32
      %dma_start3A_670 = tpu.memref_slice %arg11[%dma_start3A_668, %dma_start3A_669] : memref<10112x32xf32, #tpu.memory_space<vmem_shared>> -> memref<10112x32xf32, #tpu.memory_space<vmem_shared>>
      %dma_start3A_671 = tpu.memref_slice %arg12[%dma_start3A_660] : memref<8x!tpu.dma_semaphore, #tpu.memory_space<semaphore_mem>> -> memref<1x!tpu.dma_semaphore, #tpu.memory_space<semaphore_mem>>
      %dma_start3A_672 = tpu.memref_squeeze %dma_start3A_671 : memref<1x!tpu.dma_semaphore, #tpu.memory_space<semaphore_mem>> -> memref<!tpu.dma_semaphore, #tpu.memory_space<semaphore_mem>>
      tpu.enqueue_indirect_dma source(%dma_start3A_670 : memref<10112x32xf32, #tpu.memory_space<vmem_shared>>) target(%dma_start3A_664 : memref<128x32xf32, #tpu.memory_space<vmem>>) offsets(%dma_start3A_667 : memref<128xi32, #tpu.memory_space<vmem>>) semaphore(%dma_start3A_672 : memref<!tpu.dma_semaphore, #tpu.memory_space<semaphore_mem>>)
      %add3A_673 = arith.constant 4 : i32
      %add3A_674 = arith.addi %add3A_277, %add3A_673 : i32
      %dma_wait3A_675 = arith.constant 4 : i32
      %dma_wait3A_676 = arith.constant 4 : i32
      %dma_wait3A_677 = arith.constant 0 : i32
      %dma_wait3A_678 = arith.constant 0 : i32
      %dma_wait3A_679 = tpu.memref_slice %arg9[%dma_wait3A_675, %dma_wait3A_677, %dma_wait3A_678] : memref<8x128x32xf32, #tpu.memory_space<vmem>> -> memref<1x128x32xf32, #tpu.memory_space<vmem>>
      %dma_wait3A_680 = tpu.memref_squeeze %dma_wait3A_679 : memref<1x128x32xf32, #tpu.memory_space<vmem>> -> memref<128x32xf32, #tpu.memory_space<vmem>>
      %dma_wait3A_681 = arith.constant 0 : i32
      %dma_wait3A_682 = tpu.memref_slice %arg8[%add3A_674, %dma_wait3A_681] : memref<80x128xi32, #tpu.memory_space<vmem>> -> memref<1x128xi32, #tpu.memory_space<vmem>>
      %dma_wait3A_683 = tpu.memref_squeeze %dma_wait3A_682 : memref<1x128xi32, #tpu.memory_space<vmem>> -> memref<128xi32, #tpu.memory_space<vmem>>
      %dma_wait3A_684 = arith.constant 0 : i32
      %dma_wait3A_685 = arith.constant 0 : i32
      %dma_wait3A_686 = tpu.memref_slice %arg10[%dma_wait3A_684, %dma_wait3A_685] : memref<10112x32xf32, #tpu.memory_space<vmem_shared>> -> memref<10112x32xf32, #tpu.memory_space<vmem_shared>>
      %dma_wait3A_687 = tpu.memref_slice %arg13[%dma_wait3A_676] : memref<8x!tpu.dma_semaphore, #tpu.memory_space<semaphore_mem>> -> memref<1x!tpu.dma_semaphore, #tpu.memory_space<semaphore_mem>>
      %dma_wait3A_688 = tpu.memref_squeeze %dma_wait3A_687 : memref<1x!tpu.dma_semaphore, #tpu.memory_space<semaphore_mem>> -> memref<!tpu.dma_semaphore, #tpu.memory_space<semaphore_mem>>
      tpu.wait_indirect_dma semaphore(%dma_wait3A_688 : memref<!tpu.dma_semaphore, #tpu.memory_space<semaphore_mem>>) src(%dma_wait3A_680 : memref<128x32xf32, #tpu.memory_space<vmem>>) dst(%dma_wait3A_686 : memref<10112x32xf32, #tpu.memory_space<vmem_shared>>)
      %add3A_689 = arith.constant 8 : i32
      %add3A_690 = arith.addi %add3A_277, %add3A_689 : i32
      %add3A_691 = arith.constant 4 : i32
      %add3A_692 = arith.addi %add3A_690, %add3A_691 : i32
      %rem3A_693 = arith.remsi %add3A_692, %select_n3A : i32
      %dma_start3A_694 = arith.constant 4 : i32
      %dma_start3A_695 = arith.constant 4 : i32
      %dma_start3A_696 = arith.constant 0 : i32
      %dma_start3A_697 = arith.constant 0 : i32
      %dma_start3A_698 = tpu.memref_slice %arg9[%dma_start3A_694, %dma_start3A_696, %dma_start3A_697] : memref<8x128x32xf32, #tpu.memory_space<vmem>> -> memref<1x128x32xf32, #tpu.memory_space<vmem>>
      %dma_start3A_699 = tpu.memref_squeeze %dma_start3A_698 : memref<1x128x32xf32, #tpu.memory_space<vmem>> -> memref<128x32xf32, #tpu.memory_space<vmem>>
      %dma_start3A_700 = arith.constant 0 : i32
      %dma_start3A_701 = tpu.memref_slice %arg7[%rem3A_693, %dma_start3A_700] : memref<80x128xi32, #tpu.memory_space<vmem>> -> memref<1x128xi32, #tpu.memory_space<vmem>>
      %dma_start3A_702 = tpu.memref_squeeze %dma_start3A_701 : memref<1x128xi32, #tpu.memory_space<vmem>> -> memref<128xi32, #tpu.memory_space<vmem>>
      %dma_start3A_703 = arith.constant 0 : i32
      %dma_start3A_704 = arith.constant 0 : i32
      %dma_start3A_705 = tpu.memref_slice %arg11[%dma_start3A_703, %dma_start3A_704] : memref<10112x32xf32, #tpu.memory_space<vmem_shared>> -> memref<10112x32xf32, #tpu.memory_space<vmem_shared>>
      %dma_start3A_706 = tpu.memref_slice %arg12[%dma_start3A_695] : memref<8x!tpu.dma_semaphore, #tpu.memory_space<semaphore_mem>> -> memref<1x!tpu.dma_semaphore, #tpu.memory_space<semaphore_mem>>
      %dma_start3A_707 = tpu.memref_squeeze %dma_start3A_706 : memref<1x!tpu.dma_semaphore, #tpu.memory_space<semaphore_mem>> -> memref<!tpu.dma_semaphore, #tpu.memory_space<semaphore_mem>>
      tpu.enqueue_indirect_dma source(%dma_start3A_705 : memref<10112x32xf32, #tpu.memory_space<vmem_shared>>) target(%dma_start3A_699 : memref<128x32xf32, #tpu.memory_space<vmem>>) offsets(%dma_start3A_702 : memref<128xi32, #tpu.memory_space<vmem>>) semaphore(%dma_start3A_707 : memref<!tpu.dma_semaphore, #tpu.memory_space<semaphore_mem>>)
      %add3A_708 = arith.constant 5 : i32
      %add3A_709 = arith.addi %add3A_277, %add3A_708 : i32
      %dma_wait3A_710 = arith.constant 5 : i32
      %dma_wait3A_711 = arith.constant 5 : i32
      %dma_wait3A_712 = arith.constant 0 : i32
      %dma_wait3A_713 = arith.constant 0 : i32
      %dma_wait3A_714 = tpu.memref_slice %arg9[%dma_wait3A_710, %dma_wait3A_712, %dma_wait3A_713] : memref<8x128x32xf32, #tpu.memory_space<vmem>> -> memref<1x128x32xf32, #tpu.memory_space<vmem>>
      %dma_wait3A_715 = tpu.memref_squeeze %dma_wait3A_714 : memref<1x128x32xf32, #tpu.memory_space<vmem>> -> memref<128x32xf32, #tpu.memory_space<vmem>>
      %dma_wait3A_716 = arith.constant 0 : i32
      %dma_wait3A_717 = tpu.memref_slice %arg8[%add3A_709, %dma_wait3A_716] : memref<80x128xi32, #tpu.memory_space<vmem>> -> memref<1x128xi32, #tpu.memory_space<vmem>>
      %dma_wait3A_718 = tpu.memref_squeeze %dma_wait3A_717 : memref<1x128xi32, #tpu.memory_space<vmem>> -> memref<128xi32, #tpu.memory_space<vmem>>
      %dma_wait3A_719 = arith.constant 0 : i32
      %dma_wait3A_720 = arith.constant 0 : i32
      %dma_wait3A_721 = tpu.memref_slice %arg10[%dma_wait3A_719, %dma_wait3A_720] : memref<10112x32xf32, #tpu.memory_space<vmem_shared>> -> memref<10112x32xf32, #tpu.memory_space<vmem_shared>>
      %dma_wait3A_722 = tpu.memref_slice %arg13[%dma_wait3A_711] : memref<8x!tpu.dma_semaphore, #tpu.memory_space<semaphore_mem>> -> memref<1x!tpu.dma_semaphore, #tpu.memory_space<semaphore_mem>>
      %dma_wait3A_723 = tpu.memref_squeeze %dma_wait3A_722 : memref<1x!tpu.dma_semaphore, #tpu.memory_space<semaphore_mem>> -> memref<!tpu.dma_semaphore, #tpu.memory_space<semaphore_mem>>
      tpu.wait_indirect_dma semaphore(%dma_wait3A_723 : memref<!tpu.dma_semaphore, #tpu.memory_space<semaphore_mem>>) src(%dma_wait3A_715 : memref<128x32xf32, #tpu.memory_space<vmem>>) dst(%dma_wait3A_721 : memref<10112x32xf32, #tpu.memory_space<vmem_shared>>)
      %add3A_724 = arith.constant 8 : i32
      %add3A_725 = arith.addi %add3A_277, %add3A_724 : i32
      %add3A_726 = arith.constant 5 : i32
      %add3A_727 = arith.addi %add3A_725, %add3A_726 : i32
      %rem3A_728 = arith.remsi %add3A_727, %select_n3A : i32
      %dma_start3A_729 = arith.constant 5 : i32
      %dma_start3A_730 = arith.constant 5 : i32
      %dma_start3A_731 = arith.constant 0 : i32
      %dma_start3A_732 = arith.constant 0 : i32
      %dma_start3A_733 = tpu.memref_slice %arg9[%dma_start3A_729, %dma_start3A_731, %dma_start3A_732] : memref<8x128x32xf32, #tpu.memory_space<vmem>> -> memref<1x128x32xf32, #tpu.memory_space<vmem>>
      %dma_start3A_734 = tpu.memref_squeeze %dma_start3A_733 : memref<1x128x32xf32, #tpu.memory_space<vmem>> -> memref<128x32xf32, #tpu.memory_space<vmem>>
      %dma_start3A_735 = arith.constant 0 : i32
      %dma_start3A_736 = tpu.memref_slice %arg7[%rem3A_728, %dma_start3A_735] : memref<80x128xi32, #tpu.memory_space<vmem>> -> memref<1x128xi32, #tpu.memory_space<vmem>>
      %dma_start3A_737 = tpu.memref_squeeze %dma_start3A_736 : memref<1x128xi32, #tpu.memory_space<vmem>> -> memref<128xi32, #tpu.memory_space<vmem>>
      %dma_start3A_738 = arith.constant 0 : i32
      %dma_start3A_739 = arith.constant 0 : i32
      %dma_start3A_740 = tpu.memref_slice %arg11[%dma_start3A_738, %dma_start3A_739] : memref<10112x32xf32, #tpu.memory_space<vmem_shared>> -> memref<10112x32xf32, #tpu.memory_space<vmem_shared>>
      %dma_start3A_741 = tpu.memref_slice %arg12[%dma_start3A_730] : memref<8x!tpu.dma_semaphore, #tpu.memory_space<semaphore_mem>> -> memref<1x!tpu.dma_semaphore, #tpu.memory_space<semaphore_mem>>
      %dma_start3A_742 = tpu.memref_squeeze %dma_start3A_741 : memref<1x!tpu.dma_semaphore, #tpu.memory_space<semaphore_mem>> -> memref<!tpu.dma_semaphore, #tpu.memory_space<semaphore_mem>>
      tpu.enqueue_indirect_dma source(%dma_start3A_740 : memref<10112x32xf32, #tpu.memory_space<vmem_shared>>) target(%dma_start3A_734 : memref<128x32xf32, #tpu.memory_space<vmem>>) offsets(%dma_start3A_737 : memref<128xi32, #tpu.memory_space<vmem>>) semaphore(%dma_start3A_742 : memref<!tpu.dma_semaphore, #tpu.memory_space<semaphore_mem>>)
      %add3A_743 = arith.constant 6 : i32
      %add3A_744 = arith.addi %add3A_277, %add3A_743 : i32
      %dma_wait3A_745 = arith.constant 6 : i32
      %dma_wait3A_746 = arith.constant 6 : i32
      %dma_wait3A_747 = arith.constant 0 : i32
      %dma_wait3A_748 = arith.constant 0 : i32
      %dma_wait3A_749 = tpu.memref_slice %arg9[%dma_wait3A_745, %dma_wait3A_747, %dma_wait3A_748] : memref<8x128x32xf32, #tpu.memory_space<vmem>> -> memref<1x128x32xf32, #tpu.memory_space<vmem>>
      %dma_wait3A_750 = tpu.memref_squeeze %dma_wait3A_749 : memref<1x128x32xf32, #tpu.memory_space<vmem>> -> memref<128x32xf32, #tpu.memory_space<vmem>>
      %dma_wait3A_751 = arith.constant 0 : i32
      %dma_wait3A_752 = tpu.memref_slice %arg8[%add3A_744, %dma_wait3A_751] : memref<80x128xi32, #tpu.memory_space<vmem>> -> memref<1x128xi32, #tpu.memory_space<vmem>>
      %dma_wait3A_753 = tpu.memref_squeeze %dma_wait3A_752 : memref<1x128xi32, #tpu.memory_space<vmem>> -> memref<128xi32, #tpu.memory_space<vmem>>
      %dma_wait3A_754 = arith.constant 0 : i32
      %dma_wait3A_755 = arith.constant 0 : i32
      %dma_wait3A_756 = tpu.memref_slice %arg10[%dma_wait3A_754, %dma_wait3A_755] : memref<10112x32xf32, #tpu.memory_space<vmem_shared>> -> memref<10112x32xf32, #tpu.memory_space<vmem_shared>>
      %dma_wait3A_757 = tpu.memref_slice %arg13[%dma_wait3A_746] : memref<8x!tpu.dma_semaphore, #tpu.memory_space<semaphore_mem>> -> memref<1x!tpu.dma_semaphore, #tpu.memory_space<semaphore_mem>>
      %dma_wait3A_758 = tpu.memref_squeeze %dma_wait3A_757 : memref<1x!tpu.dma_semaphore, #tpu.memory_space<semaphore_mem>> -> memref<!tpu.dma_semaphore, #tpu.memory_space<semaphore_mem>>
      tpu.wait_indirect_dma semaphore(%dma_wait3A_758 : memref<!tpu.dma_semaphore, #tpu.memory_space<semaphore_mem>>) src(%dma_wait3A_750 : memref<128x32xf32, #tpu.memory_space<vmem>>) dst(%dma_wait3A_756 : memref<10112x32xf32, #tpu.memory_space<vmem_shared>>)
      %add3A_759 = arith.constant 8 : i32
      %add3A_760 = arith.addi %add3A_277, %add3A_759 : i32
      %add3A_761 = arith.constant 6 : i32
      %add3A_762 = arith.addi %add3A_760, %add3A_761 : i32
      %rem3A_763 = arith.remsi %add3A_762, %select_n3A : i32
      %dma_start3A_764 = arith.constant 6 : i32
      %dma_start3A_765 = arith.constant 6 : i32
      %dma_start3A_766 = arith.constant 0 : i32
      %dma_start3A_767 = arith.constant 0 : i32
      %dma_start3A_768 = tpu.memref_slice %arg9[%dma_start3A_764, %dma_start3A_766, %dma_start3A_767] : memref<8x128x32xf32, #tpu.memory_space<vmem>> -> memref<1x128x32xf32, #tpu.memory_space<vmem>>
      %dma_start3A_769 = tpu.memref_squeeze %dma_start3A_768 : memref<1x128x32xf32, #tpu.memory_space<vmem>> -> memref<128x32xf32, #tpu.memory_space<vmem>>
      %dma_start3A_770 = arith.constant 0 : i32
      %dma_start3A_771 = tpu.memref_slice %arg7[%rem3A_763, %dma_start3A_770] : memref<80x128xi32, #tpu.memory_space<vmem>> -> memref<1x128xi32, #tpu.memory_space<vmem>>
      %dma_start3A_772 = tpu.memref_squeeze %dma_start3A_771 : memref<1x128xi32, #tpu.memory_space<vmem>> -> memref<128xi32, #tpu.memory_space<vmem>>
      %dma_start3A_773 = arith.constant 0 : i32
      %dma_start3A_774 = arith.constant 0 : i32
      %dma_start3A_775 = tpu.memref_slice %arg11[%dma_start3A_773, %dma_start3A_774] : memref<10112x32xf32, #tpu.memory_space<vmem_shared>> -> memref<10112x32xf32, #tpu.memory_space<vmem_shared>>
      %dma_start3A_776 = tpu.memref_slice %arg12[%dma_start3A_765] : memref<8x!tpu.dma_semaphore, #tpu.memory_space<semaphore_mem>> -> memref<1x!tpu.dma_semaphore, #tpu.memory_space<semaphore_mem>>
      %dma_start3A_777 = tpu.memref_squeeze %dma_start3A_776 : memref<1x!tpu.dma_semaphore, #tpu.memory_space<semaphore_mem>> -> memref<!tpu.dma_semaphore, #tpu.memory_space<semaphore_mem>>
      tpu.enqueue_indirect_dma source(%dma_start3A_775 : memref<10112x32xf32, #tpu.memory_space<vmem_shared>>) target(%dma_start3A_769 : memref<128x32xf32, #tpu.memory_space<vmem>>) offsets(%dma_start3A_772 : memref<128xi32, #tpu.memory_space<vmem>>) semaphore(%dma_start3A_777 : memref<!tpu.dma_semaphore, #tpu.memory_space<semaphore_mem>>)
      %add3A_778 = arith.constant 7 : i32
      %add3A_779 = arith.addi %add3A_277, %add3A_778 : i32
      %dma_wait3A_780 = arith.constant 7 : i32
      %dma_wait3A_781 = arith.constant 7 : i32
      %dma_wait3A_782 = arith.constant 0 : i32
      %dma_wait3A_783 = arith.constant 0 : i32
      %dma_wait3A_784 = tpu.memref_slice %arg9[%dma_wait3A_780, %dma_wait3A_782, %dma_wait3A_783] : memref<8x128x32xf32, #tpu.memory_space<vmem>> -> memref<1x128x32xf32, #tpu.memory_space<vmem>>
      %dma_wait3A_785 = tpu.memref_squeeze %dma_wait3A_784 : memref<1x128x32xf32, #tpu.memory_space<vmem>> -> memref<128x32xf32, #tpu.memory_space<vmem>>
      %dma_wait3A_786 = arith.constant 0 : i32
      %dma_wait3A_787 = tpu.memref_slice %arg8[%add3A_779, %dma_wait3A_786] : memref<80x128xi32, #tpu.memory_space<vmem>> -> memref<1x128xi32, #tpu.memory_space<vmem>>
      %dma_wait3A_788 = tpu.memref_squeeze %dma_wait3A_787 : memref<1x128xi32, #tpu.memory_space<vmem>> -> memref<128xi32, #tpu.memory_space<vmem>>
      %dma_wait3A_789 = arith.constant 0 : i32
      %dma_wait3A_790 = arith.constant 0 : i32
      %dma_wait3A_791 = tpu.memref_slice %arg10[%dma_wait3A_789, %dma_wait3A_790] : memref<10112x32xf32, #tpu.memory_space<vmem_shared>> -> memref<10112x32xf32, #tpu.memory_space<vmem_shared>>
      %dma_wait3A_792 = tpu.memref_slice %arg13[%dma_wait3A_781] : memref<8x!tpu.dma_semaphore, #tpu.memory_space<semaphore_mem>> -> memref<1x!tpu.dma_semaphore, #tpu.memory_space<semaphore_mem>>
      %dma_wait3A_793 = tpu.memref_squeeze %dma_wait3A_792 : memref<1x!tpu.dma_semaphore, #tpu.memory_space<semaphore_mem>> -> memref<!tpu.dma_semaphore, #tpu.memory_space<semaphore_mem>>
      tpu.wait_indirect_dma semaphore(%dma_wait3A_793 : memref<!tpu.dma_semaphore, #tpu.memory_space<semaphore_mem>>) src(%dma_wait3A_785 : memref<128x32xf32, #tpu.memory_space<vmem>>) dst(%dma_wait3A_791 : memref<10112x32xf32, #tpu.memory_space<vmem_shared>>)
      %add3A_794 = arith.constant 8 : i32
      %add3A_795 = arith.addi %add3A_277, %add3A_794 : i32
      %add3A_796 = arith.constant 7 : i32
      %add3A_797 = arith.addi %add3A_795, %add3A_796 : i32
      %rem3A_798 = arith.remsi %add3A_797, %select_n3A : i32
      %dma_start3A_799 = arith.constant 7 : i32
      %dma_start3A_800 = arith.constant 7 : i32
      %dma_start3A_801 = arith.constant 0 : i32
      %dma_start3A_802 = arith.constant 0 : i32
      %dma_start3A_803 = tpu.memref_slice %arg9[%dma_start3A_799, %dma_start3A_801, %dma_start3A_802] : memref<8x128x32xf32, #tpu.memory_space<vmem>> -> memref<1x128x32xf32, #tpu.memory_space<vmem>>
      %dma_start3A_804 = tpu.memref_squeeze %dma_start3A_803 : memref<1x128x32xf32, #tpu.memory_space<vmem>> -> memref<128x32xf32, #tpu.memory_space<vmem>>
      %dma_start3A_805 = arith.constant 0 : i32
      %dma_start3A_806 = tpu.memref_slice %arg7[%rem3A_798, %dma_start3A_805] : memref<80x128xi32, #tpu.memory_space<vmem>> -> memref<1x128xi32, #tpu.memory_space<vmem>>
      %dma_start3A_807 = tpu.memref_squeeze %dma_start3A_806 : memref<1x128xi32, #tpu.memory_space<vmem>> -> memref<128xi32, #tpu.memory_space<vmem>>
      %dma_start3A_808 = arith.constant 0 : i32
      %dma_start3A_809 = arith.constant 0 : i32
      %dma_start3A_810 = tpu.memref_slice %arg11[%dma_start3A_808, %dma_start3A_809] : memref<10112x32xf32, #tpu.memory_space<vmem_shared>> -> memref<10112x32xf32, #tpu.memory_space<vmem_shared>>
      %dma_start3A_811 = tpu.memref_slice %arg12[%dma_start3A_800] : memref<8x!tpu.dma_semaphore, #tpu.memory_space<semaphore_mem>> -> memref<1x!tpu.dma_semaphore, #tpu.memory_space<semaphore_mem>>
      %dma_start3A_812 = tpu.memref_squeeze %dma_start3A_811 : memref<1x!tpu.dma_semaphore, #tpu.memory_space<semaphore_mem>> -> memref<!tpu.dma_semaphore, #tpu.memory_space<semaphore_mem>>
      tpu.enqueue_indirect_dma source(%dma_start3A_810 : memref<10112x32xf32, #tpu.memory_space<vmem_shared>>) target(%dma_start3A_804 : memref<128x32xf32, #tpu.memory_space<vmem>>) offsets(%dma_start3A_807 : memref<128xi32, #tpu.memory_space<vmem>>) semaphore(%dma_start3A_812 : memref<!tpu.dma_semaphore, #tpu.memory_space<semaphore_mem>>)
    }
    %while3A_150 = arith.constant 1 : i32
    scf.for %while3A_275 = %while3A_148 to %while3A_144 step %while3A_150  : i32 {
      %mul3A_276 = arith.muli %while3A_275, %while3A : i32
      %add3A_277 = arith.addi %while3A_141, %mul3A_276 : i32
      %add3A_278 = arith.constant 0 : i32
      %add3A_279 = arith.addi %add3A_277, %add3A_278 : i32
      %dma_wait3A_280 = arith.constant 0 : i32
      %dma_wait3A_281 = arith.constant 0 : i32
      %dma_wait3A_282 = arith.constant 0 : i32
      %dma_wait3A_283 = arith.constant 0 : i32
      %dma_wait3A_284 = tpu.memref_slice %arg9[%dma_wait3A_280, %dma_wait3A_282, %dma_wait3A_283] : memref<8x128x32xf32, #tpu.memory_space<vmem>> -> memref<1x128x32xf32, #tpu.memory_space<vmem>>
      %dma_wait3A_285 = tpu.memref_squeeze %dma_wait3A_284 : memref<1x128x32xf32, #tpu.memory_space<vmem>> -> memref<128x32xf32, #tpu.memory_space<vmem>>
      %dma_wait3A_286 = arith.constant 0 : i32
      %dma_wait3A_287 = tpu.memref_slice %arg7[%add3A_279, %dma_wait3A_286] : memref<80x128xi32, #tpu.memory_space<vmem>> -> memref<1x128xi32, #tpu.memory_space<vmem>>
      %dma_wait3A_288 = tpu.memref_squeeze %dma_wait3A_287 : memref<1x128xi32, #tpu.memory_space<vmem>> -> memref<128xi32, #tpu.memory_space<vmem>>
      %dma_wait3A_289 = arith.constant 0 : i32
      %dma_wait3A_290 = arith.constant 0 : i32
      %dma_wait3A_291 = tpu.memref_slice %arg11[%dma_wait3A_289, %dma_wait3A_290] : memref<10112x32xf32, #tpu.memory_space<vmem_shared>> -> memref<10112x32xf32, #tpu.memory_space<vmem_shared>>
      %dma_wait3A_292 = tpu.memref_slice %arg12[%dma_wait3A_281] : memref<8x!tpu.dma_semaphore, #tpu.memory_space<semaphore_mem>> -> memref<1x!tpu.dma_semaphore, #tpu.memory_space<semaphore_mem>>
      %dma_wait3A_293 = tpu.memref_squeeze %dma_wait3A_292 : memref<1x!tpu.dma_semaphore, #tpu.memory_space<semaphore_mem>> -> memref<!tpu.dma_semaphore, #tpu.memory_space<semaphore_mem>>
      tpu.wait_indirect_dma semaphore(%dma_wait3A_293 : memref<!tpu.dma_semaphore, #tpu.memory_space<semaphore_mem>>) src(%dma_wait3A_291 : memref<10112x32xf32, #tpu.memory_space<vmem_shared>>) dst(%dma_wait3A_285 : memref<128x32xf32, #tpu.memory_space<vmem>>)
      %add3A_294 = arith.constant 0 : i32
      %add3A_295 = arith.addi %add3A_277, %add3A_294 : i32
      %dma_start3A_296 = arith.constant 0 : i32
      %dma_start3A_297 = arith.constant 0 : i32
      %dma_start3A_298 = arith.constant 0 : i32
      %dma_start3A_299 = arith.constant 0 : i32
      %dma_start3A_300 = tpu.memref_slice %arg9[%dma_start3A_296, %dma_start3A_298, %dma_start3A_299] : memref<8x128x32xf32, #tpu.memory_space<vmem>> -> memref<1x128x32xf32, #tpu.memory_space<vmem>>
      %dma_start3A_301 = tpu.memref_squeeze %dma_start3A_300 : memref<1x128x32xf32, #tpu.memory_space<vmem>> -> memref<128x32xf32, #tpu.memory_space<vmem>>
      %dma_start3A_302 = arith.constant 0 : i32
      %dma_start3A_303 = tpu.memref_slice %arg8[%add3A_295, %dma_start3A_302] : memref<80x128xi32, #tpu.memory_space<vmem>> -> memref<1x128xi32, #tpu.memory_space<vmem>>
      %dma_start3A_304 = tpu.memref_squeeze %dma_start3A_303 : memref<1x128xi32, #tpu.memory_space<vmem>> -> memref<128xi32, #tpu.memory_space<vmem>>
      %dma_start3A_305 = arith.constant 0 : i32
      %dma_start3A_306 = arith.constant 0 : i32
      %dma_start3A_307 = tpu.memref_slice %arg10[%dma_start3A_305, %dma_start3A_306] : memref<10112x32xf32, #tpu.memory_space<vmem_shared>> -> memref<10112x32xf32, #tpu.memory_space<vmem_shared>>
      %dma_start3A_308 = tpu.memref_slice %arg13[%dma_start3A_297] : memref<8x!tpu.dma_semaphore, #tpu.memory_space<semaphore_mem>> -> memref<1x!tpu.dma_semaphore, #tpu.memory_space<semaphore_mem>>
      %dma_start3A_309 = tpu.memref_squeeze %dma_start3A_308 : memref<1x!tpu.dma_semaphore, #tpu.memory_space<semaphore_mem>> -> memref<!tpu.dma_semaphore, #tpu.memory_space<semaphore_mem>>
      tpu.enqueue_indirect_dma source(%dma_start3A_301 : memref<128x32xf32, #tpu.memory_space<vmem>>) target(%dma_start3A_307 : memref<10112x32xf32, #tpu.memory_space<vmem_shared>>) offsets(%dma_start3A_304 : memref<128xi32, #tpu.memory_space<vmem>>) semaphore(%dma_start3A_309 : memref<!tpu.dma_semaphore, #tpu.memory_space<semaphore_mem>>) {add = true}
      %add3A_310 = arith.constant 1 : i32
      %add3A_311 = arith.addi %add3A_277, %add3A_310 : i32
      %dma_wait3A_312 = arith.constant 1 : i32
      %dma_wait3A_313 = arith.constant 1 : i32
      %dma_wait3A_314 = arith.constant 0 : i32
      %dma_wait3A_315 = arith.constant 0 : i32
      %dma_wait3A_316 = tpu.memref_slice %arg9[%dma_wait3A_312, %dma_wait3A_314, %dma_wait3A_315] : memref<8x128x32xf32, #tpu.memory_space<vmem>> -> memref<1x128x32xf32, #tpu.memory_space<vmem>>
      %dma_wait3A_317 = tpu.memref_squeeze %dma_wait3A_316 : memref<1x128x32xf32, #tpu.memory_space<vmem>> -> memref<128x32xf32, #tpu.memory_space<vmem>>
      %dma_wait3A_318 = arith.constant 0 : i32
      %dma_wait3A_319 = tpu.memref_slice %arg7[%add3A_311, %dma_wait3A_318] : memref<80x128xi32, #tpu.memory_space<vmem>> -> memref<1x128xi32, #tpu.memory_space<vmem>>
      %dma_wait3A_320 = tpu.memref_squeeze %dma_wait3A_319 : memref<1x128xi32, #tpu.memory_space<vmem>> -> memref<128xi32, #tpu.memory_space<vmem>>
      %dma_wait3A_321 = arith.constant 0 : i32
      %dma_wait3A_322 = arith.constant 0 : i32
      %dma_wait3A_323 = tpu.memref_slice %arg11[%dma_wait3A_321, %dma_wait3A_322] : memref<10112x32xf32, #tpu.memory_space<vmem_shared>> -> memref<10112x32xf32, #tpu.memory_space<vmem_shared>>
      %dma_wait3A_324 = tpu.memref_slice %arg12[%dma_wait3A_313] : memref<8x!tpu.dma_semaphore, #tpu.memory_space<semaphore_mem>> -> memref<1x!tpu.dma_semaphore, #tpu.memory_space<semaphore_mem>>
      %dma_wait3A_325 = tpu.memref_squeeze %dma_wait3A_324 : memref<1x!tpu.dma_semaphore, #tpu.memory_space<semaphore_mem>> -> memref<!tpu.dma_semaphore, #tpu.memory_space<semaphore_mem>>
      tpu.wait_indirect_dma semaphore(%dma_wait3A_325 : memref<!tpu.dma_semaphore, #tpu.memory_space<semaphore_mem>>) src(%dma_wait3A_323 : memref<10112x32xf32, #tpu.memory_space<vmem_shared>>) dst(%dma_wait3A_317 : memref<128x32xf32, #tpu.memory_space<vmem>>)
      %add3A_326 = arith.constant 1 : i32
      %add3A_327 = arith.addi %add3A_277, %add3A_326 : i32
      %dma_start3A_328 = arith.constant 1 : i32
      %dma_start3A_329 = arith.constant 1 : i32
      %dma_start3A_330 = arith.constant 0 : i32
      %dma_start3A_331 = arith.constant 0 : i32
      %dma_start3A_332 = tpu.memref_slice %arg9[%dma_start3A_328, %dma_start3A_330, %dma_start3A_331] : memref<8x128x32xf32, #tpu.memory_space<vmem>> -> memref<1x128x32xf32, #tpu.memory_space<vmem>>
      %dma_start3A_333 = tpu.memref_squeeze %dma_start3A_332 : memref<1x128x32xf32, #tpu.memory_space<vmem>> -> memref<128x32xf32, #tpu.memory_space<vmem>>
      %dma_start3A_334 = arith.constant 0 : i32
      %dma_start3A_335 = tpu.memref_slice %arg8[%add3A_327, %dma_start3A_334] : memref<80x128xi32, #tpu.memory_space<vmem>> -> memref<1x128xi32, #tpu.memory_space<vmem>>
      %dma_start3A_336 = tpu.memref_squeeze %dma_start3A_335 : memref<1x128xi32, #tpu.memory_space<vmem>> -> memref<128xi32, #tpu.memory_space<vmem>>
      %dma_start3A_337 = arith.constant 0 : i32
      %dma_start3A_338 = arith.constant 0 : i32
      %dma_start3A_339 = tpu.memref_slice %arg10[%dma_start3A_337, %dma_start3A_338] : memref<10112x32xf32, #tpu.memory_space<vmem_shared>> -> memref<10112x32xf32, #tpu.memory_space<vmem_shared>>
      %dma_start3A_340 = tpu.memref_slice %arg13[%dma_start3A_329] : memref<8x!tpu.dma_semaphore, #tpu.memory_space<semaphore_mem>> -> memref<1x!tpu.dma_semaphore, #tpu.memory_space<semaphore_mem>>
      %dma_start3A_341 = tpu.memref_squeeze %dma_start3A_340 : memref<1x!tpu.dma_semaphore, #tpu.memory_space<semaphore_mem>> -> memref<!tpu.dma_semaphore, #tpu.memory_space<semaphore_mem>>
      tpu.enqueue_indirect_dma source(%dma_start3A_333 : memref<128x32xf32, #tpu.memory_space<vmem>>) target(%dma_start3A_339 : memref<10112x32xf32, #tpu.memory_space<vmem_shared>>) offsets(%dma_start3A_336 : memref<128xi32, #tpu.memory_space<vmem>>) semaphore(%dma_start3A_341 : memref<!tpu.dma_semaphore, #tpu.memory_space<semaphore_mem>>) {add = true}
      %add3A_342 = arith.constant 2 : i32
      %add3A_343 = arith.addi %add3A_277, %add3A_342 : i32
      %dma_wait3A_344 = arith.constant 2 : i32
      %dma_wait3A_345 = arith.constant 2 : i32
      %dma_wait3A_346 = arith.constant 0 : i32
      %dma_wait3A_347 = arith.constant 0 : i32
      %dma_wait3A_348 = tpu.memref_slice %arg9[%dma_wait3A_344, %dma_wait3A_346, %dma_wait3A_347] : memref<8x128x32xf32, #tpu.memory_space<vmem>> -> memref<1x128x32xf32, #tpu.memory_space<vmem>>
      %dma_wait3A_349 = tpu.memref_squeeze %dma_wait3A_348 : memref<1x128x32xf32, #tpu.memory_space<vmem>> -> memref<128x32xf32, #tpu.memory_space<vmem>>
      %dma_wait3A_350 = arith.constant 0 : i32
      %dma_wait3A_351 = tpu.memref_slice %arg7[%add3A_343, %dma_wait3A_350] : memref<80x128xi32, #tpu.memory_space<vmem>> -> memref<1x128xi32, #tpu.memory_space<vmem>>
      %dma_wait3A_352 = tpu.memref_squeeze %dma_wait3A_351 : memref<1x128xi32, #tpu.memory_space<vmem>> -> memref<128xi32, #tpu.memory_space<vmem>>
      %dma_wait3A_353 = arith.constant 0 : i32
      %dma_wait3A_354 = arith.constant 0 : i32
      %dma_wait3A_355 = tpu.memref_slice %arg11[%dma_wait3A_353, %dma_wait3A_354] : memref<10112x32xf32, #tpu.memory_space<vmem_shared>> -> memref<10112x32xf32, #tpu.memory_space<vmem_shared>>
      %dma_wait3A_356 = tpu.memref_slice %arg12[%dma_wait3A_345] : memref<8x!tpu.dma_semaphore, #tpu.memory_space<semaphore_mem>> -> memref<1x!tpu.dma_semaphore, #tpu.memory_space<semaphore_mem>>
      %dma_wait3A_357 = tpu.memref_squeeze %dma_wait3A_356 : memref<1x!tpu.dma_semaphore, #tpu.memory_space<semaphore_mem>> -> memref<!tpu.dma_semaphore, #tpu.memory_space<semaphore_mem>>
      tpu.wait_indirect_dma semaphore(%dma_wait3A_357 : memref<!tpu.dma_semaphore, #tpu.memory_space<semaphore_mem>>) src(%dma_wait3A_355 : memref<10112x32xf32, #tpu.memory_space<vmem_shared>>) dst(%dma_wait3A_349 : memref<128x32xf32, #tpu.memory_space<vmem>>)
      %add3A_358 = arith.constant 2 : i32
      %add3A_359 = arith.addi %add3A_277, %add3A_358 : i32
      %dma_start3A_360 = arith.constant 2 : i32
      %dma_start3A_361 = arith.constant 2 : i32
      %dma_start3A_362 = arith.constant 0 : i32
      %dma_start3A_363 = arith.constant 0 : i32
      %dma_start3A_364 = tpu.memref_slice %arg9[%dma_start3A_360, %dma_start3A_362, %dma_start3A_363] : memref<8x128x32xf32, #tpu.memory_space<vmem>> -> memref<1x128x32xf32, #tpu.memory_space<vmem>>
      %dma_start3A_365 = tpu.memref_squeeze %dma_start3A_364 : memref<1x128x32xf32, #tpu.memory_space<vmem>> -> memref<128x32xf32, #tpu.memory_space<vmem>>
      %dma_start3A_366 = arith.constant 0 : i32
      %dma_start3A_367 = tpu.memref_slice %arg8[%add3A_359, %dma_start3A_366] : memref<80x128xi32, #tpu.memory_space<vmem>> -> memref<1x128xi32, #tpu.memory_space<vmem>>
      %dma_start3A_368 = tpu.memref_squeeze %dma_start3A_367 : memref<1x128xi32, #tpu.memory_space<vmem>> -> memref<128xi32, #tpu.memory_space<vmem>>
      %dma_start3A_369 = arith.constant 0 : i32
      %dma_start3A_370 = arith.constant 0 : i32
      %dma_start3A_371 = tpu.memref_slice %arg10[%dma_start3A_369, %dma_start3A_370] : memref<10112x32xf32, #tpu.memory_space<vmem_shared>> -> memref<10112x32xf32, #tpu.memory_space<vmem_shared>>
      %dma_start3A_372 = tpu.memref_slice %arg13[%dma_start3A_361] : memref<8x!tpu.dma_semaphore, #tpu.memory_space<semaphore_mem>> -> memref<1x!tpu.dma_semaphore, #tpu.memory_space<semaphore_mem>>
      %dma_start3A_373 = tpu.memref_squeeze %dma_start3A_372 : memref<1x!tpu.dma_semaphore, #tpu.memory_space<semaphore_mem>> -> memref<!tpu.dma_semaphore, #tpu.memory_space<semaphore_mem>>
      tpu.enqueue_indirect_dma source(%dma_start3A_365 : memref<128x32xf32, #tpu.memory_space<vmem>>) target(%dma_start3A_371 : memref<10112x32xf32, #tpu.memory_space<vmem_shared>>) offsets(%dma_start3A_368 : memref<128xi32, #tpu.memory_space<vmem>>) semaphore(%dma_start3A_373 : memref<!tpu.dma_semaphore, #tpu.memory_space<semaphore_mem>>) {add = true}
      %add3A_374 = arith.constant 3 : i32
      %add3A_375 = arith.addi %add3A_277, %add3A_374 : i32
      %dma_wait3A_376 = arith.constant 3 : i32
      %dma_wait3A_377 = arith.constant 3 : i32
      %dma_wait3A_378 = arith.constant 0 : i32
      %dma_wait3A_379 = arith.constant 0 : i32
      %dma_wait3A_380 = tpu.memref_slice %arg9[%dma_wait3A_376, %dma_wait3A_378, %dma_wait3A_379] : memref<8x128x32xf32, #tpu.memory_space<vmem>> -> memref<1x128x32xf32, #tpu.memory_space<vmem>>
      %dma_wait3A_381 = tpu.memref_squeeze %dma_wait3A_380 : memref<1x128x32xf32, #tpu.memory_space<vmem>> -> memref<128x32xf32, #tpu.memory_space<vmem>>
      %dma_wait3A_382 = arith.constant 0 : i32
      %dma_wait3A_383 = tpu.memref_slice %arg7[%add3A_375, %dma_wait3A_382] : memref<80x128xi32, #tpu.memory_space<vmem>> -> memref<1x128xi32, #tpu.memory_space<vmem>>
      %dma_wait3A_384 = tpu.memref_squeeze %dma_wait3A_383 : memref<1x128xi32, #tpu.memory_space<vmem>> -> memref<128xi32, #tpu.memory_space<vmem>>
      %dma_wait3A_385 = arith.constant 0 : i32
      %dma_wait3A_386 = arith.constant 0 : i32
      %dma_wait3A_387 = tpu.memref_slice %arg11[%dma_wait3A_385, %dma_wait3A_386] : memref<10112x32xf32, #tpu.memory_space<vmem_shared>> -> memref<10112x32xf32, #tpu.memory_space<vmem_shared>>
      %dma_wait3A_388 = tpu.memref_slice %arg12[%dma_wait3A_377] : memref<8x!tpu.dma_semaphore, #tpu.memory_space<semaphore_mem>> -> memref<1x!tpu.dma_semaphore, #tpu.memory_space<semaphore_mem>>
      %dma_wait3A_389 = tpu.memref_squeeze %dma_wait3A_388 : memref<1x!tpu.dma_semaphore, #tpu.memory_space<semaphore_mem>> -> memref<!tpu.dma_semaphore, #tpu.memory_space<semaphore_mem>>
      tpu.wait_indirect_dma semaphore(%dma_wait3A_389 : memref<!tpu.dma_semaphore, #tpu.memory_space<semaphore_mem>>) src(%dma_wait3A_387 : memref<10112x32xf32, #tpu.memory_space<vmem_shared>>) dst(%dma_wait3A_381 : memref<128x32xf32, #tpu.memory_space<vmem>>)
      %add3A_390 = arith.constant 3 : i32
      %add3A_391 = arith.addi %add3A_277, %add3A_390 : i32
      %dma_start3A_392 = arith.constant 3 : i32
      %dma_start3A_393 = arith.constant 3 : i32
      %dma_start3A_394 = arith.constant 0 : i32
      %dma_start3A_395 = arith.constant 0 : i32
      %dma_start3A_396 = tpu.memref_slice %arg9[%dma_start3A_392, %dma_start3A_394, %dma_start3A_395] : memref<8x128x32xf32, #tpu.memory_space<vmem>> -> memref<1x128x32xf32, #tpu.memory_space<vmem>>
      %dma_start3A_397 = tpu.memref_squeeze %dma_start3A_396 : memref<1x128x32xf32, #tpu.memory_space<vmem>> -> memref<128x32xf32, #tpu.memory_space<vmem>>
      %dma_start3A_398 = arith.constant 0 : i32
      %dma_start3A_399 = tpu.memref_slice %arg8[%add3A_391, %dma_start3A_398] : memref<80x128xi32, #tpu.memory_space<vmem>> -> memref<1x128xi32, #tpu.memory_space<vmem>>
      %dma_start3A_400 = tpu.memref_squeeze %dma_start3A_399 : memref<1x128xi32, #tpu.memory_space<vmem>> -> memref<128xi32, #tpu.memory_space<vmem>>
      %dma_start3A_401 = arith.constant 0 : i32
      %dma_start3A_402 = arith.constant 0 : i32
      %dma_start3A_403 = tpu.memref_slice %arg10[%dma_start3A_401, %dma_start3A_402] : memref<10112x32xf32, #tpu.memory_space<vmem_shared>> -> memref<10112x32xf32, #tpu.memory_space<vmem_shared>>
      %dma_start3A_404 = tpu.memref_slice %arg13[%dma_start3A_393] : memref<8x!tpu.dma_semaphore, #tpu.memory_space<semaphore_mem>> -> memref<1x!tpu.dma_semaphore, #tpu.memory_space<semaphore_mem>>
      %dma_start3A_405 = tpu.memref_squeeze %dma_start3A_404 : memref<1x!tpu.dma_semaphore, #tpu.memory_space<semaphore_mem>> -> memref<!tpu.dma_semaphore, #tpu.memory_space<semaphore_mem>>
      tpu.enqueue_indirect_dma source(%dma_start3A_397 : memref<128x32xf32, #tpu.memory_space<vmem>>) target(%dma_start3A_403 : memref<10112x32xf32, #tpu.memory_space<vmem_shared>>) offsets(%dma_start3A_400 : memref<128xi32, #tpu.memory_space<vmem>>) semaphore(%dma_start3A_405 : memref<!tpu.dma_semaphore, #tpu.memory_space<semaphore_mem>>) {add = true}
      %add3A_406 = arith.constant 4 : i32
      %add3A_407 = arith.addi %add3A_277, %add3A_406 : i32
      %dma_wait3A_408 = arith.constant 4 : i32
      %dma_wait3A_409 = arith.constant 4 : i32
      %dma_wait3A_410 = arith.constant 0 : i32
      %dma_wait3A_411 = arith.constant 0 : i32
      %dma_wait3A_412 = tpu.memref_slice %arg9[%dma_wait3A_408, %dma_wait3A_410, %dma_wait3A_411] : memref<8x128x32xf32, #tpu.memory_space<vmem>> -> memref<1x128x32xf32, #tpu.memory_space<vmem>>
      %dma_wait3A_413 = tpu.memref_squeeze %dma_wait3A_412 : memref<1x128x32xf32, #tpu.memory_space<vmem>> -> memref<128x32xf32, #tpu.memory_space<vmem>>
      %dma_wait3A_414 = arith.constant 0 : i32
      %dma_wait3A_415 = tpu.memref_slice %arg7[%add3A_407, %dma_wait3A_414] : memref<80x128xi32, #tpu.memory_space<vmem>> -> memref<1x128xi32, #tpu.memory_space<vmem>>
      %dma_wait3A_416 = tpu.memref_squeeze %dma_wait3A_415 : memref<1x128xi32, #tpu.memory_space<vmem>> -> memref<128xi32, #tpu.memory_space<vmem>>
      %dma_wait3A_417 = arith.constant 0 : i32
      %dma_wait3A_418 = arith.constant 0 : i32
      %dma_wait3A_419 = tpu.memref_slice %arg11[%dma_wait3A_417, %dma_wait3A_418] : memref<10112x32xf32, #tpu.memory_space<vmem_shared>> -> memref<10112x32xf32, #tpu.memory_space<vmem_shared>>
      %dma_wait3A_420 = tpu.memref_slice %arg12[%dma_wait3A_409] : memref<8x!tpu.dma_semaphore, #tpu.memory_space<semaphore_mem>> -> memref<1x!tpu.dma_semaphore, #tpu.memory_space<semaphore_mem>>
      %dma_wait3A_421 = tpu.memref_squeeze %dma_wait3A_420 : memref<1x!tpu.dma_semaphore, #tpu.memory_space<semaphore_mem>> -> memref<!tpu.dma_semaphore, #tpu.memory_space<semaphore_mem>>
      tpu.wait_indirect_dma semaphore(%dma_wait3A_421 : memref<!tpu.dma_semaphore, #tpu.memory_space<semaphore_mem>>) src(%dma_wait3A_419 : memref<10112x32xf32, #tpu.memory_space<vmem_shared>>) dst(%dma_wait3A_413 : memref<128x32xf32, #tpu.memory_space<vmem>>)
      %add3A_422 = arith.constant 4 : i32
      %add3A_423 = arith.addi %add3A_277, %add3A_422 : i32
      %dma_start3A_424 = arith.constant 4 : i32
      %dma_start3A_425 = arith.constant 4 : i32
      %dma_start3A_426 = arith.constant 0 : i32
      %dma_start3A_427 = arith.constant 0 : i32
      %dma_start3A_428 = tpu.memref_slice %arg9[%dma_start3A_424, %dma_start3A_426, %dma_start3A_427] : memref<8x128x32xf32, #tpu.memory_space<vmem>> -> memref<1x128x32xf32, #tpu.memory_space<vmem>>
      %dma_start3A_429 = tpu.memref_squeeze %dma_start3A_428 : memref<1x128x32xf32, #tpu.memory_space<vmem>> -> memref<128x32xf32, #tpu.memory_space<vmem>>
      %dma_start3A_430 = arith.constant 0 : i32
      %dma_start3A_431 = tpu.memref_slice %arg8[%add3A_423, %dma_start3A_430] : memref<80x128xi32, #tpu.memory_space<vmem>> -> memref<1x128xi32, #tpu.memory_space<vmem>>
      %dma_start3A_432 = tpu.memref_squeeze %dma_start3A_431 : memref<1x128xi32, #tpu.memory_space<vmem>> -> memref<128xi32, #tpu.memory_space<vmem>>
      %dma_start3A_433 = arith.constant 0 : i32
      %dma_start3A_434 = arith.constant 0 : i32
      %dma_start3A_435 = tpu.memref_slice %arg10[%dma_start3A_433, %dma_start3A_434] : memref<10112x32xf32, #tpu.memory_space<vmem_shared>> -> memref<10112x32xf32, #tpu.memory_space<vmem_shared>>
      %dma_start3A_436 = tpu.memref_slice %arg13[%dma_start3A_425] : memref<8x!tpu.dma_semaphore, #tpu.memory_space<semaphore_mem>> -> memref<1x!tpu.dma_semaphore, #tpu.memory_space<semaphore_mem>>
      %dma_start3A_437 = tpu.memref_squeeze %dma_start3A_436 : memref<1x!tpu.dma_semaphore, #tpu.memory_space<semaphore_mem>> -> memref<!tpu.dma_semaphore, #tpu.memory_space<semaphore_mem>>
      tpu.enqueue_indirect_dma source(%dma_start3A_429 : memref<128x32xf32, #tpu.memory_space<vmem>>) target(%dma_start3A_435 : memref<10112x32xf32, #tpu.memory_space<vmem_shared>>) offsets(%dma_start3A_432 : memref<128xi32, #tpu.memory_space<vmem>>) semaphore(%dma_start3A_437 : memref<!tpu.dma_semaphore, #tpu.memory_space<semaphore_mem>>) {add = true}
      %add3A_438 = arith.constant 5 : i32
      %add3A_439 = arith.addi %add3A_277, %add3A_438 : i32
      %dma_wait3A_440 = arith.constant 5 : i32
      %dma_wait3A_441 = arith.constant 5 : i32
      %dma_wait3A_442 = arith.constant 0 : i32
      %dma_wait3A_443 = arith.constant 0 : i32
      %dma_wait3A_444 = tpu.memref_slice %arg9[%dma_wait3A_440, %dma_wait3A_442, %dma_wait3A_443] : memref<8x128x32xf32, #tpu.memory_space<vmem>> -> memref<1x128x32xf32, #tpu.memory_space<vmem>>
      %dma_wait3A_445 = tpu.memref_squeeze %dma_wait3A_444 : memref<1x128x32xf32, #tpu.memory_space<vmem>> -> memref<128x32xf32, #tpu.memory_space<vmem>>
      %dma_wait3A_446 = arith.constant 0 : i32
      %dma_wait3A_447 = tpu.memref_slice %arg7[%add3A_439, %dma_wait3A_446] : memref<80x128xi32, #tpu.memory_space<vmem>> -> memref<1x128xi32, #tpu.memory_space<vmem>>
      %dma_wait3A_448 = tpu.memref_squeeze %dma_wait3A_447 : memref<1x128xi32, #tpu.memory_space<vmem>> -> memref<128xi32, #tpu.memory_space<vmem>>
      %dma_wait3A_449 = arith.constant 0 : i32
      %dma_wait3A_450 = arith.constant 0 : i32
      %dma_wait3A_451 = tpu.memref_slice %arg11[%dma_wait3A_449, %dma_wait3A_450] : memref<10112x32xf32, #tpu.memory_space<vmem_shared>> -> memref<10112x32xf32, #tpu.memory_space<vmem_shared>>
      %dma_wait3A_452 = tpu.memref_slice %arg12[%dma_wait3A_441] : memref<8x!tpu.dma_semaphore, #tpu.memory_space<semaphore_mem>> -> memref<1x!tpu.dma_semaphore, #tpu.memory_space<semaphore_mem>>
      %dma_wait3A_453 = tpu.memref_squeeze %dma_wait3A_452 : memref<1x!tpu.dma_semaphore, #tpu.memory_space<semaphore_mem>> -> memref<!tpu.dma_semaphore, #tpu.memory_space<semaphore_mem>>
      tpu.wait_indirect_dma semaphore(%dma_wait3A_453 : memref<!tpu.dma_semaphore, #tpu.memory_space<semaphore_mem>>) src(%dma_wait3A_451 : memref<10112x32xf32, #tpu.memory_space<vmem_shared>>) dst(%dma_wait3A_445 : memref<128x32xf32, #tpu.memory_space<vmem>>)
      %add3A_454 = arith.constant 5 : i32
      %add3A_455 = arith.addi %add3A_277, %add3A_454 : i32
      %dma_start3A_456 = arith.constant 5 : i32
      %dma_start3A_457 = arith.constant 5 : i32
      %dma_start3A_458 = arith.constant 0 : i32
      %dma_start3A_459 = arith.constant 0 : i32
      %dma_start3A_460 = tpu.memref_slice %arg9[%dma_start3A_456, %dma_start3A_458, %dma_start3A_459] : memref<8x128x32xf32, #tpu.memory_space<vmem>> -> memref<1x128x32xf32, #tpu.memory_space<vmem>>
      %dma_start3A_461 = tpu.memref_squeeze %dma_start3A_460 : memref<1x128x32xf32, #tpu.memory_space<vmem>> -> memref<128x32xf32, #tpu.memory_space<vmem>>
      %dma_start3A_462 = arith.constant 0 : i32
      %dma_start3A_463 = tpu.memref_slice %arg8[%add3A_455, %dma_start3A_462] : memref<80x128xi32, #tpu.memory_space<vmem>> -> memref<1x128xi32, #tpu.memory_space<vmem>>
      %dma_start3A_464 = tpu.memref_squeeze %dma_start3A_463 : memref<1x128xi32, #tpu.memory_space<vmem>> -> memref<128xi32, #tpu.memory_space<vmem>>
      %dma_start3A_465 = arith.constant 0 : i32
      %dma_start3A_466 = arith.constant 0 : i32
      %dma_start3A_467 = tpu.memref_slice %arg10[%dma_start3A_465, %dma_start3A_466] : memref<10112x32xf32, #tpu.memory_space<vmem_shared>> -> memref<10112x32xf32, #tpu.memory_space<vmem_shared>>
      %dma_start3A_468 = tpu.memref_slice %arg13[%dma_start3A_457] : memref<8x!tpu.dma_semaphore, #tpu.memory_space<semaphore_mem>> -> memref<1x!tpu.dma_semaphore, #tpu.memory_space<semaphore_mem>>
      %dma_start3A_469 = tpu.memref_squeeze %dma_start3A_468 : memref<1x!tpu.dma_semaphore, #tpu.memory_space<semaphore_mem>> -> memref<!tpu.dma_semaphore, #tpu.memory_space<semaphore_mem>>
      tpu.enqueue_indirect_dma source(%dma_start3A_461 : memref<128x32xf32, #tpu.memory_space<vmem>>) target(%dma_start3A_467 : memref<10112x32xf32, #tpu.memory_space<vmem_shared>>) offsets(%dma_start3A_464 : memref<128xi32, #tpu.memory_space<vmem>>) semaphore(%dma_start3A_469 : memref<!tpu.dma_semaphore, #tpu.memory_space<semaphore_mem>>) {add = true}
      %add3A_470 = arith.constant 6 : i32
      %add3A_471 = arith.addi %add3A_277, %add3A_470 : i32
      %dma_wait3A_472 = arith.constant 6 : i32
      %dma_wait3A_473 = arith.constant 6 : i32
      %dma_wait3A_474 = arith.constant 0 : i32
      %dma_wait3A_475 = arith.constant 0 : i32
      %dma_wait3A_476 = tpu.memref_slice %arg9[%dma_wait3A_472, %dma_wait3A_474, %dma_wait3A_475] : memref<8x128x32xf32, #tpu.memory_space<vmem>> -> memref<1x128x32xf32, #tpu.memory_space<vmem>>
      %dma_wait3A_477 = tpu.memref_squeeze %dma_wait3A_476 : memref<1x128x32xf32, #tpu.memory_space<vmem>> -> memref<128x32xf32, #tpu.memory_space<vmem>>
      %dma_wait3A_478 = arith.constant 0 : i32
      %dma_wait3A_479 = tpu.memref_slice %arg7[%add3A_471, %dma_wait3A_478] : memref<80x128xi32, #tpu.memory_space<vmem>> -> memref<1x128xi32, #tpu.memory_space<vmem>>
      %dma_wait3A_480 = tpu.memref_squeeze %dma_wait3A_479 : memref<1x128xi32, #tpu.memory_space<vmem>> -> memref<128xi32, #tpu.memory_space<vmem>>
      %dma_wait3A_481 = arith.constant 0 : i32
      %dma_wait3A_482 = arith.constant 0 : i32
      %dma_wait3A_483 = tpu.memref_slice %arg11[%dma_wait3A_481, %dma_wait3A_482] : memref<10112x32xf32, #tpu.memory_space<vmem_shared>> -> memref<10112x32xf32, #tpu.memory_space<vmem_shared>>
      %dma_wait3A_484 = tpu.memref_slice %arg12[%dma_wait3A_473] : memref<8x!tpu.dma_semaphore, #tpu.memory_space<semaphore_mem>> -> memref<1x!tpu.dma_semaphore, #tpu.memory_space<semaphore_mem>>
      %dma_wait3A_485 = tpu.memref_squeeze %dma_wait3A_484 : memref<1x!tpu.dma_semaphore, #tpu.memory_space<semaphore_mem>> -> memref<!tpu.dma_semaphore, #tpu.memory_space<semaphore_mem>>
      tpu.wait_indirect_dma semaphore(%dma_wait3A_485 : memref<!tpu.dma_semaphore, #tpu.memory_space<semaphore_mem>>) src(%dma_wait3A_483 : memref<10112x32xf32, #tpu.memory_space<vmem_shared>>) dst(%dma_wait3A_477 : memref<128x32xf32, #tpu.memory_space<vmem>>)
      %add3A_486 = arith.constant 6 : i32
      %add3A_487 = arith.addi %add3A_277, %add3A_486 : i32
      %dma_start3A_488 = arith.constant 6 : i32
      %dma_start3A_489 = arith.constant 6 : i32
      %dma_start3A_490 = arith.constant 0 : i32
      %dma_start3A_491 = arith.constant 0 : i32
      %dma_start3A_492 = tpu.memref_slice %arg9[%dma_start3A_488, %dma_start3A_490, %dma_start3A_491] : memref<8x128x32xf32, #tpu.memory_space<vmem>> -> memref<1x128x32xf32, #tpu.memory_space<vmem>>
      %dma_start3A_493 = tpu.memref_squeeze %dma_start3A_492 : memref<1x128x32xf32, #tpu.memory_space<vmem>> -> memref<128x32xf32, #tpu.memory_space<vmem>>
      %dma_start3A_494 = arith.constant 0 : i32
      %dma_start3A_495 = tpu.memref_slice %arg8[%add3A_487, %dma_start3A_494] : memref<80x128xi32, #tpu.memory_space<vmem>> -> memref<1x128xi32, #tpu.memory_space<vmem>>
      %dma_start3A_496 = tpu.memref_squeeze %dma_start3A_495 : memref<1x128xi32, #tpu.memory_space<vmem>> -> memref<128xi32, #tpu.memory_space<vmem>>
      %dma_start3A_497 = arith.constant 0 : i32
      %dma_start3A_498 = arith.constant 0 : i32
      %dma_start3A_499 = tpu.memref_slice %arg10[%dma_start3A_497, %dma_start3A_498] : memref<10112x32xf32, #tpu.memory_space<vmem_shared>> -> memref<10112x32xf32, #tpu.memory_space<vmem_shared>>
      %dma_start3A_500 = tpu.memref_slice %arg13[%dma_start3A_489] : memref<8x!tpu.dma_semaphore, #tpu.memory_space<semaphore_mem>> -> memref<1x!tpu.dma_semaphore, #tpu.memory_space<semaphore_mem>>
      %dma_start3A_501 = tpu.memref_squeeze %dma_start3A_500 : memref<1x!tpu.dma_semaphore, #tpu.memory_space<semaphore_mem>> -> memref<!tpu.dma_semaphore, #tpu.memory_space<semaphore_mem>>
      tpu.enqueue_indirect_dma source(%dma_start3A_493 : memref<128x32xf32, #tpu.memory_space<vmem>>) target(%dma_start3A_499 : memref<10112x32xf32, #tpu.memory_space<vmem_shared>>) offsets(%dma_start3A_496 : memref<128xi32, #tpu.memory_space<vmem>>) semaphore(%dma_start3A_501 : memref<!tpu.dma_semaphore, #tpu.memory_space<semaphore_mem>>) {add = true}
      %add3A_502 = arith.constant 7 : i32
      %add3A_503 = arith.addi %add3A_277, %add3A_502 : i32
      %dma_wait3A_504 = arith.constant 7 : i32
      %dma_wait3A_505 = arith.constant 7 : i32
      %dma_wait3A_506 = arith.constant 0 : i32
      %dma_wait3A_507 = arith.constant 0 : i32
      %dma_wait3A_508 = tpu.memref_slice %arg9[%dma_wait3A_504, %dma_wait3A_506, %dma_wait3A_507] : memref<8x128x32xf32, #tpu.memory_space<vmem>> -> memref<1x128x32xf32, #tpu.memory_space<vmem>>
      %dma_wait3A_509 = tpu.memref_squeeze %dma_wait3A_508 : memref<1x128x32xf32, #tpu.memory_space<vmem>> -> memref<128x32xf32, #tpu.memory_space<vmem>>
      %dma_wait3A_510 = arith.constant 0 : i32
      %dma_wait3A_511 = tpu.memref_slice %arg7[%add3A_503, %dma_wait3A_510] : memref<80x128xi32, #tpu.memory_space<vmem>> -> memref<1x128xi32, #tpu.memory_space<vmem>>
      %dma_wait3A_512 = tpu.memref_squeeze %dma_wait3A_511 : memref<1x128xi32, #tpu.memory_space<vmem>> -> memref<128xi32, #tpu.memory_space<vmem>>
      %dma_wait3A_513 = arith.constant 0 : i32
      %dma_wait3A_514 = arith.constant 0 : i32
      %dma_wait3A_515 = tpu.memref_slice %arg11[%dma_wait3A_513, %dma_wait3A_514] : memref<10112x32xf32, #tpu.memory_space<vmem_shared>> -> memref<10112x32xf32, #tpu.memory_space<vmem_shared>>
      %dma_wait3A_516 = tpu.memref_slice %arg12[%dma_wait3A_505] : memref<8x!tpu.dma_semaphore, #tpu.memory_space<semaphore_mem>> -> memref<1x!tpu.dma_semaphore, #tpu.memory_space<semaphore_mem>>
      %dma_wait3A_517 = tpu.memref_squeeze %dma_wait3A_516 : memref<1x!tpu.dma_semaphore, #tpu.memory_space<semaphore_mem>> -> memref<!tpu.dma_semaphore, #tpu.memory_space<semaphore_mem>>
      tpu.wait_indirect_dma semaphore(%dma_wait3A_517 : memref<!tpu.dma_semaphore, #tpu.memory_space<semaphore_mem>>) src(%dma_wait3A_515 : memref<10112x32xf32, #tpu.memory_space<vmem_shared>>) dst(%dma_wait3A_509 : memref<128x32xf32, #tpu.memory_space<vmem>>)
      %add3A_518 = arith.constant 7 : i32
      %add3A_519 = arith.addi %add3A_277, %add3A_518 : i32
      %dma_start3A_520 = arith.constant 7 : i32
      %dma_start3A_521 = arith.constant 7 : i32
      %dma_start3A_522 = arith.constant 0 : i32
      %dma_start3A_523 = arith.constant 0 : i32
      %dma_start3A_524 = tpu.memref_slice %arg9[%dma_start3A_520, %dma_start3A_522, %dma_start3A_523] : memref<8x128x32xf32, #tpu.memory_space<vmem>> -> memref<1x128x32xf32, #tpu.memory_space<vmem>>
      %dma_start3A_525 = tpu.memref_squeeze %dma_start3A_524 : memref<1x128x32xf32, #tpu.memory_space<vmem>> -> memref<128x32xf32, #tpu.memory_space<vmem>>
      %dma_start3A_526 = arith.constant 0 : i32
      %dma_start3A_527 = tpu.memref_slice %arg8[%add3A_519, %dma_start3A_526] : memref<80x128xi32, #tpu.memory_space<vmem>> -> memref<1x128xi32, #tpu.memory_space<vmem>>
      %dma_start3A_528 = tpu.memref_squeeze %dma_start3A_527 : memref<1x128xi32, #tpu.memory_space<vmem>> -> memref<128xi32, #tpu.memory_space<vmem>>
      %dma_start3A_529 = arith.constant 0 : i32
      %dma_start3A_530 = arith.constant 0 : i32
      %dma_start3A_531 = tpu.memref_slice %arg10[%dma_start3A_529, %dma_start3A_530] : memref<10112x32xf32, #tpu.memory_space<vmem_shared>> -> memref<10112x32xf32, #tpu.memory_space<vmem_shared>>
      %dma_start3A_532 = tpu.memref_slice %arg13[%dma_start3A_521] : memref<8x!tpu.dma_semaphore, #tpu.memory_space<semaphore_mem>> -> memref<1x!tpu.dma_semaphore, #tpu.memory_space<semaphore_mem>>
      %dma_start3A_533 = tpu.memref_squeeze %dma_start3A_532 : memref<1x!tpu.dma_semaphore, #tpu.memory_space<semaphore_mem>> -> memref<!tpu.dma_semaphore, #tpu.memory_space<semaphore_mem>>
      tpu.enqueue_indirect_dma source(%dma_start3A_525 : memref<128x32xf32, #tpu.memory_space<vmem>>) target(%dma_start3A_531 : memref<10112x32xf32, #tpu.memory_space<vmem_shared>>) offsets(%dma_start3A_528 : memref<128xi32, #tpu.memory_space<vmem>>) semaphore(%dma_start3A_533 : memref<!tpu.dma_semaphore, #tpu.memory_space<semaphore_mem>>) {add = true}
      %add3A_534 = arith.constant 0 : i32
      %add3A_535 = arith.addi %add3A_277, %add3A_534 : i32
      %dma_wait3A_536 = arith.constant 0 : i32
      %dma_wait3A_537 = arith.constant 0 : i32
      %dma_wait3A_538 = arith.constant 0 : i32
      %dma_wait3A_539 = arith.constant 0 : i32
      %dma_wait3A_540 = tpu.memref_slice %arg9[%dma_wait3A_536, %dma_wait3A_538, %dma_wait3A_539] : memref<8x128x32xf32, #tpu.memory_space<vmem>> -> memref<1x128x32xf32, #tpu.memory_space<vmem>>
      %dma_wait3A_541 = tpu.memref_squeeze %dma_wait3A_540 : memref<1x128x32xf32, #tpu.memory_space<vmem>> -> memref<128x32xf32, #tpu.memory_space<vmem>>
      %dma_wait3A_542 = arith.constant 0 : i32
      %dma_wait3A_543 = tpu.memref_slice %arg8[%add3A_535, %dma_wait3A_542] : memref<80x128xi32, #tpu.memory_space<vmem>> -> memref<1x128xi32, #tpu.memory_space<vmem>>
      %dma_wait3A_544 = tpu.memref_squeeze %dma_wait3A_543 : memref<1x128xi32, #tpu.memory_space<vmem>> -> memref<128xi32, #tpu.memory_space<vmem>>
      %dma_wait3A_545 = arith.constant 0 : i32
      %dma_wait3A_546 = arith.constant 0 : i32
      %dma_wait3A_547 = tpu.memref_slice %arg10[%dma_wait3A_545, %dma_wait3A_546] : memref<10112x32xf32, #tpu.memory_space<vmem_shared>> -> memref<10112x32xf32, #tpu.memory_space<vmem_shared>>
      %dma_wait3A_548 = tpu.memref_slice %arg13[%dma_wait3A_537] : memref<8x!tpu.dma_semaphore, #tpu.memory_space<semaphore_mem>> -> memref<1x!tpu.dma_semaphore, #tpu.memory_space<semaphore_mem>>
      %dma_wait3A_549 = tpu.memref_squeeze %dma_wait3A_548 : memref<1x!tpu.dma_semaphore, #tpu.memory_space<semaphore_mem>> -> memref<!tpu.dma_semaphore, #tpu.memory_space<semaphore_mem>>
      tpu.wait_indirect_dma semaphore(%dma_wait3A_549 : memref<!tpu.dma_semaphore, #tpu.memory_space<semaphore_mem>>) src(%dma_wait3A_541 : memref<128x32xf32, #tpu.memory_space<vmem>>) dst(%dma_wait3A_547 : memref<10112x32xf32, #tpu.memory_space<vmem_shared>>)
      %add3A_550 = arith.constant 8 : i32
      %add3A_551 = arith.addi %add3A_277, %add3A_550 : i32
      %add3A_552 = arith.constant 0 : i32
      %add3A_553 = arith.addi %add3A_551, %add3A_552 : i32
      %rem3A = arith.remsi %add3A_553, %select_n3A : i32
      %dma_start3A_554 = arith.constant 0 : i32
      %dma_start3A_555 = arith.constant 0 : i32
      %dma_start3A_556 = arith.constant 0 : i32
      %dma_start3A_557 = arith.constant 0 : i32
      %dma_start3A_558 = tpu.memref_slice %arg9[%dma_start3A_554, %dma_start3A_556, %dma_start3A_557] : memref<8x128x32xf32, #tpu.memory_space<vmem>> -> memref<1x128x32xf32, #tpu.memory_space<vmem>>
      %dma_start3A_559 = tpu.memref_squeeze %dma_start3A_558 : memref<1x128x32xf32, #tpu.memory_space<vmem>> -> memref<128x32xf32, #tpu.memory_space<vmem>>
      %dma_start3A_560 = arith.constant 0 : i32
      %dma_start3A_561 = tpu.memref_slice %arg7[%rem3A, %dma_start3A_560] : memref<80x128xi32, #tpu.memory_space<vmem>> -> memref<1x128xi32, #tpu.memory_space<vmem>>
      %dma_start3A_562 = tpu.memref_squeeze %dma_start3A_561 : memref<1x128xi32, #tpu.memory_space<vmem>> -> memref<128xi32, #tpu.memory_space<vmem>>
      %dma_start3A_563 = arith.constant 0 : i32
      %dma_start3A_564 = arith.constant 0 : i32
      %dma_start3A_565 = tpu.memref_slice %arg11[%dma_start3A_563, %dma_start3A_564] : memref<10112x32xf32, #tpu.memory_space<vmem_shared>> -> memref<10112x32xf32, #tpu.memory_space<vmem_shared>>
      %dma_start3A_566 = tpu.memref_slice %arg12[%dma_start3A_555] : memref<8x!tpu.dma_semaphore, #tpu.memory_space<semaphore_mem>> -> memref<1x!tpu.dma_semaphore, #tpu.memory_space<semaphore_mem>>
      %dma_start3A_567 = tpu.memref_squeeze %dma_start3A_566 : memref<1x!tpu.dma_semaphore, #tpu.memory_space<semaphore_mem>> -> memref<!tpu.dma_semaphore, #tpu.memory_space<semaphore_mem>>
      tpu.enqueue_indirect_dma source(%dma_start3A_565 : memref<10112x32xf32, #tpu.memory_space<vmem_shared>>) target(%dma_start3A_559 : memref<128x32xf32, #tpu.memory_space<vmem>>) offsets(%dma_start3A_562 : memref<128xi32, #tpu.memory_space<vmem>>) semaphore(%dma_start3A_567 : memref<!tpu.dma_semaphore, #tpu.memory_space<semaphore_mem>>)
      %add3A_568 = arith.constant 1 : i32
      %add3A_569 = arith.addi %add3A_277, %add3A_568 : i32
      %dma_wait3A_570 = arith.constant 1 : i32
      %dma_wait3A_571 = arith.constant 1 : i32
      %dma_wait3A_572 = arith.constant 0 : i32
      %dma_wait3A_573 = arith.constant 0 : i32
      %dma_wait3A_574 = tpu.memref_slice %arg9[%dma_wait3A_570, %dma_wait3A_572, %dma_wait3A_573] : memref<8x128x32xf32, #tpu.memory_space<vmem>> -> memref<1x128x32xf32, #tpu.memory_space<vmem>>
      %dma_wait3A_575 = tpu.memref_squeeze %dma_wait3A_574 : memref<1x128x32xf32, #tpu.memory_space<vmem>> -> memref<128x32xf32, #tpu.memory_space<vmem>>
      %dma_wait3A_576 = arith.constant 0 : i32
      %dma_wait3A_577 = tpu.memref_slice %arg8[%add3A_569, %dma_wait3A_576] : memref<80x128xi32, #tpu.memory_space<vmem>> -> memref<1x128xi32, #tpu.memory_space<vmem>>
      %dma_wait3A_578 = tpu.memref_squeeze %dma_wait3A_577 : memref<1x128xi32, #tpu.memory_space<vmem>> -> memref<128xi32, #tpu.memory_space<vmem>>
      %dma_wait3A_579 = arith.constant 0 : i32
      %dma_wait3A_580 = arith.constant 0 : i32
      %dma_wait3A_581 = tpu.memref_slice %arg10[%dma_wait3A_579, %dma_wait3A_580] : memref<10112x32xf32, #tpu.memory_space<vmem_shared>> -> memref<10112x32xf32, #tpu.memory_space<vmem_shared>>
      %dma_wait3A_582 = tpu.memref_slice %arg13[%dma_wait3A_571] : memref<8x!tpu.dma_semaphore, #tpu.memory_space<semaphore_mem>> -> memref<1x!tpu.dma_semaphore, #tpu.memory_space<semaphore_mem>>
      %dma_wait3A_583 = tpu.memref_squeeze %dma_wait3A_582 : memref<1x!tpu.dma_semaphore, #tpu.memory_space<semaphore_mem>> -> memref<!tpu.dma_semaphore, #tpu.memory_space<semaphore_mem>>
      tpu.wait_indirect_dma semaphore(%dma_wait3A_583 : memref<!tpu.dma_semaphore, #tpu.memory_space<semaphore_mem>>) src(%dma_wait3A_575 : memref<128x32xf32, #tpu.memory_space<vmem>>) dst(%dma_wait3A_581 : memref<10112x32xf32, #tpu.memory_space<vmem_shared>>)
      %add3A_584 = arith.constant 8 : i32
      %add3A_585 = arith.addi %add3A_277, %add3A_584 : i32
      %add3A_586 = arith.constant 1 : i32
      %add3A_587 = arith.addi %add3A_585, %add3A_586 : i32
      %rem3A_588 = arith.remsi %add3A_587, %select_n3A : i32
      %dma_start3A_589 = arith.constant 1 : i32
      %dma_start3A_590 = arith.constant 1 : i32
      %dma_start3A_591 = arith.constant 0 : i32
      %dma_start3A_592 = arith.constant 0 : i32
      %dma_start3A_593 = tpu.memref_slice %arg9[%dma_start3A_589, %dma_start3A_591, %dma_start3A_592] : memref<8x128x32xf32, #tpu.memory_space<vmem>> -> memref<1x128x32xf32, #tpu.memory_space<vmem>>
      %dma_start3A_594 = tpu.memref_squeeze %dma_start3A_593 : memref<1x128x32xf32, #tpu.memory_space<vmem>> -> memref<128x32xf32, #tpu.memory_space<vmem>>
      %dma_start3A_595 = arith.constant 0 : i32
      %dma_start3A_596 = tpu.memref_slice %arg7[%rem3A_588, %dma_start3A_595] : memref<80x128xi32, #tpu.memory_space<vmem>> -> memref<1x128xi32, #tpu.memory_space<vmem>>
      %dma_start3A_597 = tpu.memref_squeeze %dma_start3A_596 : memref<1x128xi32, #tpu.memory_space<vmem>> -> memref<128xi32, #tpu.memory_space<vmem>>
      %dma_start3A_598 = arith.constant 0 : i32
      %dma_start3A_599 = arith.constant 0 : i32
      %dma_start3A_600 = tpu.memref_slice %arg11[%dma_start3A_598, %dma_start3A_599] : memref<10112x32xf32, #tpu.memory_space<vmem_shared>> -> memref<10112x32xf32, #tpu.memory_space<vmem_shared>>
      %dma_start3A_601 = tpu.memref_slice %arg12[%dma_start3A_590] : memref<8x!tpu.dma_semaphore, #tpu.memory_space<semaphore_mem>> -> memref<1x!tpu.dma_semaphore, #tpu.memory_space<semaphore_mem>>
      %dma_start3A_602 = tpu.memref_squeeze %dma_start3A_601 : memref<1x!tpu.dma_semaphore, #tpu.memory_space<semaphore_mem>> -> memref<!tpu.dma_semaphore, #tpu.memory_space<semaphore_mem>>
      tpu.enqueue_indirect_dma source(%dma_start3A_600 : memref<10112x32xf32, #tpu.memory_space<vmem_shared>>) target(%dma_start3A_594 : memref<128x32xf32, #tpu.memory_space<vmem>>) offsets(%dma_start3A_597 : memref<128xi32, #tpu.memory_space<vmem>>) semaphore(%dma_start3A_602 : memref<!tpu.dma_semaphore, #tpu.memory_space<semaphore_mem>>)
      %add3A_603 = arith.constant 2 : i32
      %add3A_604 = arith.addi %add3A_277, %add3A_603 : i32
      %dma_wait3A_605 = arith.constant 2 : i32
      %dma_wait3A_606 = arith.constant 2 : i32
      %dma_wait3A_607 = arith.constant 0 : i32
      %dma_wait3A_608 = arith.constant 0 : i32
      %dma_wait3A_609 = tpu.memref_slice %arg9[%dma_wait3A_605, %dma_wait3A_607, %dma_wait3A_608] : memref<8x128x32xf32, #tpu.memory_space<vmem>> -> memref<1x128x32xf32, #tpu.memory_space<vmem>>
      %dma_wait3A_610 = tpu.memref_squeeze %dma_wait3A_609 : memref<1x128x32xf32, #tpu.memory_space<vmem>> -> memref<128x32xf32, #tpu.memory_space<vmem>>
      %dma_wait3A_611 = arith.constant 0 : i32
      %dma_wait3A_612 = tpu.memref_slice %arg8[%add3A_604, %dma_wait3A_611] : memref<80x128xi32, #tpu.memory_space<vmem>> -> memref<1x128xi32, #tpu.memory_space<vmem>>
      %dma_wait3A_613 = tpu.memref_squeeze %dma_wait3A_612 : memref<1x128xi32, #tpu.memory_space<vmem>> -> memref<128xi32, #tpu.memory_space<vmem>>
      %dma_wait3A_614 = arith.constant 0 : i32
      %dma_wait3A_615 = arith.constant 0 : i32
      %dma_wait3A_616 = tpu.memref_slice %arg10[%dma_wait3A_614, %dma_wait3A_615] : memref<10112x32xf32, #tpu.memory_space<vmem_shared>> -> memref<10112x32xf32, #tpu.memory_space<vmem_shared>>
      %dma_wait3A_617 = tpu.memref_slice %arg13[%dma_wait3A_606] : memref<8x!tpu.dma_semaphore, #tpu.memory_space<semaphore_mem>> -> memref<1x!tpu.dma_semaphore, #tpu.memory_space<semaphore_mem>>
      %dma_wait3A_618 = tpu.memref_squeeze %dma_wait3A_617 : memref<1x!tpu.dma_semaphore, #tpu.memory_space<semaphore_mem>> -> memref<!tpu.dma_semaphore, #tpu.memory_space<semaphore_mem>>
      tpu.wait_indirect_dma semaphore(%dma_wait3A_618 : memref<!tpu.dma_semaphore, #tpu.memory_space<semaphore_mem>>) src(%dma_wait3A_610 : memref<128x32xf32, #tpu.memory_space<vmem>>) dst(%dma_wait3A_616 : memref<10112x32xf32, #tpu.memory_space<vmem_shared>>)
      %add3A_619 = arith.constant 8 : i32
      %add3A_620 = arith.addi %add3A_277, %add3A_619 : i32
      %add3A_621 = arith.constant 2 : i32
      %add3A_622 = arith.addi %add3A_620, %add3A_621 : i32
      %rem3A_623 = arith.remsi %add3A_622, %select_n3A : i32
      %dma_start3A_624 = arith.constant 2 : i32
      %dma_start3A_625 = arith.constant 2 : i32
      %dma_start3A_626 = arith.constant 0 : i32
      %dma_start3A_627 = arith.constant 0 : i32
      %dma_start3A_628 = tpu.memref_slice %arg9[%dma_start3A_624, %dma_start3A_626, %dma_start3A_627] : memref<8x128x32xf32, #tpu.memory_space<vmem>> -> memref<1x128x32xf32, #tpu.memory_space<vmem>>
      %dma_start3A_629 = tpu.memref_squeeze %dma_start3A_628 : memref<1x128x32xf32, #tpu.memory_space<vmem>> -> memref<128x32xf32, #tpu.memory_space<vmem>>
      %dma_start3A_630 = arith.constant 0 : i32
      %dma_start3A_631 = tpu.memref_slice %arg7[%rem3A_623, %dma_start3A_630] : memref<80x128xi32, #tpu.memory_space<vmem>> -> memref<1x128xi32, #tpu.memory_space<vmem>>
      %dma_start3A_632 = tpu.memref_squeeze %dma_start3A_631 : memref<1x128xi32, #tpu.memory_space<vmem>> -> memref<128xi32, #tpu.memory_space<vmem>>
      %dma_start3A_633 = arith.constant 0 : i32
      %dma_start3A_634 = arith.constant 0 : i32
      %dma_start3A_635 = tpu.memref_slice %arg11[%dma_start3A_633, %dma_start3A_634] : memref<10112x32xf32, #tpu.memory_space<vmem_shared>> -> memref<10112x32xf32, #tpu.memory_space<vmem_shared>>
      %dma_start3A_636 = tpu.memref_slice %arg12[%dma_start3A_625] : memref<8x!tpu.dma_semaphore, #tpu.memory_space<semaphore_mem>> -> memref<1x!tpu.dma_semaphore, #tpu.memory_space<semaphore_mem>>
      %dma_start3A_637 = tpu.memref_squeeze %dma_start3A_636 : memref<1x!tpu.dma_semaphore, #tpu.memory_space<semaphore_mem>> -> memref<!tpu.dma_semaphore, #tpu.memory_space<semaphore_mem>>
      tpu.enqueue_indirect_dma source(%dma_start3A_635 : memref<10112x32xf32, #tpu.memory_space<vmem_shared>>) target(%dma_start3A_629 : memref<128x32xf32, #tpu.memory_space<vmem>>) offsets(%dma_start3A_632 : memref<128xi32, #tpu.memory_space<vmem>>) semaphore(%dma_start3A_637 : memref<!tpu.dma_semaphore, #tpu.memory_space<semaphore_mem>>)
      %add3A_638 = arith.constant 3 : i32
      %add3A_639 = arith.addi %add3A_277, %add3A_638 : i32
      %dma_wait3A_640 = arith.constant 3 : i32
      %dma_wait3A_641 = arith.constant 3 : i32
      %dma_wait3A_642 = arith.constant 0 : i32
      %dma_wait3A_643 = arith.constant 0 : i32
      %dma_wait3A_644 = tpu.memref_slice %arg9[%dma_wait3A_640, %dma_wait3A_642, %dma_wait3A_643] : memref<8x128x32xf32, #tpu.memory_space<vmem>> -> memref<1x128x32xf32, #tpu.memory_space<vmem>>
      %dma_wait3A_645 = tpu.memref_squeeze %dma_wait3A_644 : memref<1x128x32xf32, #tpu.memory_space<vmem>> -> memref<128x32xf32, #tpu.memory_space<vmem>>
      %dma_wait3A_646 = arith.constant 0 : i32
      %dma_wait3A_647 = tpu.memref_slice %arg8[%add3A_639, %dma_wait3A_646] : memref<80x128xi32, #tpu.memory_space<vmem>> -> memref<1x128xi32, #tpu.memory_space<vmem>>
      %dma_wait3A_648 = tpu.memref_squeeze %dma_wait3A_647 : memref<1x128xi32, #tpu.memory_space<vmem>> -> memref<128xi32, #tpu.memory_space<vmem>>
      %dma_wait3A_649 = arith.constant 0 : i32
      %dma_wait3A_650 = arith.constant 0 : i32
      %dma_wait3A_651 = tpu.memref_slice %arg10[%dma_wait3A_649, %dma_wait3A_650] : memref<10112x32xf32, #tpu.memory_space<vmem_shared>> -> memref<10112x32xf32, #tpu.memory_space<vmem_shared>>
      %dma_wait3A_652 = tpu.memref_slice %arg13[%dma_wait3A_641] : memref<8x!tpu.dma_semaphore, #tpu.memory_space<semaphore_mem>> -> memref<1x!tpu.dma_semaphore, #tpu.memory_space<semaphore_mem>>
      %dma_wait3A_653 = tpu.memref_squeeze %dma_wait3A_652 : memref<1x!tpu.dma_semaphore, #tpu.memory_space<semaphore_mem>> -> memref<!tpu.dma_semaphore, #tpu.memory_space<semaphore_mem>>
      tpu.wait_indirect_dma semaphore(%dma_wait3A_653 : memref<!tpu.dma_semaphore, #tpu.memory_space<semaphore_mem>>) src(%dma_wait3A_645 : memref<128x32xf32, #tpu.memory_space<vmem>>) dst(%dma_wait3A_651 : memref<10112x32xf32, #tpu.memory_space<vmem_shared>>)
      %add3A_654 = arith.constant 8 : i32
      %add3A_655 = arith.addi %add3A_277, %add3A_654 : i32
      %add3A_656 = arith.constant 3 : i32
      %add3A_657 = arith.addi %add3A_655, %add3A_656 : i32
      %rem3A_658 = arith.remsi %add3A_657, %select_n3A : i32
      %dma_start3A_659 = arith.constant 3 : i32
      %dma_start3A_660 = arith.constant 3 : i32
      %dma_start3A_661 = arith.constant 0 : i32
      %dma_start3A_662 = arith.constant 0 : i32
      %dma_start3A_663 = tpu.memref_slice %arg9[%dma_start3A_659, %dma_start3A_661, %dma_start3A_662] : memref<8x128x32xf32, #tpu.memory_space<vmem>> -> memref<1x128x32xf32, #tpu.memory_space<vmem>>
      %dma_start3A_664 = tpu.memref_squeeze %dma_start3A_663 : memref<1x128x32xf32, #tpu.memory_space<vmem>> -> memref<128x32xf32, #tpu.memory_space<vmem>>
      %dma_start3A_665 = arith.constant 0 : i32
      %dma_start3A_666 = tpu.memref_slice %arg7[%rem3A_658, %dma_start3A_665] : memref<80x128xi32, #tpu.memory_space<vmem>> -> memref<1x128xi32, #tpu.memory_space<vmem>>
      %dma_start3A_667 = tpu.memref_squeeze %dma_start3A_666 : memref<1x128xi32, #tpu.memory_space<vmem>> -> memref<128xi32, #tpu.memory_space<vmem>>
      %dma_start3A_668 = arith.constant 0 : i32
      %dma_start3A_669 = arith.constant 0 : i32
      %dma_start3A_670 = tpu.memref_slice %arg11[%dma_start3A_668, %dma_start3A_669] : memref<10112x32xf32, #tpu.memory_space<vmem_shared>> -> memref<10112x32xf32, #tpu.memory_space<vmem_shared>>
      %dma_start3A_671 = tpu.memref_slice %arg12[%dma_start3A_660] : memref<8x!tpu.dma_semaphore, #tpu.memory_space<semaphore_mem>> -> memref<1x!tpu.dma_semaphore, #tpu.memory_space<semaphore_mem>>
      %dma_start3A_672 = tpu.memref_squeeze %dma_start3A_671 : memref<1x!tpu.dma_semaphore, #tpu.memory_space<semaphore_mem>> -> memref<!tpu.dma_semaphore, #tpu.memory_space<semaphore_mem>>
      tpu.enqueue_indirect_dma source(%dma_start3A_670 : memref<10112x32xf32, #tpu.memory_space<vmem_shared>>) target(%dma_start3A_664 : memref<128x32xf32, #tpu.memory_space<vmem>>) offsets(%dma_start3A_667 : memref<128xi32, #tpu.memory_space<vmem>>) semaphore(%dma_start3A_672 : memref<!tpu.dma_semaphore, #tpu.memory_space<semaphore_mem>>)
      %add3A_673 = arith.constant 4 : i32
      %add3A_674 = arith.addi %add3A_277, %add3A_673 : i32
      %dma_wait3A_675 = arith.constant 4 : i32
      %dma_wait3A_676 = arith.constant 4 : i32
      %dma_wait3A_677 = arith.constant 0 : i32
      %dma_wait3A_678 = arith.constant 0 : i32
      %dma_wait3A_679 = tpu.memref_slice %arg9[%dma_wait3A_675, %dma_wait3A_677, %dma_wait3A_678] : memref<8x128x32xf32, #tpu.memory_space<vmem>> -> memref<1x128x32xf32, #tpu.memory_space<vmem>>
      %dma_wait3A_680 = tpu.memref_squeeze %dma_wait3A_679 : memref<1x128x32xf32, #tpu.memory_space<vmem>> -> memref<128x32xf32, #tpu.memory_space<vmem>>
      %dma_wait3A_681 = arith.constant 0 : i32
      %dma_wait3A_682 = tpu.memref_slice %arg8[%add3A_674, %dma_wait3A_681] : memref<80x128xi32, #tpu.memory_space<vmem>> -> memref<1x128xi32, #tpu.memory_space<vmem>>
      %dma_wait3A_683 = tpu.memref_squeeze %dma_wait3A_682 : memref<1x128xi32, #tpu.memory_space<vmem>> -> memref<128xi32, #tpu.memory_space<vmem>>
      %dma_wait3A_684 = arith.constant 0 : i32
      %dma_wait3A_685 = arith.constant 0 : i32
      %dma_wait3A_686 = tpu.memref_slice %arg10[%dma_wait3A_684, %dma_wait3A_685] : memref<10112x32xf32, #tpu.memory_space<vmem_shared>> -> memref<10112x32xf32, #tpu.memory_space<vmem_shared>>
      %dma_wait3A_687 = tpu.memref_slice %arg13[%dma_wait3A_676] : memref<8x!tpu.dma_semaphore, #tpu.memory_space<semaphore_mem>> -> memref<1x!tpu.dma_semaphore, #tpu.memory_space<semaphore_mem>>
      %dma_wait3A_688 = tpu.memref_squeeze %dma_wait3A_687 : memref<1x!tpu.dma_semaphore, #tpu.memory_space<semaphore_mem>> -> memref<!tpu.dma_semaphore, #tpu.memory_space<semaphore_mem>>
      tpu.wait_indirect_dma semaphore(%dma_wait3A_688 : memref<!tpu.dma_semaphore, #tpu.memory_space<semaphore_mem>>) src(%dma_wait3A_680 : memref<128x32xf32, #tpu.memory_space<vmem>>) dst(%dma_wait3A_686 : memref<10112x32xf32, #tpu.memory_space<vmem_shared>>)
      %add3A_689 = arith.constant 8 : i32
      %add3A_690 = arith.addi %add3A_277, %add3A_689 : i32
      %add3A_691 = arith.constant 4 : i32
      %add3A_692 = arith.addi %add3A_690, %add3A_691 : i32
      %rem3A_693 = arith.remsi %add3A_692, %select_n3A : i32
      %dma_start3A_694 = arith.constant 4 : i32
      %dma_start3A_695 = arith.constant 4 : i32
      %dma_start3A_696 = arith.constant 0 : i32
      %dma_start3A_697 = arith.constant 0 : i32
      %dma_start3A_698 = tpu.memref_slice %arg9[%dma_start3A_694, %dma_start3A_696, %dma_start3A_697] : memref<8x128x32xf32, #tpu.memory_space<vmem>> -> memref<1x128x32xf32, #tpu.memory_space<vmem>>
      %dma_start3A_699 = tpu.memref_squeeze %dma_start3A_698 : memref<1x128x32xf32, #tpu.memory_space<vmem>> -> memref<128x32xf32, #tpu.memory_space<vmem>>
      %dma_start3A_700 = arith.constant 0 : i32
      %dma_start3A_701 = tpu.memref_slice %arg7[%rem3A_693, %dma_start3A_700] : memref<80x128xi32, #tpu.memory_space<vmem>> -> memref<1x128xi32, #tpu.memory_space<vmem>>
      %dma_start3A_702 = tpu.memref_squeeze %dma_start3A_701 : memref<1x128xi32, #tpu.memory_space<vmem>> -> memref<128xi32, #tpu.memory_space<vmem>>
      %dma_start3A_703 = arith.constant 0 : i32
      %dma_start3A_704 = arith.constant 0 : i32
      %dma_start3A_705 = tpu.memref_slice %arg11[%dma_start3A_703, %dma_start3A_704] : memref<10112x32xf32, #tpu.memory_space<vmem_shared>> -> memref<10112x32xf32, #tpu.memory_space<vmem_shared>>
      %dma_start3A_706 = tpu.memref_slice %arg12[%dma_start3A_695] : memref<8x!tpu.dma_semaphore, #tpu.memory_space<semaphore_mem>> -> memref<1x!tpu.dma_semaphore, #tpu.memory_space<semaphore_mem>>
      %dma_start3A_707 = tpu.memref_squeeze %dma_start3A_706 : memref<1x!tpu.dma_semaphore, #tpu.memory_space<semaphore_mem>> -> memref<!tpu.dma_semaphore, #tpu.memory_space<semaphore_mem>>
      tpu.enqueue_indirect_dma source(%dma_start3A_705 : memref<10112x32xf32, #tpu.memory_space<vmem_shared>>) target(%dma_start3A_699 : memref<128x32xf32, #tpu.memory_space<vmem>>) offsets(%dma_start3A_702 : memref<128xi32, #tpu.memory_space<vmem>>) semaphore(%dma_start3A_707 : memref<!tpu.dma_semaphore, #tpu.memory_space<semaphore_mem>>)
      %add3A_708 = arith.constant 5 : i32
      %add3A_709 = arith.addi %add3A_277, %add3A_708 : i32
      %dma_wait3A_710 = arith.constant 5 : i32
      %dma_wait3A_711 = arith.constant 5 : i32
      %dma_wait3A_712 = arith.constant 0 : i32
      %dma_wait3A_713 = arith.constant 0 : i32
      %dma_wait3A_714 = tpu.memref_slice %arg9[%dma_wait3A_710, %dma_wait3A_712, %dma_wait3A_713] : memref<8x128x32xf32, #tpu.memory_space<vmem>> -> memref<1x128x32xf32, #tpu.memory_space<vmem>>
      %dma_wait3A_715 = tpu.memref_squeeze %dma_wait3A_714 : memref<1x128x32xf32, #tpu.memory_space<vmem>> -> memref<128x32xf32, #tpu.memory_space<vmem>>
      %dma_wait3A_716 = arith.constant 0 : i32
      %dma_wait3A_717 = tpu.memref_slice %arg8[%add3A_709, %dma_wait3A_716] : memref<80x128xi32, #tpu.memory_space<vmem>> -> memref<1x128xi32, #tpu.memory_space<vmem>>
      %dma_wait3A_718 = tpu.memref_squeeze %dma_wait3A_717 : memref<1x128xi32, #tpu.memory_space<vmem>> -> memref<128xi32, #tpu.memory_space<vmem>>
      %dma_wait3A_719 = arith.constant 0 : i32
      %dma_wait3A_720 = arith.constant 0 : i32
      %dma_wait3A_721 = tpu.memref_slice %arg10[%dma_wait3A_719, %dma_wait3A_720] : memref<10112x32xf32, #tpu.memory_space<vmem_shared>> -> memref<10112x32xf32, #tpu.memory_space<vmem_shared>>
      %dma_wait3A_722 = tpu.memref_slice %arg13[%dma_wait3A_711] : memref<8x!tpu.dma_semaphore, #tpu.memory_space<semaphore_mem>> -> memref<1x!tpu.dma_semaphore, #tpu.memory_space<semaphore_mem>>
      %dma_wait3A_723 = tpu.memref_squeeze %dma_wait3A_722 : memref<1x!tpu.dma_semaphore, #tpu.memory_space<semaphore_mem>> -> memref<!tpu.dma_semaphore, #tpu.memory_space<semaphore_mem>>
      tpu.wait_indirect_dma semaphore(%dma_wait3A_723 : memref<!tpu.dma_semaphore, #tpu.memory_space<semaphore_mem>>) src(%dma_wait3A_715 : memref<128x32xf32, #tpu.memory_space<vmem>>) dst(%dma_wait3A_721 : memref<10112x32xf32, #tpu.memory_space<vmem_shared>>)
      %add3A_724 = arith.constant 8 : i32
      %add3A_725 = arith.addi %add3A_277, %add3A_724 : i32
      %add3A_726 = arith.constant 5 : i32
      %add3A_727 = arith.addi %add3A_725, %add3A_726 : i32
      %rem3A_728 = arith.remsi %add3A_727, %select_n3A : i32
      %dma_start3A_729 = arith.constant 5 : i32
      %dma_start3A_730 = arith.constant 5 : i32
      %dma_start3A_731 = arith.constant 0 : i32
      %dma_start3A_732 = arith.constant 0 : i32
      %dma_start3A_733 = tpu.memref_slice %arg9[%dma_start3A_729, %dma_start3A_731, %dma_start3A_732] : memref<8x128x32xf32, #tpu.memory_space<vmem>> -> memref<1x128x32xf32, #tpu.memory_space<vmem>>
      %dma_start3A_734 = tpu.memref_squeeze %dma_start3A_733 : memref<1x128x32xf32, #tpu.memory_space<vmem>> -> memref<128x32xf32, #tpu.memory_space<vmem>>
      %dma_start3A_735 = arith.constant 0 : i32
      %dma_start3A_736 = tpu.memref_slice %arg7[%rem3A_728, %dma_start3A_735] : memref<80x128xi32, #tpu.memory_space<vmem>> -> memref<1x128xi32, #tpu.memory_space<vmem>>
      %dma_start3A_737 = tpu.memref_squeeze %dma_start3A_736 : memref<1x128xi32, #tpu.memory_space<vmem>> -> memref<128xi32, #tpu.memory_space<vmem>>
      %dma_start3A_738 = arith.constant 0 : i32
      %dma_start3A_739 = arith.constant 0 : i32
      %dma_start3A_740 = tpu.memref_slice %arg11[%dma_start3A_738, %dma_start3A_739] : memref<10112x32xf32, #tpu.memory_space<vmem_shared>> -> memref<10112x32xf32, #tpu.memory_space<vmem_shared>>
      %dma_start3A_741 = tpu.memref_slice %arg12[%dma_start3A_730] : memref<8x!tpu.dma_semaphore, #tpu.memory_space<semaphore_mem>> -> memref<1x!tpu.dma_semaphore, #tpu.memory_space<semaphore_mem>>
      %dma_start3A_742 = tpu.memref_squeeze %dma_start3A_741 : memref<1x!tpu.dma_semaphore, #tpu.memory_space<semaphore_mem>> -> memref<!tpu.dma_semaphore, #tpu.memory_space<semaphore_mem>>
      tpu.enqueue_indirect_dma source(%dma_start3A_740 : memref<10112x32xf32, #tpu.memory_space<vmem_shared>>) target(%dma_start3A_734 : memref<128x32xf32, #tpu.memory_space<vmem>>) offsets(%dma_start3A_737 : memref<128xi32, #tpu.memory_space<vmem>>) semaphore(%dma_start3A_742 : memref<!tpu.dma_semaphore, #tpu.memory_space<semaphore_mem>>)
      %add3A_743 = arith.constant 6 : i32
      %add3A_744 = arith.addi %add3A_277, %add3A_743 : i32
      %dma_wait3A_745 = arith.constant 6 : i32
      %dma_wait3A_746 = arith.constant 6 : i32
      %dma_wait3A_747 = arith.constant 0 : i32
      %dma_wait3A_748 = arith.constant 0 : i32
      %dma_wait3A_749 = tpu.memref_slice %arg9[%dma_wait3A_745, %dma_wait3A_747, %dma_wait3A_748] : memref<8x128x32xf32, #tpu.memory_space<vmem>> -> memref<1x128x32xf32, #tpu.memory_space<vmem>>
      %dma_wait3A_750 = tpu.memref_squeeze %dma_wait3A_749 : memref<1x128x32xf32, #tpu.memory_space<vmem>> -> memref<128x32xf32, #tpu.memory_space<vmem>>
      %dma_wait3A_751 = arith.constant 0 : i32
      %dma_wait3A_752 = tpu.memref_slice %arg8[%add3A_744, %dma_wait3A_751] : memref<80x128xi32, #tpu.memory_space<vmem>> -> memref<1x128xi32, #tpu.memory_space<vmem>>
      %dma_wait3A_753 = tpu.memref_squeeze %dma_wait3A_752 : memref<1x128xi32, #tpu.memory_space<vmem>> -> memref<128xi32, #tpu.memory_space<vmem>>
      %dma_wait3A_754 = arith.constant 0 : i32
      %dma_wait3A_755 = arith.constant 0 : i32
      %dma_wait3A_756 = tpu.memref_slice %arg10[%dma_wait3A_754, %dma_wait3A_755] : memref<10112x32xf32, #tpu.memory_space<vmem_shared>> -> memref<10112x32xf32, #tpu.memory_space<vmem_shared>>
      %dma_wait3A_757 = tpu.memref_slice %arg13[%dma_wait3A_746] : memref<8x!tpu.dma_semaphore, #tpu.memory_space<semaphore_mem>> -> memref<1x!tpu.dma_semaphore, #tpu.memory_space<semaphore_mem>>
      %dma_wait3A_758 = tpu.memref_squeeze %dma_wait3A_757 : memref<1x!tpu.dma_semaphore, #tpu.memory_space<semaphore_mem>> -> memref<!tpu.dma_semaphore, #tpu.memory_space<semaphore_mem>>
      tpu.wait_indirect_dma semaphore(%dma_wait3A_758 : memref<!tpu.dma_semaphore, #tpu.memory_space<semaphore_mem>>) src(%dma_wait3A_750 : memref<128x32xf32, #tpu.memory_space<vmem>>) dst(%dma_wait3A_756 : memref<10112x32xf32, #tpu.memory_space<vmem_shared>>)
      %add3A_759 = arith.constant 8 : i32
      %add3A_760 = arith.addi %add3A_277, %add3A_759 : i32
      %add3A_761 = arith.constant 6 : i32
      %add3A_762 = arith.addi %add3A_760, %add3A_761 : i32
      %rem3A_763 = arith.remsi %add3A_762, %select_n3A : i32
      %dma_start3A_764 = arith.constant 6 : i32
      %dma_start3A_765 = arith.constant 6 : i32
      %dma_start3A_766 = arith.constant 0 : i32
      %dma_start3A_767 = arith.constant 0 : i32
      %dma_start3A_768 = tpu.memref_slice %arg9[%dma_start3A_764, %dma_start3A_766, %dma_start3A_767] : memref<8x128x32xf32, #tpu.memory_space<vmem>> -> memref<1x128x32xf32, #tpu.memory_space<vmem>>
      %dma_start3A_769 = tpu.memref_squeeze %dma_start3A_768 : memref<1x128x32xf32, #tpu.memory_space<vmem>> -> memref<128x32xf32, #tpu.memory_space<vmem>>
      %dma_start3A_770 = arith.constant 0 : i32
      %dma_start3A_771 = tpu.memref_slice %arg7[%rem3A_763, %dma_start3A_770] : memref<80x128xi32, #tpu.memory_space<vmem>> -> memref<1x128xi32, #tpu.memory_space<vmem>>
      %dma_start3A_772 = tpu.memref_squeeze %dma_start3A_771 : memref<1x128xi32, #tpu.memory_space<vmem>> -> memref<128xi32, #tpu.memory_space<vmem>>
      %dma_start3A_773 = arith.constant 0 : i32
      %dma_start3A_774 = arith.constant 0 : i32
      %dma_start3A_775 = tpu.memref_slice %arg11[%dma_start3A_773, %dma_start3A_774] : memref<10112x32xf32, #tpu.memory_space<vmem_shared>> -> memref<10112x32xf32, #tpu.memory_space<vmem_shared>>
      %dma_start3A_776 = tpu.memref_slice %arg12[%dma_start3A_765] : memref<8x!tpu.dma_semaphore, #tpu.memory_space<semaphore_mem>> -> memref<1x!tpu.dma_semaphore, #tpu.memory_space<semaphore_mem>>
      %dma_start3A_777 = tpu.memref_squeeze %dma_start3A_776 : memref<1x!tpu.dma_semaphore, #tpu.memory_space<semaphore_mem>> -> memref<!tpu.dma_semaphore, #tpu.memory_space<semaphore_mem>>
      tpu.enqueue_indirect_dma source(%dma_start3A_775 : memref<10112x32xf32, #tpu.memory_space<vmem_shared>>) target(%dma_start3A_769 : memref<128x32xf32, #tpu.memory_space<vmem>>) offsets(%dma_start3A_772 : memref<128xi32, #tpu.memory_space<vmem>>) semaphore(%dma_start3A_777 : memref<!tpu.dma_semaphore, #tpu.memory_space<semaphore_mem>>)
      %add3A_778 = arith.constant 7 : i32
      %add3A_779 = arith.addi %add3A_277, %add3A_778 : i32
      %dma_wait3A_780 = arith.constant 7 : i32
      %dma_wait3A_781 = arith.constant 7 : i32
      %dma_wait3A_782 = arith.constant 0 : i32
      %dma_wait3A_783 = arith.constant 0 : i32
      %dma_wait3A_784 = tpu.memref_slice %arg9[%dma_wait3A_780, %dma_wait3A_782, %dma_wait3A_783] : memref<8x128x32xf32, #tpu.memory_space<vmem>> -> memref<1x128x32xf32, #tpu.memory_space<vmem>>
      %dma_wait3A_785 = tpu.memref_squeeze %dma_wait3A_784 : memref<1x128x32xf32, #tpu.memory_space<vmem>> -> memref<128x32xf32, #tpu.memory_space<vmem>>
      %dma_wait3A_786 = arith.constant 0 : i32
      %dma_wait3A_787 = tpu.memref_slice %arg8[%add3A_779, %dma_wait3A_786] : memref<80x128xi32, #tpu.memory_space<vmem>> -> memref<1x128xi32, #tpu.memory_space<vmem>>
      %dma_wait3A_788 = tpu.memref_squeeze %dma_wait3A_787 : memref<1x128xi32, #tpu.memory_space<vmem>> -> memref<128xi32, #tpu.memory_space<vmem>>
      %dma_wait3A_789 = arith.constant 0 : i32
      %dma_wait3A_790 = arith.constant 0 : i32
      %dma_wait3A_791 = tpu.memref_slice %arg10[%dma_wait3A_789, %dma_wait3A_790] : memref<10112x32xf32, #tpu.memory_space<vmem_shared>> -> memref<10112x32xf32, #tpu.memory_space<vmem_shared>>
      %dma_wait3A_792 = tpu.memref_slice %arg13[%dma_wait3A_781] : memref<8x!tpu.dma_semaphore, #tpu.memory_space<semaphore_mem>> -> memref<1x!tpu.dma_semaphore, #tpu.memory_space<semaphore_mem>>
      %dma_wait3A_793 = tpu.memref_squeeze %dma_wait3A_792 : memref<1x!tpu.dma_semaphore, #tpu.memory_space<semaphore_mem>> -> memref<!tpu.dma_semaphore, #tpu.memory_space<semaphore_mem>>
      tpu.wait_indirect_dma semaphore(%dma_wait3A_793 : memref<!tpu.dma_semaphore, #tpu.memory_space<semaphore_mem>>) src(%dma_wait3A_785 : memref<128x32xf32, #tpu.memory_space<vmem>>) dst(%dma_wait3A_791 : memref<10112x32xf32, #tpu.memory_space<vmem_shared>>)
      %add3A_794 = arith.constant 8 : i32
      %add3A_795 = arith.addi %add3A_277, %add3A_794 : i32
      %add3A_796 = arith.constant 7 : i32
      %add3A_797 = arith.addi %add3A_795, %add3A_796 : i32
      %rem3A_798 = arith.remsi %add3A_797, %select_n3A : i32
      %dma_start3A_799 = arith.constant 7 : i32
      %dma_start3A_800 = arith.constant 7 : i32
      %dma_start3A_801 = arith.constant 0 : i32
      %dma_start3A_802 = arith.constant 0 : i32
      %dma_start3A_803 = tpu.memref_slice %arg9[%dma_start3A_799, %dma_start3A_801, %dma_start3A_802] : memref<8x128x32xf32, #tpu.memory_space<vmem>> -> memref<1x128x32xf32, #tpu.memory_space<vmem>>
      %dma_start3A_804 = tpu.memref_squeeze %dma_start3A_803 : memref<1x128x32xf32, #tpu.memory_space<vmem>> -> memref<128x32xf32, #tpu.memory_space<vmem>>
      %dma_start3A_805 = arith.constant 0 : i32
      %dma_start3A_806 = tpu.memref_slice %arg7[%rem3A_798, %dma_start3A_805] : memref<80x128xi32, #tpu.memory_space<vmem>> -> memref<1x128xi32, #tpu.memory_space<vmem>>
      %dma_start3A_807 = tpu.memref_squeeze %dma_start3A_806 : memref<1x128xi32, #tpu.memory_space<vmem>> -> memref<128xi32, #tpu.memory_space<vmem>>
      %dma_start3A_808 = arith.constant 0 : i32
      %dma_start3A_809 = arith.constant 0 : i32
      %dma_start3A_810 = tpu.memref_slice %arg11[%dma_start3A_808, %dma_start3A_809] : memref<10112x32xf32, #tpu.memory_space<vmem_shared>> -> memref<10112x32xf32, #tpu.memory_space<vmem_shared>>
      %dma_start3A_811 = tpu.memref_slice %arg12[%dma_start3A_800] : memref<8x!tpu.dma_semaphore, #tpu.memory_space<semaphore_mem>> -> memref<1x!tpu.dma_semaphore, #tpu.memory_space<semaphore_mem>>
      %dma_start3A_812 = tpu.memref_squeeze %dma_start3A_811 : memref<1x!tpu.dma_semaphore, #tpu.memory_space<semaphore_mem>> -> memref<!tpu.dma_semaphore, #tpu.memory_space<semaphore_mem>>
      tpu.enqueue_indirect_dma source(%dma_start3A_810 : memref<10112x32xf32, #tpu.memory_space<vmem_shared>>) target(%dma_start3A_804 : memref<128x32xf32, #tpu.memory_space<vmem>>) offsets(%dma_start3A_807 : memref<128xi32, #tpu.memory_space<vmem>>) semaphore(%dma_start3A_812 : memref<!tpu.dma_semaphore, #tpu.memory_space<semaphore_mem>>)
    }
    %dma_wait3A = arith.constant 0 : i32
    %dma_wait3A_151 = arith.constant 0 : i32
    %dma_wait3A_152 = arith.constant 0 : i32
    %dma_wait3A_153 = arith.constant 0 : i32
    %dma_wait3A_154 = arith.constant 0 : i32
    %dma_wait3A_155 = tpu.memref_slice %arg9[%dma_wait3A_151, %dma_wait3A_153, %dma_wait3A_154] : memref<8x128x32xf32, #tpu.memory_space<vmem>> -> memref<1x128x32xf32, #tpu.memory_space<vmem>>
    %dma_wait3A_156 = tpu.memref_squeeze %dma_wait3A_155 : memref<1x128x32xf32, #tpu.memory_space<vmem>> -> memref<128x32xf32, #tpu.memory_space<vmem>>
    %dma_wait3A_157 = arith.constant 0 : i32
    %dma_wait3A_158 = tpu.memref_slice %arg7[%dma_wait3A, %dma_wait3A_157] : memref<80x128xi32, #tpu.memory_space<vmem>> -> memref<1x128xi32, #tpu.memory_space<vmem>>
    %dma_wait3A_159 = tpu.memref_squeeze %dma_wait3A_158 : memref<1x128xi32, #tpu.memory_space<vmem>> -> memref<128xi32, #tpu.memory_space<vmem>>
    %dma_wait3A_160 = arith.constant 0 : i32
    %dma_wait3A_161 = arith.constant 0 : i32
    %dma_wait3A_162 = tpu.memref_slice %arg11[%dma_wait3A_160, %dma_wait3A_161] : memref<10112x32xf32, #tpu.memory_space<vmem_shared>> -> memref<10112x32xf32, #tpu.memory_space<vmem_shared>>
    %dma_wait3A_163 = tpu.memref_slice %arg12[%dma_wait3A_152] : memref<8x!tpu.dma_semaphore, #tpu.memory_space<semaphore_mem>> -> memref<1x!tpu.dma_semaphore, #tpu.memory_space<semaphore_mem>>
    %dma_wait3A_164 = tpu.memref_squeeze %dma_wait3A_163 : memref<1x!tpu.dma_semaphore, #tpu.memory_space<semaphore_mem>> -> memref<!tpu.dma_semaphore, #tpu.memory_space<semaphore_mem>>
    tpu.wait_indirect_dma semaphore(%dma_wait3A_164 : memref<!tpu.dma_semaphore, #tpu.memory_space<semaphore_mem>>) src(%dma_wait3A_162 : memref<10112x32xf32, #tpu.memory_space<vmem_shared>>) dst(%dma_wait3A_156 : memref<128x32xf32, #tpu.memory_space<vmem>>)
    %dma_wait3A_165 = arith.constant 1 : i32
    %dma_wait3A_166 = arith.constant 1 : i32
    %dma_wait3A_167 = arith.constant 1 : i32
    %dma_wait3A_168 = arith.constant 0 : i32
    %dma_wait3A_169 = arith.constant 0 : i32
    %dma_wait3A_170 = tpu.memref_slice %arg9[%dma_wait3A_166, %dma_wait3A_168, %dma_wait3A_169] : memref<8x128x32xf32, #tpu.memory_space<vmem>> -> memref<1x128x32xf32, #tpu.memory_space<vmem>>
    %dma_wait3A_171 = tpu.memref_squeeze %dma_wait3A_170 : memref<1x128x32xf32, #tpu.memory_space<vmem>> -> memref<128x32xf32, #tpu.memory_space<vmem>>
    %dma_wait3A_172 = arith.constant 0 : i32
    %dma_wait3A_173 = tpu.memref_slice %arg7[%dma_wait3A_165, %dma_wait3A_172] : memref<80x128xi32, #tpu.memory_space<vmem>> -> memref<1x128xi32, #tpu.memory_space<vmem>>
    %dma_wait3A_174 = tpu.memref_squeeze %dma_wait3A_173 : memref<1x128xi32, #tpu.memory_space<vmem>> -> memref<128xi32, #tpu.memory_space<vmem>>
    %dma_wait3A_175 = arith.constant 0 : i32
    %dma_wait3A_176 = arith.constant 0 : i32
    %dma_wait3A_177 = tpu.memref_slice %arg11[%dma_wait3A_175, %dma_wait3A_176] : memref<10112x32xf32, #tpu.memory_space<vmem_shared>> -> memref<10112x32xf32, #tpu.memory_space<vmem_shared>>
    %dma_wait3A_178 = tpu.memref_slice %arg12[%dma_wait3A_167] : memref<8x!tpu.dma_semaphore, #tpu.memory_space<semaphore_mem>> -> memref<1x!tpu.dma_semaphore, #tpu.memory_space<semaphore_mem>>
    %dma_wait3A_179 = tpu.memref_squeeze %dma_wait3A_178 : memref<1x!tpu.dma_semaphore, #tpu.memory_space<semaphore_mem>> -> memref<!tpu.dma_semaphore, #tpu.memory_space<semaphore_mem>>
    tpu.wait_indirect_dma semaphore(%dma_wait3A_179 : memref<!tpu.dma_semaphore, #tpu.memory_space<semaphore_mem>>) src(%dma_wait3A_177 : memref<10112x32xf32, #tpu.memory_space<vmem_shared>>) dst(%dma_wait3A_171 : memref<128x32xf32, #tpu.memory_space<vmem>>)
    %dma_wait3A_180 = arith.constant 2 : i32
    %dma_wait3A_181 = arith.constant 2 : i32
    %dma_wait3A_182 = arith.constant 2 : i32
    %dma_wait3A_183 = arith.constant 0 : i32
    %dma_wait3A_184 = arith.constant 0 : i32
    %dma_wait3A_185 = tpu.memref_slice %arg9[%dma_wait3A_181, %dma_wait3A_183, %dma_wait3A_184] : memref<8x128x32xf32, #tpu.memory_space<vmem>> -> memref<1x128x32xf32, #tpu.memory_space<vmem>>
    %dma_wait3A_186 = tpu.memref_squeeze %dma_wait3A_185 : memref<1x128x32xf32, #tpu.memory_space<vmem>> -> memref<128x32xf32, #tpu.memory_space<vmem>>
    %dma_wait3A_187 = arith.constant 0 : i32
    %dma_wait3A_188 = tpu.memref_slice %arg7[%dma_wait3A_180, %dma_wait3A_187] : memref<80x128xi32, #tpu.memory_space<vmem>> -> memref<1x128xi32, #tpu.memory_space<vmem>>
    %dma_wait3A_189 = tpu.memref_squeeze %dma_wait3A_188 : memref<1x128xi32, #tpu.memory_space<vmem>> -> memref<128xi32, #tpu.memory_space<vmem>>
    %dma_wait3A_190 = arith.constant 0 : i32
    %dma_wait3A_191 = arith.constant 0 : i32
    %dma_wait3A_192 = tpu.memref_slice %arg11[%dma_wait3A_190, %dma_wait3A_191] : memref<10112x32xf32, #tpu.memory_space<vmem_shared>> -> memref<10112x32xf32, #tpu.memory_space<vmem_shared>>
    %dma_wait3A_193 = tpu.memref_slice %arg12[%dma_wait3A_182] : memref<8x!tpu.dma_semaphore, #tpu.memory_space<semaphore_mem>> -> memref<1x!tpu.dma_semaphore, #tpu.memory_space<semaphore_mem>>
    %dma_wait3A_194 = tpu.memref_squeeze %dma_wait3A_193 : memref<1x!tpu.dma_semaphore, #tpu.memory_space<semaphore_mem>> -> memref<!tpu.dma_semaphore, #tpu.memory_space<semaphore_mem>>
    tpu.wait_indirect_dma semaphore(%dma_wait3A_194 : memref<!tpu.dma_semaphore, #tpu.memory_space<semaphore_mem>>) src(%dma_wait3A_192 : memref<10112x32xf32, #tpu.memory_space<vmem_shared>>) dst(%dma_wait3A_186 : memref<128x32xf32, #tpu.memory_space<vmem>>)
    %dma_wait3A_195 = arith.constant 3 : i32
    %dma_wait3A_196 = arith.constant 3 : i32
    %dma_wait3A_197 = arith.constant 3 : i32
    %dma_wait3A_198 = arith.constant 0 : i32
    %dma_wait3A_199 = arith.constant 0 : i32
    %dma_wait3A_200 = tpu.memref_slice %arg9[%dma_wait3A_196, %dma_wait3A_198, %dma_wait3A_199] : memref<8x128x32xf32, #tpu.memory_space<vmem>> -> memref<1x128x32xf32, #tpu.memory_space<vmem>>
    %dma_wait3A_201 = tpu.memref_squeeze %dma_wait3A_200 : memref<1x128x32xf32, #tpu.memory_space<vmem>> -> memref<128x32xf32, #tpu.memory_space<vmem>>
    %dma_wait3A_202 = arith.constant 0 : i32
    %dma_wait3A_203 = tpu.memref_slice %arg7[%dma_wait3A_195, %dma_wait3A_202] : memref<80x128xi32, #tpu.memory_space<vmem>> -> memref<1x128xi32, #tpu.memory_space<vmem>>
    %dma_wait3A_204 = tpu.memref_squeeze %dma_wait3A_203 : memref<1x128xi32, #tpu.memory_space<vmem>> -> memref<128xi32, #tpu.memory_space<vmem>>
    %dma_wait3A_205 = arith.constant 0 : i32
    %dma_wait3A_206 = arith.constant 0 : i32
    %dma_wait3A_207 = tpu.memref_slice %arg11[%dma_wait3A_205, %dma_wait3A_206] : memref<10112x32xf32, #tpu.memory_space<vmem_shared>> -> memref<10112x32xf32, #tpu.memory_space<vmem_shared>>
    %dma_wait3A_208 = tpu.memref_slice %arg12[%dma_wait3A_197] : memref<8x!tpu.dma_semaphore, #tpu.memory_space<semaphore_mem>> -> memref<1x!tpu.dma_semaphore, #tpu.memory_space<semaphore_mem>>
    %dma_wait3A_209 = tpu.memref_squeeze %dma_wait3A_208 : memref<1x!tpu.dma_semaphore, #tpu.memory_space<semaphore_mem>> -> memref<!tpu.dma_semaphore, #tpu.memory_space<semaphore_mem>>
    tpu.wait_indirect_dma semaphore(%dma_wait3A_209 : memref<!tpu.dma_semaphore, #tpu.memory_space<semaphore_mem>>) src(%dma_wait3A_207 : memref<10112x32xf32, #tpu.memory_space<vmem_shared>>) dst(%dma_wait3A_201 : memref<128x32xf32, #tpu.memory_space<vmem>>)
    %dma_wait3A_210 = arith.constant 4 : i32
    %dma_wait3A_211 = arith.constant 4 : i32
    %dma_wait3A_212 = arith.constant 4 : i32
    %dma_wait3A_213 = arith.constant 0 : i32
    %dma_wait3A_214 = arith.constant 0 : i32
    %dma_wait3A_215 = tpu.memref_slice %arg9[%dma_wait3A_211, %dma_wait3A_213, %dma_wait3A_214] : memref<8x128x32xf32, #tpu.memory_space<vmem>> -> memref<1x128x32xf32, #tpu.memory_space<vmem>>
    %dma_wait3A_216 = tpu.memref_squeeze %dma_wait3A_215 : memref<1x128x32xf32, #tpu.memory_space<vmem>> -> memref<128x32xf32, #tpu.memory_space<vmem>>
    %dma_wait3A_217 = arith.constant 0 : i32
    %dma_wait3A_218 = tpu.memref_slice %arg7[%dma_wait3A_210, %dma_wait3A_217] : memref<80x128xi32, #tpu.memory_space<vmem>> -> memref<1x128xi32, #tpu.memory_space<vmem>>
    %dma_wait3A_219 = tpu.memref_squeeze %dma_wait3A_218 : memref<1x128xi32, #tpu.memory_space<vmem>> -> memref<128xi32, #tpu.memory_space<vmem>>
    %dma_wait3A_220 = arith.constant 0 : i32
    %dma_wait3A_221 = arith.constant 0 : i32
    %dma_wait3A_222 = tpu.memref_slice %arg11[%dma_wait3A_220, %dma_wait3A_221] : memref<10112x32xf32, #tpu.memory_space<vmem_shared>> -> memref<10112x32xf32, #tpu.memory_space<vmem_shared>>
    %dma_wait3A_223 = tpu.memref_slice %arg12[%dma_wait3A_212] : memref<8x!tpu.dma_semaphore, #tpu.memory_space<semaphore_mem>> -> memref<1x!tpu.dma_semaphore, #tpu.memory_space<semaphore_mem>>
    %dma_wait3A_224 = tpu.memref_squeeze %dma_wait3A_223 : memref<1x!tpu.dma_semaphore, #tpu.memory_space<semaphore_mem>> -> memref<!tpu.dma_semaphore, #tpu.memory_space<semaphore_mem>>
    tpu.wait_indirect_dma semaphore(%dma_wait3A_224 : memref<!tpu.dma_semaphore, #tpu.memory_space<semaphore_mem>>) src(%dma_wait3A_222 : memref<10112x32xf32, #tpu.memory_space<vmem_shared>>) dst(%dma_wait3A_216 : memref<128x32xf32, #tpu.memory_space<vmem>>)
    %dma_wait3A_225 = arith.constant 5 : i32
    %dma_wait3A_226 = arith.constant 5 : i32
    %dma_wait3A_227 = arith.constant 5 : i32
    %dma_wait3A_228 = arith.constant 0 : i32
    %dma_wait3A_229 = arith.constant 0 : i32
    %dma_wait3A_230 = tpu.memref_slice %arg9[%dma_wait3A_226, %dma_wait3A_228, %dma_wait3A_229] : memref<8x128x32xf32, #tpu.memory_space<vmem>> -> memref<1x128x32xf32, #tpu.memory_space<vmem>>
    %dma_wait3A_231 = tpu.memref_squeeze %dma_wait3A_230 : memref<1x128x32xf32, #tpu.memory_space<vmem>> -> memref<128x32xf32, #tpu.memory_space<vmem>>
    %dma_wait3A_232 = arith.constant 0 : i32
    %dma_wait3A_233 = tpu.memref_slice %arg7[%dma_wait3A_225, %dma_wait3A_232] : memref<80x128xi32, #tpu.memory_space<vmem>> -> memref<1x128xi32, #tpu.memory_space<vmem>>
    %dma_wait3A_234 = tpu.memref_squeeze %dma_wait3A_233 : memref<1x128xi32, #tpu.memory_space<vmem>> -> memref<128xi32, #tpu.memory_space<vmem>>
    %dma_wait3A_235 = arith.constant 0 : i32
    %dma_wait3A_236 = arith.constant 0 : i32
    %dma_wait3A_237 = tpu.memref_slice %arg11[%dma_wait3A_235, %dma_wait3A_236] : memref<10112x32xf32, #tpu.memory_space<vmem_shared>> -> memref<10112x32xf32, #tpu.memory_space<vmem_shared>>
    %dma_wait3A_238 = tpu.memref_slice %arg12[%dma_wait3A_227] : memref<8x!tpu.dma_semaphore, #tpu.memory_space<semaphore_mem>> -> memref<1x!tpu.dma_semaphore, #tpu.memory_space<semaphore_mem>>
    %dma_wait3A_239 = tpu.memref_squeeze %dma_wait3A_238 : memref<1x!tpu.dma_semaphore, #tpu.memory_space<semaphore_mem>> -> memref<!tpu.dma_semaphore, #tpu.memory_space<semaphore_mem>>
    tpu.wait_indirect_dma semaphore(%dma_wait3A_239 : memref<!tpu.dma_semaphore, #tpu.memory_space<semaphore_mem>>) src(%dma_wait3A_237 : memref<10112x32xf32, #tpu.memory_space<vmem_shared>>) dst(%dma_wait3A_231 : memref<128x32xf32, #tpu.memory_space<vmem>>)
    %dma_wait3A_240 = arith.constant 6 : i32
    %dma_wait3A_241 = arith.constant 6 : i32
    %dma_wait3A_242 = arith.constant 6 : i32
    %dma_wait3A_243 = arith.constant 0 : i32
    %dma_wait3A_244 = arith.constant 0 : i32
    %dma_wait3A_245 = tpu.memref_slice %arg9[%dma_wait3A_241, %dma_wait3A_243, %dma_wait3A_244] : memref<8x128x32xf32, #tpu.memory_space<vmem>> -> memref<1x128x32xf32, #tpu.memory_space<vmem>>
    %dma_wait3A_246 = tpu.memref_squeeze %dma_wait3A_245 : memref<1x128x32xf32, #tpu.memory_space<vmem>> -> memref<128x32xf32, #tpu.memory_space<vmem>>
    %dma_wait3A_247 = arith.constant 0 : i32
    %dma_wait3A_248 = tpu.memref_slice %arg7[%dma_wait3A_240, %dma_wait3A_247] : memref<80x128xi32, #tpu.memory_space<vmem>> -> memref<1x128xi32, #tpu.memory_space<vmem>>
    %dma_wait3A_249 = tpu.memref_squeeze %dma_wait3A_248 : memref<1x128xi32, #tpu.memory_space<vmem>> -> memref<128xi32, #tpu.memory_space<vmem>>
    %dma_wait3A_250 = arith.constant 0 : i32
    %dma_wait3A_251 = arith.constant 0 : i32
    %dma_wait3A_252 = tpu.memref_slice %arg11[%dma_wait3A_250, %dma_wait3A_251] : memref<10112x32xf32, #tpu.memory_space<vmem_shared>> -> memref<10112x32xf32, #tpu.memory_space<vmem_shared>>
    %dma_wait3A_253 = tpu.memref_slice %arg12[%dma_wait3A_242] : memref<8x!tpu.dma_semaphore, #tpu.memory_space<semaphore_mem>> -> memref<1x!tpu.dma_semaphore, #tpu.memory_space<semaphore_mem>>
    %dma_wait3A_254 = tpu.memref_squeeze %dma_wait3A_253 : memref<1x!tpu.dma_semaphore, #tpu.memory_space<semaphore_mem>> -> memref<!tpu.dma_semaphore, #tpu.memory_space<semaphore_mem>>
    tpu.wait_indirect_dma semaphore(%dma_wait3A_254 : memref<!tpu.dma_semaphore, #tpu.memory_space<semaphore_mem>>) src(%dma_wait3A_252 : memref<10112x32xf32, #tpu.memory_space<vmem_shared>>) dst(%dma_wait3A_246 : memref<128x32xf32, #tpu.memory_space<vmem>>)
    %dma_wait3A_255 = arith.constant 7 : i32
    %dma_wait3A_256 = arith.constant 7 : i32
    %dma_wait3A_257 = arith.constant 7 : i32
    %dma_wait3A_258 = arith.constant 0 : i32
    %dma_wait3A_259 = arith.constant 0 : i32
    %dma_wait3A_260 = tpu.memref_slice %arg9[%dma_wait3A_256, %dma_wait3A_258, %dma_wait3A_259] : memref<8x128x32xf32, #tpu.memory_space<vmem>> -> memref<1x128x32xf32, #tpu.memory_space<vmem>>
    %dma_wait3A_261 = tpu.memref_squeeze %dma_wait3A_260 : memref<1x128x32xf32, #tpu.memory_space<vmem>> -> memref<128x32xf32, #tpu.memory_space<vmem>>
    %dma_wait3A_262 = arith.constant 0 : i32
    %dma_wait3A_263 = tpu.memref_slice %arg7[%dma_wait3A_255, %dma_wait3A_262] : memref<80x128xi32, #tpu.memory_space<vmem>> -> memref<1x128xi32, #tpu.memory_space<vmem>>
    %dma_wait3A_264 = tpu.memref_squeeze %dma_wait3A_263 : memref<1x128xi32, #tpu.memory_space<vmem>> -> memref<128xi32, #tpu.memory_space<vmem>>
    %dma_wait3A_265 = arith.constant 0 : i32
    %dma_wait3A_266 = arith.constant 0 : i32
    %dma_wait3A_267 = tpu.memref_slice %arg11[%dma_wait3A_265, %dma_wait3A_266] : memref<10112x32xf32, #tpu.memory_space<vmem_shared>> -> memref<10112x32xf32, #tpu.memory_space<vmem_shared>>
    %dma_wait3A_268 = tpu.memref_slice %arg12[%dma_wait3A_257] : memref<8x!tpu.dma_semaphore, #tpu.memory_space<semaphore_mem>> -> memref<1x!tpu.dma_semaphore, #tpu.memory_space<semaphore_mem>>
    %dma_wait3A_269 = tpu.memref_squeeze %dma_wait3A_268 : memref<1x!tpu.dma_semaphore, #tpu.memory_space<semaphore_mem>> -> memref<!tpu.dma_semaphore, #tpu.memory_space<semaphore_mem>>
    tpu.wait_indirect_dma semaphore(%dma_wait3A_269 : memref<!tpu.dma_semaphore, #tpu.memory_space<semaphore_mem>>) src(%dma_wait3A_267 : memref<10112x32xf32, #tpu.memory_space<vmem_shared>>) dst(%dma_wait3A_261 : memref<128x32xf32, #tpu.memory_space<vmem>>)
    %barrier3A_270 = arith.constant 0 : index
    tpu.barrier barrier_id(%barrier3A_270)
    %mul3A_271 = arith.constant 632 : i32
    %mul3A_272 = arith.muli %arg1, %mul3A_271 : i32
    %mul3A_273 = arith.constant 632 : i32
    %mul3A_274 = arith.muli %arg1, %mul3A_273 : i32
    "tpu.region"() ({
      %run_scoped3A = tpu.sem_alloc : memref<!tpu.dma_semaphore, #tpu.memory_space<semaphore_mem>>
      %dma_start3A_275 = arith.constant 0 : i32
      %dma_start3A_276 = tpu.memref_slice %arg6[%arg0, %mul3A_274, %dma_start3A_275] : memref<2x10112x32xf32, #tpu.memory_space<hbm>> -> memref<1x632x32xf32, #tpu.memory_space<hbm>>
      %dma_start3A_277 = tpu.memref_squeeze %dma_start3A_276 : memref<1x632x32xf32, #tpu.memory_space<hbm>> -> memref<632x32xf32, #tpu.memory_space<hbm>>
      %dma_start3A_278 = arith.constant 0 : i32
      %dma_start3A_279 = tpu.memref_slice %arg10[%mul3A_272, %dma_start3A_278] : memref<10112x32xf32, #tpu.memory_space<vmem_shared>> -> memref<632x32xf32, #tpu.memory_space<vmem_shared>>
      tpu.enqueue_dma source(%dma_start3A_279 : memref<632x32xf32, #tpu.memory_space<vmem_shared>>) target(%dma_start3A_277 : memref<632x32xf32, #tpu.memory_space<hbm>>) target_semaphore(%run_scoped3A : memref<!tpu.dma_semaphore, #tpu.memory_space<semaphore_mem>>)
      %dma_wait3A_280 = arith.constant 0 : i32
      %dma_wait3A_281 = tpu.memref_slice %arg6[%arg0, %mul3A_274, %dma_wait3A_280] : memref<2x10112x32xf32, #tpu.memory_space<hbm>> -> memref<1x632x32xf32, #tpu.memory_space<hbm>>
      %dma_wait3A_282 = tpu.memref_squeeze %dma_wait3A_281 : memref<1x632x32xf32, #tpu.memory_space<hbm>> -> memref<632x32xf32, #tpu.memory_space<hbm>>
      %dma_wait3A_283 = arith.constant 0 : i32
      %dma_wait3A_284 = tpu.memref_slice %arg10[%mul3A_272, %dma_wait3A_283] : memref<10112x32xf32, #tpu.memory_space<vmem_shared>> -> memref<632x32xf32, #tpu.memory_space<vmem_shared>>
      tpu.wait_dma2 semaphore(%run_scoped3A : memref<!tpu.dma_semaphore, #tpu.memory_space<semaphore_mem>>) src(%dma_wait3A_284 : memref<632x32xf32, #tpu.memory_space<vmem_shared>>) dst(%dma_wait3A_282 : memref<632x32xf32, #tpu.memory_space<hbm>>)
      tpu.yield
    }) : () -> ()
    return
  }
}

#map = affine_map<(d0, d1) -> (0, 0)>
#map1 = affine_map<(d0, d1) -> (0, 0, 0, 0)>
#map2 = affine_map<(d0, d1) -> (0, 0, 0)>
module attributes {stable_mosaic.version = 14 : i64} {
  func.func @_prop_body(%arg0: i32, %arg1: i32, %arg2: memref<10112x32xf32, #tpu.memory_space<hbm>>, %arg3: memref<2x16x80x128xi32, #tpu.memory_space<hbm>>, %arg4: memref<2x16x80x128xi32, #tpu.memory_space<hbm>>, %arg5: memref<10112x32xf32, #tpu.memory_space<hbm>>, %arg6: memref<2x10112x32xf32, #tpu.memory_space<hbm>>, %arg7: memref<80x128xi32, #tpu.memory_space<vmem>>, %arg8: memref<80x128xi32, #tpu.memory_space<vmem>>, %arg9: memref<8x128x32xf32, #tpu.memory_space<vmem>>, %arg10: memref<10112x32xf32, #tpu.memory_space<vmem_shared>>, %arg11: memref<10112x32xf32, #tpu.memory_space<vmem_shared>>, %arg12: memref<8x!tpu.dma_semaphore, #tpu.memory_space<semaphore_mem>>, %arg13: memref<8x!tpu.dma_semaphore, #tpu.memory_space<semaphore_mem>>) attributes {dimension_semantics = [#tpu.dimension_semantics<core_parallel>, #tpu.dimension_semantics<subcore_parallel>], iteration_bounds = array<i64: 2, 16>, scalar_prefetch = 0 : i64, scratch_operands = 7 : i64, tpu.core_type = #tpu.core_type<sc_vector_subcore>, window_params = [{transform_indices = #map}, {transform_indices = #map1}, {transform_indices = #map1}, {transform_indices = #map}, {transform_indices = #map2}]} {
    %mul3A = arith.constant 632 : i32
    %mul3A_0 = arith.muli %arg1, %mul3A : i32
    %mul3A_1 = arith.constant 632 : i32
    %mul3A_2 = arith.muli %arg1, %mul3A_1 : i32
    "tpu.region"() ({
      %run_scoped3A = tpu.sem_alloc : memref<!tpu.dma_semaphore, #tpu.memory_space<semaphore_mem>>
      %dma_start3A_275 = arith.constant 0 : i32
      %dma_start3A_276 = tpu.memref_slice %arg10[%mul3A_2, %dma_start3A_275] : memref<10112x32xf32, #tpu.memory_space<vmem_shared>> -> memref<632x32xf32, #tpu.memory_space<vmem_shared>>
      %dma_start3A_277 = arith.constant 0 : i32
      %dma_start3A_278 = tpu.memref_slice %arg5[%mul3A_0, %dma_start3A_277] : memref<10112x32xf32, #tpu.memory_space<hbm>> -> memref<632x32xf32, #tpu.memory_space<hbm>>
      tpu.enqueue_dma source(%dma_start3A_278 : memref<632x32xf32, #tpu.memory_space<hbm>>) target(%dma_start3A_276 : memref<632x32xf32, #tpu.memory_space<vmem_shared>>) target_semaphore(%run_scoped3A : memref<!tpu.dma_semaphore, #tpu.memory_space<semaphore_mem>>)
      %dma_wait3A_279 = arith.constant 0 : i32
      %dma_wait3A_280 = tpu.memref_slice %arg10[%mul3A_2, %dma_wait3A_279] : memref<10112x32xf32, #tpu.memory_space<vmem_shared>> -> memref<632x32xf32, #tpu.memory_space<vmem_shared>>
      %dma_wait3A_281 = arith.constant 0 : i32
      %dma_wait3A_282 = tpu.memref_slice %arg5[%mul3A_0, %dma_wait3A_281] : memref<10112x32xf32, #tpu.memory_space<hbm>> -> memref<632x32xf32, #tpu.memory_space<hbm>>
      tpu.wait_dma2 semaphore(%run_scoped3A : memref<!tpu.dma_semaphore, #tpu.memory_space<semaphore_mem>>) src(%dma_wait3A_282 : memref<632x32xf32, #tpu.memory_space<hbm>>) dst(%dma_wait3A_280 : memref<632x32xf32, #tpu.memory_space<vmem_shared>>)
      tpu.yield
    }) : () -> ()
    %mul3A_3 = arith.constant 632 : i32
    %mul3A_4 = arith.muli %arg1, %mul3A_3 : i32
    %mul3A_5 = arith.constant 632 : i32
    %mul3A_6 = arith.muli %arg1, %mul3A_5 : i32
    "tpu.region"() ({
      %run_scoped3A = tpu.sem_alloc : memref<!tpu.dma_semaphore, #tpu.memory_space<semaphore_mem>>
      %dma_start3A_275 = arith.constant 0 : i32
      %dma_start3A_276 = tpu.memref_slice %arg11[%mul3A_6, %dma_start3A_275] : memref<10112x32xf32, #tpu.memory_space<vmem_shared>> -> memref<632x32xf32, #tpu.memory_space<vmem_shared>>
      %dma_start3A_277 = arith.constant 0 : i32
      %dma_start3A_278 = tpu.memref_slice %arg2[%mul3A_4, %dma_start3A_277] : memref<10112x32xf32, #tpu.memory_space<hbm>> -> memref<632x32xf32, #tpu.memory_space<hbm>>
      tpu.enqueue_dma source(%dma_start3A_278 : memref<632x32xf32, #tpu.memory_space<hbm>>) target(%dma_start3A_276 : memref<632x32xf32, #tpu.memory_space<vmem_shared>>) target_semaphore(%run_scoped3A : memref<!tpu.dma_semaphore, #tpu.memory_space<semaphore_mem>>)
      %dma_wait3A_279 = arith.constant 0 : i32
      %dma_wait3A_280 = tpu.memref_slice %arg11[%mul3A_6, %dma_wait3A_279] : memref<10112x32xf32, #tpu.memory_space<vmem_shared>> -> memref<632x32xf32, #tpu.memory_space<vmem_shared>>
      %dma_wait3A_281 = arith.constant 0 : i32
      %dma_wait3A_282 = tpu.memref_slice %arg2[%mul3A_4, %dma_wait3A_281] : memref<10112x32xf32, #tpu.memory_space<hbm>> -> memref<632x32xf32, #tpu.memory_space<hbm>>
      tpu.wait_dma2 semaphore(%run_scoped3A : memref<!tpu.dma_semaphore, #tpu.memory_space<semaphore_mem>>) src(%dma_wait3A_282 : memref<632x32xf32, #tpu.memory_space<hbm>>) dst(%dma_wait3A_280 : memref<632x32xf32, #tpu.memory_space<vmem_shared>>)
      tpu.yield
    }) : () -> ()
    %eq3A = arith.constant 0 : i32
    %eq3A_7 = arith.cmpi eq, %arg0, %eq3A : i32
    %convert_element_type3A = arith.extui %eq3A_7 : i1 to i32
    %cond3A = arith.constant 0 : i32
    %cond3A_8 = arith.cmpi ne, %convert_element_type3A, %cond3A : i32
    scf.if %cond3A_8 {
      %run_scoped3A = arith.constant 0 : i32
      "tpu.region"() ({
        %run_scoped3A_276 = tpu.sem_alloc : memref<!tpu.dma_semaphore, #tpu.memory_space<semaphore_mem>>
        %dma_start3A_277 = arith.constant 0 : i32
        %dma_start3A_278 = arith.constant 0 : i32
        %dma_start3A_279 = tpu.memref_slice %arg7[%dma_start3A_277, %dma_start3A_278] : memref<80x128xi32, #tpu.memory_space<vmem>> -> memref<80x128xi32, #tpu.memory_space<vmem>>
        %dma_start3A_280 = arith.constant 0 : i32
        %dma_start3A_281 = arith.constant 0 : i32
        %dma_start3A_282 = tpu.memref_slice %arg3[%run_scoped3A, %arg1, %dma_start3A_280, %dma_start3A_281] : memref<2x16x80x128xi32, #tpu.memory_space<hbm>> -> memref<1x1x80x128xi32, #tpu.memory_space<hbm>>
        %dma_start3A_283 = tpu.memref_squeeze %dma_start3A_282 : memref<1x1x80x128xi32, #tpu.memory_space<hbm>> -> memref<80x128xi32, #tpu.memory_space<hbm>>
        %dma_start3A_284 = arith.constant 0 : i32
        %dma_start3A_285 = arith.constant 0 : i32
        %dma_start3A_286 = tpu.memref_slice %arg7[%dma_start3A_284, %dma_start3A_285] : memref<80x128xi32, #tpu.memory_space<vmem>> -> memref<80x128xi32, #tpu.memory_space<vmem>>
        %dma_start3A_287 = arith.constant 0 : i32
        %dma_start3A_288 = arith.constant 0 : i32
        %dma_start3A_289 = tpu.memref_slice %arg3[%run_scoped3A, %arg1, %dma_start3A_287, %dma_start3A_288] : memref<2x16x80x128xi32, #tpu.memory_space<hbm>> -> memref<1x1x80x128xi32, #tpu.memory_space<hbm>>
        %dma_start3A_290 = tpu.memref_squeeze %dma_start3A_289 : memref<1x1x80x128xi32, #tpu.memory_space<hbm>> -> memref<80x128xi32, #tpu.memory_space<hbm>>
        tpu.enqueue_dma source(%dma_start3A_290 : memref<80x128xi32, #tpu.memory_space<hbm>>) target(%dma_start3A_286 : memref<80x128xi32, #tpu.memory_space<vmem>>) target_semaphore(%run_scoped3A_276 : memref<!tpu.dma_semaphore, #tpu.memory_space<semaphore_mem>>)
        %dma_wait3A_291 = arith.constant 0 : i32
        %dma_wait3A_292 = arith.constant 0 : i32
        %dma_wait3A_293 = tpu.memref_slice %arg7[%dma_wait3A_291, %dma_wait3A_292] : memref<80x128xi32, #tpu.memory_space<vmem>> -> memref<80x128xi32, #tpu.memory_space<vmem>>
        %dma_wait3A_294 = arith.constant 0 : i32
        %dma_wait3A_295 = arith.constant 0 : i32
        %dma_wait3A_296 = tpu.memref_slice %arg3[%run_scoped3A, %arg1, %dma_wait3A_294, %dma_wait3A_295] : memref<2x16x80x128xi32, #tpu.memory_space<hbm>> -> memref<1x1x80x128xi32, #tpu.memory_space<hbm>>
        %dma_wait3A_297 = tpu.memref_squeeze %dma_wait3A_296 : memref<1x1x80x128xi32, #tpu.memory_space<hbm>> -> memref<80x128xi32, #tpu.memory_space<hbm>>
        %dma_wait3A_298 = arith.constant 0 : i32
        %dma_wait3A_299 = arith.constant 0 : i32
        %dma_wait3A_300 = tpu.memref_slice %arg7[%dma_wait3A_298, %dma_wait3A_299] : memref<80x128xi32, #tpu.memory_space<vmem>> -> memref<80x128xi32, #tpu.memory_space<vmem>>
        %dma_wait3A_301 = arith.constant 0 : i32
        %dma_wait3A_302 = arith.constant 0 : i32
        %dma_wait3A_303 = tpu.memref_slice %arg3[%run_scoped3A, %arg1, %dma_wait3A_301, %dma_wait3A_302] : memref<2x16x80x128xi32, #tpu.memory_space<hbm>> -> memref<1x1x80x128xi32, #tpu.memory_space<hbm>>
        %dma_wait3A_304 = tpu.memref_squeeze %dma_wait3A_303 : memref<1x1x80x128xi32, #tpu.memory_space<hbm>> -> memref<80x128xi32, #tpu.memory_space<hbm>>
        tpu.wait_dma2 semaphore(%run_scoped3A_276 : memref<!tpu.dma_semaphore, #tpu.memory_space<semaphore_mem>>) src(%dma_wait3A_304 : memref<80x128xi32, #tpu.memory_space<hbm>>) dst(%dma_wait3A_300 : memref<80x128xi32, #tpu.memory_space<vmem>>)
        tpu.yield
      }) : () -> ()
      %run_scoped3A_275 = arith.constant 1 : i32
      "tpu.region"() ({
        %run_scoped3A_276 = tpu.sem_alloc : memref<!tpu.dma_semaphore, #tpu.memory_space<semaphore_mem>>
        %dma_start3A_277 = arith.constant 0 : i32
        %dma_start3A_278 = arith.constant 0 : i32
        %dma_start3A_279 = tpu.memref_slice %arg8[%dma_start3A_277, %dma_start3A_278] : memref<80x128xi32, #tpu.memory_space<vmem>> -> memref<80x128xi32, #tpu.memory_space<vmem>>
        %dma_start3A_280 = arith.constant 0 : i32
        %dma_start3A_281 = arith.constant 0 : i32
        %dma_start3A_282 = tpu.memref_slice %arg3[%run_scoped3A_275, %arg1, %dma_start3A_280, %dma_start3A_281] : memref<2x16x80x128xi32, #tpu.memory_space<hbm>> -> memref<1x1x80x128xi32, #tpu.memory_space<hbm>>
        %dma_start3A_283 = tpu.memref_squeeze %dma_start3A_282 : memref<1x1x80x128xi32, #tpu.memory_space<hbm>> -> memref<80x128xi32, #tpu.memory_space<hbm>>
        %dma_start3A_284 = arith.constant 0 : i32
        %dma_start3A_285 = arith.constant 0 : i32
        %dma_start3A_286 = tpu.memref_slice %arg8[%dma_start3A_284, %dma_start3A_285] : memref<80x128xi32, #tpu.memory_space<vmem>> -> memref<80x128xi32, #tpu.memory_space<vmem>>
        %dma_start3A_287 = arith.constant 0 : i32
        %dma_start3A_288 = arith.constant 0 : i32
        %dma_start3A_289 = tpu.memref_slice %arg3[%run_scoped3A_275, %arg1, %dma_start3A_287, %dma_start3A_288] : memref<2x16x80x128xi32, #tpu.memory_space<hbm>> -> memref<1x1x80x128xi32, #tpu.memory_space<hbm>>
        %dma_start3A_290 = tpu.memref_squeeze %dma_start3A_289 : memref<1x1x80x128xi32, #tpu.memory_space<hbm>> -> memref<80x128xi32, #tpu.memory_space<hbm>>
        tpu.enqueue_dma source(%dma_start3A_290 : memref<80x128xi32, #tpu.memory_space<hbm>>) target(%dma_start3A_286 : memref<80x128xi32, #tpu.memory_space<vmem>>) target_semaphore(%run_scoped3A_276 : memref<!tpu.dma_semaphore, #tpu.memory_space<semaphore_mem>>)
        %dma_wait3A_291 = arith.constant 0 : i32
        %dma_wait3A_292 = arith.constant 0 : i32
        %dma_wait3A_293 = tpu.memref_slice %arg8[%dma_wait3A_291, %dma_wait3A_292] : memref<80x128xi32, #tpu.memory_space<vmem>> -> memref<80x128xi32, #tpu.memory_space<vmem>>
        %dma_wait3A_294 = arith.constant 0 : i32
        %dma_wait3A_295 = arith.constant 0 : i32
        %dma_wait3A_296 = tpu.memref_slice %arg3[%run_scoped3A_275, %arg1, %dma_wait3A_294, %dma_wait3A_295] : memref<2x16x80x128xi32, #tpu.memory_space<hbm>> -> memref<1x1x80x128xi32, #tpu.memory_space<hbm>>
        %dma_wait3A_297 = tpu.memref_squeeze %dma_wait3A_296 : memref<1x1x80x128xi32, #tpu.memory_space<hbm>> -> memref<80x128xi32, #tpu.memory_space<hbm>>
        %dma_wait3A_298 = arith.constant 0 : i32
        %dma_wait3A_299 = arith.constant 0 : i32
        %dma_wait3A_300 = tpu.memref_slice %arg8[%dma_wait3A_298, %dma_wait3A_299] : memref<80x128xi32, #tpu.memory_space<vmem>> -> memref<80x128xi32, #tpu.memory_space<vmem>>
        %dma_wait3A_301 = arith.constant 0 : i32
        %dma_wait3A_302 = arith.constant 0 : i32
        %dma_wait3A_303 = tpu.memref_slice %arg3[%run_scoped3A_275, %arg1, %dma_wait3A_301, %dma_wait3A_302] : memref<2x16x80x128xi32, #tpu.memory_space<hbm>> -> memref<1x1x80x128xi32, #tpu.memory_space<hbm>>
        %dma_wait3A_304 = tpu.memref_squeeze %dma_wait3A_303 : memref<1x1x80x128xi32, #tpu.memory_space<hbm>> -> memref<80x128xi32, #tpu.memory_space<hbm>>
        tpu.wait_dma2 semaphore(%run_scoped3A_276 : memref<!tpu.dma_semaphore, #tpu.memory_space<semaphore_mem>>) src(%dma_wait3A_304 : memref<80x128xi32, #tpu.memory_space<hbm>>) dst(%dma_wait3A_300 : memref<80x128xi32, #tpu.memory_space<vmem>>)
        tpu.yield
      }) : () -> ()
    } else {
    }
    %eq3A_9 = arith.constant 1 : i32
    %eq3A_10 = arith.cmpi eq, %arg0, %eq3A_9 : i32
    %convert_element_type3A_11 = arith.extui %eq3A_10 : i1 to i32
    %cond3A_12 = arith.constant 0 : i32
    %cond3A_13 = arith.cmpi ne, %convert_element_type3A_11, %cond3A_12 : i32
    scf.if %cond3A_13 {
      %run_scoped3A = arith.constant 0 : i32
      "tpu.region"() ({
        %run_scoped3A_276 = tpu.sem_alloc : memref<!tpu.dma_semaphore, #tpu.memory_space<semaphore_mem>>
        %dma_start3A_277 = arith.constant 0 : i32
        %dma_start3A_278 = arith.constant 0 : i32
        %dma_start3A_279 = tpu.memref_slice %arg7[%dma_start3A_277, %dma_start3A_278] : memref<80x128xi32, #tpu.memory_space<vmem>> -> memref<80x128xi32, #tpu.memory_space<vmem>>
        %dma_start3A_280 = arith.constant 0 : i32
        %dma_start3A_281 = arith.constant 0 : i32
        %dma_start3A_282 = tpu.memref_slice %arg4[%run_scoped3A, %arg1, %dma_start3A_280, %dma_start3A_281] : memref<2x16x80x128xi32, #tpu.memory_space<hbm>> -> memref<1x1x80x128xi32, #tpu.memory_space<hbm>>
        %dma_start3A_283 = tpu.memref_squeeze %dma_start3A_282 : memref<1x1x80x128xi32, #tpu.memory_space<hbm>> -> memref<80x128xi32, #tpu.memory_space<hbm>>
        %dma_start3A_284 = arith.constant 0 : i32
        %dma_start3A_285 = arith.constant 0 : i32
        %dma_start3A_286 = tpu.memref_slice %arg7[%dma_start3A_284, %dma_start3A_285] : memref<80x128xi32, #tpu.memory_space<vmem>> -> memref<80x128xi32, #tpu.memory_space<vmem>>
        %dma_start3A_287 = arith.constant 0 : i32
        %dma_start3A_288 = arith.constant 0 : i32
        %dma_start3A_289 = tpu.memref_slice %arg4[%run_scoped3A, %arg1, %dma_start3A_287, %dma_start3A_288] : memref<2x16x80x128xi32, #tpu.memory_space<hbm>> -> memref<1x1x80x128xi32, #tpu.memory_space<hbm>>
        %dma_start3A_290 = tpu.memref_squeeze %dma_start3A_289 : memref<1x1x80x128xi32, #tpu.memory_space<hbm>> -> memref<80x128xi32, #tpu.memory_space<hbm>>
        tpu.enqueue_dma source(%dma_start3A_290 : memref<80x128xi32, #tpu.memory_space<hbm>>) target(%dma_start3A_286 : memref<80x128xi32, #tpu.memory_space<vmem>>) target_semaphore(%run_scoped3A_276 : memref<!tpu.dma_semaphore, #tpu.memory_space<semaphore_mem>>)
        %dma_wait3A_291 = arith.constant 0 : i32
        %dma_wait3A_292 = arith.constant 0 : i32
        %dma_wait3A_293 = tpu.memref_slice %arg7[%dma_wait3A_291, %dma_wait3A_292] : memref<80x128xi32, #tpu.memory_space<vmem>> -> memref<80x128xi32, #tpu.memory_space<vmem>>
        %dma_wait3A_294 = arith.constant 0 : i32
        %dma_wait3A_295 = arith.constant 0 : i32
        %dma_wait3A_296 = tpu.memref_slice %arg4[%run_scoped3A, %arg1, %dma_wait3A_294, %dma_wait3A_295] : memref<2x16x80x128xi32, #tpu.memory_space<hbm>> -> memref<1x1x80x128xi32, #tpu.memory_space<hbm>>
        %dma_wait3A_297 = tpu.memref_squeeze %dma_wait3A_296 : memref<1x1x80x128xi32, #tpu.memory_space<hbm>> -> memref<80x128xi32, #tpu.memory_space<hbm>>
        %dma_wait3A_298 = arith.constant 0 : i32
        %dma_wait3A_299 = arith.constant 0 : i32
        %dma_wait3A_300 = tpu.memref_slice %arg7[%dma_wait3A_298, %dma_wait3A_299] : memref<80x128xi32, #tpu.memory_space<vmem>> -> memref<80x128xi32, #tpu.memory_space<vmem>>
        %dma_wait3A_301 = arith.constant 0 : i32
        %dma_wait3A_302 = arith.constant 0 : i32
        %dma_wait3A_303 = tpu.memref_slice %arg4[%run_scoped3A, %arg1, %dma_wait3A_301, %dma_wait3A_302] : memref<2x16x80x128xi32, #tpu.memory_space<hbm>> -> memref<1x1x80x128xi32, #tpu.memory_space<hbm>>
        %dma_wait3A_304 = tpu.memref_squeeze %dma_wait3A_303 : memref<1x1x80x128xi32, #tpu.memory_space<hbm>> -> memref<80x128xi32, #tpu.memory_space<hbm>>
        tpu.wait_dma2 semaphore(%run_scoped3A_276 : memref<!tpu.dma_semaphore, #tpu.memory_space<semaphore_mem>>) src(%dma_wait3A_304 : memref<80x128xi32, #tpu.memory_space<hbm>>) dst(%dma_wait3A_300 : memref<80x128xi32, #tpu.memory_space<vmem>>)
        tpu.yield
      }) : () -> ()
      %run_scoped3A_275 = arith.constant 1 : i32
      "tpu.region"() ({
        %run_scoped3A_276 = tpu.sem_alloc : memref<!tpu.dma_semaphore, #tpu.memory_space<semaphore_mem>>
        %dma_start3A_277 = arith.constant 0 : i32
        %dma_start3A_278 = arith.constant 0 : i32
        %dma_start3A_279 = tpu.memref_slice %arg8[%dma_start3A_277, %dma_start3A_278] : memref<80x128xi32, #tpu.memory_space<vmem>> -> memref<80x128xi32, #tpu.memory_space<vmem>>
        %dma_start3A_280 = arith.constant 0 : i32
        %dma_start3A_281 = arith.constant 0 : i32
        %dma_start3A_282 = tpu.memref_slice %arg4[%run_scoped3A_275, %arg1, %dma_start3A_280, %dma_start3A_281] : memref<2x16x80x128xi32, #tpu.memory_space<hbm>> -> memref<1x1x80x128xi32, #tpu.memory_space<hbm>>
        %dma_start3A_283 = tpu.memref_squeeze %dma_start3A_282 : memref<1x1x80x128xi32, #tpu.memory_space<hbm>> -> memref<80x128xi32, #tpu.memory_space<hbm>>
        %dma_start3A_284 = arith.constant 0 : i32
        %dma_start3A_285 = arith.constant 0 : i32
        %dma_start3A_286 = tpu.memref_slice %arg8[%dma_start3A_284, %dma_start3A_285] : memref<80x128xi32, #tpu.memory_space<vmem>> -> memref<80x128xi32, #tpu.memory_space<vmem>>
        %dma_start3A_287 = arith.constant 0 : i32
        %dma_start3A_288 = arith.constant 0 : i32
        %dma_start3A_289 = tpu.memref_slice %arg4[%run_scoped3A_275, %arg1, %dma_start3A_287, %dma_start3A_288] : memref<2x16x80x128xi32, #tpu.memory_space<hbm>> -> memref<1x1x80x128xi32, #tpu.memory_space<hbm>>
        %dma_start3A_290 = tpu.memref_squeeze %dma_start3A_289 : memref<1x1x80x128xi32, #tpu.memory_space<hbm>> -> memref<80x128xi32, #tpu.memory_space<hbm>>
        tpu.enqueue_dma source(%dma_start3A_290 : memref<80x128xi32, #tpu.memory_space<hbm>>) target(%dma_start3A_286 : memref<80x128xi32, #tpu.memory_space<vmem>>) target_semaphore(%run_scoped3A_276 : memref<!tpu.dma_semaphore, #tpu.memory_space<semaphore_mem>>)
        %dma_wait3A_291 = arith.constant 0 : i32
        %dma_wait3A_292 = arith.constant 0 : i32
        %dma_wait3A_293 = tpu.memref_slice %arg8[%dma_wait3A_291, %dma_wait3A_292] : memref<80x128xi32, #tpu.memory_space<vmem>> -> memref<80x128xi32, #tpu.memory_space<vmem>>
        %dma_wait3A_294 = arith.constant 0 : i32
        %dma_wait3A_295 = arith.constant 0 : i32
        %dma_wait3A_296 = tpu.memref_slice %arg4[%run_scoped3A_275, %arg1, %dma_wait3A_294, %dma_wait3A_295] : memref<2x16x80x128xi32, #tpu.memory_space<hbm>> -> memref<1x1x80x128xi32, #tpu.memory_space<hbm>>
        %dma_wait3A_297 = tpu.memref_squeeze %dma_wait3A_296 : memref<1x1x80x128xi32, #tpu.memory_space<hbm>> -> memref<80x128xi32, #tpu.memory_space<hbm>>
        %dma_wait3A_298 = arith.constant 0 : i32
        %dma_wait3A_299 = arith.constant 0 : i32
        %dma_wait3A_300 = tpu.memref_slice %arg8[%dma_wait3A_298, %dma_wait3A_299] : memref<80x128xi32, #tpu.memory_space<vmem>> -> memref<80x128xi32, #tpu.memory_space<vmem>>
        %dma_wait3A_301 = arith.constant 0 : i32
        %dma_wait3A_302 = arith.constant 0 : i32
        %dma_wait3A_303 = tpu.memref_slice %arg4[%run_scoped3A_275, %arg1, %dma_wait3A_301, %dma_wait3A_302] : memref<2x16x80x128xi32, #tpu.memory_space<hbm>> -> memref<1x1x80x128xi32, #tpu.memory_space<hbm>>
        %dma_wait3A_304 = tpu.memref_squeeze %dma_wait3A_303 : memref<1x1x80x128xi32, #tpu.memory_space<hbm>> -> memref<80x128xi32, #tpu.memory_space<hbm>>
        tpu.wait_dma2 semaphore(%run_scoped3A_276 : memref<!tpu.dma_semaphore, #tpu.memory_space<semaphore_mem>>) src(%dma_wait3A_304 : memref<80x128xi32, #tpu.memory_space<hbm>>) dst(%dma_wait3A_300 : memref<80x128xi32, #tpu.memory_space<vmem>>)
        tpu.yield
      }) : () -> ()
    } else {
    }
    %barrier3A = arith.constant 0 : index
    tpu.barrier barrier_id(%barrier3A)
    %eq3A_14 = arith.constant 0 : i32
    %eq3A_15 = arith.cmpi eq, %arg0, %eq3A_14 : i32
    %jit3A = arith.constant 80 : i32
    %jit3A_16 = arith.constant 80 : i32
    %select_n3A = arith.select %eq3A_15, %jit3A, %jit3A_16 : i32
    %dma_start3A = arith.constant 0 : i32
    %dma_start3A_17 = arith.constant 0 : i32
    %dma_start3A_18 = arith.constant 0 : i32
    %dma_start3A_19 = arith.constant 0 : i32
    %dma_start3A_20 = arith.constant 0 : i32
    %dma_start3A_21 = tpu.memref_slice %arg9[%dma_start3A_17, %dma_start3A_19, %dma_start3A_20] : memref<8x128x32xf32, #tpu.memory_space<vmem>> -> memref<1x128x32xf32, #tpu.memory_space<vmem>>
    %dma_start3A_22 = tpu.memref_squeeze %dma_start3A_21 : memref<1x128x32xf32, #tpu.memory_space<vmem>> -> memref<128x32xf32, #tpu.memory_space<vmem>>
    %dma_start3A_23 = arith.constant 0 : i32
    %dma_start3A_24 = tpu.memref_slice %arg7[%dma_start3A, %dma_start3A_23] : memref<80x128xi32, #tpu.memory_space<vmem>> -> memref<1x128xi32, #tpu.memory_space<vmem>>
    %dma_start3A_25 = tpu.memref_squeeze %dma_start3A_24 : memref<1x128xi32, #tpu.memory_space<vmem>> -> memref<128xi32, #tpu.memory_space<vmem>>
    %dma_start3A_26 = arith.constant 0 : i32
    %dma_start3A_27 = arith.constant 0 : i32
    %dma_start3A_28 = tpu.memref_slice %arg11[%dma_start3A_26, %dma_start3A_27] : memref<10112x32xf32, #tpu.memory_space<vmem_shared>> -> memref<10112x32xf32, #tpu.memory_space<vmem_shared>>
    %dma_start3A_29 = tpu.memref_slice %arg12[%dma_start3A_18] : memref<8x!tpu.dma_semaphore, #tpu.memory_space<semaphore_mem>> -> memref<1x!tpu.dma_semaphore, #tpu.memory_space<semaphore_mem>>
    %dma_start3A_30 = tpu.memref_squeeze %dma_start3A_29 : memref<1x!tpu.dma_semaphore, #tpu.memory_space<semaphore_mem>> -> memref<!tpu.dma_semaphore, #tpu.memory_space<semaphore_mem>>
    tpu.enqueue_indirect_dma source(%dma_start3A_28 : memref<10112x32xf32, #tpu.memory_space<vmem_shared>>) target(%dma_start3A_22 : memref<128x32xf32, #tpu.memory_space<vmem>>) offsets(%dma_start3A_25 : memref<128xi32, #tpu.memory_space<vmem>>) semaphore(%dma_start3A_30 : memref<!tpu.dma_semaphore, #tpu.memory_space<semaphore_mem>>)
    %dma_start3A_31 = arith.constant 1 : i32
    %dma_start3A_32 = arith.constant 1 : i32
    %dma_start3A_33 = arith.constant 1 : i32
    %dma_start3A_34 = arith.constant 0 : i32
    %dma_start3A_35 = arith.constant 0 : i32
    %dma_start3A_36 = tpu.memref_slice %arg9[%dma_start3A_32, %dma_start3A_34, %dma_start3A_35] : memref<8x128x32xf32, #tpu.memory_space<vmem>> -> memref<1x128x32xf32, #tpu.memory_space<vmem>>
    %dma_start3A_37 = tpu.memref_squeeze %dma_start3A_36 : memref<1x128x32xf32, #tpu.memory_space<vmem>> -> memref<128x32xf32, #tpu.memory_space<vmem>>
    %dma_start3A_38 = arith.constant 0 : i32
    %dma_start3A_39 = tpu.memref_slice %arg7[%dma_start3A_31, %dma_start3A_38] : memref<80x128xi32, #tpu.memory_space<vmem>> -> memref<1x128xi32, #tpu.memory_space<vmem>>
    %dma_start3A_40 = tpu.memref_squeeze %dma_start3A_39 : memref<1x128xi32, #tpu.memory_space<vmem>> -> memref<128xi32, #tpu.memory_space<vmem>>
    %dma_start3A_41 = arith.constant 0 : i32
    %dma_start3A_42 = arith.constant 0 : i32
    %dma_start3A_43 = tpu.memref_slice %arg11[%dma_start3A_41, %dma_start3A_42] : memref<10112x32xf32, #tpu.memory_space<vmem_shared>> -> memref<10112x32xf32, #tpu.memory_space<vmem_shared>>
    %dma_start3A_44 = tpu.memref_slice %arg12[%dma_start3A_33] : memref<8x!tpu.dma_semaphore, #tpu.memory_space<semaphore_mem>> -> memref<1x!tpu.dma_semaphore, #tpu.memory_space<semaphore_mem>>
    %dma_start3A_45 = tpu.memref_squeeze %dma_start3A_44 : memref<1x!tpu.dma_semaphore, #tpu.memory_space<semaphore_mem>> -> memref<!tpu.dma_semaphore, #tpu.memory_space<semaphore_mem>>
    tpu.enqueue_indirect_dma source(%dma_start3A_43 : memref<10112x32xf32, #tpu.memory_space<vmem_shared>>) target(%dma_start3A_37 : memref<128x32xf32, #tpu.memory_space<vmem>>) offsets(%dma_start3A_40 : memref<128xi32, #tpu.memory_space<vmem>>) semaphore(%dma_start3A_45 : memref<!tpu.dma_semaphore, #tpu.memory_space<semaphore_mem>>)
    %dma_start3A_46 = arith.constant 2 : i32
    %dma_start3A_47 = arith.constant 2 : i32
    %dma_start3A_48 = arith.constant 2 : i32
    %dma_start3A_49 = arith.constant 0 : i32
    %dma_start3A_50 = arith.constant 0 : i32
    %dma_start3A_51 = tpu.memref_slice %arg9[%dma_start3A_47, %dma_start3A_49, %dma_start3A_50] : memref<8x128x32xf32, #tpu.memory_space<vmem>> -> memref<1x128x32xf32, #tpu.memory_space<vmem>>
    %dma_start3A_52 = tpu.memref_squeeze %dma_start3A_51 : memref<1x128x32xf32, #tpu.memory_space<vmem>> -> memref<128x32xf32, #tpu.memory_space<vmem>>
    %dma_start3A_53 = arith.constant 0 : i32
    %dma_start3A_54 = tpu.memref_slice %arg7[%dma_start3A_46, %dma_start3A_53] : memref<80x128xi32, #tpu.memory_space<vmem>> -> memref<1x128xi32, #tpu.memory_space<vmem>>
    %dma_start3A_55 = tpu.memref_squeeze %dma_start3A_54 : memref<1x128xi32, #tpu.memory_space<vmem>> -> memref<128xi32, #tpu.memory_space<vmem>>
    %dma_start3A_56 = arith.constant 0 : i32
    %dma_start3A_57 = arith.constant 0 : i32
    %dma_start3A_58 = tpu.memref_slice %arg11[%dma_start3A_56, %dma_start3A_57] : memref<10112x32xf32, #tpu.memory_space<vmem_shared>> -> memref<10112x32xf32, #tpu.memory_space<vmem_shared>>
    %dma_start3A_59 = tpu.memref_slice %arg12[%dma_start3A_48] : memref<8x!tpu.dma_semaphore, #tpu.memory_space<semaphore_mem>> -> memref<1x!tpu.dma_semaphore, #tpu.memory_space<semaphore_mem>>
    %dma_start3A_60 = tpu.memref_squeeze %dma_start3A_59 : memref<1x!tpu.dma_semaphore, #tpu.memory_space<semaphore_mem>> -> memref<!tpu.dma_semaphore, #tpu.memory_space<semaphore_mem>>
    tpu.enqueue_indirect_dma source(%dma_start3A_58 : memref<10112x32xf32, #tpu.memory_space<vmem_shared>>) target(%dma_start3A_52 : memref<128x32xf32, #tpu.memory_space<vmem>>) offsets(%dma_start3A_55 : memref<128xi32, #tpu.memory_space<vmem>>) semaphore(%dma_start3A_60 : memref<!tpu.dma_semaphore, #tpu.memory_space<semaphore_mem>>)
    %dma_start3A_61 = arith.constant 3 : i32
    %dma_start3A_62 = arith.constant 3 : i32
    %dma_start3A_63 = arith.constant 3 : i32
    %dma_start3A_64 = arith.constant 0 : i32
    %dma_start3A_65 = arith.constant 0 : i32
    %dma_start3A_66 = tpu.memref_slice %arg9[%dma_start3A_62, %dma_start3A_64, %dma_start3A_65] : memref<8x128x32xf32, #tpu.memory_space<vmem>> -> memref<1x128x32xf32, #tpu.memory_space<vmem>>
    %dma_start3A_67 = tpu.memref_squeeze %dma_start3A_66 : memref<1x128x32xf32, #tpu.memory_space<vmem>> -> memref<128x32xf32, #tpu.memory_space<vmem>>
    %dma_start3A_68 = arith.constant 0 : i32
    %dma_start3A_69 = tpu.memref_slice %arg7[%dma_start3A_61, %dma_start3A_68] : memref<80x128xi32, #tpu.memory_space<vmem>> -> memref<1x128xi32, #tpu.memory_space<vmem>>
    %dma_start3A_70 = tpu.memref_squeeze %dma_start3A_69 : memref<1x128xi32, #tpu.memory_space<vmem>> -> memref<128xi32, #tpu.memory_space<vmem>>
    %dma_start3A_71 = arith.constant 0 : i32
    %dma_start3A_72 = arith.constant 0 : i32
    %dma_start3A_73 = tpu.memref_slice %arg11[%dma_start3A_71, %dma_start3A_72] : memref<10112x32xf32, #tpu.memory_space<vmem_shared>> -> memref<10112x32xf32, #tpu.memory_space<vmem_shared>>
    %dma_start3A_74 = tpu.memref_slice %arg12[%dma_start3A_63] : memref<8x!tpu.dma_semaphore, #tpu.memory_space<semaphore_mem>> -> memref<1x!tpu.dma_semaphore, #tpu.memory_space<semaphore_mem>>
    %dma_start3A_75 = tpu.memref_squeeze %dma_start3A_74 : memref<1x!tpu.dma_semaphore, #tpu.memory_space<semaphore_mem>> -> memref<!tpu.dma_semaphore, #tpu.memory_space<semaphore_mem>>
    tpu.enqueue_indirect_dma source(%dma_start3A_73 : memref<10112x32xf32, #tpu.memory_space<vmem_shared>>) target(%dma_start3A_67 : memref<128x32xf32, #tpu.memory_space<vmem>>) offsets(%dma_start3A_70 : memref<128xi32, #tpu.memory_space<vmem>>) semaphore(%dma_start3A_75 : memref<!tpu.dma_semaphore, #tpu.memory_space<semaphore_mem>>)
    %dma_start3A_76 = arith.constant 4 : i32
    %dma_start3A_77 = arith.constant 4 : i32
    %dma_start3A_78 = arith.constant 4 : i32
    %dma_start3A_79 = arith.constant 0 : i32
    %dma_start3A_80 = arith.constant 0 : i32
    %dma_start3A_81 = tpu.memref_slice %arg9[%dma_start3A_77, %dma_start3A_79, %dma_start3A_80] : memref<8x128x32xf32, #tpu.memory_space<vmem>> -> memref<1x128x32xf32, #tpu.memory_space<vmem>>
    %dma_start3A_82 = tpu.memref_squeeze %dma_start3A_81 : memref<1x128x32xf32, #tpu.memory_space<vmem>> -> memref<128x32xf32, #tpu.memory_space<vmem>>
    %dma_start3A_83 = arith.constant 0 : i32
    %dma_start3A_84 = tpu.memref_slice %arg7[%dma_start3A_76, %dma_start3A_83] : memref<80x128xi32, #tpu.memory_space<vmem>> -> memref<1x128xi32, #tpu.memory_space<vmem>>
    %dma_start3A_85 = tpu.memref_squeeze %dma_start3A_84 : memref<1x128xi32, #tpu.memory_space<vmem>> -> memref<128xi32, #tpu.memory_space<vmem>>
    %dma_start3A_86 = arith.constant 0 : i32
    %dma_start3A_87 = arith.constant 0 : i32
    %dma_start3A_88 = tpu.memref_slice %arg11[%dma_start3A_86, %dma_start3A_87] : memref<10112x32xf32, #tpu.memory_space<vmem_shared>> -> memref<10112x32xf32, #tpu.memory_space<vmem_shared>>
    %dma_start3A_89 = tpu.memref_slice %arg12[%dma_start3A_78] : memref<8x!tpu.dma_semaphore, #tpu.memory_space<semaphore_mem>> -> memref<1x!tpu.dma_semaphore, #tpu.memory_space<semaphore_mem>>
    %dma_start3A_90 = tpu.memref_squeeze %dma_start3A_89 : memref<1x!tpu.dma_semaphore, #tpu.memory_space<semaphore_mem>> -> memref<!tpu.dma_semaphore, #tpu.memory_space<semaphore_mem>>
    tpu.enqueue_indirect_dma source(%dma_start3A_88 : memref<10112x32xf32, #tpu.memory_space<vmem_shared>>) target(%dma_start3A_82 : memref<128x32xf32, #tpu.memory_space<vmem>>) offsets(%dma_start3A_85 : memref<128xi32, #tpu.memory_space<vmem>>) semaphore(%dma_start3A_90 : memref<!tpu.dma_semaphore, #tpu.memory_space<semaphore_mem>>)
    %dma_start3A_91 = arith.constant 5 : i32
    %dma_start3A_92 = arith.constant 5 : i32
    %dma_start3A_93 = arith.constant 5 : i32
    %dma_start3A_94 = arith.constant 0 : i32
    %dma_start3A_95 = arith.constant 0 : i32
    %dma_start3A_96 = tpu.memref_slice %arg9[%dma_start3A_92, %dma_start3A_94, %dma_start3A_95] : memref<8x128x32xf32, #tpu.memory_space<vmem>> -> memref<1x128x32xf32, #tpu.memory_space<vmem>>
    %dma_start3A_97 = tpu.memref_squeeze %dma_start3A_96 : memref<1x128x32xf32, #tpu.memory_space<vmem>> -> memref<128x32xf32, #tpu.memory_space<vmem>>
    %dma_start3A_98 = arith.constant 0 : i32
    %dma_start3A_99 = tpu.memref_slice %arg7[%dma_start3A_91, %dma_start3A_98] : memref<80x128xi32, #tpu.memory_space<vmem>> -> memref<1x128xi32, #tpu.memory_space<vmem>>
    %dma_start3A_100 = tpu.memref_squeeze %dma_start3A_99 : memref<1x128xi32, #tpu.memory_space<vmem>> -> memref<128xi32, #tpu.memory_space<vmem>>
    %dma_start3A_101 = arith.constant 0 : i32
    %dma_start3A_102 = arith.constant 0 : i32
    %dma_start3A_103 = tpu.memref_slice %arg11[%dma_start3A_101, %dma_start3A_102] : memref<10112x32xf32, #tpu.memory_space<vmem_shared>> -> memref<10112x32xf32, #tpu.memory_space<vmem_shared>>
    %dma_start3A_104 = tpu.memref_slice %arg12[%dma_start3A_93] : memref<8x!tpu.dma_semaphore, #tpu.memory_space<semaphore_mem>> -> memref<1x!tpu.dma_semaphore, #tpu.memory_space<semaphore_mem>>
    %dma_start3A_105 = tpu.memref_squeeze %dma_start3A_104 : memref<1x!tpu.dma_semaphore, #tpu.memory_space<semaphore_mem>> -> memref<!tpu.dma_semaphore, #tpu.memory_space<semaphore_mem>>
    tpu.enqueue_indirect_dma source(%dma_start3A_103 : memref<10112x32xf32, #tpu.memory_space<vmem_shared>>) target(%dma_start3A_97 : memref<128x32xf32, #tpu.memory_space<vmem>>) offsets(%dma_start3A_100 : memref<128xi32, #tpu.memory_space<vmem>>) semaphore(%dma_start3A_105 : memref<!tpu.dma_semaphore, #tpu.memory_space<semaphore_mem>>)
    %dma_start3A_106 = arith.constant 6 : i32
    %dma_start3A_107 = arith.constant 6 : i32
    %dma_start3A_108 = arith.constant 6 : i32
    %dma_start3A_109 = arith.constant 0 : i32
    %dma_start3A_110 = arith.constant 0 : i32
    %dma_start3A_111 = tpu.memref_slice %arg9[%dma_start3A_107, %dma_start3A_109, %dma_start3A_110] : memref<8x128x32xf32, #tpu.memory_space<vmem>> -> memref<1x128x32xf32, #tpu.memory_space<vmem>>
    %dma_start3A_112 = tpu.memref_squeeze %dma_start3A_111 : memref<1x128x32xf32, #tpu.memory_space<vmem>> -> memref<128x32xf32, #tpu.memory_space<vmem>>
    %dma_start3A_113 = arith.constant 0 : i32
    %dma_start3A_114 = tpu.memref_slice %arg7[%dma_start3A_106, %dma_start3A_113] : memref<80x128xi32, #tpu.memory_space<vmem>> -> memref<1x128xi32, #tpu.memory_space<vmem>>
    %dma_start3A_115 = tpu.memref_squeeze %dma_start3A_114 : memref<1x128xi32, #tpu.memory_space<vmem>> -> memref<128xi32, #tpu.memory_space<vmem>>
    %dma_start3A_116 = arith.constant 0 : i32
    %dma_start3A_117 = arith.constant 0 : i32
    %dma_start3A_118 = tpu.memref_slice %arg11[%dma_start3A_116, %dma_start3A_117] : memref<10112x32xf32, #tpu.memory_space<vmem_shared>> -> memref<10112x32xf32, #tpu.memory_space<vmem_shared>>
    %dma_start3A_119 = tpu.memref_slice %arg12[%dma_start3A_108] : memref<8x!tpu.dma_semaphore, #tpu.memory_space<semaphore_mem>> -> memref<1x!tpu.dma_semaphore, #tpu.memory_space<semaphore_mem>>
    %dma_start3A_120 = tpu.memref_squeeze %dma_start3A_119 : memref<1x!tpu.dma_semaphore, #tpu.memory_space<semaphore_mem>> -> memref<!tpu.dma_semaphore, #tpu.memory_space<semaphore_mem>>
    tpu.enqueue_indirect_dma source(%dma_start3A_118 : memref<10112x32xf32, #tpu.memory_space<vmem_shared>>) target(%dma_start3A_112 : memref<128x32xf32, #tpu.memory_space<vmem>>) offsets(%dma_start3A_115 : memref<128xi32, #tpu.memory_space<vmem>>) semaphore(%dma_start3A_120 : memref<!tpu.dma_semaphore, #tpu.memory_space<semaphore_mem>>)
    %dma_start3A_121 = arith.constant 7 : i32
    %dma_start3A_122 = arith.constant 7 : i32
    %dma_start3A_123 = arith.constant 7 : i32
    %dma_start3A_124 = arith.constant 0 : i32
    %dma_start3A_125 = arith.constant 0 : i32
    %dma_start3A_126 = tpu.memref_slice %arg9[%dma_start3A_122, %dma_start3A_124, %dma_start3A_125] : memref<8x128x32xf32, #tpu.memory_space<vmem>> -> memref<1x128x32xf32, #tpu.memory_space<vmem>>
    %dma_start3A_127 = tpu.memref_squeeze %dma_start3A_126 : memref<1x128x32xf32, #tpu.memory_space<vmem>> -> memref<128x32xf32, #tpu.memory_space<vmem>>
    %dma_start3A_128 = arith.constant 0 : i32
    %dma_start3A_129 = tpu.memref_slice %arg7[%dma_start3A_121, %dma_start3A_128] : memref<80x128xi32, #tpu.memory_space<vmem>> -> memref<1x128xi32, #tpu.memory_space<vmem>>
    %dma_start3A_130 = tpu.memref_squeeze %dma_start3A_129 : memref<1x128xi32, #tpu.memory_space<vmem>> -> memref<128xi32, #tpu.memory_space<vmem>>
    %dma_start3A_131 = arith.constant 0 : i32
    %dma_start3A_132 = arith.constant 0 : i32
    %dma_start3A_133 = tpu.memref_slice %arg11[%dma_start3A_131, %dma_start3A_132] : memref<10112x32xf32, #tpu.memory_space<vmem_shared>> -> memref<10112x32xf32, #tpu.memory_space<vmem_shared>>
    %dma_start3A_134 = tpu.memref_slice %arg12[%dma_start3A_123] : memref<8x!tpu.dma_semaphore, #tpu.memory_space<semaphore_mem>> -> memref<1x!tpu.dma_semaphore, #tpu.memory_space<semaphore_mem>>
    %dma_start3A_135 = tpu.memref_squeeze %dma_start3A_134 : memref<1x!tpu.dma_semaphore, #tpu.memory_space<semaphore_mem>> -> memref<!tpu.dma_semaphore, #tpu.memory_space<semaphore_mem>>
    tpu.enqueue_indirect_dma source(%dma_start3A_133 : memref<10112x32xf32, #tpu.memory_space<vmem_shared>>) target(%dma_start3A_127 : memref<128x32xf32, #tpu.memory_space<vmem>>) offsets(%dma_start3A_130 : memref<128xi32, #tpu.memory_space<vmem>>) semaphore(%dma_start3A_135 : memref<!tpu.dma_semaphore, #tpu.memory_space<semaphore_mem>>)
    %sub3A = arith.constant 0 : i32
    %sub3A_136 = arith.subi %select_n3A, %sub3A : i32
    %sub3A_137 = arith.constant 8 : i32
    %sub3A_138 = arith.constant 1 : i32
    %sub3A_139 = arith.subi %sub3A_137, %sub3A_138 : i32
    %add3A = arith.addi %sub3A_136, %sub3A_139 : i32
    %div3A = arith.constant 8 : i32
    %div3A_140 = arith.divsi %add3A, %div3A : i32
    %while3A = arith.constant 8 : i32
    %while3A_141 = arith.constant 0 : i32
    %while3A_142 = arith.constant 0 : i32
    %while3A_143 = arith.subi %div3A_140, %while3A_142 : i32
    %while3A_144 = arith.addi %while3A_142, %while3A_143 : i32
    %while3A_145 = arith.constant 1 : i32
    %while3A_146 = arith.divsi %while3A_143, %while3A_145 : i32
    %while3A_147 = arith.muli %while3A_146, %while3A_145 : i32
    %while3A_148 = arith.addi %while3A_142, %while3A_147 : i32
    %while3A_149 = arith.constant 1 : i32
    scf.for %while3A_275 = %while3A_142 to %while3A_148 step %while3A_149  : i32 {
      %mul3A_276 = arith.muli %while3A_275, %while3A : i32
      %add3A_277 = arith.addi %while3A_141, %mul3A_276 : i32
      %add3A_278 = arith.constant 0 : i32
      %add3A_279 = arith.addi %add3A_277, %add3A_278 : i32
      %dma_wait3A_280 = arith.constant 0 : i32
      %dma_wait3A_281 = arith.constant 0 : i32
      %dma_wait3A_282 = arith.constant 0 : i32
      %dma_wait3A_283 = arith.constant 0 : i32
      %dma_wait3A_284 = tpu.memref_slice %arg9[%dma_wait3A_280, %dma_wait3A_282, %dma_wait3A_283] : memref<8x128x32xf32, #tpu.memory_space<vmem>> -> memref<1x128x32xf32, #tpu.memory_space<vmem>>
      %dma_wait3A_285 = tpu.memref_squeeze %dma_wait3A_284 : memref<1x128x32xf32, #tpu.memory_space<vmem>> -> memref<128x32xf32, #tpu.memory_space<vmem>>
      %dma_wait3A_286 = arith.constant 0 : i32
      %dma_wait3A_287 = tpu.memref_slice %arg7[%add3A_279, %dma_wait3A_286] : memref<80x128xi32, #tpu.memory_space<vmem>> -> memref<1x128xi32, #tpu.memory_space<vmem>>
      %dma_wait3A_288 = tpu.memref_squeeze %dma_wait3A_287 : memref<1x128xi32, #tpu.memory_space<vmem>> -> memref<128xi32, #tpu.memory_space<vmem>>
      %dma_wait3A_289 = arith.constant 0 : i32
      %dma_wait3A_290 = arith.constant 0 : i32
      %dma_wait3A_291 = tpu.memref_slice %arg11[%dma_wait3A_289, %dma_wait3A_290] : memref<10112x32xf32, #tpu.memory_space<vmem_shared>> -> memref<10112x32xf32, #tpu.memory_space<vmem_shared>>
      %dma_wait3A_292 = tpu.memref_slice %arg12[%dma_wait3A_281] : memref<8x!tpu.dma_semaphore, #tpu.memory_space<semaphore_mem>> -> memref<1x!tpu.dma_semaphore, #tpu.memory_space<semaphore_mem>>
      %dma_wait3A_293 = tpu.memref_squeeze %dma_wait3A_292 : memref<1x!tpu.dma_semaphore, #tpu.memory_space<semaphore_mem>> -> memref<!tpu.dma_semaphore, #tpu.memory_space<semaphore_mem>>
      tpu.wait_indirect_dma semaphore(%dma_wait3A_293 : memref<!tpu.dma_semaphore, #tpu.memory_space<semaphore_mem>>) src(%dma_wait3A_291 : memref<10112x32xf32, #tpu.memory_space<vmem_shared>>) dst(%dma_wait3A_285 : memref<128x32xf32, #tpu.memory_space<vmem>>)
      %add3A_294 = arith.constant 0 : i32
      %add3A_295 = arith.addi %add3A_277, %add3A_294 : i32
      %dma_start3A_296 = arith.constant 0 : i32
      %dma_start3A_297 = arith.constant 0 : i32
      %dma_start3A_298 = arith.constant 0 : i32
      %dma_start3A_299 = arith.constant 0 : i32
      %dma_start3A_300 = tpu.memref_slice %arg9[%dma_start3A_296, %dma_start3A_298, %dma_start3A_299] : memref<8x128x32xf32, #tpu.memory_space<vmem>> -> memref<1x128x32xf32, #tpu.memory_space<vmem>>
      %dma_start3A_301 = tpu.memref_squeeze %dma_start3A_300 : memref<1x128x32xf32, #tpu.memory_space<vmem>> -> memref<128x32xf32, #tpu.memory_space<vmem>>
      %dma_start3A_302 = arith.constant 0 : i32
      %dma_start3A_303 = tpu.memref_slice %arg8[%add3A_295, %dma_start3A_302] : memref<80x128xi32, #tpu.memory_space<vmem>> -> memref<1x128xi32, #tpu.memory_space<vmem>>
      %dma_start3A_304 = tpu.memref_squeeze %dma_start3A_303 : memref<1x128xi32, #tpu.memory_space<vmem>> -> memref<128xi32, #tpu.memory_space<vmem>>
      %dma_start3A_305 = arith.constant 0 : i32
      %dma_start3A_306 = arith.constant 0 : i32
      %dma_start3A_307 = tpu.memref_slice %arg10[%dma_start3A_305, %dma_start3A_306] : memref<10112x32xf32, #tpu.memory_space<vmem_shared>> -> memref<10112x32xf32, #tpu.memory_space<vmem_shared>>
      %dma_start3A_308 = tpu.memref_slice %arg13[%dma_start3A_297] : memref<8x!tpu.dma_semaphore, #tpu.memory_space<semaphore_mem>> -> memref<1x!tpu.dma_semaphore, #tpu.memory_space<semaphore_mem>>
      %dma_start3A_309 = tpu.memref_squeeze %dma_start3A_308 : memref<1x!tpu.dma_semaphore, #tpu.memory_space<semaphore_mem>> -> memref<!tpu.dma_semaphore, #tpu.memory_space<semaphore_mem>>
      tpu.enqueue_indirect_dma source(%dma_start3A_301 : memref<128x32xf32, #tpu.memory_space<vmem>>) target(%dma_start3A_307 : memref<10112x32xf32, #tpu.memory_space<vmem_shared>>) offsets(%dma_start3A_304 : memref<128xi32, #tpu.memory_space<vmem>>) semaphore(%dma_start3A_309 : memref<!tpu.dma_semaphore, #tpu.memory_space<semaphore_mem>>) {add = true}
      %add3A_310 = arith.constant 1 : i32
      %add3A_311 = arith.addi %add3A_277, %add3A_310 : i32
      %dma_wait3A_312 = arith.constant 1 : i32
      %dma_wait3A_313 = arith.constant 1 : i32
      %dma_wait3A_314 = arith.constant 0 : i32
      %dma_wait3A_315 = arith.constant 0 : i32
      %dma_wait3A_316 = tpu.memref_slice %arg9[%dma_wait3A_312, %dma_wait3A_314, %dma_wait3A_315] : memref<8x128x32xf32, #tpu.memory_space<vmem>> -> memref<1x128x32xf32, #tpu.memory_space<vmem>>
      %dma_wait3A_317 = tpu.memref_squeeze %dma_wait3A_316 : memref<1x128x32xf32, #tpu.memory_space<vmem>> -> memref<128x32xf32, #tpu.memory_space<vmem>>
      %dma_wait3A_318 = arith.constant 0 : i32
      %dma_wait3A_319 = tpu.memref_slice %arg7[%add3A_311, %dma_wait3A_318] : memref<80x128xi32, #tpu.memory_space<vmem>> -> memref<1x128xi32, #tpu.memory_space<vmem>>
      %dma_wait3A_320 = tpu.memref_squeeze %dma_wait3A_319 : memref<1x128xi32, #tpu.memory_space<vmem>> -> memref<128xi32, #tpu.memory_space<vmem>>
      %dma_wait3A_321 = arith.constant 0 : i32
      %dma_wait3A_322 = arith.constant 0 : i32
      %dma_wait3A_323 = tpu.memref_slice %arg11[%dma_wait3A_321, %dma_wait3A_322] : memref<10112x32xf32, #tpu.memory_space<vmem_shared>> -> memref<10112x32xf32, #tpu.memory_space<vmem_shared>>
      %dma_wait3A_324 = tpu.memref_slice %arg12[%dma_wait3A_313] : memref<8x!tpu.dma_semaphore, #tpu.memory_space<semaphore_mem>> -> memref<1x!tpu.dma_semaphore, #tpu.memory_space<semaphore_mem>>
      %dma_wait3A_325 = tpu.memref_squeeze %dma_wait3A_324 : memref<1x!tpu.dma_semaphore, #tpu.memory_space<semaphore_mem>> -> memref<!tpu.dma_semaphore, #tpu.memory_space<semaphore_mem>>
      tpu.wait_indirect_dma semaphore(%dma_wait3A_325 : memref<!tpu.dma_semaphore, #tpu.memory_space<semaphore_mem>>) src(%dma_wait3A_323 : memref<10112x32xf32, #tpu.memory_space<vmem_shared>>) dst(%dma_wait3A_317 : memref<128x32xf32, #tpu.memory_space<vmem>>)
      %add3A_326 = arith.constant 1 : i32
      %add3A_327 = arith.addi %add3A_277, %add3A_326 : i32
      %dma_start3A_328 = arith.constant 1 : i32
      %dma_start3A_329 = arith.constant 1 : i32
      %dma_start3A_330 = arith.constant 0 : i32
      %dma_start3A_331 = arith.constant 0 : i32
      %dma_start3A_332 = tpu.memref_slice %arg9[%dma_start3A_328, %dma_start3A_330, %dma_start3A_331] : memref<8x128x32xf32, #tpu.memory_space<vmem>> -> memref<1x128x32xf32, #tpu.memory_space<vmem>>
      %dma_start3A_333 = tpu.memref_squeeze %dma_start3A_332 : memref<1x128x32xf32, #tpu.memory_space<vmem>> -> memref<128x32xf32, #tpu.memory_space<vmem>>
      %dma_start3A_334 = arith.constant 0 : i32
      %dma_start3A_335 = tpu.memref_slice %arg8[%add3A_327, %dma_start3A_334] : memref<80x128xi32, #tpu.memory_space<vmem>> -> memref<1x128xi32, #tpu.memory_space<vmem>>
      %dma_start3A_336 = tpu.memref_squeeze %dma_start3A_335 : memref<1x128xi32, #tpu.memory_space<vmem>> -> memref<128xi32, #tpu.memory_space<vmem>>
      %dma_start3A_337 = arith.constant 0 : i32
      %dma_start3A_338 = arith.constant 0 : i32
      %dma_start3A_339 = tpu.memref_slice %arg10[%dma_start3A_337, %dma_start3A_338] : memref<10112x32xf32, #tpu.memory_space<vmem_shared>> -> memref<10112x32xf32, #tpu.memory_space<vmem_shared>>
      %dma_start3A_340 = tpu.memref_slice %arg13[%dma_start3A_329] : memref<8x!tpu.dma_semaphore, #tpu.memory_space<semaphore_mem>> -> memref<1x!tpu.dma_semaphore, #tpu.memory_space<semaphore_mem>>
      %dma_start3A_341 = tpu.memref_squeeze %dma_start3A_340 : memref<1x!tpu.dma_semaphore, #tpu.memory_space<semaphore_mem>> -> memref<!tpu.dma_semaphore, #tpu.memory_space<semaphore_mem>>
      tpu.enqueue_indirect_dma source(%dma_start3A_333 : memref<128x32xf32, #tpu.memory_space<vmem>>) target(%dma_start3A_339 : memref<10112x32xf32, #tpu.memory_space<vmem_shared>>) offsets(%dma_start3A_336 : memref<128xi32, #tpu.memory_space<vmem>>) semaphore(%dma_start3A_341 : memref<!tpu.dma_semaphore, #tpu.memory_space<semaphore_mem>>) {add = true}
      %add3A_342 = arith.constant 2 : i32
      %add3A_343 = arith.addi %add3A_277, %add3A_342 : i32
      %dma_wait3A_344 = arith.constant 2 : i32
      %dma_wait3A_345 = arith.constant 2 : i32
      %dma_wait3A_346 = arith.constant 0 : i32
      %dma_wait3A_347 = arith.constant 0 : i32
      %dma_wait3A_348 = tpu.memref_slice %arg9[%dma_wait3A_344, %dma_wait3A_346, %dma_wait3A_347] : memref<8x128x32xf32, #tpu.memory_space<vmem>> -> memref<1x128x32xf32, #tpu.memory_space<vmem>>
      %dma_wait3A_349 = tpu.memref_squeeze %dma_wait3A_348 : memref<1x128x32xf32, #tpu.memory_space<vmem>> -> memref<128x32xf32, #tpu.memory_space<vmem>>
      %dma_wait3A_350 = arith.constant 0 : i32
      %dma_wait3A_351 = tpu.memref_slice %arg7[%add3A_343, %dma_wait3A_350] : memref<80x128xi32, #tpu.memory_space<vmem>> -> memref<1x128xi32, #tpu.memory_space<vmem>>
      %dma_wait3A_352 = tpu.memref_squeeze %dma_wait3A_351 : memref<1x128xi32, #tpu.memory_space<vmem>> -> memref<128xi32, #tpu.memory_space<vmem>>
      %dma_wait3A_353 = arith.constant 0 : i32
      %dma_wait3A_354 = arith.constant 0 : i32
      %dma_wait3A_355 = tpu.memref_slice %arg11[%dma_wait3A_353, %dma_wait3A_354] : memref<10112x32xf32, #tpu.memory_space<vmem_shared>> -> memref<10112x32xf32, #tpu.memory_space<vmem_shared>>
      %dma_wait3A_356 = tpu.memref_slice %arg12[%dma_wait3A_345] : memref<8x!tpu.dma_semaphore, #tpu.memory_space<semaphore_mem>> -> memref<1x!tpu.dma_semaphore, #tpu.memory_space<semaphore_mem>>
      %dma_wait3A_357 = tpu.memref_squeeze %dma_wait3A_356 : memref<1x!tpu.dma_semaphore, #tpu.memory_space<semaphore_mem>> -> memref<!tpu.dma_semaphore, #tpu.memory_space<semaphore_mem>>
      tpu.wait_indirect_dma semaphore(%dma_wait3A_357 : memref<!tpu.dma_semaphore, #tpu.memory_space<semaphore_mem>>) src(%dma_wait3A_355 : memref<10112x32xf32, #tpu.memory_space<vmem_shared>>) dst(%dma_wait3A_349 : memref<128x32xf32, #tpu.memory_space<vmem>>)
      %add3A_358 = arith.constant 2 : i32
      %add3A_359 = arith.addi %add3A_277, %add3A_358 : i32
      %dma_start3A_360 = arith.constant 2 : i32
      %dma_start3A_361 = arith.constant 2 : i32
      %dma_start3A_362 = arith.constant 0 : i32
      %dma_start3A_363 = arith.constant 0 : i32
      %dma_start3A_364 = tpu.memref_slice %arg9[%dma_start3A_360, %dma_start3A_362, %dma_start3A_363] : memref<8x128x32xf32, #tpu.memory_space<vmem>> -> memref<1x128x32xf32, #tpu.memory_space<vmem>>
      %dma_start3A_365 = tpu.memref_squeeze %dma_start3A_364 : memref<1x128x32xf32, #tpu.memory_space<vmem>> -> memref<128x32xf32, #tpu.memory_space<vmem>>
      %dma_start3A_366 = arith.constant 0 : i32
      %dma_start3A_367 = tpu.memref_slice %arg8[%add3A_359, %dma_start3A_366] : memref<80x128xi32, #tpu.memory_space<vmem>> -> memref<1x128xi32, #tpu.memory_space<vmem>>
      %dma_start3A_368 = tpu.memref_squeeze %dma_start3A_367 : memref<1x128xi32, #tpu.memory_space<vmem>> -> memref<128xi32, #tpu.memory_space<vmem>>
      %dma_start3A_369 = arith.constant 0 : i32
      %dma_start3A_370 = arith.constant 0 : i32
      %dma_start3A_371 = tpu.memref_slice %arg10[%dma_start3A_369, %dma_start3A_370] : memref<10112x32xf32, #tpu.memory_space<vmem_shared>> -> memref<10112x32xf32, #tpu.memory_space<vmem_shared>>
      %dma_start3A_372 = tpu.memref_slice %arg13[%dma_start3A_361] : memref<8x!tpu.dma_semaphore, #tpu.memory_space<semaphore_mem>> -> memref<1x!tpu.dma_semaphore, #tpu.memory_space<semaphore_mem>>
      %dma_start3A_373 = tpu.memref_squeeze %dma_start3A_372 : memref<1x!tpu.dma_semaphore, #tpu.memory_space<semaphore_mem>> -> memref<!tpu.dma_semaphore, #tpu.memory_space<semaphore_mem>>
      tpu.enqueue_indirect_dma source(%dma_start3A_365 : memref<128x32xf32, #tpu.memory_space<vmem>>) target(%dma_start3A_371 : memref<10112x32xf32, #tpu.memory_space<vmem_shared>>) offsets(%dma_start3A_368 : memref<128xi32, #tpu.memory_space<vmem>>) semaphore(%dma_start3A_373 : memref<!tpu.dma_semaphore, #tpu.memory_space<semaphore_mem>>) {add = true}
      %add3A_374 = arith.constant 3 : i32
      %add3A_375 = arith.addi %add3A_277, %add3A_374 : i32
      %dma_wait3A_376 = arith.constant 3 : i32
      %dma_wait3A_377 = arith.constant 3 : i32
      %dma_wait3A_378 = arith.constant 0 : i32
      %dma_wait3A_379 = arith.constant 0 : i32
      %dma_wait3A_380 = tpu.memref_slice %arg9[%dma_wait3A_376, %dma_wait3A_378, %dma_wait3A_379] : memref<8x128x32xf32, #tpu.memory_space<vmem>> -> memref<1x128x32xf32, #tpu.memory_space<vmem>>
      %dma_wait3A_381 = tpu.memref_squeeze %dma_wait3A_380 : memref<1x128x32xf32, #tpu.memory_space<vmem>> -> memref<128x32xf32, #tpu.memory_space<vmem>>
      %dma_wait3A_382 = arith.constant 0 : i32
      %dma_wait3A_383 = tpu.memref_slice %arg7[%add3A_375, %dma_wait3A_382] : memref<80x128xi32, #tpu.memory_space<vmem>> -> memref<1x128xi32, #tpu.memory_space<vmem>>
      %dma_wait3A_384 = tpu.memref_squeeze %dma_wait3A_383 : memref<1x128xi32, #tpu.memory_space<vmem>> -> memref<128xi32, #tpu.memory_space<vmem>>
      %dma_wait3A_385 = arith.constant 0 : i32
      %dma_wait3A_386 = arith.constant 0 : i32
      %dma_wait3A_387 = tpu.memref_slice %arg11[%dma_wait3A_385, %dma_wait3A_386] : memref<10112x32xf32, #tpu.memory_space<vmem_shared>> -> memref<10112x32xf32, #tpu.memory_space<vmem_shared>>
      %dma_wait3A_388 = tpu.memref_slice %arg12[%dma_wait3A_377] : memref<8x!tpu.dma_semaphore, #tpu.memory_space<semaphore_mem>> -> memref<1x!tpu.dma_semaphore, #tpu.memory_space<semaphore_mem>>
      %dma_wait3A_389 = tpu.memref_squeeze %dma_wait3A_388 : memref<1x!tpu.dma_semaphore, #tpu.memory_space<semaphore_mem>> -> memref<!tpu.dma_semaphore, #tpu.memory_space<semaphore_mem>>
      tpu.wait_indirect_dma semaphore(%dma_wait3A_389 : memref<!tpu.dma_semaphore, #tpu.memory_space<semaphore_mem>>) src(%dma_wait3A_387 : memref<10112x32xf32, #tpu.memory_space<vmem_shared>>) dst(%dma_wait3A_381 : memref<128x32xf32, #tpu.memory_space<vmem>>)
      %add3A_390 = arith.constant 3 : i32
      %add3A_391 = arith.addi %add3A_277, %add3A_390 : i32
      %dma_start3A_392 = arith.constant 3 : i32
      %dma_start3A_393 = arith.constant 3 : i32
      %dma_start3A_394 = arith.constant 0 : i32
      %dma_start3A_395 = arith.constant 0 : i32
      %dma_start3A_396 = tpu.memref_slice %arg9[%dma_start3A_392, %dma_start3A_394, %dma_start3A_395] : memref<8x128x32xf32, #tpu.memory_space<vmem>> -> memref<1x128x32xf32, #tpu.memory_space<vmem>>
      %dma_start3A_397 = tpu.memref_squeeze %dma_start3A_396 : memref<1x128x32xf32, #tpu.memory_space<vmem>> -> memref<128x32xf32, #tpu.memory_space<vmem>>
      %dma_start3A_398 = arith.constant 0 : i32
      %dma_start3A_399 = tpu.memref_slice %arg8[%add3A_391, %dma_start3A_398] : memref<80x128xi32, #tpu.memory_space<vmem>> -> memref<1x128xi32, #tpu.memory_space<vmem>>
      %dma_start3A_400 = tpu.memref_squeeze %dma_start3A_399 : memref<1x128xi32, #tpu.memory_space<vmem>> -> memref<128xi32, #tpu.memory_space<vmem>>
      %dma_start3A_401 = arith.constant 0 : i32
      %dma_start3A_402 = arith.constant 0 : i32
      %dma_start3A_403 = tpu.memref_slice %arg10[%dma_start3A_401, %dma_start3A_402] : memref<10112x32xf32, #tpu.memory_space<vmem_shared>> -> memref<10112x32xf32, #tpu.memory_space<vmem_shared>>
      %dma_start3A_404 = tpu.memref_slice %arg13[%dma_start3A_393] : memref<8x!tpu.dma_semaphore, #tpu.memory_space<semaphore_mem>> -> memref<1x!tpu.dma_semaphore, #tpu.memory_space<semaphore_mem>>
      %dma_start3A_405 = tpu.memref_squeeze %dma_start3A_404 : memref<1x!tpu.dma_semaphore, #tpu.memory_space<semaphore_mem>> -> memref<!tpu.dma_semaphore, #tpu.memory_space<semaphore_mem>>
      tpu.enqueue_indirect_dma source(%dma_start3A_397 : memref<128x32xf32, #tpu.memory_space<vmem>>) target(%dma_start3A_403 : memref<10112x32xf32, #tpu.memory_space<vmem_shared>>) offsets(%dma_start3A_400 : memref<128xi32, #tpu.memory_space<vmem>>) semaphore(%dma_start3A_405 : memref<!tpu.dma_semaphore, #tpu.memory_space<semaphore_mem>>) {add = true}
      %add3A_406 = arith.constant 4 : i32
      %add3A_407 = arith.addi %add3A_277, %add3A_406 : i32
      %dma_wait3A_408 = arith.constant 4 : i32
      %dma_wait3A_409 = arith.constant 4 : i32
      %dma_wait3A_410 = arith.constant 0 : i32
      %dma_wait3A_411 = arith.constant 0 : i32
      %dma_wait3A_412 = tpu.memref_slice %arg9[%dma_wait3A_408, %dma_wait3A_410, %dma_wait3A_411] : memref<8x128x32xf32, #tpu.memory_space<vmem>> -> memref<1x128x32xf32, #tpu.memory_space<vmem>>
      %dma_wait3A_413 = tpu.memref_squeeze %dma_wait3A_412 : memref<1x128x32xf32, #tpu.memory_space<vmem>> -> memref<128x32xf32, #tpu.memory_space<vmem>>
      %dma_wait3A_414 = arith.constant 0 : i32
      %dma_wait3A_415 = tpu.memref_slice %arg7[%add3A_407, %dma_wait3A_414] : memref<80x128xi32, #tpu.memory_space<vmem>> -> memref<1x128xi32, #tpu.memory_space<vmem>>
      %dma_wait3A_416 = tpu.memref_squeeze %dma_wait3A_415 : memref<1x128xi32, #tpu.memory_space<vmem>> -> memref<128xi32, #tpu.memory_space<vmem>>
      %dma_wait3A_417 = arith.constant 0 : i32
      %dma_wait3A_418 = arith.constant 0 : i32
      %dma_wait3A_419 = tpu.memref_slice %arg11[%dma_wait3A_417, %dma_wait3A_418] : memref<10112x32xf32, #tpu.memory_space<vmem_shared>> -> memref<10112x32xf32, #tpu.memory_space<vmem_shared>>
      %dma_wait3A_420 = tpu.memref_slice %arg12[%dma_wait3A_409] : memref<8x!tpu.dma_semaphore, #tpu.memory_space<semaphore_mem>> -> memref<1x!tpu.dma_semaphore, #tpu.memory_space<semaphore_mem>>
      %dma_wait3A_421 = tpu.memref_squeeze %dma_wait3A_420 : memref<1x!tpu.dma_semaphore, #tpu.memory_space<semaphore_mem>> -> memref<!tpu.dma_semaphore, #tpu.memory_space<semaphore_mem>>
      tpu.wait_indirect_dma semaphore(%dma_wait3A_421 : memref<!tpu.dma_semaphore, #tpu.memory_space<semaphore_mem>>) src(%dma_wait3A_419 : memref<10112x32xf32, #tpu.memory_space<vmem_shared>>) dst(%dma_wait3A_413 : memref<128x32xf32, #tpu.memory_space<vmem>>)
      %add3A_422 = arith.constant 4 : i32
      %add3A_423 = arith.addi %add3A_277, %add3A_422 : i32
      %dma_start3A_424 = arith.constant 4 : i32
      %dma_start3A_425 = arith.constant 4 : i32
      %dma_start3A_426 = arith.constant 0 : i32
      %dma_start3A_427 = arith.constant 0 : i32
      %dma_start3A_428 = tpu.memref_slice %arg9[%dma_start3A_424, %dma_start3A_426, %dma_start3A_427] : memref<8x128x32xf32, #tpu.memory_space<vmem>> -> memref<1x128x32xf32, #tpu.memory_space<vmem>>
      %dma_start3A_429 = tpu.memref_squeeze %dma_start3A_428 : memref<1x128x32xf32, #tpu.memory_space<vmem>> -> memref<128x32xf32, #tpu.memory_space<vmem>>
      %dma_start3A_430 = arith.constant 0 : i32
      %dma_start3A_431 = tpu.memref_slice %arg8[%add3A_423, %dma_start3A_430] : memref<80x128xi32, #tpu.memory_space<vmem>> -> memref<1x128xi32, #tpu.memory_space<vmem>>
      %dma_start3A_432 = tpu.memref_squeeze %dma_start3A_431 : memref<1x128xi32, #tpu.memory_space<vmem>> -> memref<128xi32, #tpu.memory_space<vmem>>
      %dma_start3A_433 = arith.constant 0 : i32
      %dma_start3A_434 = arith.constant 0 : i32
      %dma_start3A_435 = tpu.memref_slice %arg10[%dma_start3A_433, %dma_start3A_434] : memref<10112x32xf32, #tpu.memory_space<vmem_shared>> -> memref<10112x32xf32, #tpu.memory_space<vmem_shared>>
      %dma_start3A_436 = tpu.memref_slice %arg13[%dma_start3A_425] : memref<8x!tpu.dma_semaphore, #tpu.memory_space<semaphore_mem>> -> memref<1x!tpu.dma_semaphore, #tpu.memory_space<semaphore_mem>>
      %dma_start3A_437 = tpu.memref_squeeze %dma_start3A_436 : memref<1x!tpu.dma_semaphore, #tpu.memory_space<semaphore_mem>> -> memref<!tpu.dma_semaphore, #tpu.memory_space<semaphore_mem>>
      tpu.enqueue_indirect_dma source(%dma_start3A_429 : memref<128x32xf32, #tpu.memory_space<vmem>>) target(%dma_start3A_435 : memref<10112x32xf32, #tpu.memory_space<vmem_shared>>) offsets(%dma_start3A_432 : memref<128xi32, #tpu.memory_space<vmem>>) semaphore(%dma_start3A_437 : memref<!tpu.dma_semaphore, #tpu.memory_space<semaphore_mem>>) {add = true}
      %add3A_438 = arith.constant 5 : i32
      %add3A_439 = arith.addi %add3A_277, %add3A_438 : i32
      %dma_wait3A_440 = arith.constant 5 : i32
      %dma_wait3A_441 = arith.constant 5 : i32
      %dma_wait3A_442 = arith.constant 0 : i32
      %dma_wait3A_443 = arith.constant 0 : i32
      %dma_wait3A_444 = tpu.memref_slice %arg9[%dma_wait3A_440, %dma_wait3A_442, %dma_wait3A_443] : memref<8x128x32xf32, #tpu.memory_space<vmem>> -> memref<1x128x32xf32, #tpu.memory_space<vmem>>
      %dma_wait3A_445 = tpu.memref_squeeze %dma_wait3A_444 : memref<1x128x32xf32, #tpu.memory_space<vmem>> -> memref<128x32xf32, #tpu.memory_space<vmem>>
      %dma_wait3A_446 = arith.constant 0 : i32
      %dma_wait3A_447 = tpu.memref_slice %arg7[%add3A_439, %dma_wait3A_446] : memref<80x128xi32, #tpu.memory_space<vmem>> -> memref<1x128xi32, #tpu.memory_space<vmem>>
      %dma_wait3A_448 = tpu.memref_squeeze %dma_wait3A_447 : memref<1x128xi32, #tpu.memory_space<vmem>> -> memref<128xi32, #tpu.memory_space<vmem>>
      %dma_wait3A_449 = arith.constant 0 : i32
      %dma_wait3A_450 = arith.constant 0 : i32
      %dma_wait3A_451 = tpu.memref_slice %arg11[%dma_wait3A_449, %dma_wait3A_450] : memref<10112x32xf32, #tpu.memory_space<vmem_shared>> -> memref<10112x32xf32, #tpu.memory_space<vmem_shared>>
      %dma_wait3A_452 = tpu.memref_slice %arg12[%dma_wait3A_441] : memref<8x!tpu.dma_semaphore, #tpu.memory_space<semaphore_mem>> -> memref<1x!tpu.dma_semaphore, #tpu.memory_space<semaphore_mem>>
      %dma_wait3A_453 = tpu.memref_squeeze %dma_wait3A_452 : memref<1x!tpu.dma_semaphore, #tpu.memory_space<semaphore_mem>> -> memref<!tpu.dma_semaphore, #tpu.memory_space<semaphore_mem>>
      tpu.wait_indirect_dma semaphore(%dma_wait3A_453 : memref<!tpu.dma_semaphore, #tpu.memory_space<semaphore_mem>>) src(%dma_wait3A_451 : memref<10112x32xf32, #tpu.memory_space<vmem_shared>>) dst(%dma_wait3A_445 : memref<128x32xf32, #tpu.memory_space<vmem>>)
      %add3A_454 = arith.constant 5 : i32
      %add3A_455 = arith.addi %add3A_277, %add3A_454 : i32
      %dma_start3A_456 = arith.constant 5 : i32
      %dma_start3A_457 = arith.constant 5 : i32
      %dma_start3A_458 = arith.constant 0 : i32
      %dma_start3A_459 = arith.constant 0 : i32
      %dma_start3A_460 = tpu.memref_slice %arg9[%dma_start3A_456, %dma_start3A_458, %dma_start3A_459] : memref<8x128x32xf32, #tpu.memory_space<vmem>> -> memref<1x128x32xf32, #tpu.memory_space<vmem>>
      %dma_start3A_461 = tpu.memref_squeeze %dma_start3A_460 : memref<1x128x32xf32, #tpu.memory_space<vmem>> -> memref<128x32xf32, #tpu.memory_space<vmem>>
      %dma_start3A_462 = arith.constant 0 : i32
      %dma_start3A_463 = tpu.memref_slice %arg8[%add3A_455, %dma_start3A_462] : memref<80x128xi32, #tpu.memory_space<vmem>> -> memref<1x128xi32, #tpu.memory_space<vmem>>
      %dma_start3A_464 = tpu.memref_squeeze %dma_start3A_463 : memref<1x128xi32, #tpu.memory_space<vmem>> -> memref<128xi32, #tpu.memory_space<vmem>>
      %dma_start3A_465 = arith.constant 0 : i32
      %dma_start3A_466 = arith.constant 0 : i32
      %dma_start3A_467 = tpu.memref_slice %arg10[%dma_start3A_465, %dma_start3A_466] : memref<10112x32xf32, #tpu.memory_space<vmem_shared>> -> memref<10112x32xf32, #tpu.memory_space<vmem_shared>>
      %dma_start3A_468 = tpu.memref_slice %arg13[%dma_start3A_457] : memref<8x!tpu.dma_semaphore, #tpu.memory_space<semaphore_mem>> -> memref<1x!tpu.dma_semaphore, #tpu.memory_space<semaphore_mem>>
      %dma_start3A_469 = tpu.memref_squeeze %dma_start3A_468 : memref<1x!tpu.dma_semaphore, #tpu.memory_space<semaphore_mem>> -> memref<!tpu.dma_semaphore, #tpu.memory_space<semaphore_mem>>
      tpu.enqueue_indirect_dma source(%dma_start3A_461 : memref<128x32xf32, #tpu.memory_space<vmem>>) target(%dma_start3A_467 : memref<10112x32xf32, #tpu.memory_space<vmem_shared>>) offsets(%dma_start3A_464 : memref<128xi32, #tpu.memory_space<vmem>>) semaphore(%dma_start3A_469 : memref<!tpu.dma_semaphore, #tpu.memory_space<semaphore_mem>>) {add = true}
      %add3A_470 = arith.constant 6 : i32
      %add3A_471 = arith.addi %add3A_277, %add3A_470 : i32
      %dma_wait3A_472 = arith.constant 6 : i32
      %dma_wait3A_473 = arith.constant 6 : i32
      %dma_wait3A_474 = arith.constant 0 : i32
      %dma_wait3A_475 = arith.constant 0 : i32
      %dma_wait3A_476 = tpu.memref_slice %arg9[%dma_wait3A_472, %dma_wait3A_474, %dma_wait3A_475] : memref<8x128x32xf32, #tpu.memory_space<vmem>> -> memref<1x128x32xf32, #tpu.memory_space<vmem>>
      %dma_wait3A_477 = tpu.memref_squeeze %dma_wait3A_476 : memref<1x128x32xf32, #tpu.memory_space<vmem>> -> memref<128x32xf32, #tpu.memory_space<vmem>>
      %dma_wait3A_478 = arith.constant 0 : i32
      %dma_wait3A_479 = tpu.memref_slice %arg7[%add3A_471, %dma_wait3A_478] : memref<80x128xi32, #tpu.memory_space<vmem>> -> memref<1x128xi32, #tpu.memory_space<vmem>>
      %dma_wait3A_480 = tpu.memref_squeeze %dma_wait3A_479 : memref<1x128xi32, #tpu.memory_space<vmem>> -> memref<128xi32, #tpu.memory_space<vmem>>
      %dma_wait3A_481 = arith.constant 0 : i32
      %dma_wait3A_482 = arith.constant 0 : i32
      %dma_wait3A_483 = tpu.memref_slice %arg11[%dma_wait3A_481, %dma_wait3A_482] : memref<10112x32xf32, #tpu.memory_space<vmem_shared>> -> memref<10112x32xf32, #tpu.memory_space<vmem_shared>>
      %dma_wait3A_484 = tpu.memref_slice %arg12[%dma_wait3A_473] : memref<8x!tpu.dma_semaphore, #tpu.memory_space<semaphore_mem>> -> memref<1x!tpu.dma_semaphore, #tpu.memory_space<semaphore_mem>>
      %dma_wait3A_485 = tpu.memref_squeeze %dma_wait3A_484 : memref<1x!tpu.dma_semaphore, #tpu.memory_space<semaphore_mem>> -> memref<!tpu.dma_semaphore, #tpu.memory_space<semaphore_mem>>
      tpu.wait_indirect_dma semaphore(%dma_wait3A_485 : memref<!tpu.dma_semaphore, #tpu.memory_space<semaphore_mem>>) src(%dma_wait3A_483 : memref<10112x32xf32, #tpu.memory_space<vmem_shared>>) dst(%dma_wait3A_477 : memref<128x32xf32, #tpu.memory_space<vmem>>)
      %add3A_486 = arith.constant 6 : i32
      %add3A_487 = arith.addi %add3A_277, %add3A_486 : i32
      %dma_start3A_488 = arith.constant 6 : i32
      %dma_start3A_489 = arith.constant 6 : i32
      %dma_start3A_490 = arith.constant 0 : i32
      %dma_start3A_491 = arith.constant 0 : i32
      %dma_start3A_492 = tpu.memref_slice %arg9[%dma_start3A_488, %dma_start3A_490, %dma_start3A_491] : memref<8x128x32xf32, #tpu.memory_space<vmem>> -> memref<1x128x32xf32, #tpu.memory_space<vmem>>
      %dma_start3A_493 = tpu.memref_squeeze %dma_start3A_492 : memref<1x128x32xf32, #tpu.memory_space<vmem>> -> memref<128x32xf32, #tpu.memory_space<vmem>>
      %dma_start3A_494 = arith.constant 0 : i32
      %dma_start3A_495 = tpu.memref_slice %arg8[%add3A_487, %dma_start3A_494] : memref<80x128xi32, #tpu.memory_space<vmem>> -> memref<1x128xi32, #tpu.memory_space<vmem>>
      %dma_start3A_496 = tpu.memref_squeeze %dma_start3A_495 : memref<1x128xi32, #tpu.memory_space<vmem>> -> memref<128xi32, #tpu.memory_space<vmem>>
      %dma_start3A_497 = arith.constant 0 : i32
      %dma_start3A_498 = arith.constant 0 : i32
      %dma_start3A_499 = tpu.memref_slice %arg10[%dma_start3A_497, %dma_start3A_498] : memref<10112x32xf32, #tpu.memory_space<vmem_shared>> -> memref<10112x32xf32, #tpu.memory_space<vmem_shared>>
      %dma_start3A_500 = tpu.memref_slice %arg13[%dma_start3A_489] : memref<8x!tpu.dma_semaphore, #tpu.memory_space<semaphore_mem>> -> memref<1x!tpu.dma_semaphore, #tpu.memory_space<semaphore_mem>>
      %dma_start3A_501 = tpu.memref_squeeze %dma_start3A_500 : memref<1x!tpu.dma_semaphore, #tpu.memory_space<semaphore_mem>> -> memref<!tpu.dma_semaphore, #tpu.memory_space<semaphore_mem>>
      tpu.enqueue_indirect_dma source(%dma_start3A_493 : memref<128x32xf32, #tpu.memory_space<vmem>>) target(%dma_start3A_499 : memref<10112x32xf32, #tpu.memory_space<vmem_shared>>) offsets(%dma_start3A_496 : memref<128xi32, #tpu.memory_space<vmem>>) semaphore(%dma_start3A_501 : memref<!tpu.dma_semaphore, #tpu.memory_space<semaphore_mem>>) {add = true}
      %add3A_502 = arith.constant 7 : i32
      %add3A_503 = arith.addi %add3A_277, %add3A_502 : i32
      %dma_wait3A_504 = arith.constant 7 : i32
      %dma_wait3A_505 = arith.constant 7 : i32
      %dma_wait3A_506 = arith.constant 0 : i32
      %dma_wait3A_507 = arith.constant 0 : i32
      %dma_wait3A_508 = tpu.memref_slice %arg9[%dma_wait3A_504, %dma_wait3A_506, %dma_wait3A_507] : memref<8x128x32xf32, #tpu.memory_space<vmem>> -> memref<1x128x32xf32, #tpu.memory_space<vmem>>
      %dma_wait3A_509 = tpu.memref_squeeze %dma_wait3A_508 : memref<1x128x32xf32, #tpu.memory_space<vmem>> -> memref<128x32xf32, #tpu.memory_space<vmem>>
      %dma_wait3A_510 = arith.constant 0 : i32
      %dma_wait3A_511 = tpu.memref_slice %arg7[%add3A_503, %dma_wait3A_510] : memref<80x128xi32, #tpu.memory_space<vmem>> -> memref<1x128xi32, #tpu.memory_space<vmem>>
      %dma_wait3A_512 = tpu.memref_squeeze %dma_wait3A_511 : memref<1x128xi32, #tpu.memory_space<vmem>> -> memref<128xi32, #tpu.memory_space<vmem>>
      %dma_wait3A_513 = arith.constant 0 : i32
      %dma_wait3A_514 = arith.constant 0 : i32
      %dma_wait3A_515 = tpu.memref_slice %arg11[%dma_wait3A_513, %dma_wait3A_514] : memref<10112x32xf32, #tpu.memory_space<vmem_shared>> -> memref<10112x32xf32, #tpu.memory_space<vmem_shared>>
      %dma_wait3A_516 = tpu.memref_slice %arg12[%dma_wait3A_505] : memref<8x!tpu.dma_semaphore, #tpu.memory_space<semaphore_mem>> -> memref<1x!tpu.dma_semaphore, #tpu.memory_space<semaphore_mem>>
      %dma_wait3A_517 = tpu.memref_squeeze %dma_wait3A_516 : memref<1x!tpu.dma_semaphore, #tpu.memory_space<semaphore_mem>> -> memref<!tpu.dma_semaphore, #tpu.memory_space<semaphore_mem>>
      tpu.wait_indirect_dma semaphore(%dma_wait3A_517 : memref<!tpu.dma_semaphore, #tpu.memory_space<semaphore_mem>>) src(%dma_wait3A_515 : memref<10112x32xf32, #tpu.memory_space<vmem_shared>>) dst(%dma_wait3A_509 : memref<128x32xf32, #tpu.memory_space<vmem>>)
      %add3A_518 = arith.constant 7 : i32
      %add3A_519 = arith.addi %add3A_277, %add3A_518 : i32
      %dma_start3A_520 = arith.constant 7 : i32
      %dma_start3A_521 = arith.constant 7 : i32
      %dma_start3A_522 = arith.constant 0 : i32
      %dma_start3A_523 = arith.constant 0 : i32
      %dma_start3A_524 = tpu.memref_slice %arg9[%dma_start3A_520, %dma_start3A_522, %dma_start3A_523] : memref<8x128x32xf32, #tpu.memory_space<vmem>> -> memref<1x128x32xf32, #tpu.memory_space<vmem>>
      %dma_start3A_525 = tpu.memref_squeeze %dma_start3A_524 : memref<1x128x32xf32, #tpu.memory_space<vmem>> -> memref<128x32xf32, #tpu.memory_space<vmem>>
      %dma_start3A_526 = arith.constant 0 : i32
      %dma_start3A_527 = tpu.memref_slice %arg8[%add3A_519, %dma_start3A_526] : memref<80x128xi32, #tpu.memory_space<vmem>> -> memref<1x128xi32, #tpu.memory_space<vmem>>
      %dma_start3A_528 = tpu.memref_squeeze %dma_start3A_527 : memref<1x128xi32, #tpu.memory_space<vmem>> -> memref<128xi32, #tpu.memory_space<vmem>>
      %dma_start3A_529 = arith.constant 0 : i32
      %dma_start3A_530 = arith.constant 0 : i32
      %dma_start3A_531 = tpu.memref_slice %arg10[%dma_start3A_529, %dma_start3A_530] : memref<10112x32xf32, #tpu.memory_space<vmem_shared>> -> memref<10112x32xf32, #tpu.memory_space<vmem_shared>>
      %dma_start3A_532 = tpu.memref_slice %arg13[%dma_start3A_521] : memref<8x!tpu.dma_semaphore, #tpu.memory_space<semaphore_mem>> -> memref<1x!tpu.dma_semaphore, #tpu.memory_space<semaphore_mem>>
      %dma_start3A_533 = tpu.memref_squeeze %dma_start3A_532 : memref<1x!tpu.dma_semaphore, #tpu.memory_space<semaphore_mem>> -> memref<!tpu.dma_semaphore, #tpu.memory_space<semaphore_mem>>
      tpu.enqueue_indirect_dma source(%dma_start3A_525 : memref<128x32xf32, #tpu.memory_space<vmem>>) target(%dma_start3A_531 : memref<10112x32xf32, #tpu.memory_space<vmem_shared>>) offsets(%dma_start3A_528 : memref<128xi32, #tpu.memory_space<vmem>>) semaphore(%dma_start3A_533 : memref<!tpu.dma_semaphore, #tpu.memory_space<semaphore_mem>>) {add = true}
      %add3A_534 = arith.constant 0 : i32
      %add3A_535 = arith.addi %add3A_277, %add3A_534 : i32
      %dma_wait3A_536 = arith.constant 0 : i32
      %dma_wait3A_537 = arith.constant 0 : i32
      %dma_wait3A_538 = arith.constant 0 : i32
      %dma_wait3A_539 = arith.constant 0 : i32
      %dma_wait3A_540 = tpu.memref_slice %arg9[%dma_wait3A_536, %dma_wait3A_538, %dma_wait3A_539] : memref<8x128x32xf32, #tpu.memory_space<vmem>> -> memref<1x128x32xf32, #tpu.memory_space<vmem>>
      %dma_wait3A_541 = tpu.memref_squeeze %dma_wait3A_540 : memref<1x128x32xf32, #tpu.memory_space<vmem>> -> memref<128x32xf32, #tpu.memory_space<vmem>>
      %dma_wait3A_542 = arith.constant 0 : i32
      %dma_wait3A_543 = tpu.memref_slice %arg8[%add3A_535, %dma_wait3A_542] : memref<80x128xi32, #tpu.memory_space<vmem>> -> memref<1x128xi32, #tpu.memory_space<vmem>>
      %dma_wait3A_544 = tpu.memref_squeeze %dma_wait3A_543 : memref<1x128xi32, #tpu.memory_space<vmem>> -> memref<128xi32, #tpu.memory_space<vmem>>
      %dma_wait3A_545 = arith.constant 0 : i32
      %dma_wait3A_546 = arith.constant 0 : i32
      %dma_wait3A_547 = tpu.memref_slice %arg10[%dma_wait3A_545, %dma_wait3A_546] : memref<10112x32xf32, #tpu.memory_space<vmem_shared>> -> memref<10112x32xf32, #tpu.memory_space<vmem_shared>>
      %dma_wait3A_548 = tpu.memref_slice %arg13[%dma_wait3A_537] : memref<8x!tpu.dma_semaphore, #tpu.memory_space<semaphore_mem>> -> memref<1x!tpu.dma_semaphore, #tpu.memory_space<semaphore_mem>>
      %dma_wait3A_549 = tpu.memref_squeeze %dma_wait3A_548 : memref<1x!tpu.dma_semaphore, #tpu.memory_space<semaphore_mem>> -> memref<!tpu.dma_semaphore, #tpu.memory_space<semaphore_mem>>
      tpu.wait_indirect_dma semaphore(%dma_wait3A_549 : memref<!tpu.dma_semaphore, #tpu.memory_space<semaphore_mem>>) src(%dma_wait3A_541 : memref<128x32xf32, #tpu.memory_space<vmem>>) dst(%dma_wait3A_547 : memref<10112x32xf32, #tpu.memory_space<vmem_shared>>)
      %add3A_550 = arith.constant 8 : i32
      %add3A_551 = arith.addi %add3A_277, %add3A_550 : i32
      %add3A_552 = arith.constant 0 : i32
      %add3A_553 = arith.addi %add3A_551, %add3A_552 : i32
      %rem3A = arith.remsi %add3A_553, %select_n3A : i32
      %dma_start3A_554 = arith.constant 0 : i32
      %dma_start3A_555 = arith.constant 0 : i32
      %dma_start3A_556 = arith.constant 0 : i32
      %dma_start3A_557 = arith.constant 0 : i32
      %dma_start3A_558 = tpu.memref_slice %arg9[%dma_start3A_554, %dma_start3A_556, %dma_start3A_557] : memref<8x128x32xf32, #tpu.memory_space<vmem>> -> memref<1x128x32xf32, #tpu.memory_space<vmem>>
      %dma_start3A_559 = tpu.memref_squeeze %dma_start3A_558 : memref<1x128x32xf32, #tpu.memory_space<vmem>> -> memref<128x32xf32, #tpu.memory_space<vmem>>
      %dma_start3A_560 = arith.constant 0 : i32
      %dma_start3A_561 = tpu.memref_slice %arg7[%rem3A, %dma_start3A_560] : memref<80x128xi32, #tpu.memory_space<vmem>> -> memref<1x128xi32, #tpu.memory_space<vmem>>
      %dma_start3A_562 = tpu.memref_squeeze %dma_start3A_561 : memref<1x128xi32, #tpu.memory_space<vmem>> -> memref<128xi32, #tpu.memory_space<vmem>>
      %dma_start3A_563 = arith.constant 0 : i32
      %dma_start3A_564 = arith.constant 0 : i32
      %dma_start3A_565 = tpu.memref_slice %arg11[%dma_start3A_563, %dma_start3A_564] : memref<10112x32xf32, #tpu.memory_space<vmem_shared>> -> memref<10112x32xf32, #tpu.memory_space<vmem_shared>>
      %dma_start3A_566 = tpu.memref_slice %arg12[%dma_start3A_555] : memref<8x!tpu.dma_semaphore, #tpu.memory_space<semaphore_mem>> -> memref<1x!tpu.dma_semaphore, #tpu.memory_space<semaphore_mem>>
      %dma_start3A_567 = tpu.memref_squeeze %dma_start3A_566 : memref<1x!tpu.dma_semaphore, #tpu.memory_space<semaphore_mem>> -> memref<!tpu.dma_semaphore, #tpu.memory_space<semaphore_mem>>
      tpu.enqueue_indirect_dma source(%dma_start3A_565 : memref<10112x32xf32, #tpu.memory_space<vmem_shared>>) target(%dma_start3A_559 : memref<128x32xf32, #tpu.memory_space<vmem>>) offsets(%dma_start3A_562 : memref<128xi32, #tpu.memory_space<vmem>>) semaphore(%dma_start3A_567 : memref<!tpu.dma_semaphore, #tpu.memory_space<semaphore_mem>>)
      %add3A_568 = arith.constant 1 : i32
      %add3A_569 = arith.addi %add3A_277, %add3A_568 : i32
      %dma_wait3A_570 = arith.constant 1 : i32
      %dma_wait3A_571 = arith.constant 1 : i32
      %dma_wait3A_572 = arith.constant 0 : i32
      %dma_wait3A_573 = arith.constant 0 : i32
      %dma_wait3A_574 = tpu.memref_slice %arg9[%dma_wait3A_570, %dma_wait3A_572, %dma_wait3A_573] : memref<8x128x32xf32, #tpu.memory_space<vmem>> -> memref<1x128x32xf32, #tpu.memory_space<vmem>>
      %dma_wait3A_575 = tpu.memref_squeeze %dma_wait3A_574 : memref<1x128x32xf32, #tpu.memory_space<vmem>> -> memref<128x32xf32, #tpu.memory_space<vmem>>
      %dma_wait3A_576 = arith.constant 0 : i32
      %dma_wait3A_577 = tpu.memref_slice %arg8[%add3A_569, %dma_wait3A_576] : memref<80x128xi32, #tpu.memory_space<vmem>> -> memref<1x128xi32, #tpu.memory_space<vmem>>
      %dma_wait3A_578 = tpu.memref_squeeze %dma_wait3A_577 : memref<1x128xi32, #tpu.memory_space<vmem>> -> memref<128xi32, #tpu.memory_space<vmem>>
      %dma_wait3A_579 = arith.constant 0 : i32
      %dma_wait3A_580 = arith.constant 0 : i32
      %dma_wait3A_581 = tpu.memref_slice %arg10[%dma_wait3A_579, %dma_wait3A_580] : memref<10112x32xf32, #tpu.memory_space<vmem_shared>> -> memref<10112x32xf32, #tpu.memory_space<vmem_shared>>
      %dma_wait3A_582 = tpu.memref_slice %arg13[%dma_wait3A_571] : memref<8x!tpu.dma_semaphore, #tpu.memory_space<semaphore_mem>> -> memref<1x!tpu.dma_semaphore, #tpu.memory_space<semaphore_mem>>
      %dma_wait3A_583 = tpu.memref_squeeze %dma_wait3A_582 : memref<1x!tpu.dma_semaphore, #tpu.memory_space<semaphore_mem>> -> memref<!tpu.dma_semaphore, #tpu.memory_space<semaphore_mem>>
      tpu.wait_indirect_dma semaphore(%dma_wait3A_583 : memref<!tpu.dma_semaphore, #tpu.memory_space<semaphore_mem>>) src(%dma_wait3A_575 : memref<128x32xf32, #tpu.memory_space<vmem>>) dst(%dma_wait3A_581 : memref<10112x32xf32, #tpu.memory_space<vmem_shared>>)
      %add3A_584 = arith.constant 8 : i32
      %add3A_585 = arith.addi %add3A_277, %add3A_584 : i32
      %add3A_586 = arith.constant 1 : i32
      %add3A_587 = arith.addi %add3A_585, %add3A_586 : i32
      %rem3A_588 = arith.remsi %add3A_587, %select_n3A : i32
      %dma_start3A_589 = arith.constant 1 : i32
      %dma_start3A_590 = arith.constant 1 : i32
      %dma_start3A_591 = arith.constant 0 : i32
      %dma_start3A_592 = arith.constant 0 : i32
      %dma_start3A_593 = tpu.memref_slice %arg9[%dma_start3A_589, %dma_start3A_591, %dma_start3A_592] : memref<8x128x32xf32, #tpu.memory_space<vmem>> -> memref<1x128x32xf32, #tpu.memory_space<vmem>>
      %dma_start3A_594 = tpu.memref_squeeze %dma_start3A_593 : memref<1x128x32xf32, #tpu.memory_space<vmem>> -> memref<128x32xf32, #tpu.memory_space<vmem>>
      %dma_start3A_595 = arith.constant 0 : i32
      %dma_start3A_596 = tpu.memref_slice %arg7[%rem3A_588, %dma_start3A_595] : memref<80x128xi32, #tpu.memory_space<vmem>> -> memref<1x128xi32, #tpu.memory_space<vmem>>
      %dma_start3A_597 = tpu.memref_squeeze %dma_start3A_596 : memref<1x128xi32, #tpu.memory_space<vmem>> -> memref<128xi32, #tpu.memory_space<vmem>>
      %dma_start3A_598 = arith.constant 0 : i32
      %dma_start3A_599 = arith.constant 0 : i32
      %dma_start3A_600 = tpu.memref_slice %arg11[%dma_start3A_598, %dma_start3A_599] : memref<10112x32xf32, #tpu.memory_space<vmem_shared>> -> memref<10112x32xf32, #tpu.memory_space<vmem_shared>>
      %dma_start3A_601 = tpu.memref_slice %arg12[%dma_start3A_590] : memref<8x!tpu.dma_semaphore, #tpu.memory_space<semaphore_mem>> -> memref<1x!tpu.dma_semaphore, #tpu.memory_space<semaphore_mem>>
      %dma_start3A_602 = tpu.memref_squeeze %dma_start3A_601 : memref<1x!tpu.dma_semaphore, #tpu.memory_space<semaphore_mem>> -> memref<!tpu.dma_semaphore, #tpu.memory_space<semaphore_mem>>
      tpu.enqueue_indirect_dma source(%dma_start3A_600 : memref<10112x32xf32, #tpu.memory_space<vmem_shared>>) target(%dma_start3A_594 : memref<128x32xf32, #tpu.memory_space<vmem>>) offsets(%dma_start3A_597 : memref<128xi32, #tpu.memory_space<vmem>>) semaphore(%dma_start3A_602 : memref<!tpu.dma_semaphore, #tpu.memory_space<semaphore_mem>>)
      %add3A_603 = arith.constant 2 : i32
      %add3A_604 = arith.addi %add3A_277, %add3A_603 : i32
      %dma_wait3A_605 = arith.constant 2 : i32
      %dma_wait3A_606 = arith.constant 2 : i32
      %dma_wait3A_607 = arith.constant 0 : i32
      %dma_wait3A_608 = arith.constant 0 : i32
      %dma_wait3A_609 = tpu.memref_slice %arg9[%dma_wait3A_605, %dma_wait3A_607, %dma_wait3A_608] : memref<8x128x32xf32, #tpu.memory_space<vmem>> -> memref<1x128x32xf32, #tpu.memory_space<vmem>>
      %dma_wait3A_610 = tpu.memref_squeeze %dma_wait3A_609 : memref<1x128x32xf32, #tpu.memory_space<vmem>> -> memref<128x32xf32, #tpu.memory_space<vmem>>
      %dma_wait3A_611 = arith.constant 0 : i32
      %dma_wait3A_612 = tpu.memref_slice %arg8[%add3A_604, %dma_wait3A_611] : memref<80x128xi32, #tpu.memory_space<vmem>> -> memref<1x128xi32, #tpu.memory_space<vmem>>
      %dma_wait3A_613 = tpu.memref_squeeze %dma_wait3A_612 : memref<1x128xi32, #tpu.memory_space<vmem>> -> memref<128xi32, #tpu.memory_space<vmem>>
      %dma_wait3A_614 = arith.constant 0 : i32
      %dma_wait3A_615 = arith.constant 0 : i32
      %dma_wait3A_616 = tpu.memref_slice %arg10[%dma_wait3A_614, %dma_wait3A_615] : memref<10112x32xf32, #tpu.memory_space<vmem_shared>> -> memref<10112x32xf32, #tpu.memory_space<vmem_shared>>
      %dma_wait3A_617 = tpu.memref_slice %arg13[%dma_wait3A_606] : memref<8x!tpu.dma_semaphore, #tpu.memory_space<semaphore_mem>> -> memref<1x!tpu.dma_semaphore, #tpu.memory_space<semaphore_mem>>
      %dma_wait3A_618 = tpu.memref_squeeze %dma_wait3A_617 : memref<1x!tpu.dma_semaphore, #tpu.memory_space<semaphore_mem>> -> memref<!tpu.dma_semaphore, #tpu.memory_space<semaphore_mem>>
      tpu.wait_indirect_dma semaphore(%dma_wait3A_618 : memref<!tpu.dma_semaphore, #tpu.memory_space<semaphore_mem>>) src(%dma_wait3A_610 : memref<128x32xf32, #tpu.memory_space<vmem>>) dst(%dma_wait3A_616 : memref<10112x32xf32, #tpu.memory_space<vmem_shared>>)
      %add3A_619 = arith.constant 8 : i32
      %add3A_620 = arith.addi %add3A_277, %add3A_619 : i32
      %add3A_621 = arith.constant 2 : i32
      %add3A_622 = arith.addi %add3A_620, %add3A_621 : i32
      %rem3A_623 = arith.remsi %add3A_622, %select_n3A : i32
      %dma_start3A_624 = arith.constant 2 : i32
      %dma_start3A_625 = arith.constant 2 : i32
      %dma_start3A_626 = arith.constant 0 : i32
      %dma_start3A_627 = arith.constant 0 : i32
      %dma_start3A_628 = tpu.memref_slice %arg9[%dma_start3A_624, %dma_start3A_626, %dma_start3A_627] : memref<8x128x32xf32, #tpu.memory_space<vmem>> -> memref<1x128x32xf32, #tpu.memory_space<vmem>>
      %dma_start3A_629 = tpu.memref_squeeze %dma_start3A_628 : memref<1x128x32xf32, #tpu.memory_space<vmem>> -> memref<128x32xf32, #tpu.memory_space<vmem>>
      %dma_start3A_630 = arith.constant 0 : i32
      %dma_start3A_631 = tpu.memref_slice %arg7[%rem3A_623, %dma_start3A_630] : memref<80x128xi32, #tpu.memory_space<vmem>> -> memref<1x128xi32, #tpu.memory_space<vmem>>
      %dma_start3A_632 = tpu.memref_squeeze %dma_start3A_631 : memref<1x128xi32, #tpu.memory_space<vmem>> -> memref<128xi32, #tpu.memory_space<vmem>>
      %dma_start3A_633 = arith.constant 0 : i32
      %dma_start3A_634 = arith.constant 0 : i32
      %dma_start3A_635 = tpu.memref_slice %arg11[%dma_start3A_633, %dma_start3A_634] : memref<10112x32xf32, #tpu.memory_space<vmem_shared>> -> memref<10112x32xf32, #tpu.memory_space<vmem_shared>>
      %dma_start3A_636 = tpu.memref_slice %arg12[%dma_start3A_625] : memref<8x!tpu.dma_semaphore, #tpu.memory_space<semaphore_mem>> -> memref<1x!tpu.dma_semaphore, #tpu.memory_space<semaphore_mem>>
      %dma_start3A_637 = tpu.memref_squeeze %dma_start3A_636 : memref<1x!tpu.dma_semaphore, #tpu.memory_space<semaphore_mem>> -> memref<!tpu.dma_semaphore, #tpu.memory_space<semaphore_mem>>
      tpu.enqueue_indirect_dma source(%dma_start3A_635 : memref<10112x32xf32, #tpu.memory_space<vmem_shared>>) target(%dma_start3A_629 : memref<128x32xf32, #tpu.memory_space<vmem>>) offsets(%dma_start3A_632 : memref<128xi32, #tpu.memory_space<vmem>>) semaphore(%dma_start3A_637 : memref<!tpu.dma_semaphore, #tpu.memory_space<semaphore_mem>>)
      %add3A_638 = arith.constant 3 : i32
      %add3A_639 = arith.addi %add3A_277, %add3A_638 : i32
      %dma_wait3A_640 = arith.constant 3 : i32
      %dma_wait3A_641 = arith.constant 3 : i32
      %dma_wait3A_642 = arith.constant 0 : i32
      %dma_wait3A_643 = arith.constant 0 : i32
      %dma_wait3A_644 = tpu.memref_slice %arg9[%dma_wait3A_640, %dma_wait3A_642, %dma_wait3A_643] : memref<8x128x32xf32, #tpu.memory_space<vmem>> -> memref<1x128x32xf32, #tpu.memory_space<vmem>>
      %dma_wait3A_645 = tpu.memref_squeeze %dma_wait3A_644 : memref<1x128x32xf32, #tpu.memory_space<vmem>> -> memref<128x32xf32, #tpu.memory_space<vmem>>
      %dma_wait3A_646 = arith.constant 0 : i32
      %dma_wait3A_647 = tpu.memref_slice %arg8[%add3A_639, %dma_wait3A_646] : memref<80x128xi32, #tpu.memory_space<vmem>> -> memref<1x128xi32, #tpu.memory_space<vmem>>
      %dma_wait3A_648 = tpu.memref_squeeze %dma_wait3A_647 : memref<1x128xi32, #tpu.memory_space<vmem>> -> memref<128xi32, #tpu.memory_space<vmem>>
      %dma_wait3A_649 = arith.constant 0 : i32
      %dma_wait3A_650 = arith.constant 0 : i32
      %dma_wait3A_651 = tpu.memref_slice %arg10[%dma_wait3A_649, %dma_wait3A_650] : memref<10112x32xf32, #tpu.memory_space<vmem_shared>> -> memref<10112x32xf32, #tpu.memory_space<vmem_shared>>
      %dma_wait3A_652 = tpu.memref_slice %arg13[%dma_wait3A_641] : memref<8x!tpu.dma_semaphore, #tpu.memory_space<semaphore_mem>> -> memref<1x!tpu.dma_semaphore, #tpu.memory_space<semaphore_mem>>
      %dma_wait3A_653 = tpu.memref_squeeze %dma_wait3A_652 : memref<1x!tpu.dma_semaphore, #tpu.memory_space<semaphore_mem>> -> memref<!tpu.dma_semaphore, #tpu.memory_space<semaphore_mem>>
      tpu.wait_indirect_dma semaphore(%dma_wait3A_653 : memref<!tpu.dma_semaphore, #tpu.memory_space<semaphore_mem>>) src(%dma_wait3A_645 : memref<128x32xf32, #tpu.memory_space<vmem>>) dst(%dma_wait3A_651 : memref<10112x32xf32, #tpu.memory_space<vmem_shared>>)
      %add3A_654 = arith.constant 8 : i32
      %add3A_655 = arith.addi %add3A_277, %add3A_654 : i32
      %add3A_656 = arith.constant 3 : i32
      %add3A_657 = arith.addi %add3A_655, %add3A_656 : i32
      %rem3A_658 = arith.remsi %add3A_657, %select_n3A : i32
      %dma_start3A_659 = arith.constant 3 : i32
      %dma_start3A_660 = arith.constant 3 : i32
      %dma_start3A_661 = arith.constant 0 : i32
      %dma_start3A_662 = arith.constant 0 : i32
      %dma_start3A_663 = tpu.memref_slice %arg9[%dma_start3A_659, %dma_start3A_661, %dma_start3A_662] : memref<8x128x32xf32, #tpu.memory_space<vmem>> -> memref<1x128x32xf32, #tpu.memory_space<vmem>>
      %dma_start3A_664 = tpu.memref_squeeze %dma_start3A_663 : memref<1x128x32xf32, #tpu.memory_space<vmem>> -> memref<128x32xf32, #tpu.memory_space<vmem>>
      %dma_start3A_665 = arith.constant 0 : i32
      %dma_start3A_666 = tpu.memref_slice %arg7[%rem3A_658, %dma_start3A_665] : memref<80x128xi32, #tpu.memory_space<vmem>> -> memref<1x128xi32, #tpu.memory_space<vmem>>
      %dma_start3A_667 = tpu.memref_squeeze %dma_start3A_666 : memref<1x128xi32, #tpu.memory_space<vmem>> -> memref<128xi32, #tpu.memory_space<vmem>>
      %dma_start3A_668 = arith.constant 0 : i32
      %dma_start3A_669 = arith.constant 0 : i32
      %dma_start3A_670 = tpu.memref_slice %arg11[%dma_start3A_668, %dma_start3A_669] : memref<10112x32xf32, #tpu.memory_space<vmem_shared>> -> memref<10112x32xf32, #tpu.memory_space<vmem_shared>>
      %dma_start3A_671 = tpu.memref_slice %arg12[%dma_start3A_660] : memref<8x!tpu.dma_semaphore, #tpu.memory_space<semaphore_mem>> -> memref<1x!tpu.dma_semaphore, #tpu.memory_space<semaphore_mem>>
      %dma_start3A_672 = tpu.memref_squeeze %dma_start3A_671 : memref<1x!tpu.dma_semaphore, #tpu.memory_space<semaphore_mem>> -> memref<!tpu.dma_semaphore, #tpu.memory_space<semaphore_mem>>
      tpu.enqueue_indirect_dma source(%dma_start3A_670 : memref<10112x32xf32, #tpu.memory_space<vmem_shared>>) target(%dma_start3A_664 : memref<128x32xf32, #tpu.memory_space<vmem>>) offsets(%dma_start3A_667 : memref<128xi32, #tpu.memory_space<vmem>>) semaphore(%dma_start3A_672 : memref<!tpu.dma_semaphore, #tpu.memory_space<semaphore_mem>>)
      %add3A_673 = arith.constant 4 : i32
      %add3A_674 = arith.addi %add3A_277, %add3A_673 : i32
      %dma_wait3A_675 = arith.constant 4 : i32
      %dma_wait3A_676 = arith.constant 4 : i32
      %dma_wait3A_677 = arith.constant 0 : i32
      %dma_wait3A_678 = arith.constant 0 : i32
      %dma_wait3A_679 = tpu.memref_slice %arg9[%dma_wait3A_675, %dma_wait3A_677, %dma_wait3A_678] : memref<8x128x32xf32, #tpu.memory_space<vmem>> -> memref<1x128x32xf32, #tpu.memory_space<vmem>>
      %dma_wait3A_680 = tpu.memref_squeeze %dma_wait3A_679 : memref<1x128x32xf32, #tpu.memory_space<vmem>> -> memref<128x32xf32, #tpu.memory_space<vmem>>
      %dma_wait3A_681 = arith.constant 0 : i32
      %dma_wait3A_682 = tpu.memref_slice %arg8[%add3A_674, %dma_wait3A_681] : memref<80x128xi32, #tpu.memory_space<vmem>> -> memref<1x128xi32, #tpu.memory_space<vmem>>
      %dma_wait3A_683 = tpu.memref_squeeze %dma_wait3A_682 : memref<1x128xi32, #tpu.memory_space<vmem>> -> memref<128xi32, #tpu.memory_space<vmem>>
      %dma_wait3A_684 = arith.constant 0 : i32
      %dma_wait3A_685 = arith.constant 0 : i32
      %dma_wait3A_686 = tpu.memref_slice %arg10[%dma_wait3A_684, %dma_wait3A_685] : memref<10112x32xf32, #tpu.memory_space<vmem_shared>> -> memref<10112x32xf32, #tpu.memory_space<vmem_shared>>
      %dma_wait3A_687 = tpu.memref_slice %arg13[%dma_wait3A_676] : memref<8x!tpu.dma_semaphore, #tpu.memory_space<semaphore_mem>> -> memref<1x!tpu.dma_semaphore, #tpu.memory_space<semaphore_mem>>
      %dma_wait3A_688 = tpu.memref_squeeze %dma_wait3A_687 : memref<1x!tpu.dma_semaphore, #tpu.memory_space<semaphore_mem>> -> memref<!tpu.dma_semaphore, #tpu.memory_space<semaphore_mem>>
      tpu.wait_indirect_dma semaphore(%dma_wait3A_688 : memref<!tpu.dma_semaphore, #tpu.memory_space<semaphore_mem>>) src(%dma_wait3A_680 : memref<128x32xf32, #tpu.memory_space<vmem>>) dst(%dma_wait3A_686 : memref<10112x32xf32, #tpu.memory_space<vmem_shared>>)
      %add3A_689 = arith.constant 8 : i32
      %add3A_690 = arith.addi %add3A_277, %add3A_689 : i32
      %add3A_691 = arith.constant 4 : i32
      %add3A_692 = arith.addi %add3A_690, %add3A_691 : i32
      %rem3A_693 = arith.remsi %add3A_692, %select_n3A : i32
      %dma_start3A_694 = arith.constant 4 : i32
      %dma_start3A_695 = arith.constant 4 : i32
      %dma_start3A_696 = arith.constant 0 : i32
      %dma_start3A_697 = arith.constant 0 : i32
      %dma_start3A_698 = tpu.memref_slice %arg9[%dma_start3A_694, %dma_start3A_696, %dma_start3A_697] : memref<8x128x32xf32, #tpu.memory_space<vmem>> -> memref<1x128x32xf32, #tpu.memory_space<vmem>>
      %dma_start3A_699 = tpu.memref_squeeze %dma_start3A_698 : memref<1x128x32xf32, #tpu.memory_space<vmem>> -> memref<128x32xf32, #tpu.memory_space<vmem>>
      %dma_start3A_700 = arith.constant 0 : i32
      %dma_start3A_701 = tpu.memref_slice %arg7[%rem3A_693, %dma_start3A_700] : memref<80x128xi32, #tpu.memory_space<vmem>> -> memref<1x128xi32, #tpu.memory_space<vmem>>
      %dma_start3A_702 = tpu.memref_squeeze %dma_start3A_701 : memref<1x128xi32, #tpu.memory_space<vmem>> -> memref<128xi32, #tpu.memory_space<vmem>>
      %dma_start3A_703 = arith.constant 0 : i32
      %dma_start3A_704 = arith.constant 0 : i32
      %dma_start3A_705 = tpu.memref_slice %arg11[%dma_start3A_703, %dma_start3A_704] : memref<10112x32xf32, #tpu.memory_space<vmem_shared>> -> memref<10112x32xf32, #tpu.memory_space<vmem_shared>>
      %dma_start3A_706 = tpu.memref_slice %arg12[%dma_start3A_695] : memref<8x!tpu.dma_semaphore, #tpu.memory_space<semaphore_mem>> -> memref<1x!tpu.dma_semaphore, #tpu.memory_space<semaphore_mem>>
      %dma_start3A_707 = tpu.memref_squeeze %dma_start3A_706 : memref<1x!tpu.dma_semaphore, #tpu.memory_space<semaphore_mem>> -> memref<!tpu.dma_semaphore, #tpu.memory_space<semaphore_mem>>
      tpu.enqueue_indirect_dma source(%dma_start3A_705 : memref<10112x32xf32, #tpu.memory_space<vmem_shared>>) target(%dma_start3A_699 : memref<128x32xf32, #tpu.memory_space<vmem>>) offsets(%dma_start3A_702 : memref<128xi32, #tpu.memory_space<vmem>>) semaphore(%dma_start3A_707 : memref<!tpu.dma_semaphore, #tpu.memory_space<semaphore_mem>>)
      %add3A_708 = arith.constant 5 : i32
      %add3A_709 = arith.addi %add3A_277, %add3A_708 : i32
      %dma_wait3A_710 = arith.constant 5 : i32
      %dma_wait3A_711 = arith.constant 5 : i32
      %dma_wait3A_712 = arith.constant 0 : i32
      %dma_wait3A_713 = arith.constant 0 : i32
      %dma_wait3A_714 = tpu.memref_slice %arg9[%dma_wait3A_710, %dma_wait3A_712, %dma_wait3A_713] : memref<8x128x32xf32, #tpu.memory_space<vmem>> -> memref<1x128x32xf32, #tpu.memory_space<vmem>>
      %dma_wait3A_715 = tpu.memref_squeeze %dma_wait3A_714 : memref<1x128x32xf32, #tpu.memory_space<vmem>> -> memref<128x32xf32, #tpu.memory_space<vmem>>
      %dma_wait3A_716 = arith.constant 0 : i32
      %dma_wait3A_717 = tpu.memref_slice %arg8[%add3A_709, %dma_wait3A_716] : memref<80x128xi32, #tpu.memory_space<vmem>> -> memref<1x128xi32, #tpu.memory_space<vmem>>
      %dma_wait3A_718 = tpu.memref_squeeze %dma_wait3A_717 : memref<1x128xi32, #tpu.memory_space<vmem>> -> memref<128xi32, #tpu.memory_space<vmem>>
      %dma_wait3A_719 = arith.constant 0 : i32
      %dma_wait3A_720 = arith.constant 0 : i32
      %dma_wait3A_721 = tpu.memref_slice %arg10[%dma_wait3A_719, %dma_wait3A_720] : memref<10112x32xf32, #tpu.memory_space<vmem_shared>> -> memref<10112x32xf32, #tpu.memory_space<vmem_shared>>
      %dma_wait3A_722 = tpu.memref_slice %arg13[%dma_wait3A_711] : memref<8x!tpu.dma_semaphore, #tpu.memory_space<semaphore_mem>> -> memref<1x!tpu.dma_semaphore, #tpu.memory_space<semaphore_mem>>
      %dma_wait3A_723 = tpu.memref_squeeze %dma_wait3A_722 : memref<1x!tpu.dma_semaphore, #tpu.memory_space<semaphore_mem>> -> memref<!tpu.dma_semaphore, #tpu.memory_space<semaphore_mem>>
      tpu.wait_indirect_dma semaphore(%dma_wait3A_723 : memref<!tpu.dma_semaphore, #tpu.memory_space<semaphore_mem>>) src(%dma_wait3A_715 : memref<128x32xf32, #tpu.memory_space<vmem>>) dst(%dma_wait3A_721 : memref<10112x32xf32, #tpu.memory_space<vmem_shared>>)
      %add3A_724 = arith.constant 8 : i32
      %add3A_725 = arith.addi %add3A_277, %add3A_724 : i32
      %add3A_726 = arith.constant 5 : i32
      %add3A_727 = arith.addi %add3A_725, %add3A_726 : i32
      %rem3A_728 = arith.remsi %add3A_727, %select_n3A : i32
      %dma_start3A_729 = arith.constant 5 : i32
      %dma_start3A_730 = arith.constant 5 : i32
      %dma_start3A_731 = arith.constant 0 : i32
      %dma_start3A_732 = arith.constant 0 : i32
      %dma_start3A_733 = tpu.memref_slice %arg9[%dma_start3A_729, %dma_start3A_731, %dma_start3A_732] : memref<8x128x32xf32, #tpu.memory_space<vmem>> -> memref<1x128x32xf32, #tpu.memory_space<vmem>>
      %dma_start3A_734 = tpu.memref_squeeze %dma_start3A_733 : memref<1x128x32xf32, #tpu.memory_space<vmem>> -> memref<128x32xf32, #tpu.memory_space<vmem>>
      %dma_start3A_735 = arith.constant 0 : i32
      %dma_start3A_736 = tpu.memref_slice %arg7[%rem3A_728, %dma_start3A_735] : memref<80x128xi32, #tpu.memory_space<vmem>> -> memref<1x128xi32, #tpu.memory_space<vmem>>
      %dma_start3A_737 = tpu.memref_squeeze %dma_start3A_736 : memref<1x128xi32, #tpu.memory_space<vmem>> -> memref<128xi32, #tpu.memory_space<vmem>>
      %dma_start3A_738 = arith.constant 0 : i32
      %dma_start3A_739 = arith.constant 0 : i32
      %dma_start3A_740 = tpu.memref_slice %arg11[%dma_start3A_738, %dma_start3A_739] : memref<10112x32xf32, #tpu.memory_space<vmem_shared>> -> memref<10112x32xf32, #tpu.memory_space<vmem_shared>>
      %dma_start3A_741 = tpu.memref_slice %arg12[%dma_start3A_730] : memref<8x!tpu.dma_semaphore, #tpu.memory_space<semaphore_mem>> -> memref<1x!tpu.dma_semaphore, #tpu.memory_space<semaphore_mem>>
      %dma_start3A_742 = tpu.memref_squeeze %dma_start3A_741 : memref<1x!tpu.dma_semaphore, #tpu.memory_space<semaphore_mem>> -> memref<!tpu.dma_semaphore, #tpu.memory_space<semaphore_mem>>
      tpu.enqueue_indirect_dma source(%dma_start3A_740 : memref<10112x32xf32, #tpu.memory_space<vmem_shared>>) target(%dma_start3A_734 : memref<128x32xf32, #tpu.memory_space<vmem>>) offsets(%dma_start3A_737 : memref<128xi32, #tpu.memory_space<vmem>>) semaphore(%dma_start3A_742 : memref<!tpu.dma_semaphore, #tpu.memory_space<semaphore_mem>>)
      %add3A_743 = arith.constant 6 : i32
      %add3A_744 = arith.addi %add3A_277, %add3A_743 : i32
      %dma_wait3A_745 = arith.constant 6 : i32
      %dma_wait3A_746 = arith.constant 6 : i32
      %dma_wait3A_747 = arith.constant 0 : i32
      %dma_wait3A_748 = arith.constant 0 : i32
      %dma_wait3A_749 = tpu.memref_slice %arg9[%dma_wait3A_745, %dma_wait3A_747, %dma_wait3A_748] : memref<8x128x32xf32, #tpu.memory_space<vmem>> -> memref<1x128x32xf32, #tpu.memory_space<vmem>>
      %dma_wait3A_750 = tpu.memref_squeeze %dma_wait3A_749 : memref<1x128x32xf32, #tpu.memory_space<vmem>> -> memref<128x32xf32, #tpu.memory_space<vmem>>
      %dma_wait3A_751 = arith.constant 0 : i32
      %dma_wait3A_752 = tpu.memref_slice %arg8[%add3A_744, %dma_wait3A_751] : memref<80x128xi32, #tpu.memory_space<vmem>> -> memref<1x128xi32, #tpu.memory_space<vmem>>
      %dma_wait3A_753 = tpu.memref_squeeze %dma_wait3A_752 : memref<1x128xi32, #tpu.memory_space<vmem>> -> memref<128xi32, #tpu.memory_space<vmem>>
      %dma_wait3A_754 = arith.constant 0 : i32
      %dma_wait3A_755 = arith.constant 0 : i32
      %dma_wait3A_756 = tpu.memref_slice %arg10[%dma_wait3A_754, %dma_wait3A_755] : memref<10112x32xf32, #tpu.memory_space<vmem_shared>> -> memref<10112x32xf32, #tpu.memory_space<vmem_shared>>
      %dma_wait3A_757 = tpu.memref_slice %arg13[%dma_wait3A_746] : memref<8x!tpu.dma_semaphore, #tpu.memory_space<semaphore_mem>> -> memref<1x!tpu.dma_semaphore, #tpu.memory_space<semaphore_mem>>
      %dma_wait3A_758 = tpu.memref_squeeze %dma_wait3A_757 : memref<1x!tpu.dma_semaphore, #tpu.memory_space<semaphore_mem>> -> memref<!tpu.dma_semaphore, #tpu.memory_space<semaphore_mem>>
      tpu.wait_indirect_dma semaphore(%dma_wait3A_758 : memref<!tpu.dma_semaphore, #tpu.memory_space<semaphore_mem>>) src(%dma_wait3A_750 : memref<128x32xf32, #tpu.memory_space<vmem>>) dst(%dma_wait3A_756 : memref<10112x32xf32, #tpu.memory_space<vmem_shared>>)
      %add3A_759 = arith.constant 8 : i32
      %add3A_760 = arith.addi %add3A_277, %add3A_759 : i32
      %add3A_761 = arith.constant 6 : i32
      %add3A_762 = arith.addi %add3A_760, %add3A_761 : i32
      %rem3A_763 = arith.remsi %add3A_762, %select_n3A : i32
      %dma_start3A_764 = arith.constant 6 : i32
      %dma_start3A_765 = arith.constant 6 : i32
      %dma_start3A_766 = arith.constant 0 : i32
      %dma_start3A_767 = arith.constant 0 : i32
      %dma_start3A_768 = tpu.memref_slice %arg9[%dma_start3A_764, %dma_start3A_766, %dma_start3A_767] : memref<8x128x32xf32, #tpu.memory_space<vmem>> -> memref<1x128x32xf32, #tpu.memory_space<vmem>>
      %dma_start3A_769 = tpu.memref_squeeze %dma_start3A_768 : memref<1x128x32xf32, #tpu.memory_space<vmem>> -> memref<128x32xf32, #tpu.memory_space<vmem>>
      %dma_start3A_770 = arith.constant 0 : i32
      %dma_start3A_771 = tpu.memref_slice %arg7[%rem3A_763, %dma_start3A_770] : memref<80x128xi32, #tpu.memory_space<vmem>> -> memref<1x128xi32, #tpu.memory_space<vmem>>
      %dma_start3A_772 = tpu.memref_squeeze %dma_start3A_771 : memref<1x128xi32, #tpu.memory_space<vmem>> -> memref<128xi32, #tpu.memory_space<vmem>>
      %dma_start3A_773 = arith.constant 0 : i32
      %dma_start3A_774 = arith.constant 0 : i32
      %dma_start3A_775 = tpu.memref_slice %arg11[%dma_start3A_773, %dma_start3A_774] : memref<10112x32xf32, #tpu.memory_space<vmem_shared>> -> memref<10112x32xf32, #tpu.memory_space<vmem_shared>>
      %dma_start3A_776 = tpu.memref_slice %arg12[%dma_start3A_765] : memref<8x!tpu.dma_semaphore, #tpu.memory_space<semaphore_mem>> -> memref<1x!tpu.dma_semaphore, #tpu.memory_space<semaphore_mem>>
      %dma_start3A_777 = tpu.memref_squeeze %dma_start3A_776 : memref<1x!tpu.dma_semaphore, #tpu.memory_space<semaphore_mem>> -> memref<!tpu.dma_semaphore, #tpu.memory_space<semaphore_mem>>
      tpu.enqueue_indirect_dma source(%dma_start3A_775 : memref<10112x32xf32, #tpu.memory_space<vmem_shared>>) target(%dma_start3A_769 : memref<128x32xf32, #tpu.memory_space<vmem>>) offsets(%dma_start3A_772 : memref<128xi32, #tpu.memory_space<vmem>>) semaphore(%dma_start3A_777 : memref<!tpu.dma_semaphore, #tpu.memory_space<semaphore_mem>>)
      %add3A_778 = arith.constant 7 : i32
      %add3A_779 = arith.addi %add3A_277, %add3A_778 : i32
      %dma_wait3A_780 = arith.constant 7 : i32
      %dma_wait3A_781 = arith.constant 7 : i32
      %dma_wait3A_782 = arith.constant 0 : i32
      %dma_wait3A_783 = arith.constant 0 : i32
      %dma_wait3A_784 = tpu.memref_slice %arg9[%dma_wait3A_780, %dma_wait3A_782, %dma_wait3A_783] : memref<8x128x32xf32, #tpu.memory_space<vmem>> -> memref<1x128x32xf32, #tpu.memory_space<vmem>>
      %dma_wait3A_785 = tpu.memref_squeeze %dma_wait3A_784 : memref<1x128x32xf32, #tpu.memory_space<vmem>> -> memref<128x32xf32, #tpu.memory_space<vmem>>
      %dma_wait3A_786 = arith.constant 0 : i32
      %dma_wait3A_787 = tpu.memref_slice %arg8[%add3A_779, %dma_wait3A_786] : memref<80x128xi32, #tpu.memory_space<vmem>> -> memref<1x128xi32, #tpu.memory_space<vmem>>
      %dma_wait3A_788 = tpu.memref_squeeze %dma_wait3A_787 : memref<1x128xi32, #tpu.memory_space<vmem>> -> memref<128xi32, #tpu.memory_space<vmem>>
      %dma_wait3A_789 = arith.constant 0 : i32
      %dma_wait3A_790 = arith.constant 0 : i32
      %dma_wait3A_791 = tpu.memref_slice %arg10[%dma_wait3A_789, %dma_wait3A_790] : memref<10112x32xf32, #tpu.memory_space<vmem_shared>> -> memref<10112x32xf32, #tpu.memory_space<vmem_shared>>
      %dma_wait3A_792 = tpu.memref_slice %arg13[%dma_wait3A_781] : memref<8x!tpu.dma_semaphore, #tpu.memory_space<semaphore_mem>> -> memref<1x!tpu.dma_semaphore, #tpu.memory_space<semaphore_mem>>
      %dma_wait3A_793 = tpu.memref_squeeze %dma_wait3A_792 : memref<1x!tpu.dma_semaphore, #tpu.memory_space<semaphore_mem>> -> memref<!tpu.dma_semaphore, #tpu.memory_space<semaphore_mem>>
      tpu.wait_indirect_dma semaphore(%dma_wait3A_793 : memref<!tpu.dma_semaphore, #tpu.memory_space<semaphore_mem>>) src(%dma_wait3A_785 : memref<128x32xf32, #tpu.memory_space<vmem>>) dst(%dma_wait3A_791 : memref<10112x32xf32, #tpu.memory_space<vmem_shared>>)
      %add3A_794 = arith.constant 8 : i32
      %add3A_795 = arith.addi %add3A_277, %add3A_794 : i32
      %add3A_796 = arith.constant 7 : i32
      %add3A_797 = arith.addi %add3A_795, %add3A_796 : i32
      %rem3A_798 = arith.remsi %add3A_797, %select_n3A : i32
      %dma_start3A_799 = arith.constant 7 : i32
      %dma_start3A_800 = arith.constant 7 : i32
      %dma_start3A_801 = arith.constant 0 : i32
      %dma_start3A_802 = arith.constant 0 : i32
      %dma_start3A_803 = tpu.memref_slice %arg9[%dma_start3A_799, %dma_start3A_801, %dma_start3A_802] : memref<8x128x32xf32, #tpu.memory_space<vmem>> -> memref<1x128x32xf32, #tpu.memory_space<vmem>>
      %dma_start3A_804 = tpu.memref_squeeze %dma_start3A_803 : memref<1x128x32xf32, #tpu.memory_space<vmem>> -> memref<128x32xf32, #tpu.memory_space<vmem>>
      %dma_start3A_805 = arith.constant 0 : i32
      %dma_start3A_806 = tpu.memref_slice %arg7[%rem3A_798, %dma_start3A_805] : memref<80x128xi32, #tpu.memory_space<vmem>> -> memref<1x128xi32, #tpu.memory_space<vmem>>
      %dma_start3A_807 = tpu.memref_squeeze %dma_start3A_806 : memref<1x128xi32, #tpu.memory_space<vmem>> -> memref<128xi32, #tpu.memory_space<vmem>>
      %dma_start3A_808 = arith.constant 0 : i32
      %dma_start3A_809 = arith.constant 0 : i32
      %dma_start3A_810 = tpu.memref_slice %arg11[%dma_start3A_808, %dma_start3A_809] : memref<10112x32xf32, #tpu.memory_space<vmem_shared>> -> memref<10112x32xf32, #tpu.memory_space<vmem_shared>>
      %dma_start3A_811 = tpu.memref_slice %arg12[%dma_start3A_800] : memref<8x!tpu.dma_semaphore, #tpu.memory_space<semaphore_mem>> -> memref<1x!tpu.dma_semaphore, #tpu.memory_space<semaphore_mem>>
      %dma_start3A_812 = tpu.memref_squeeze %dma_start3A_811 : memref<1x!tpu.dma_semaphore, #tpu.memory_space<semaphore_mem>> -> memref<!tpu.dma_semaphore, #tpu.memory_space<semaphore_mem>>
      tpu.enqueue_indirect_dma source(%dma_start3A_810 : memref<10112x32xf32, #tpu.memory_space<vmem_shared>>) target(%dma_start3A_804 : memref<128x32xf32, #tpu.memory_space<vmem>>) offsets(%dma_start3A_807 : memref<128xi32, #tpu.memory_space<vmem>>) semaphore(%dma_start3A_812 : memref<!tpu.dma_semaphore, #tpu.memory_space<semaphore_mem>>)
    }
    %while3A_150 = arith.constant 1 : i32
    scf.for %while3A_275 = %while3A_148 to %while3A_144 step %while3A_150  : i32 {
      %mul3A_276 = arith.muli %while3A_275, %while3A : i32
      %add3A_277 = arith.addi %while3A_141, %mul3A_276 : i32
      %add3A_278 = arith.constant 0 : i32
      %add3A_279 = arith.addi %add3A_277, %add3A_278 : i32
      %dma_wait3A_280 = arith.constant 0 : i32
      %dma_wait3A_281 = arith.constant 0 : i32
      %dma_wait3A_282 = arith.constant 0 : i32
      %dma_wait3A_283 = arith.constant 0 : i32
      %dma_wait3A_284 = tpu.memref_slice %arg9[%dma_wait3A_280, %dma_wait3A_282, %dma_wait3A_283] : memref<8x128x32xf32, #tpu.memory_space<vmem>> -> memref<1x128x32xf32, #tpu.memory_space<vmem>>
      %dma_wait3A_285 = tpu.memref_squeeze %dma_wait3A_284 : memref<1x128x32xf32, #tpu.memory_space<vmem>> -> memref<128x32xf32, #tpu.memory_space<vmem>>
      %dma_wait3A_286 = arith.constant 0 : i32
      %dma_wait3A_287 = tpu.memref_slice %arg7[%add3A_279, %dma_wait3A_286] : memref<80x128xi32, #tpu.memory_space<vmem>> -> memref<1x128xi32, #tpu.memory_space<vmem>>
      %dma_wait3A_288 = tpu.memref_squeeze %dma_wait3A_287 : memref<1x128xi32, #tpu.memory_space<vmem>> -> memref<128xi32, #tpu.memory_space<vmem>>
      %dma_wait3A_289 = arith.constant 0 : i32
      %dma_wait3A_290 = arith.constant 0 : i32
      %dma_wait3A_291 = tpu.memref_slice %arg11[%dma_wait3A_289, %dma_wait3A_290] : memref<10112x32xf32, #tpu.memory_space<vmem_shared>> -> memref<10112x32xf32, #tpu.memory_space<vmem_shared>>
      %dma_wait3A_292 = tpu.memref_slice %arg12[%dma_wait3A_281] : memref<8x!tpu.dma_semaphore, #tpu.memory_space<semaphore_mem>> -> memref<1x!tpu.dma_semaphore, #tpu.memory_space<semaphore_mem>>
      %dma_wait3A_293 = tpu.memref_squeeze %dma_wait3A_292 : memref<1x!tpu.dma_semaphore, #tpu.memory_space<semaphore_mem>> -> memref<!tpu.dma_semaphore, #tpu.memory_space<semaphore_mem>>
      tpu.wait_indirect_dma semaphore(%dma_wait3A_293 : memref<!tpu.dma_semaphore, #tpu.memory_space<semaphore_mem>>) src(%dma_wait3A_291 : memref<10112x32xf32, #tpu.memory_space<vmem_shared>>) dst(%dma_wait3A_285 : memref<128x32xf32, #tpu.memory_space<vmem>>)
      %add3A_294 = arith.constant 0 : i32
      %add3A_295 = arith.addi %add3A_277, %add3A_294 : i32
      %dma_start3A_296 = arith.constant 0 : i32
      %dma_start3A_297 = arith.constant 0 : i32
      %dma_start3A_298 = arith.constant 0 : i32
      %dma_start3A_299 = arith.constant 0 : i32
      %dma_start3A_300 = tpu.memref_slice %arg9[%dma_start3A_296, %dma_start3A_298, %dma_start3A_299] : memref<8x128x32xf32, #tpu.memory_space<vmem>> -> memref<1x128x32xf32, #tpu.memory_space<vmem>>
      %dma_start3A_301 = tpu.memref_squeeze %dma_start3A_300 : memref<1x128x32xf32, #tpu.memory_space<vmem>> -> memref<128x32xf32, #tpu.memory_space<vmem>>
      %dma_start3A_302 = arith.constant 0 : i32
      %dma_start3A_303 = tpu.memref_slice %arg8[%add3A_295, %dma_start3A_302] : memref<80x128xi32, #tpu.memory_space<vmem>> -> memref<1x128xi32, #tpu.memory_space<vmem>>
      %dma_start3A_304 = tpu.memref_squeeze %dma_start3A_303 : memref<1x128xi32, #tpu.memory_space<vmem>> -> memref<128xi32, #tpu.memory_space<vmem>>
      %dma_start3A_305 = arith.constant 0 : i32
      %dma_start3A_306 = arith.constant 0 : i32
      %dma_start3A_307 = tpu.memref_slice %arg10[%dma_start3A_305, %dma_start3A_306] : memref<10112x32xf32, #tpu.memory_space<vmem_shared>> -> memref<10112x32xf32, #tpu.memory_space<vmem_shared>>
      %dma_start3A_308 = tpu.memref_slice %arg13[%dma_start3A_297] : memref<8x!tpu.dma_semaphore, #tpu.memory_space<semaphore_mem>> -> memref<1x!tpu.dma_semaphore, #tpu.memory_space<semaphore_mem>>
      %dma_start3A_309 = tpu.memref_squeeze %dma_start3A_308 : memref<1x!tpu.dma_semaphore, #tpu.memory_space<semaphore_mem>> -> memref<!tpu.dma_semaphore, #tpu.memory_space<semaphore_mem>>
      tpu.enqueue_indirect_dma source(%dma_start3A_301 : memref<128x32xf32, #tpu.memory_space<vmem>>) target(%dma_start3A_307 : memref<10112x32xf32, #tpu.memory_space<vmem_shared>>) offsets(%dma_start3A_304 : memref<128xi32, #tpu.memory_space<vmem>>) semaphore(%dma_start3A_309 : memref<!tpu.dma_semaphore, #tpu.memory_space<semaphore_mem>>) {add = true}
      %add3A_310 = arith.constant 1 : i32
      %add3A_311 = arith.addi %add3A_277, %add3A_310 : i32
      %dma_wait3A_312 = arith.constant 1 : i32
      %dma_wait3A_313 = arith.constant 1 : i32
      %dma_wait3A_314 = arith.constant 0 : i32
      %dma_wait3A_315 = arith.constant 0 : i32
      %dma_wait3A_316 = tpu.memref_slice %arg9[%dma_wait3A_312, %dma_wait3A_314, %dma_wait3A_315] : memref<8x128x32xf32, #tpu.memory_space<vmem>> -> memref<1x128x32xf32, #tpu.memory_space<vmem>>
      %dma_wait3A_317 = tpu.memref_squeeze %dma_wait3A_316 : memref<1x128x32xf32, #tpu.memory_space<vmem>> -> memref<128x32xf32, #tpu.memory_space<vmem>>
      %dma_wait3A_318 = arith.constant 0 : i32
      %dma_wait3A_319 = tpu.memref_slice %arg7[%add3A_311, %dma_wait3A_318] : memref<80x128xi32, #tpu.memory_space<vmem>> -> memref<1x128xi32, #tpu.memory_space<vmem>>
      %dma_wait3A_320 = tpu.memref_squeeze %dma_wait3A_319 : memref<1x128xi32, #tpu.memory_space<vmem>> -> memref<128xi32, #tpu.memory_space<vmem>>
      %dma_wait3A_321 = arith.constant 0 : i32
      %dma_wait3A_322 = arith.constant 0 : i32
      %dma_wait3A_323 = tpu.memref_slice %arg11[%dma_wait3A_321, %dma_wait3A_322] : memref<10112x32xf32, #tpu.memory_space<vmem_shared>> -> memref<10112x32xf32, #tpu.memory_space<vmem_shared>>
      %dma_wait3A_324 = tpu.memref_slice %arg12[%dma_wait3A_313] : memref<8x!tpu.dma_semaphore, #tpu.memory_space<semaphore_mem>> -> memref<1x!tpu.dma_semaphore, #tpu.memory_space<semaphore_mem>>
      %dma_wait3A_325 = tpu.memref_squeeze %dma_wait3A_324 : memref<1x!tpu.dma_semaphore, #tpu.memory_space<semaphore_mem>> -> memref<!tpu.dma_semaphore, #tpu.memory_space<semaphore_mem>>
      tpu.wait_indirect_dma semaphore(%dma_wait3A_325 : memref<!tpu.dma_semaphore, #tpu.memory_space<semaphore_mem>>) src(%dma_wait3A_323 : memref<10112x32xf32, #tpu.memory_space<vmem_shared>>) dst(%dma_wait3A_317 : memref<128x32xf32, #tpu.memory_space<vmem>>)
      %add3A_326 = arith.constant 1 : i32
      %add3A_327 = arith.addi %add3A_277, %add3A_326 : i32
      %dma_start3A_328 = arith.constant 1 : i32
      %dma_start3A_329 = arith.constant 1 : i32
      %dma_start3A_330 = arith.constant 0 : i32
      %dma_start3A_331 = arith.constant 0 : i32
      %dma_start3A_332 = tpu.memref_slice %arg9[%dma_start3A_328, %dma_start3A_330, %dma_start3A_331] : memref<8x128x32xf32, #tpu.memory_space<vmem>> -> memref<1x128x32xf32, #tpu.memory_space<vmem>>
      %dma_start3A_333 = tpu.memref_squeeze %dma_start3A_332 : memref<1x128x32xf32, #tpu.memory_space<vmem>> -> memref<128x32xf32, #tpu.memory_space<vmem>>
      %dma_start3A_334 = arith.constant 0 : i32
      %dma_start3A_335 = tpu.memref_slice %arg8[%add3A_327, %dma_start3A_334] : memref<80x128xi32, #tpu.memory_space<vmem>> -> memref<1x128xi32, #tpu.memory_space<vmem>>
      %dma_start3A_336 = tpu.memref_squeeze %dma_start3A_335 : memref<1x128xi32, #tpu.memory_space<vmem>> -> memref<128xi32, #tpu.memory_space<vmem>>
      %dma_start3A_337 = arith.constant 0 : i32
      %dma_start3A_338 = arith.constant 0 : i32
      %dma_start3A_339 = tpu.memref_slice %arg10[%dma_start3A_337, %dma_start3A_338] : memref<10112x32xf32, #tpu.memory_space<vmem_shared>> -> memref<10112x32xf32, #tpu.memory_space<vmem_shared>>
      %dma_start3A_340 = tpu.memref_slice %arg13[%dma_start3A_329] : memref<8x!tpu.dma_semaphore, #tpu.memory_space<semaphore_mem>> -> memref<1x!tpu.dma_semaphore, #tpu.memory_space<semaphore_mem>>
      %dma_start3A_341 = tpu.memref_squeeze %dma_start3A_340 : memref<1x!tpu.dma_semaphore, #tpu.memory_space<semaphore_mem>> -> memref<!tpu.dma_semaphore, #tpu.memory_space<semaphore_mem>>
      tpu.enqueue_indirect_dma source(%dma_start3A_333 : memref<128x32xf32, #tpu.memory_space<vmem>>) target(%dma_start3A_339 : memref<10112x32xf32, #tpu.memory_space<vmem_shared>>) offsets(%dma_start3A_336 : memref<128xi32, #tpu.memory_space<vmem>>) semaphore(%dma_start3A_341 : memref<!tpu.dma_semaphore, #tpu.memory_space<semaphore_mem>>) {add = true}
      %add3A_342 = arith.constant 2 : i32
      %add3A_343 = arith.addi %add3A_277, %add3A_342 : i32
      %dma_wait3A_344 = arith.constant 2 : i32
      %dma_wait3A_345 = arith.constant 2 : i32
      %dma_wait3A_346 = arith.constant 0 : i32
      %dma_wait3A_347 = arith.constant 0 : i32
      %dma_wait3A_348 = tpu.memref_slice %arg9[%dma_wait3A_344, %dma_wait3A_346, %dma_wait3A_347] : memref<8x128x32xf32, #tpu.memory_space<vmem>> -> memref<1x128x32xf32, #tpu.memory_space<vmem>>
      %dma_wait3A_349 = tpu.memref_squeeze %dma_wait3A_348 : memref<1x128x32xf32, #tpu.memory_space<vmem>> -> memref<128x32xf32, #tpu.memory_space<vmem>>
      %dma_wait3A_350 = arith.constant 0 : i32
      %dma_wait3A_351 = tpu.memref_slice %arg7[%add3A_343, %dma_wait3A_350] : memref<80x128xi32, #tpu.memory_space<vmem>> -> memref<1x128xi32, #tpu.memory_space<vmem>>
      %dma_wait3A_352 = tpu.memref_squeeze %dma_wait3A_351 : memref<1x128xi32, #tpu.memory_space<vmem>> -> memref<128xi32, #tpu.memory_space<vmem>>
      %dma_wait3A_353 = arith.constant 0 : i32
      %dma_wait3A_354 = arith.constant 0 : i32
      %dma_wait3A_355 = tpu.memref_slice %arg11[%dma_wait3A_353, %dma_wait3A_354] : memref<10112x32xf32, #tpu.memory_space<vmem_shared>> -> memref<10112x32xf32, #tpu.memory_space<vmem_shared>>
      %dma_wait3A_356 = tpu.memref_slice %arg12[%dma_wait3A_345] : memref<8x!tpu.dma_semaphore, #tpu.memory_space<semaphore_mem>> -> memref<1x!tpu.dma_semaphore, #tpu.memory_space<semaphore_mem>>
      %dma_wait3A_357 = tpu.memref_squeeze %dma_wait3A_356 : memref<1x!tpu.dma_semaphore, #tpu.memory_space<semaphore_mem>> -> memref<!tpu.dma_semaphore, #tpu.memory_space<semaphore_mem>>
      tpu.wait_indirect_dma semaphore(%dma_wait3A_357 : memref<!tpu.dma_semaphore, #tpu.memory_space<semaphore_mem>>) src(%dma_wait3A_355 : memref<10112x32xf32, #tpu.memory_space<vmem_shared>>) dst(%dma_wait3A_349 : memref<128x32xf32, #tpu.memory_space<vmem>>)
      %add3A_358 = arith.constant 2 : i32
      %add3A_359 = arith.addi %add3A_277, %add3A_358 : i32
      %dma_start3A_360 = arith.constant 2 : i32
      %dma_start3A_361 = arith.constant 2 : i32
      %dma_start3A_362 = arith.constant 0 : i32
      %dma_start3A_363 = arith.constant 0 : i32
      %dma_start3A_364 = tpu.memref_slice %arg9[%dma_start3A_360, %dma_start3A_362, %dma_start3A_363] : memref<8x128x32xf32, #tpu.memory_space<vmem>> -> memref<1x128x32xf32, #tpu.memory_space<vmem>>
      %dma_start3A_365 = tpu.memref_squeeze %dma_start3A_364 : memref<1x128x32xf32, #tpu.memory_space<vmem>> -> memref<128x32xf32, #tpu.memory_space<vmem>>
      %dma_start3A_366 = arith.constant 0 : i32
      %dma_start3A_367 = tpu.memref_slice %arg8[%add3A_359, %dma_start3A_366] : memref<80x128xi32, #tpu.memory_space<vmem>> -> memref<1x128xi32, #tpu.memory_space<vmem>>
      %dma_start3A_368 = tpu.memref_squeeze %dma_start3A_367 : memref<1x128xi32, #tpu.memory_space<vmem>> -> memref<128xi32, #tpu.memory_space<vmem>>
      %dma_start3A_369 = arith.constant 0 : i32
      %dma_start3A_370 = arith.constant 0 : i32
      %dma_start3A_371 = tpu.memref_slice %arg10[%dma_start3A_369, %dma_start3A_370] : memref<10112x32xf32, #tpu.memory_space<vmem_shared>> -> memref<10112x32xf32, #tpu.memory_space<vmem_shared>>
      %dma_start3A_372 = tpu.memref_slice %arg13[%dma_start3A_361] : memref<8x!tpu.dma_semaphore, #tpu.memory_space<semaphore_mem>> -> memref<1x!tpu.dma_semaphore, #tpu.memory_space<semaphore_mem>>
      %dma_start3A_373 = tpu.memref_squeeze %dma_start3A_372 : memref<1x!tpu.dma_semaphore, #tpu.memory_space<semaphore_mem>> -> memref<!tpu.dma_semaphore, #tpu.memory_space<semaphore_mem>>
      tpu.enqueue_indirect_dma source(%dma_start3A_365 : memref<128x32xf32, #tpu.memory_space<vmem>>) target(%dma_start3A_371 : memref<10112x32xf32, #tpu.memory_space<vmem_shared>>) offsets(%dma_start3A_368 : memref<128xi32, #tpu.memory_space<vmem>>) semaphore(%dma_start3A_373 : memref<!tpu.dma_semaphore, #tpu.memory_space<semaphore_mem>>) {add = true}
      %add3A_374 = arith.constant 3 : i32
      %add3A_375 = arith.addi %add3A_277, %add3A_374 : i32
      %dma_wait3A_376 = arith.constant 3 : i32
      %dma_wait3A_377 = arith.constant 3 : i32
      %dma_wait3A_378 = arith.constant 0 : i32
      %dma_wait3A_379 = arith.constant 0 : i32
      %dma_wait3A_380 = tpu.memref_slice %arg9[%dma_wait3A_376, %dma_wait3A_378, %dma_wait3A_379] : memref<8x128x32xf32, #tpu.memory_space<vmem>> -> memref<1x128x32xf32, #tpu.memory_space<vmem>>
      %dma_wait3A_381 = tpu.memref_squeeze %dma_wait3A_380 : memref<1x128x32xf32, #tpu.memory_space<vmem>> -> memref<128x32xf32, #tpu.memory_space<vmem>>
      %dma_wait3A_382 = arith.constant 0 : i32
      %dma_wait3A_383 = tpu.memref_slice %arg7[%add3A_375, %dma_wait3A_382] : memref<80x128xi32, #tpu.memory_space<vmem>> -> memref<1x128xi32, #tpu.memory_space<vmem>>
      %dma_wait3A_384 = tpu.memref_squeeze %dma_wait3A_383 : memref<1x128xi32, #tpu.memory_space<vmem>> -> memref<128xi32, #tpu.memory_space<vmem>>
      %dma_wait3A_385 = arith.constant 0 : i32
      %dma_wait3A_386 = arith.constant 0 : i32
      %dma_wait3A_387 = tpu.memref_slice %arg11[%dma_wait3A_385, %dma_wait3A_386] : memref<10112x32xf32, #tpu.memory_space<vmem_shared>> -> memref<10112x32xf32, #tpu.memory_space<vmem_shared>>
      %dma_wait3A_388 = tpu.memref_slice %arg12[%dma_wait3A_377] : memref<8x!tpu.dma_semaphore, #tpu.memory_space<semaphore_mem>> -> memref<1x!tpu.dma_semaphore, #tpu.memory_space<semaphore_mem>>
      %dma_wait3A_389 = tpu.memref_squeeze %dma_wait3A_388 : memref<1x!tpu.dma_semaphore, #tpu.memory_space<semaphore_mem>> -> memref<!tpu.dma_semaphore, #tpu.memory_space<semaphore_mem>>
      tpu.wait_indirect_dma semaphore(%dma_wait3A_389 : memref<!tpu.dma_semaphore, #tpu.memory_space<semaphore_mem>>) src(%dma_wait3A_387 : memref<10112x32xf32, #tpu.memory_space<vmem_shared>>) dst(%dma_wait3A_381 : memref<128x32xf32, #tpu.memory_space<vmem>>)
      %add3A_390 = arith.constant 3 : i32
      %add3A_391 = arith.addi %add3A_277, %add3A_390 : i32
      %dma_start3A_392 = arith.constant 3 : i32
      %dma_start3A_393 = arith.constant 3 : i32
      %dma_start3A_394 = arith.constant 0 : i32
      %dma_start3A_395 = arith.constant 0 : i32
      %dma_start3A_396 = tpu.memref_slice %arg9[%dma_start3A_392, %dma_start3A_394, %dma_start3A_395] : memref<8x128x32xf32, #tpu.memory_space<vmem>> -> memref<1x128x32xf32, #tpu.memory_space<vmem>>
      %dma_start3A_397 = tpu.memref_squeeze %dma_start3A_396 : memref<1x128x32xf32, #tpu.memory_space<vmem>> -> memref<128x32xf32, #tpu.memory_space<vmem>>
      %dma_start3A_398 = arith.constant 0 : i32
      %dma_start3A_399 = tpu.memref_slice %arg8[%add3A_391, %dma_start3A_398] : memref<80x128xi32, #tpu.memory_space<vmem>> -> memref<1x128xi32, #tpu.memory_space<vmem>>
      %dma_start3A_400 = tpu.memref_squeeze %dma_start3A_399 : memref<1x128xi32, #tpu.memory_space<vmem>> -> memref<128xi32, #tpu.memory_space<vmem>>
      %dma_start3A_401 = arith.constant 0 : i32
      %dma_start3A_402 = arith.constant 0 : i32
      %dma_start3A_403 = tpu.memref_slice %arg10[%dma_start3A_401, %dma_start3A_402] : memref<10112x32xf32, #tpu.memory_space<vmem_shared>> -> memref<10112x32xf32, #tpu.memory_space<vmem_shared>>
      %dma_start3A_404 = tpu.memref_slice %arg13[%dma_start3A_393] : memref<8x!tpu.dma_semaphore, #tpu.memory_space<semaphore_mem>> -> memref<1x!tpu.dma_semaphore, #tpu.memory_space<semaphore_mem>>
      %dma_start3A_405 = tpu.memref_squeeze %dma_start3A_404 : memref<1x!tpu.dma_semaphore, #tpu.memory_space<semaphore_mem>> -> memref<!tpu.dma_semaphore, #tpu.memory_space<semaphore_mem>>
      tpu.enqueue_indirect_dma source(%dma_start3A_397 : memref<128x32xf32, #tpu.memory_space<vmem>>) target(%dma_start3A_403 : memref<10112x32xf32, #tpu.memory_space<vmem_shared>>) offsets(%dma_start3A_400 : memref<128xi32, #tpu.memory_space<vmem>>) semaphore(%dma_start3A_405 : memref<!tpu.dma_semaphore, #tpu.memory_space<semaphore_mem>>) {add = true}
      %add3A_406 = arith.constant 4 : i32
      %add3A_407 = arith.addi %add3A_277, %add3A_406 : i32
      %dma_wait3A_408 = arith.constant 4 : i32
      %dma_wait3A_409 = arith.constant 4 : i32
      %dma_wait3A_410 = arith.constant 0 : i32
      %dma_wait3A_411 = arith.constant 0 : i32
      %dma_wait3A_412 = tpu.memref_slice %arg9[%dma_wait3A_408, %dma_wait3A_410, %dma_wait3A_411] : memref<8x128x32xf32, #tpu.memory_space<vmem>> -> memref<1x128x32xf32, #tpu.memory_space<vmem>>
      %dma_wait3A_413 = tpu.memref_squeeze %dma_wait3A_412 : memref<1x128x32xf32, #tpu.memory_space<vmem>> -> memref<128x32xf32, #tpu.memory_space<vmem>>
      %dma_wait3A_414 = arith.constant 0 : i32
      %dma_wait3A_415 = tpu.memref_slice %arg7[%add3A_407, %dma_wait3A_414] : memref<80x128xi32, #tpu.memory_space<vmem>> -> memref<1x128xi32, #tpu.memory_space<vmem>>
      %dma_wait3A_416 = tpu.memref_squeeze %dma_wait3A_415 : memref<1x128xi32, #tpu.memory_space<vmem>> -> memref<128xi32, #tpu.memory_space<vmem>>
      %dma_wait3A_417 = arith.constant 0 : i32
      %dma_wait3A_418 = arith.constant 0 : i32
      %dma_wait3A_419 = tpu.memref_slice %arg11[%dma_wait3A_417, %dma_wait3A_418] : memref<10112x32xf32, #tpu.memory_space<vmem_shared>> -> memref<10112x32xf32, #tpu.memory_space<vmem_shared>>
      %dma_wait3A_420 = tpu.memref_slice %arg12[%dma_wait3A_409] : memref<8x!tpu.dma_semaphore, #tpu.memory_space<semaphore_mem>> -> memref<1x!tpu.dma_semaphore, #tpu.memory_space<semaphore_mem>>
      %dma_wait3A_421 = tpu.memref_squeeze %dma_wait3A_420 : memref<1x!tpu.dma_semaphore, #tpu.memory_space<semaphore_mem>> -> memref<!tpu.dma_semaphore, #tpu.memory_space<semaphore_mem>>
      tpu.wait_indirect_dma semaphore(%dma_wait3A_421 : memref<!tpu.dma_semaphore, #tpu.memory_space<semaphore_mem>>) src(%dma_wait3A_419 : memref<10112x32xf32, #tpu.memory_space<vmem_shared>>) dst(%dma_wait3A_413 : memref<128x32xf32, #tpu.memory_space<vmem>>)
      %add3A_422 = arith.constant 4 : i32
      %add3A_423 = arith.addi %add3A_277, %add3A_422 : i32
      %dma_start3A_424 = arith.constant 4 : i32
      %dma_start3A_425 = arith.constant 4 : i32
      %dma_start3A_426 = arith.constant 0 : i32
      %dma_start3A_427 = arith.constant 0 : i32
      %dma_start3A_428 = tpu.memref_slice %arg9[%dma_start3A_424, %dma_start3A_426, %dma_start3A_427] : memref<8x128x32xf32, #tpu.memory_space<vmem>> -> memref<1x128x32xf32, #tpu.memory_space<vmem>>
      %dma_start3A_429 = tpu.memref_squeeze %dma_start3A_428 : memref<1x128x32xf32, #tpu.memory_space<vmem>> -> memref<128x32xf32, #tpu.memory_space<vmem>>
      %dma_start3A_430 = arith.constant 0 : i32
      %dma_start3A_431 = tpu.memref_slice %arg8[%add3A_423, %dma_start3A_430] : memref<80x128xi32, #tpu.memory_space<vmem>> -> memref<1x128xi32, #tpu.memory_space<vmem>>
      %dma_start3A_432 = tpu.memref_squeeze %dma_start3A_431 : memref<1x128xi32, #tpu.memory_space<vmem>> -> memref<128xi32, #tpu.memory_space<vmem>>
      %dma_start3A_433 = arith.constant 0 : i32
      %dma_start3A_434 = arith.constant 0 : i32
      %dma_start3A_435 = tpu.memref_slice %arg10[%dma_start3A_433, %dma_start3A_434] : memref<10112x32xf32, #tpu.memory_space<vmem_shared>> -> memref<10112x32xf32, #tpu.memory_space<vmem_shared>>
      %dma_start3A_436 = tpu.memref_slice %arg13[%dma_start3A_425] : memref<8x!tpu.dma_semaphore, #tpu.memory_space<semaphore_mem>> -> memref<1x!tpu.dma_semaphore, #tpu.memory_space<semaphore_mem>>
      %dma_start3A_437 = tpu.memref_squeeze %dma_start3A_436 : memref<1x!tpu.dma_semaphore, #tpu.memory_space<semaphore_mem>> -> memref<!tpu.dma_semaphore, #tpu.memory_space<semaphore_mem>>
      tpu.enqueue_indirect_dma source(%dma_start3A_429 : memref<128x32xf32, #tpu.memory_space<vmem>>) target(%dma_start3A_435 : memref<10112x32xf32, #tpu.memory_space<vmem_shared>>) offsets(%dma_start3A_432 : memref<128xi32, #tpu.memory_space<vmem>>) semaphore(%dma_start3A_437 : memref<!tpu.dma_semaphore, #tpu.memory_space<semaphore_mem>>) {add = true}
      %add3A_438 = arith.constant 5 : i32
      %add3A_439 = arith.addi %add3A_277, %add3A_438 : i32
      %dma_wait3A_440 = arith.constant 5 : i32
      %dma_wait3A_441 = arith.constant 5 : i32
      %dma_wait3A_442 = arith.constant 0 : i32
      %dma_wait3A_443 = arith.constant 0 : i32
      %dma_wait3A_444 = tpu.memref_slice %arg9[%dma_wait3A_440, %dma_wait3A_442, %dma_wait3A_443] : memref<8x128x32xf32, #tpu.memory_space<vmem>> -> memref<1x128x32xf32, #tpu.memory_space<vmem>>
      %dma_wait3A_445 = tpu.memref_squeeze %dma_wait3A_444 : memref<1x128x32xf32, #tpu.memory_space<vmem>> -> memref<128x32xf32, #tpu.memory_space<vmem>>
      %dma_wait3A_446 = arith.constant 0 : i32
      %dma_wait3A_447 = tpu.memref_slice %arg7[%add3A_439, %dma_wait3A_446] : memref<80x128xi32, #tpu.memory_space<vmem>> -> memref<1x128xi32, #tpu.memory_space<vmem>>
      %dma_wait3A_448 = tpu.memref_squeeze %dma_wait3A_447 : memref<1x128xi32, #tpu.memory_space<vmem>> -> memref<128xi32, #tpu.memory_space<vmem>>
      %dma_wait3A_449 = arith.constant 0 : i32
      %dma_wait3A_450 = arith.constant 0 : i32
      %dma_wait3A_451 = tpu.memref_slice %arg11[%dma_wait3A_449, %dma_wait3A_450] : memref<10112x32xf32, #tpu.memory_space<vmem_shared>> -> memref<10112x32xf32, #tpu.memory_space<vmem_shared>>
      %dma_wait3A_452 = tpu.memref_slice %arg12[%dma_wait3A_441] : memref<8x!tpu.dma_semaphore, #tpu.memory_space<semaphore_mem>> -> memref<1x!tpu.dma_semaphore, #tpu.memory_space<semaphore_mem>>
      %dma_wait3A_453 = tpu.memref_squeeze %dma_wait3A_452 : memref<1x!tpu.dma_semaphore, #tpu.memory_space<semaphore_mem>> -> memref<!tpu.dma_semaphore, #tpu.memory_space<semaphore_mem>>
      tpu.wait_indirect_dma semaphore(%dma_wait3A_453 : memref<!tpu.dma_semaphore, #tpu.memory_space<semaphore_mem>>) src(%dma_wait3A_451 : memref<10112x32xf32, #tpu.memory_space<vmem_shared>>) dst(%dma_wait3A_445 : memref<128x32xf32, #tpu.memory_space<vmem>>)
      %add3A_454 = arith.constant 5 : i32
      %add3A_455 = arith.addi %add3A_277, %add3A_454 : i32
      %dma_start3A_456 = arith.constant 5 : i32
      %dma_start3A_457 = arith.constant 5 : i32
      %dma_start3A_458 = arith.constant 0 : i32
      %dma_start3A_459 = arith.constant 0 : i32
      %dma_start3A_460 = tpu.memref_slice %arg9[%dma_start3A_456, %dma_start3A_458, %dma_start3A_459] : memref<8x128x32xf32, #tpu.memory_space<vmem>> -> memref<1x128x32xf32, #tpu.memory_space<vmem>>
      %dma_start3A_461 = tpu.memref_squeeze %dma_start3A_460 : memref<1x128x32xf32, #tpu.memory_space<vmem>> -> memref<128x32xf32, #tpu.memory_space<vmem>>
      %dma_start3A_462 = arith.constant 0 : i32
      %dma_start3A_463 = tpu.memref_slice %arg8[%add3A_455, %dma_start3A_462] : memref<80x128xi32, #tpu.memory_space<vmem>> -> memref<1x128xi32, #tpu.memory_space<vmem>>
      %dma_start3A_464 = tpu.memref_squeeze %dma_start3A_463 : memref<1x128xi32, #tpu.memory_space<vmem>> -> memref<128xi32, #tpu.memory_space<vmem>>
      %dma_start3A_465 = arith.constant 0 : i32
      %dma_start3A_466 = arith.constant 0 : i32
      %dma_start3A_467 = tpu.memref_slice %arg10[%dma_start3A_465, %dma_start3A_466] : memref<10112x32xf32, #tpu.memory_space<vmem_shared>> -> memref<10112x32xf32, #tpu.memory_space<vmem_shared>>
      %dma_start3A_468 = tpu.memref_slice %arg13[%dma_start3A_457] : memref<8x!tpu.dma_semaphore, #tpu.memory_space<semaphore_mem>> -> memref<1x!tpu.dma_semaphore, #tpu.memory_space<semaphore_mem>>
      %dma_start3A_469 = tpu.memref_squeeze %dma_start3A_468 : memref<1x!tpu.dma_semaphore, #tpu.memory_space<semaphore_mem>> -> memref<!tpu.dma_semaphore, #tpu.memory_space<semaphore_mem>>
      tpu.enqueue_indirect_dma source(%dma_start3A_461 : memref<128x32xf32, #tpu.memory_space<vmem>>) target(%dma_start3A_467 : memref<10112x32xf32, #tpu.memory_space<vmem_shared>>) offsets(%dma_start3A_464 : memref<128xi32, #tpu.memory_space<vmem>>) semaphore(%dma_start3A_469 : memref<!tpu.dma_semaphore, #tpu.memory_space<semaphore_mem>>) {add = true}
      %add3A_470 = arith.constant 6 : i32
      %add3A_471 = arith.addi %add3A_277, %add3A_470 : i32
      %dma_wait3A_472 = arith.constant 6 : i32
      %dma_wait3A_473 = arith.constant 6 : i32
      %dma_wait3A_474 = arith.constant 0 : i32
      %dma_wait3A_475 = arith.constant 0 : i32
      %dma_wait3A_476 = tpu.memref_slice %arg9[%dma_wait3A_472, %dma_wait3A_474, %dma_wait3A_475] : memref<8x128x32xf32, #tpu.memory_space<vmem>> -> memref<1x128x32xf32, #tpu.memory_space<vmem>>
      %dma_wait3A_477 = tpu.memref_squeeze %dma_wait3A_476 : memref<1x128x32xf32, #tpu.memory_space<vmem>> -> memref<128x32xf32, #tpu.memory_space<vmem>>
      %dma_wait3A_478 = arith.constant 0 : i32
      %dma_wait3A_479 = tpu.memref_slice %arg7[%add3A_471, %dma_wait3A_478] : memref<80x128xi32, #tpu.memory_space<vmem>> -> memref<1x128xi32, #tpu.memory_space<vmem>>
      %dma_wait3A_480 = tpu.memref_squeeze %dma_wait3A_479 : memref<1x128xi32, #tpu.memory_space<vmem>> -> memref<128xi32, #tpu.memory_space<vmem>>
      %dma_wait3A_481 = arith.constant 0 : i32
      %dma_wait3A_482 = arith.constant 0 : i32
      %dma_wait3A_483 = tpu.memref_slice %arg11[%dma_wait3A_481, %dma_wait3A_482] : memref<10112x32xf32, #tpu.memory_space<vmem_shared>> -> memref<10112x32xf32, #tpu.memory_space<vmem_shared>>
      %dma_wait3A_484 = tpu.memref_slice %arg12[%dma_wait3A_473] : memref<8x!tpu.dma_semaphore, #tpu.memory_space<semaphore_mem>> -> memref<1x!tpu.dma_semaphore, #tpu.memory_space<semaphore_mem>>
      %dma_wait3A_485 = tpu.memref_squeeze %dma_wait3A_484 : memref<1x!tpu.dma_semaphore, #tpu.memory_space<semaphore_mem>> -> memref<!tpu.dma_semaphore, #tpu.memory_space<semaphore_mem>>
      tpu.wait_indirect_dma semaphore(%dma_wait3A_485 : memref<!tpu.dma_semaphore, #tpu.memory_space<semaphore_mem>>) src(%dma_wait3A_483 : memref<10112x32xf32, #tpu.memory_space<vmem_shared>>) dst(%dma_wait3A_477 : memref<128x32xf32, #tpu.memory_space<vmem>>)
      %add3A_486 = arith.constant 6 : i32
      %add3A_487 = arith.addi %add3A_277, %add3A_486 : i32
      %dma_start3A_488 = arith.constant 6 : i32
      %dma_start3A_489 = arith.constant 6 : i32
      %dma_start3A_490 = arith.constant 0 : i32
      %dma_start3A_491 = arith.constant 0 : i32
      %dma_start3A_492 = tpu.memref_slice %arg9[%dma_start3A_488, %dma_start3A_490, %dma_start3A_491] : memref<8x128x32xf32, #tpu.memory_space<vmem>> -> memref<1x128x32xf32, #tpu.memory_space<vmem>>
      %dma_start3A_493 = tpu.memref_squeeze %dma_start3A_492 : memref<1x128x32xf32, #tpu.memory_space<vmem>> -> memref<128x32xf32, #tpu.memory_space<vmem>>
      %dma_start3A_494 = arith.constant 0 : i32
      %dma_start3A_495 = tpu.memref_slice %arg8[%add3A_487, %dma_start3A_494] : memref<80x128xi32, #tpu.memory_space<vmem>> -> memref<1x128xi32, #tpu.memory_space<vmem>>
      %dma_start3A_496 = tpu.memref_squeeze %dma_start3A_495 : memref<1x128xi32, #tpu.memory_space<vmem>> -> memref<128xi32, #tpu.memory_space<vmem>>
      %dma_start3A_497 = arith.constant 0 : i32
      %dma_start3A_498 = arith.constant 0 : i32
      %dma_start3A_499 = tpu.memref_slice %arg10[%dma_start3A_497, %dma_start3A_498] : memref<10112x32xf32, #tpu.memory_space<vmem_shared>> -> memref<10112x32xf32, #tpu.memory_space<vmem_shared>>
      %dma_start3A_500 = tpu.memref_slice %arg13[%dma_start3A_489] : memref<8x!tpu.dma_semaphore, #tpu.memory_space<semaphore_mem>> -> memref<1x!tpu.dma_semaphore, #tpu.memory_space<semaphore_mem>>
      %dma_start3A_501 = tpu.memref_squeeze %dma_start3A_500 : memref<1x!tpu.dma_semaphore, #tpu.memory_space<semaphore_mem>> -> memref<!tpu.dma_semaphore, #tpu.memory_space<semaphore_mem>>
      tpu.enqueue_indirect_dma source(%dma_start3A_493 : memref<128x32xf32, #tpu.memory_space<vmem>>) target(%dma_start3A_499 : memref<10112x32xf32, #tpu.memory_space<vmem_shared>>) offsets(%dma_start3A_496 : memref<128xi32, #tpu.memory_space<vmem>>) semaphore(%dma_start3A_501 : memref<!tpu.dma_semaphore, #tpu.memory_space<semaphore_mem>>) {add = true}
      %add3A_502 = arith.constant 7 : i32
      %add3A_503 = arith.addi %add3A_277, %add3A_502 : i32
      %dma_wait3A_504 = arith.constant 7 : i32
      %dma_wait3A_505 = arith.constant 7 : i32
      %dma_wait3A_506 = arith.constant 0 : i32
      %dma_wait3A_507 = arith.constant 0 : i32
      %dma_wait3A_508 = tpu.memref_slice %arg9[%dma_wait3A_504, %dma_wait3A_506, %dma_wait3A_507] : memref<8x128x32xf32, #tpu.memory_space<vmem>> -> memref<1x128x32xf32, #tpu.memory_space<vmem>>
      %dma_wait3A_509 = tpu.memref_squeeze %dma_wait3A_508 : memref<1x128x32xf32, #tpu.memory_space<vmem>> -> memref<128x32xf32, #tpu.memory_space<vmem>>
      %dma_wait3A_510 = arith.constant 0 : i32
      %dma_wait3A_511 = tpu.memref_slice %arg7[%add3A_503, %dma_wait3A_510] : memref<80x128xi32, #tpu.memory_space<vmem>> -> memref<1x128xi32, #tpu.memory_space<vmem>>
      %dma_wait3A_512 = tpu.memref_squeeze %dma_wait3A_511 : memref<1x128xi32, #tpu.memory_space<vmem>> -> memref<128xi32, #tpu.memory_space<vmem>>
      %dma_wait3A_513 = arith.constant 0 : i32
      %dma_wait3A_514 = arith.constant 0 : i32
      %dma_wait3A_515 = tpu.memref_slice %arg11[%dma_wait3A_513, %dma_wait3A_514] : memref<10112x32xf32, #tpu.memory_space<vmem_shared>> -> memref<10112x32xf32, #tpu.memory_space<vmem_shared>>
      %dma_wait3A_516 = tpu.memref_slice %arg12[%dma_wait3A_505] : memref<8x!tpu.dma_semaphore, #tpu.memory_space<semaphore_mem>> -> memref<1x!tpu.dma_semaphore, #tpu.memory_space<semaphore_mem>>
      %dma_wait3A_517 = tpu.memref_squeeze %dma_wait3A_516 : memref<1x!tpu.dma_semaphore, #tpu.memory_space<semaphore_mem>> -> memref<!tpu.dma_semaphore, #tpu.memory_space<semaphore_mem>>
      tpu.wait_indirect_dma semaphore(%dma_wait3A_517 : memref<!tpu.dma_semaphore, #tpu.memory_space<semaphore_mem>>) src(%dma_wait3A_515 : memref<10112x32xf32, #tpu.memory_space<vmem_shared>>) dst(%dma_wait3A_509 : memref<128x32xf32, #tpu.memory_space<vmem>>)
      %add3A_518 = arith.constant 7 : i32
      %add3A_519 = arith.addi %add3A_277, %add3A_518 : i32
      %dma_start3A_520 = arith.constant 7 : i32
      %dma_start3A_521 = arith.constant 7 : i32
      %dma_start3A_522 = arith.constant 0 : i32
      %dma_start3A_523 = arith.constant 0 : i32
      %dma_start3A_524 = tpu.memref_slice %arg9[%dma_start3A_520, %dma_start3A_522, %dma_start3A_523] : memref<8x128x32xf32, #tpu.memory_space<vmem>> -> memref<1x128x32xf32, #tpu.memory_space<vmem>>
      %dma_start3A_525 = tpu.memref_squeeze %dma_start3A_524 : memref<1x128x32xf32, #tpu.memory_space<vmem>> -> memref<128x32xf32, #tpu.memory_space<vmem>>
      %dma_start3A_526 = arith.constant 0 : i32
      %dma_start3A_527 = tpu.memref_slice %arg8[%add3A_519, %dma_start3A_526] : memref<80x128xi32, #tpu.memory_space<vmem>> -> memref<1x128xi32, #tpu.memory_space<vmem>>
      %dma_start3A_528 = tpu.memref_squeeze %dma_start3A_527 : memref<1x128xi32, #tpu.memory_space<vmem>> -> memref<128xi32, #tpu.memory_space<vmem>>
      %dma_start3A_529 = arith.constant 0 : i32
      %dma_start3A_530 = arith.constant 0 : i32
      %dma_start3A_531 = tpu.memref_slice %arg10[%dma_start3A_529, %dma_start3A_530] : memref<10112x32xf32, #tpu.memory_space<vmem_shared>> -> memref<10112x32xf32, #tpu.memory_space<vmem_shared>>
      %dma_start3A_532 = tpu.memref_slice %arg13[%dma_start3A_521] : memref<8x!tpu.dma_semaphore, #tpu.memory_space<semaphore_mem>> -> memref<1x!tpu.dma_semaphore, #tpu.memory_space<semaphore_mem>>
      %dma_start3A_533 = tpu.memref_squeeze %dma_start3A_532 : memref<1x!tpu.dma_semaphore, #tpu.memory_space<semaphore_mem>> -> memref<!tpu.dma_semaphore, #tpu.memory_space<semaphore_mem>>
      tpu.enqueue_indirect_dma source(%dma_start3A_525 : memref<128x32xf32, #tpu.memory_space<vmem>>) target(%dma_start3A_531 : memref<10112x32xf32, #tpu.memory_space<vmem_shared>>) offsets(%dma_start3A_528 : memref<128xi32, #tpu.memory_space<vmem>>) semaphore(%dma_start3A_533 : memref<!tpu.dma_semaphore, #tpu.memory_space<semaphore_mem>>) {add = true}
      %add3A_534 = arith.constant 0 : i32
      %add3A_535 = arith.addi %add3A_277, %add3A_534 : i32
      %dma_wait3A_536 = arith.constant 0 : i32
      %dma_wait3A_537 = arith.constant 0 : i32
      %dma_wait3A_538 = arith.constant 0 : i32
      %dma_wait3A_539 = arith.constant 0 : i32
      %dma_wait3A_540 = tpu.memref_slice %arg9[%dma_wait3A_536, %dma_wait3A_538, %dma_wait3A_539] : memref<8x128x32xf32, #tpu.memory_space<vmem>> -> memref<1x128x32xf32, #tpu.memory_space<vmem>>
      %dma_wait3A_541 = tpu.memref_squeeze %dma_wait3A_540 : memref<1x128x32xf32, #tpu.memory_space<vmem>> -> memref<128x32xf32, #tpu.memory_space<vmem>>
      %dma_wait3A_542 = arith.constant 0 : i32
      %dma_wait3A_543 = tpu.memref_slice %arg8[%add3A_535, %dma_wait3A_542] : memref<80x128xi32, #tpu.memory_space<vmem>> -> memref<1x128xi32, #tpu.memory_space<vmem>>
      %dma_wait3A_544 = tpu.memref_squeeze %dma_wait3A_543 : memref<1x128xi32, #tpu.memory_space<vmem>> -> memref<128xi32, #tpu.memory_space<vmem>>
      %dma_wait3A_545 = arith.constant 0 : i32
      %dma_wait3A_546 = arith.constant 0 : i32
      %dma_wait3A_547 = tpu.memref_slice %arg10[%dma_wait3A_545, %dma_wait3A_546] : memref<10112x32xf32, #tpu.memory_space<vmem_shared>> -> memref<10112x32xf32, #tpu.memory_space<vmem_shared>>
      %dma_wait3A_548 = tpu.memref_slice %arg13[%dma_wait3A_537] : memref<8x!tpu.dma_semaphore, #tpu.memory_space<semaphore_mem>> -> memref<1x!tpu.dma_semaphore, #tpu.memory_space<semaphore_mem>>
      %dma_wait3A_549 = tpu.memref_squeeze %dma_wait3A_548 : memref<1x!tpu.dma_semaphore, #tpu.memory_space<semaphore_mem>> -> memref<!tpu.dma_semaphore, #tpu.memory_space<semaphore_mem>>
      tpu.wait_indirect_dma semaphore(%dma_wait3A_549 : memref<!tpu.dma_semaphore, #tpu.memory_space<semaphore_mem>>) src(%dma_wait3A_541 : memref<128x32xf32, #tpu.memory_space<vmem>>) dst(%dma_wait3A_547 : memref<10112x32xf32, #tpu.memory_space<vmem_shared>>)
      %add3A_550 = arith.constant 8 : i32
      %add3A_551 = arith.addi %add3A_277, %add3A_550 : i32
      %add3A_552 = arith.constant 0 : i32
      %add3A_553 = arith.addi %add3A_551, %add3A_552 : i32
      %rem3A = arith.remsi %add3A_553, %select_n3A : i32
      %dma_start3A_554 = arith.constant 0 : i32
      %dma_start3A_555 = arith.constant 0 : i32
      %dma_start3A_556 = arith.constant 0 : i32
      %dma_start3A_557 = arith.constant 0 : i32
      %dma_start3A_558 = tpu.memref_slice %arg9[%dma_start3A_554, %dma_start3A_556, %dma_start3A_557] : memref<8x128x32xf32, #tpu.memory_space<vmem>> -> memref<1x128x32xf32, #tpu.memory_space<vmem>>
      %dma_start3A_559 = tpu.memref_squeeze %dma_start3A_558 : memref<1x128x32xf32, #tpu.memory_space<vmem>> -> memref<128x32xf32, #tpu.memory_space<vmem>>
      %dma_start3A_560 = arith.constant 0 : i32
      %dma_start3A_561 = tpu.memref_slice %arg7[%rem3A, %dma_start3A_560] : memref<80x128xi32, #tpu.memory_space<vmem>> -> memref<1x128xi32, #tpu.memory_space<vmem>>
      %dma_start3A_562 = tpu.memref_squeeze %dma_start3A_561 : memref<1x128xi32, #tpu.memory_space<vmem>> -> memref<128xi32, #tpu.memory_space<vmem>>
      %dma_start3A_563 = arith.constant 0 : i32
      %dma_start3A_564 = arith.constant 0 : i32
      %dma_start3A_565 = tpu.memref_slice %arg11[%dma_start3A_563, %dma_start3A_564] : memref<10112x32xf32, #tpu.memory_space<vmem_shared>> -> memref<10112x32xf32, #tpu.memory_space<vmem_shared>>
      %dma_start3A_566 = tpu.memref_slice %arg12[%dma_start3A_555] : memref<8x!tpu.dma_semaphore, #tpu.memory_space<semaphore_mem>> -> memref<1x!tpu.dma_semaphore, #tpu.memory_space<semaphore_mem>>
      %dma_start3A_567 = tpu.memref_squeeze %dma_start3A_566 : memref<1x!tpu.dma_semaphore, #tpu.memory_space<semaphore_mem>> -> memref<!tpu.dma_semaphore, #tpu.memory_space<semaphore_mem>>
      tpu.enqueue_indirect_dma source(%dma_start3A_565 : memref<10112x32xf32, #tpu.memory_space<vmem_shared>>) target(%dma_start3A_559 : memref<128x32xf32, #tpu.memory_space<vmem>>) offsets(%dma_start3A_562 : memref<128xi32, #tpu.memory_space<vmem>>) semaphore(%dma_start3A_567 : memref<!tpu.dma_semaphore, #tpu.memory_space<semaphore_mem>>)
      %add3A_568 = arith.constant 1 : i32
      %add3A_569 = arith.addi %add3A_277, %add3A_568 : i32
      %dma_wait3A_570 = arith.constant 1 : i32
      %dma_wait3A_571 = arith.constant 1 : i32
      %dma_wait3A_572 = arith.constant 0 : i32
      %dma_wait3A_573 = arith.constant 0 : i32
      %dma_wait3A_574 = tpu.memref_slice %arg9[%dma_wait3A_570, %dma_wait3A_572, %dma_wait3A_573] : memref<8x128x32xf32, #tpu.memory_space<vmem>> -> memref<1x128x32xf32, #tpu.memory_space<vmem>>
      %dma_wait3A_575 = tpu.memref_squeeze %dma_wait3A_574 : memref<1x128x32xf32, #tpu.memory_space<vmem>> -> memref<128x32xf32, #tpu.memory_space<vmem>>
      %dma_wait3A_576 = arith.constant 0 : i32
      %dma_wait3A_577 = tpu.memref_slice %arg8[%add3A_569, %dma_wait3A_576] : memref<80x128xi32, #tpu.memory_space<vmem>> -> memref<1x128xi32, #tpu.memory_space<vmem>>
      %dma_wait3A_578 = tpu.memref_squeeze %dma_wait3A_577 : memref<1x128xi32, #tpu.memory_space<vmem>> -> memref<128xi32, #tpu.memory_space<vmem>>
      %dma_wait3A_579 = arith.constant 0 : i32
      %dma_wait3A_580 = arith.constant 0 : i32
      %dma_wait3A_581 = tpu.memref_slice %arg10[%dma_wait3A_579, %dma_wait3A_580] : memref<10112x32xf32, #tpu.memory_space<vmem_shared>> -> memref<10112x32xf32, #tpu.memory_space<vmem_shared>>
      %dma_wait3A_582 = tpu.memref_slice %arg13[%dma_wait3A_571] : memref<8x!tpu.dma_semaphore, #tpu.memory_space<semaphore_mem>> -> memref<1x!tpu.dma_semaphore, #tpu.memory_space<semaphore_mem>>
      %dma_wait3A_583 = tpu.memref_squeeze %dma_wait3A_582 : memref<1x!tpu.dma_semaphore, #tpu.memory_space<semaphore_mem>> -> memref<!tpu.dma_semaphore, #tpu.memory_space<semaphore_mem>>
      tpu.wait_indirect_dma semaphore(%dma_wait3A_583 : memref<!tpu.dma_semaphore, #tpu.memory_space<semaphore_mem>>) src(%dma_wait3A_575 : memref<128x32xf32, #tpu.memory_space<vmem>>) dst(%dma_wait3A_581 : memref<10112x32xf32, #tpu.memory_space<vmem_shared>>)
      %add3A_584 = arith.constant 8 : i32
      %add3A_585 = arith.addi %add3A_277, %add3A_584 : i32
      %add3A_586 = arith.constant 1 : i32
      %add3A_587 = arith.addi %add3A_585, %add3A_586 : i32
      %rem3A_588 = arith.remsi %add3A_587, %select_n3A : i32
      %dma_start3A_589 = arith.constant 1 : i32
      %dma_start3A_590 = arith.constant 1 : i32
      %dma_start3A_591 = arith.constant 0 : i32
      %dma_start3A_592 = arith.constant 0 : i32
      %dma_start3A_593 = tpu.memref_slice %arg9[%dma_start3A_589, %dma_start3A_591, %dma_start3A_592] : memref<8x128x32xf32, #tpu.memory_space<vmem>> -> memref<1x128x32xf32, #tpu.memory_space<vmem>>
      %dma_start3A_594 = tpu.memref_squeeze %dma_start3A_593 : memref<1x128x32xf32, #tpu.memory_space<vmem>> -> memref<128x32xf32, #tpu.memory_space<vmem>>
      %dma_start3A_595 = arith.constant 0 : i32
      %dma_start3A_596 = tpu.memref_slice %arg7[%rem3A_588, %dma_start3A_595] : memref<80x128xi32, #tpu.memory_space<vmem>> -> memref<1x128xi32, #tpu.memory_space<vmem>>
      %dma_start3A_597 = tpu.memref_squeeze %dma_start3A_596 : memref<1x128xi32, #tpu.memory_space<vmem>> -> memref<128xi32, #tpu.memory_space<vmem>>
      %dma_start3A_598 = arith.constant 0 : i32
      %dma_start3A_599 = arith.constant 0 : i32
      %dma_start3A_600 = tpu.memref_slice %arg11[%dma_start3A_598, %dma_start3A_599] : memref<10112x32xf32, #tpu.memory_space<vmem_shared>> -> memref<10112x32xf32, #tpu.memory_space<vmem_shared>>
      %dma_start3A_601 = tpu.memref_slice %arg12[%dma_start3A_590] : memref<8x!tpu.dma_semaphore, #tpu.memory_space<semaphore_mem>> -> memref<1x!tpu.dma_semaphore, #tpu.memory_space<semaphore_mem>>
      %dma_start3A_602 = tpu.memref_squeeze %dma_start3A_601 : memref<1x!tpu.dma_semaphore, #tpu.memory_space<semaphore_mem>> -> memref<!tpu.dma_semaphore, #tpu.memory_space<semaphore_mem>>
      tpu.enqueue_indirect_dma source(%dma_start3A_600 : memref<10112x32xf32, #tpu.memory_space<vmem_shared>>) target(%dma_start3A_594 : memref<128x32xf32, #tpu.memory_space<vmem>>) offsets(%dma_start3A_597 : memref<128xi32, #tpu.memory_space<vmem>>) semaphore(%dma_start3A_602 : memref<!tpu.dma_semaphore, #tpu.memory_space<semaphore_mem>>)
      %add3A_603 = arith.constant 2 : i32
      %add3A_604 = arith.addi %add3A_277, %add3A_603 : i32
      %dma_wait3A_605 = arith.constant 2 : i32
      %dma_wait3A_606 = arith.constant 2 : i32
      %dma_wait3A_607 = arith.constant 0 : i32
      %dma_wait3A_608 = arith.constant 0 : i32
      %dma_wait3A_609 = tpu.memref_slice %arg9[%dma_wait3A_605, %dma_wait3A_607, %dma_wait3A_608] : memref<8x128x32xf32, #tpu.memory_space<vmem>> -> memref<1x128x32xf32, #tpu.memory_space<vmem>>
      %dma_wait3A_610 = tpu.memref_squeeze %dma_wait3A_609 : memref<1x128x32xf32, #tpu.memory_space<vmem>> -> memref<128x32xf32, #tpu.memory_space<vmem>>
      %dma_wait3A_611 = arith.constant 0 : i32
      %dma_wait3A_612 = tpu.memref_slice %arg8[%add3A_604, %dma_wait3A_611] : memref<80x128xi32, #tpu.memory_space<vmem>> -> memref<1x128xi32, #tpu.memory_space<vmem>>
      %dma_wait3A_613 = tpu.memref_squeeze %dma_wait3A_612 : memref<1x128xi32, #tpu.memory_space<vmem>> -> memref<128xi32, #tpu.memory_space<vmem>>
      %dma_wait3A_614 = arith.constant 0 : i32
      %dma_wait3A_615 = arith.constant 0 : i32
      %dma_wait3A_616 = tpu.memref_slice %arg10[%dma_wait3A_614, %dma_wait3A_615] : memref<10112x32xf32, #tpu.memory_space<vmem_shared>> -> memref<10112x32xf32, #tpu.memory_space<vmem_shared>>
      %dma_wait3A_617 = tpu.memref_slice %arg13[%dma_wait3A_606] : memref<8x!tpu.dma_semaphore, #tpu.memory_space<semaphore_mem>> -> memref<1x!tpu.dma_semaphore, #tpu.memory_space<semaphore_mem>>
      %dma_wait3A_618 = tpu.memref_squeeze %dma_wait3A_617 : memref<1x!tpu.dma_semaphore, #tpu.memory_space<semaphore_mem>> -> memref<!tpu.dma_semaphore, #tpu.memory_space<semaphore_mem>>
      tpu.wait_indirect_dma semaphore(%dma_wait3A_618 : memref<!tpu.dma_semaphore, #tpu.memory_space<semaphore_mem>>) src(%dma_wait3A_610 : memref<128x32xf32, #tpu.memory_space<vmem>>) dst(%dma_wait3A_616 : memref<10112x32xf32, #tpu.memory_space<vmem_shared>>)
      %add3A_619 = arith.constant 8 : i32
      %add3A_620 = arith.addi %add3A_277, %add3A_619 : i32
      %add3A_621 = arith.constant 2 : i32
      %add3A_622 = arith.addi %add3A_620, %add3A_621 : i32
      %rem3A_623 = arith.remsi %add3A_622, %select_n3A : i32
      %dma_start3A_624 = arith.constant 2 : i32
      %dma_start3A_625 = arith.constant 2 : i32
      %dma_start3A_626 = arith.constant 0 : i32
      %dma_start3A_627 = arith.constant 0 : i32
      %dma_start3A_628 = tpu.memref_slice %arg9[%dma_start3A_624, %dma_start3A_626, %dma_start3A_627] : memref<8x128x32xf32, #tpu.memory_space<vmem>> -> memref<1x128x32xf32, #tpu.memory_space<vmem>>
      %dma_start3A_629 = tpu.memref_squeeze %dma_start3A_628 : memref<1x128x32xf32, #tpu.memory_space<vmem>> -> memref<128x32xf32, #tpu.memory_space<vmem>>
      %dma_start3A_630 = arith.constant 0 : i32
      %dma_start3A_631 = tpu.memref_slice %arg7[%rem3A_623, %dma_start3A_630] : memref<80x128xi32, #tpu.memory_space<vmem>> -> memref<1x128xi32, #tpu.memory_space<vmem>>
      %dma_start3A_632 = tpu.memref_squeeze %dma_start3A_631 : memref<1x128xi32, #tpu.memory_space<vmem>> -> memref<128xi32, #tpu.memory_space<vmem>>
      %dma_start3A_633 = arith.constant 0 : i32
      %dma_start3A_634 = arith.constant 0 : i32
      %dma_start3A_635 = tpu.memref_slice %arg11[%dma_start3A_633, %dma_start3A_634] : memref<10112x32xf32, #tpu.memory_space<vmem_shared>> -> memref<10112x32xf32, #tpu.memory_space<vmem_shared>>
      %dma_start3A_636 = tpu.memref_slice %arg12[%dma_start3A_625] : memref<8x!tpu.dma_semaphore, #tpu.memory_space<semaphore_mem>> -> memref<1x!tpu.dma_semaphore, #tpu.memory_space<semaphore_mem>>
      %dma_start3A_637 = tpu.memref_squeeze %dma_start3A_636 : memref<1x!tpu.dma_semaphore, #tpu.memory_space<semaphore_mem>> -> memref<!tpu.dma_semaphore, #tpu.memory_space<semaphore_mem>>
      tpu.enqueue_indirect_dma source(%dma_start3A_635 : memref<10112x32xf32, #tpu.memory_space<vmem_shared>>) target(%dma_start3A_629 : memref<128x32xf32, #tpu.memory_space<vmem>>) offsets(%dma_start3A_632 : memref<128xi32, #tpu.memory_space<vmem>>) semaphore(%dma_start3A_637 : memref<!tpu.dma_semaphore, #tpu.memory_space<semaphore_mem>>)
      %add3A_638 = arith.constant 3 : i32
      %add3A_639 = arith.addi %add3A_277, %add3A_638 : i32
      %dma_wait3A_640 = arith.constant 3 : i32
      %dma_wait3A_641 = arith.constant 3 : i32
      %dma_wait3A_642 = arith.constant 0 : i32
      %dma_wait3A_643 = arith.constant 0 : i32
      %dma_wait3A_644 = tpu.memref_slice %arg9[%dma_wait3A_640, %dma_wait3A_642, %dma_wait3A_643] : memref<8x128x32xf32, #tpu.memory_space<vmem>> -> memref<1x128x32xf32, #tpu.memory_space<vmem>>
      %dma_wait3A_645 = tpu.memref_squeeze %dma_wait3A_644 : memref<1x128x32xf32, #tpu.memory_space<vmem>> -> memref<128x32xf32, #tpu.memory_space<vmem>>
      %dma_wait3A_646 = arith.constant 0 : i32
      %dma_wait3A_647 = tpu.memref_slice %arg8[%add3A_639, %dma_wait3A_646] : memref<80x128xi32, #tpu.memory_space<vmem>> -> memref<1x128xi32, #tpu.memory_space<vmem>>
      %dma_wait3A_648 = tpu.memref_squeeze %dma_wait3A_647 : memref<1x128xi32, #tpu.memory_space<vmem>> -> memref<128xi32, #tpu.memory_space<vmem>>
      %dma_wait3A_649 = arith.constant 0 : i32
      %dma_wait3A_650 = arith.constant 0 : i32
      %dma_wait3A_651 = tpu.memref_slice %arg10[%dma_wait3A_649, %dma_wait3A_650] : memref<10112x32xf32, #tpu.memory_space<vmem_shared>> -> memref<10112x32xf32, #tpu.memory_space<vmem_shared>>
      %dma_wait3A_652 = tpu.memref_slice %arg13[%dma_wait3A_641] : memref<8x!tpu.dma_semaphore, #tpu.memory_space<semaphore_mem>> -> memref<1x!tpu.dma_semaphore, #tpu.memory_space<semaphore_mem>>
      %dma_wait3A_653 = tpu.memref_squeeze %dma_wait3A_652 : memref<1x!tpu.dma_semaphore, #tpu.memory_space<semaphore_mem>> -> memref<!tpu.dma_semaphore, #tpu.memory_space<semaphore_mem>>
      tpu.wait_indirect_dma semaphore(%dma_wait3A_653 : memref<!tpu.dma_semaphore, #tpu.memory_space<semaphore_mem>>) src(%dma_wait3A_645 : memref<128x32xf32, #tpu.memory_space<vmem>>) dst(%dma_wait3A_651 : memref<10112x32xf32, #tpu.memory_space<vmem_shared>>)
      %add3A_654 = arith.constant 8 : i32
      %add3A_655 = arith.addi %add3A_277, %add3A_654 : i32
      %add3A_656 = arith.constant 3 : i32
      %add3A_657 = arith.addi %add3A_655, %add3A_656 : i32
      %rem3A_658 = arith.remsi %add3A_657, %select_n3A : i32
      %dma_start3A_659 = arith.constant 3 : i32
      %dma_start3A_660 = arith.constant 3 : i32
      %dma_start3A_661 = arith.constant 0 : i32
      %dma_start3A_662 = arith.constant 0 : i32
      %dma_start3A_663 = tpu.memref_slice %arg9[%dma_start3A_659, %dma_start3A_661, %dma_start3A_662] : memref<8x128x32xf32, #tpu.memory_space<vmem>> -> memref<1x128x32xf32, #tpu.memory_space<vmem>>
      %dma_start3A_664 = tpu.memref_squeeze %dma_start3A_663 : memref<1x128x32xf32, #tpu.memory_space<vmem>> -> memref<128x32xf32, #tpu.memory_space<vmem>>
      %dma_start3A_665 = arith.constant 0 : i32
      %dma_start3A_666 = tpu.memref_slice %arg7[%rem3A_658, %dma_start3A_665] : memref<80x128xi32, #tpu.memory_space<vmem>> -> memref<1x128xi32, #tpu.memory_space<vmem>>
      %dma_start3A_667 = tpu.memref_squeeze %dma_start3A_666 : memref<1x128xi32, #tpu.memory_space<vmem>> -> memref<128xi32, #tpu.memory_space<vmem>>
      %dma_start3A_668 = arith.constant 0 : i32
      %dma_start3A_669 = arith.constant 0 : i32
      %dma_start3A_670 = tpu.memref_slice %arg11[%dma_start3A_668, %dma_start3A_669] : memref<10112x32xf32, #tpu.memory_space<vmem_shared>> -> memref<10112x32xf32, #tpu.memory_space<vmem_shared>>
      %dma_start3A_671 = tpu.memref_slice %arg12[%dma_start3A_660] : memref<8x!tpu.dma_semaphore, #tpu.memory_space<semaphore_mem>> -> memref<1x!tpu.dma_semaphore, #tpu.memory_space<semaphore_mem>>
      %dma_start3A_672 = tpu.memref_squeeze %dma_start3A_671 : memref<1x!tpu.dma_semaphore, #tpu.memory_space<semaphore_mem>> -> memref<!tpu.dma_semaphore, #tpu.memory_space<semaphore_mem>>
      tpu.enqueue_indirect_dma source(%dma_start3A_670 : memref<10112x32xf32, #tpu.memory_space<vmem_shared>>) target(%dma_start3A_664 : memref<128x32xf32, #tpu.memory_space<vmem>>) offsets(%dma_start3A_667 : memref<128xi32, #tpu.memory_space<vmem>>) semaphore(%dma_start3A_672 : memref<!tpu.dma_semaphore, #tpu.memory_space<semaphore_mem>>)
      %add3A_673 = arith.constant 4 : i32
      %add3A_674 = arith.addi %add3A_277, %add3A_673 : i32
      %dma_wait3A_675 = arith.constant 4 : i32
      %dma_wait3A_676 = arith.constant 4 : i32
      %dma_wait3A_677 = arith.constant 0 : i32
      %dma_wait3A_678 = arith.constant 0 : i32
      %dma_wait3A_679 = tpu.memref_slice %arg9[%dma_wait3A_675, %dma_wait3A_677, %dma_wait3A_678] : memref<8x128x32xf32, #tpu.memory_space<vmem>> -> memref<1x128x32xf32, #tpu.memory_space<vmem>>
      %dma_wait3A_680 = tpu.memref_squeeze %dma_wait3A_679 : memref<1x128x32xf32, #tpu.memory_space<vmem>> -> memref<128x32xf32, #tpu.memory_space<vmem>>
      %dma_wait3A_681 = arith.constant 0 : i32
      %dma_wait3A_682 = tpu.memref_slice %arg8[%add3A_674, %dma_wait3A_681] : memref<80x128xi32, #tpu.memory_space<vmem>> -> memref<1x128xi32, #tpu.memory_space<vmem>>
      %dma_wait3A_683 = tpu.memref_squeeze %dma_wait3A_682 : memref<1x128xi32, #tpu.memory_space<vmem>> -> memref<128xi32, #tpu.memory_space<vmem>>
      %dma_wait3A_684 = arith.constant 0 : i32
      %dma_wait3A_685 = arith.constant 0 : i32
      %dma_wait3A_686 = tpu.memref_slice %arg10[%dma_wait3A_684, %dma_wait3A_685] : memref<10112x32xf32, #tpu.memory_space<vmem_shared>> -> memref<10112x32xf32, #tpu.memory_space<vmem_shared>>
      %dma_wait3A_687 = tpu.memref_slice %arg13[%dma_wait3A_676] : memref<8x!tpu.dma_semaphore, #tpu.memory_space<semaphore_mem>> -> memref<1x!tpu.dma_semaphore, #tpu.memory_space<semaphore_mem>>
      %dma_wait3A_688 = tpu.memref_squeeze %dma_wait3A_687 : memref<1x!tpu.dma_semaphore, #tpu.memory_space<semaphore_mem>> -> memref<!tpu.dma_semaphore, #tpu.memory_space<semaphore_mem>>
      tpu.wait_indirect_dma semaphore(%dma_wait3A_688 : memref<!tpu.dma_semaphore, #tpu.memory_space<semaphore_mem>>) src(%dma_wait3A_680 : memref<128x32xf32, #tpu.memory_space<vmem>>) dst(%dma_wait3A_686 : memref<10112x32xf32, #tpu.memory_space<vmem_shared>>)
      %add3A_689 = arith.constant 8 : i32
      %add3A_690 = arith.addi %add3A_277, %add3A_689 : i32
      %add3A_691 = arith.constant 4 : i32
      %add3A_692 = arith.addi %add3A_690, %add3A_691 : i32
      %rem3A_693 = arith.remsi %add3A_692, %select_n3A : i32
      %dma_start3A_694 = arith.constant 4 : i32
      %dma_start3A_695 = arith.constant 4 : i32
      %dma_start3A_696 = arith.constant 0 : i32
      %dma_start3A_697 = arith.constant 0 : i32
      %dma_start3A_698 = tpu.memref_slice %arg9[%dma_start3A_694, %dma_start3A_696, %dma_start3A_697] : memref<8x128x32xf32, #tpu.memory_space<vmem>> -> memref<1x128x32xf32, #tpu.memory_space<vmem>>
      %dma_start3A_699 = tpu.memref_squeeze %dma_start3A_698 : memref<1x128x32xf32, #tpu.memory_space<vmem>> -> memref<128x32xf32, #tpu.memory_space<vmem>>
      %dma_start3A_700 = arith.constant 0 : i32
      %dma_start3A_701 = tpu.memref_slice %arg7[%rem3A_693, %dma_start3A_700] : memref<80x128xi32, #tpu.memory_space<vmem>> -> memref<1x128xi32, #tpu.memory_space<vmem>>
      %dma_start3A_702 = tpu.memref_squeeze %dma_start3A_701 : memref<1x128xi32, #tpu.memory_space<vmem>> -> memref<128xi32, #tpu.memory_space<vmem>>
      %dma_start3A_703 = arith.constant 0 : i32
      %dma_start3A_704 = arith.constant 0 : i32
      %dma_start3A_705 = tpu.memref_slice %arg11[%dma_start3A_703, %dma_start3A_704] : memref<10112x32xf32, #tpu.memory_space<vmem_shared>> -> memref<10112x32xf32, #tpu.memory_space<vmem_shared>>
      %dma_start3A_706 = tpu.memref_slice %arg12[%dma_start3A_695] : memref<8x!tpu.dma_semaphore, #tpu.memory_space<semaphore_mem>> -> memref<1x!tpu.dma_semaphore, #tpu.memory_space<semaphore_mem>>
      %dma_start3A_707 = tpu.memref_squeeze %dma_start3A_706 : memref<1x!tpu.dma_semaphore, #tpu.memory_space<semaphore_mem>> -> memref<!tpu.dma_semaphore, #tpu.memory_space<semaphore_mem>>
      tpu.enqueue_indirect_dma source(%dma_start3A_705 : memref<10112x32xf32, #tpu.memory_space<vmem_shared>>) target(%dma_start3A_699 : memref<128x32xf32, #tpu.memory_space<vmem>>) offsets(%dma_start3A_702 : memref<128xi32, #tpu.memory_space<vmem>>) semaphore(%dma_start3A_707 : memref<!tpu.dma_semaphore, #tpu.memory_space<semaphore_mem>>)
      %add3A_708 = arith.constant 5 : i32
      %add3A_709 = arith.addi %add3A_277, %add3A_708 : i32
      %dma_wait3A_710 = arith.constant 5 : i32
      %dma_wait3A_711 = arith.constant 5 : i32
      %dma_wait3A_712 = arith.constant 0 : i32
      %dma_wait3A_713 = arith.constant 0 : i32
      %dma_wait3A_714 = tpu.memref_slice %arg9[%dma_wait3A_710, %dma_wait3A_712, %dma_wait3A_713] : memref<8x128x32xf32, #tpu.memory_space<vmem>> -> memref<1x128x32xf32, #tpu.memory_space<vmem>>
      %dma_wait3A_715 = tpu.memref_squeeze %dma_wait3A_714 : memref<1x128x32xf32, #tpu.memory_space<vmem>> -> memref<128x32xf32, #tpu.memory_space<vmem>>
      %dma_wait3A_716 = arith.constant 0 : i32
      %dma_wait3A_717 = tpu.memref_slice %arg8[%add3A_709, %dma_wait3A_716] : memref<80x128xi32, #tpu.memory_space<vmem>> -> memref<1x128xi32, #tpu.memory_space<vmem>>
      %dma_wait3A_718 = tpu.memref_squeeze %dma_wait3A_717 : memref<1x128xi32, #tpu.memory_space<vmem>> -> memref<128xi32, #tpu.memory_space<vmem>>
      %dma_wait3A_719 = arith.constant 0 : i32
      %dma_wait3A_720 = arith.constant 0 : i32
      %dma_wait3A_721 = tpu.memref_slice %arg10[%dma_wait3A_719, %dma_wait3A_720] : memref<10112x32xf32, #tpu.memory_space<vmem_shared>> -> memref<10112x32xf32, #tpu.memory_space<vmem_shared>>
      %dma_wait3A_722 = tpu.memref_slice %arg13[%dma_wait3A_711] : memref<8x!tpu.dma_semaphore, #tpu.memory_space<semaphore_mem>> -> memref<1x!tpu.dma_semaphore, #tpu.memory_space<semaphore_mem>>
      %dma_wait3A_723 = tpu.memref_squeeze %dma_wait3A_722 : memref<1x!tpu.dma_semaphore, #tpu.memory_space<semaphore_mem>> -> memref<!tpu.dma_semaphore, #tpu.memory_space<semaphore_mem>>
      tpu.wait_indirect_dma semaphore(%dma_wait3A_723 : memref<!tpu.dma_semaphore, #tpu.memory_space<semaphore_mem>>) src(%dma_wait3A_715 : memref<128x32xf32, #tpu.memory_space<vmem>>) dst(%dma_wait3A_721 : memref<10112x32xf32, #tpu.memory_space<vmem_shared>>)
      %add3A_724 = arith.constant 8 : i32
      %add3A_725 = arith.addi %add3A_277, %add3A_724 : i32
      %add3A_726 = arith.constant 5 : i32
      %add3A_727 = arith.addi %add3A_725, %add3A_726 : i32
      %rem3A_728 = arith.remsi %add3A_727, %select_n3A : i32
      %dma_start3A_729 = arith.constant 5 : i32
      %dma_start3A_730 = arith.constant 5 : i32
      %dma_start3A_731 = arith.constant 0 : i32
      %dma_start3A_732 = arith.constant 0 : i32
      %dma_start3A_733 = tpu.memref_slice %arg9[%dma_start3A_729, %dma_start3A_731, %dma_start3A_732] : memref<8x128x32xf32, #tpu.memory_space<vmem>> -> memref<1x128x32xf32, #tpu.memory_space<vmem>>
      %dma_start3A_734 = tpu.memref_squeeze %dma_start3A_733 : memref<1x128x32xf32, #tpu.memory_space<vmem>> -> memref<128x32xf32, #tpu.memory_space<vmem>>
      %dma_start3A_735 = arith.constant 0 : i32
      %dma_start3A_736 = tpu.memref_slice %arg7[%rem3A_728, %dma_start3A_735] : memref<80x128xi32, #tpu.memory_space<vmem>> -> memref<1x128xi32, #tpu.memory_space<vmem>>
      %dma_start3A_737 = tpu.memref_squeeze %dma_start3A_736 : memref<1x128xi32, #tpu.memory_space<vmem>> -> memref<128xi32, #tpu.memory_space<vmem>>
      %dma_start3A_738 = arith.constant 0 : i32
      %dma_start3A_739 = arith.constant 0 : i32
      %dma_start3A_740 = tpu.memref_slice %arg11[%dma_start3A_738, %dma_start3A_739] : memref<10112x32xf32, #tpu.memory_space<vmem_shared>> -> memref<10112x32xf32, #tpu.memory_space<vmem_shared>>
      %dma_start3A_741 = tpu.memref_slice %arg12[%dma_start3A_730] : memref<8x!tpu.dma_semaphore, #tpu.memory_space<semaphore_mem>> -> memref<1x!tpu.dma_semaphore, #tpu.memory_space<semaphore_mem>>
      %dma_start3A_742 = tpu.memref_squeeze %dma_start3A_741 : memref<1x!tpu.dma_semaphore, #tpu.memory_space<semaphore_mem>> -> memref<!tpu.dma_semaphore, #tpu.memory_space<semaphore_mem>>
      tpu.enqueue_indirect_dma source(%dma_start3A_740 : memref<10112x32xf32, #tpu.memory_space<vmem_shared>>) target(%dma_start3A_734 : memref<128x32xf32, #tpu.memory_space<vmem>>) offsets(%dma_start3A_737 : memref<128xi32, #tpu.memory_space<vmem>>) semaphore(%dma_start3A_742 : memref<!tpu.dma_semaphore, #tpu.memory_space<semaphore_mem>>)
      %add3A_743 = arith.constant 6 : i32
      %add3A_744 = arith.addi %add3A_277, %add3A_743 : i32
      %dma_wait3A_745 = arith.constant 6 : i32
      %dma_wait3A_746 = arith.constant 6 : i32
      %dma_wait3A_747 = arith.constant 0 : i32
      %dma_wait3A_748 = arith.constant 0 : i32
      %dma_wait3A_749 = tpu.memref_slice %arg9[%dma_wait3A_745, %dma_wait3A_747, %dma_wait3A_748] : memref<8x128x32xf32, #tpu.memory_space<vmem>> -> memref<1x128x32xf32, #tpu.memory_space<vmem>>
      %dma_wait3A_750 = tpu.memref_squeeze %dma_wait3A_749 : memref<1x128x32xf32, #tpu.memory_space<vmem>> -> memref<128x32xf32, #tpu.memory_space<vmem>>
      %dma_wait3A_751 = arith.constant 0 : i32
      %dma_wait3A_752 = tpu.memref_slice %arg8[%add3A_744, %dma_wait3A_751] : memref<80x128xi32, #tpu.memory_space<vmem>> -> memref<1x128xi32, #tpu.memory_space<vmem>>
      %dma_wait3A_753 = tpu.memref_squeeze %dma_wait3A_752 : memref<1x128xi32, #tpu.memory_space<vmem>> -> memref<128xi32, #tpu.memory_space<vmem>>
      %dma_wait3A_754 = arith.constant 0 : i32
      %dma_wait3A_755 = arith.constant 0 : i32
      %dma_wait3A_756 = tpu.memref_slice %arg10[%dma_wait3A_754, %dma_wait3A_755] : memref<10112x32xf32, #tpu.memory_space<vmem_shared>> -> memref<10112x32xf32, #tpu.memory_space<vmem_shared>>
      %dma_wait3A_757 = tpu.memref_slice %arg13[%dma_wait3A_746] : memref<8x!tpu.dma_semaphore, #tpu.memory_space<semaphore_mem>> -> memref<1x!tpu.dma_semaphore, #tpu.memory_space<semaphore_mem>>
      %dma_wait3A_758 = tpu.memref_squeeze %dma_wait3A_757 : memref<1x!tpu.dma_semaphore, #tpu.memory_space<semaphore_mem>> -> memref<!tpu.dma_semaphore, #tpu.memory_space<semaphore_mem>>
      tpu.wait_indirect_dma semaphore(%dma_wait3A_758 : memref<!tpu.dma_semaphore, #tpu.memory_space<semaphore_mem>>) src(%dma_wait3A_750 : memref<128x32xf32, #tpu.memory_space<vmem>>) dst(%dma_wait3A_756 : memref<10112x32xf32, #tpu.memory_space<vmem_shared>>)
      %add3A_759 = arith.constant 8 : i32
      %add3A_760 = arith.addi %add3A_277, %add3A_759 : i32
      %add3A_761 = arith.constant 6 : i32
      %add3A_762 = arith.addi %add3A_760, %add3A_761 : i32
      %rem3A_763 = arith.remsi %add3A_762, %select_n3A : i32
      %dma_start3A_764 = arith.constant 6 : i32
      %dma_start3A_765 = arith.constant 6 : i32
      %dma_start3A_766 = arith.constant 0 : i32
      %dma_start3A_767 = arith.constant 0 : i32
      %dma_start3A_768 = tpu.memref_slice %arg9[%dma_start3A_764, %dma_start3A_766, %dma_start3A_767] : memref<8x128x32xf32, #tpu.memory_space<vmem>> -> memref<1x128x32xf32, #tpu.memory_space<vmem>>
      %dma_start3A_769 = tpu.memref_squeeze %dma_start3A_768 : memref<1x128x32xf32, #tpu.memory_space<vmem>> -> memref<128x32xf32, #tpu.memory_space<vmem>>
      %dma_start3A_770 = arith.constant 0 : i32
      %dma_start3A_771 = tpu.memref_slice %arg7[%rem3A_763, %dma_start3A_770] : memref<80x128xi32, #tpu.memory_space<vmem>> -> memref<1x128xi32, #tpu.memory_space<vmem>>
      %dma_start3A_772 = tpu.memref_squeeze %dma_start3A_771 : memref<1x128xi32, #tpu.memory_space<vmem>> -> memref<128xi32, #tpu.memory_space<vmem>>
      %dma_start3A_773 = arith.constant 0 : i32
      %dma_start3A_774 = arith.constant 0 : i32
      %dma_start3A_775 = tpu.memref_slice %arg11[%dma_start3A_773, %dma_start3A_774] : memref<10112x32xf32, #tpu.memory_space<vmem_shared>> -> memref<10112x32xf32, #tpu.memory_space<vmem_shared>>
      %dma_start3A_776 = tpu.memref_slice %arg12[%dma_start3A_765] : memref<8x!tpu.dma_semaphore, #tpu.memory_space<semaphore_mem>> -> memref<1x!tpu.dma_semaphore, #tpu.memory_space<semaphore_mem>>
      %dma_start3A_777 = tpu.memref_squeeze %dma_start3A_776 : memref<1x!tpu.dma_semaphore, #tpu.memory_space<semaphore_mem>> -> memref<!tpu.dma_semaphore, #tpu.memory_space<semaphore_mem>>
      tpu.enqueue_indirect_dma source(%dma_start3A_775 : memref<10112x32xf32, #tpu.memory_space<vmem_shared>>) target(%dma_start3A_769 : memref<128x32xf32, #tpu.memory_space<vmem>>) offsets(%dma_start3A_772 : memref<128xi32, #tpu.memory_space<vmem>>) semaphore(%dma_start3A_777 : memref<!tpu.dma_semaphore, #tpu.memory_space<semaphore_mem>>)
      %add3A_778 = arith.constant 7 : i32
      %add3A_779 = arith.addi %add3A_277, %add3A_778 : i32
      %dma_wait3A_780 = arith.constant 7 : i32
      %dma_wait3A_781 = arith.constant 7 : i32
      %dma_wait3A_782 = arith.constant 0 : i32
      %dma_wait3A_783 = arith.constant 0 : i32
      %dma_wait3A_784 = tpu.memref_slice %arg9[%dma_wait3A_780, %dma_wait3A_782, %dma_wait3A_783] : memref<8x128x32xf32, #tpu.memory_space<vmem>> -> memref<1x128x32xf32, #tpu.memory_space<vmem>>
      %dma_wait3A_785 = tpu.memref_squeeze %dma_wait3A_784 : memref<1x128x32xf32, #tpu.memory_space<vmem>> -> memref<128x32xf32, #tpu.memory_space<vmem>>
      %dma_wait3A_786 = arith.constant 0 : i32
      %dma_wait3A_787 = tpu.memref_slice %arg8[%add3A_779, %dma_wait3A_786] : memref<80x128xi32, #tpu.memory_space<vmem>> -> memref<1x128xi32, #tpu.memory_space<vmem>>
      %dma_wait3A_788 = tpu.memref_squeeze %dma_wait3A_787 : memref<1x128xi32, #tpu.memory_space<vmem>> -> memref<128xi32, #tpu.memory_space<vmem>>
      %dma_wait3A_789 = arith.constant 0 : i32
      %dma_wait3A_790 = arith.constant 0 : i32
      %dma_wait3A_791 = tpu.memref_slice %arg10[%dma_wait3A_789, %dma_wait3A_790] : memref<10112x32xf32, #tpu.memory_space<vmem_shared>> -> memref<10112x32xf32, #tpu.memory_space<vmem_shared>>
      %dma_wait3A_792 = tpu.memref_slice %arg13[%dma_wait3A_781] : memref<8x!tpu.dma_semaphore, #tpu.memory_space<semaphore_mem>> -> memref<1x!tpu.dma_semaphore, #tpu.memory_space<semaphore_mem>>
      %dma_wait3A_793 = tpu.memref_squeeze %dma_wait3A_792 : memref<1x!tpu.dma_semaphore, #tpu.memory_space<semaphore_mem>> -> memref<!tpu.dma_semaphore, #tpu.memory_space<semaphore_mem>>
      tpu.wait_indirect_dma semaphore(%dma_wait3A_793 : memref<!tpu.dma_semaphore, #tpu.memory_space<semaphore_mem>>) src(%dma_wait3A_785 : memref<128x32xf32, #tpu.memory_space<vmem>>) dst(%dma_wait3A_791 : memref<10112x32xf32, #tpu.memory_space<vmem_shared>>)
      %add3A_794 = arith.constant 8 : i32
      %add3A_795 = arith.addi %add3A_277, %add3A_794 : i32
      %add3A_796 = arith.constant 7 : i32
      %add3A_797 = arith.addi %add3A_795, %add3A_796 : i32
      %rem3A_798 = arith.remsi %add3A_797, %select_n3A : i32
      %dma_start3A_799 = arith.constant 7 : i32
      %dma_start3A_800 = arith.constant 7 : i32
      %dma_start3A_801 = arith.constant 0 : i32
      %dma_start3A_802 = arith.constant 0 : i32
      %dma_start3A_803 = tpu.memref_slice %arg9[%dma_start3A_799, %dma_start3A_801, %dma_start3A_802] : memref<8x128x32xf32, #tpu.memory_space<vmem>> -> memref<1x128x32xf32, #tpu.memory_space<vmem>>
      %dma_start3A_804 = tpu.memref_squeeze %dma_start3A_803 : memref<1x128x32xf32, #tpu.memory_space<vmem>> -> memref<128x32xf32, #tpu.memory_space<vmem>>
      %dma_start3A_805 = arith.constant 0 : i32
      %dma_start3A_806 = tpu.memref_slice %arg7[%rem3A_798, %dma_start3A_805] : memref<80x128xi32, #tpu.memory_space<vmem>> -> memref<1x128xi32, #tpu.memory_space<vmem>>
      %dma_start3A_807 = tpu.memref_squeeze %dma_start3A_806 : memref<1x128xi32, #tpu.memory_space<vmem>> -> memref<128xi32, #tpu.memory_space<vmem>>
      %dma_start3A_808 = arith.constant 0 : i32
      %dma_start3A_809 = arith.constant 0 : i32
      %dma_start3A_810 = tpu.memref_slice %arg11[%dma_start3A_808, %dma_start3A_809] : memref<10112x32xf32, #tpu.memory_space<vmem_shared>> -> memref<10112x32xf32, #tpu.memory_space<vmem_shared>>
      %dma_start3A_811 = tpu.memref_slice %arg12[%dma_start3A_800] : memref<8x!tpu.dma_semaphore, #tpu.memory_space<semaphore_mem>> -> memref<1x!tpu.dma_semaphore, #tpu.memory_space<semaphore_mem>>
      %dma_start3A_812 = tpu.memref_squeeze %dma_start3A_811 : memref<1x!tpu.dma_semaphore, #tpu.memory_space<semaphore_mem>> -> memref<!tpu.dma_semaphore, #tpu.memory_space<semaphore_mem>>
      tpu.enqueue_indirect_dma source(%dma_start3A_810 : memref<10112x32xf32, #tpu.memory_space<vmem_shared>>) target(%dma_start3A_804 : memref<128x32xf32, #tpu.memory_space<vmem>>) offsets(%dma_start3A_807 : memref<128xi32, #tpu.memory_space<vmem>>) semaphore(%dma_start3A_812 : memref<!tpu.dma_semaphore, #tpu.memory_space<semaphore_mem>>)
    }
    %dma_wait3A = arith.constant 0 : i32
    %dma_wait3A_151 = arith.constant 0 : i32
    %dma_wait3A_152 = arith.constant 0 : i32
    %dma_wait3A_153 = arith.constant 0 : i32
    %dma_wait3A_154 = arith.constant 0 : i32
    %dma_wait3A_155 = tpu.memref_slice %arg9[%dma_wait3A_151, %dma_wait3A_153, %dma_wait3A_154] : memref<8x128x32xf32, #tpu.memory_space<vmem>> -> memref<1x128x32xf32, #tpu.memory_space<vmem>>
    %dma_wait3A_156 = tpu.memref_squeeze %dma_wait3A_155 : memref<1x128x32xf32, #tpu.memory_space<vmem>> -> memref<128x32xf32, #tpu.memory_space<vmem>>
    %dma_wait3A_157 = arith.constant 0 : i32
    %dma_wait3A_158 = tpu.memref_slice %arg7[%dma_wait3A, %dma_wait3A_157] : memref<80x128xi32, #tpu.memory_space<vmem>> -> memref<1x128xi32, #tpu.memory_space<vmem>>
    %dma_wait3A_159 = tpu.memref_squeeze %dma_wait3A_158 : memref<1x128xi32, #tpu.memory_space<vmem>> -> memref<128xi32, #tpu.memory_space<vmem>>
    %dma_wait3A_160 = arith.constant 0 : i32
    %dma_wait3A_161 = arith.constant 0 : i32
    %dma_wait3A_162 = tpu.memref_slice %arg11[%dma_wait3A_160, %dma_wait3A_161] : memref<10112x32xf32, #tpu.memory_space<vmem_shared>> -> memref<10112x32xf32, #tpu.memory_space<vmem_shared>>
    %dma_wait3A_163 = tpu.memref_slice %arg12[%dma_wait3A_152] : memref<8x!tpu.dma_semaphore, #tpu.memory_space<semaphore_mem>> -> memref<1x!tpu.dma_semaphore, #tpu.memory_space<semaphore_mem>>
    %dma_wait3A_164 = tpu.memref_squeeze %dma_wait3A_163 : memref<1x!tpu.dma_semaphore, #tpu.memory_space<semaphore_mem>> -> memref<!tpu.dma_semaphore, #tpu.memory_space<semaphore_mem>>
    tpu.wait_indirect_dma semaphore(%dma_wait3A_164 : memref<!tpu.dma_semaphore, #tpu.memory_space<semaphore_mem>>) src(%dma_wait3A_162 : memref<10112x32xf32, #tpu.memory_space<vmem_shared>>) dst(%dma_wait3A_156 : memref<128x32xf32, #tpu.memory_space<vmem>>)
    %dma_wait3A_165 = arith.constant 1 : i32
    %dma_wait3A_166 = arith.constant 1 : i32
    %dma_wait3A_167 = arith.constant 1 : i32
    %dma_wait3A_168 = arith.constant 0 : i32
    %dma_wait3A_169 = arith.constant 0 : i32
    %dma_wait3A_170 = tpu.memref_slice %arg9[%dma_wait3A_166, %dma_wait3A_168, %dma_wait3A_169] : memref<8x128x32xf32, #tpu.memory_space<vmem>> -> memref<1x128x32xf32, #tpu.memory_space<vmem>>
    %dma_wait3A_171 = tpu.memref_squeeze %dma_wait3A_170 : memref<1x128x32xf32, #tpu.memory_space<vmem>> -> memref<128x32xf32, #tpu.memory_space<vmem>>
    %dma_wait3A_172 = arith.constant 0 : i32
    %dma_wait3A_173 = tpu.memref_slice %arg7[%dma_wait3A_165, %dma_wait3A_172] : memref<80x128xi32, #tpu.memory_space<vmem>> -> memref<1x128xi32, #tpu.memory_space<vmem>>
    %dma_wait3A_174 = tpu.memref_squeeze %dma_wait3A_173 : memref<1x128xi32, #tpu.memory_space<vmem>> -> memref<128xi32, #tpu.memory_space<vmem>>
    %dma_wait3A_175 = arith.constant 0 : i32
    %dma_wait3A_176 = arith.constant 0 : i32
    %dma_wait3A_177 = tpu.memref_slice %arg11[%dma_wait3A_175, %dma_wait3A_176] : memref<10112x32xf32, #tpu.memory_space<vmem_shared>> -> memref<10112x32xf32, #tpu.memory_space<vmem_shared>>
    %dma_wait3A_178 = tpu.memref_slice %arg12[%dma_wait3A_167] : memref<8x!tpu.dma_semaphore, #tpu.memory_space<semaphore_mem>> -> memref<1x!tpu.dma_semaphore, #tpu.memory_space<semaphore_mem>>
    %dma_wait3A_179 = tpu.memref_squeeze %dma_wait3A_178 : memref<1x!tpu.dma_semaphore, #tpu.memory_space<semaphore_mem>> -> memref<!tpu.dma_semaphore, #tpu.memory_space<semaphore_mem>>
    tpu.wait_indirect_dma semaphore(%dma_wait3A_179 : memref<!tpu.dma_semaphore, #tpu.memory_space<semaphore_mem>>) src(%dma_wait3A_177 : memref<10112x32xf32, #tpu.memory_space<vmem_shared>>) dst(%dma_wait3A_171 : memref<128x32xf32, #tpu.memory_space<vmem>>)
    %dma_wait3A_180 = arith.constant 2 : i32
    %dma_wait3A_181 = arith.constant 2 : i32
    %dma_wait3A_182 = arith.constant 2 : i32
    %dma_wait3A_183 = arith.constant 0 : i32
    %dma_wait3A_184 = arith.constant 0 : i32
    %dma_wait3A_185 = tpu.memref_slice %arg9[%dma_wait3A_181, %dma_wait3A_183, %dma_wait3A_184] : memref<8x128x32xf32, #tpu.memory_space<vmem>> -> memref<1x128x32xf32, #tpu.memory_space<vmem>>
    %dma_wait3A_186 = tpu.memref_squeeze %dma_wait3A_185 : memref<1x128x32xf32, #tpu.memory_space<vmem>> -> memref<128x32xf32, #tpu.memory_space<vmem>>
    %dma_wait3A_187 = arith.constant 0 : i32
    %dma_wait3A_188 = tpu.memref_slice %arg7[%dma_wait3A_180, %dma_wait3A_187] : memref<80x128xi32, #tpu.memory_space<vmem>> -> memref<1x128xi32, #tpu.memory_space<vmem>>
    %dma_wait3A_189 = tpu.memref_squeeze %dma_wait3A_188 : memref<1x128xi32, #tpu.memory_space<vmem>> -> memref<128xi32, #tpu.memory_space<vmem>>
    %dma_wait3A_190 = arith.constant 0 : i32
    %dma_wait3A_191 = arith.constant 0 : i32
    %dma_wait3A_192 = tpu.memref_slice %arg11[%dma_wait3A_190, %dma_wait3A_191] : memref<10112x32xf32, #tpu.memory_space<vmem_shared>> -> memref<10112x32xf32, #tpu.memory_space<vmem_shared>>
    %dma_wait3A_193 = tpu.memref_slice %arg12[%dma_wait3A_182] : memref<8x!tpu.dma_semaphore, #tpu.memory_space<semaphore_mem>> -> memref<1x!tpu.dma_semaphore, #tpu.memory_space<semaphore_mem>>
    %dma_wait3A_194 = tpu.memref_squeeze %dma_wait3A_193 : memref<1x!tpu.dma_semaphore, #tpu.memory_space<semaphore_mem>> -> memref<!tpu.dma_semaphore, #tpu.memory_space<semaphore_mem>>
    tpu.wait_indirect_dma semaphore(%dma_wait3A_194 : memref<!tpu.dma_semaphore, #tpu.memory_space<semaphore_mem>>) src(%dma_wait3A_192 : memref<10112x32xf32, #tpu.memory_space<vmem_shared>>) dst(%dma_wait3A_186 : memref<128x32xf32, #tpu.memory_space<vmem>>)
    %dma_wait3A_195 = arith.constant 3 : i32
    %dma_wait3A_196 = arith.constant 3 : i32
    %dma_wait3A_197 = arith.constant 3 : i32
    %dma_wait3A_198 = arith.constant 0 : i32
    %dma_wait3A_199 = arith.constant 0 : i32
    %dma_wait3A_200 = tpu.memref_slice %arg9[%dma_wait3A_196, %dma_wait3A_198, %dma_wait3A_199] : memref<8x128x32xf32, #tpu.memory_space<vmem>> -> memref<1x128x32xf32, #tpu.memory_space<vmem>>
    %dma_wait3A_201 = tpu.memref_squeeze %dma_wait3A_200 : memref<1x128x32xf32, #tpu.memory_space<vmem>> -> memref<128x32xf32, #tpu.memory_space<vmem>>
    %dma_wait3A_202 = arith.constant 0 : i32
    %dma_wait3A_203 = tpu.memref_slice %arg7[%dma_wait3A_195, %dma_wait3A_202] : memref<80x128xi32, #tpu.memory_space<vmem>> -> memref<1x128xi32, #tpu.memory_space<vmem>>
    %dma_wait3A_204 = tpu.memref_squeeze %dma_wait3A_203 : memref<1x128xi32, #tpu.memory_space<vmem>> -> memref<128xi32, #tpu.memory_space<vmem>>
    %dma_wait3A_205 = arith.constant 0 : i32
    %dma_wait3A_206 = arith.constant 0 : i32
    %dma_wait3A_207 = tpu.memref_slice %arg11[%dma_wait3A_205, %dma_wait3A_206] : memref<10112x32xf32, #tpu.memory_space<vmem_shared>> -> memref<10112x32xf32, #tpu.memory_space<vmem_shared>>
    %dma_wait3A_208 = tpu.memref_slice %arg12[%dma_wait3A_197] : memref<8x!tpu.dma_semaphore, #tpu.memory_space<semaphore_mem>> -> memref<1x!tpu.dma_semaphore, #tpu.memory_space<semaphore_mem>>
    %dma_wait3A_209 = tpu.memref_squeeze %dma_wait3A_208 : memref<1x!tpu.dma_semaphore, #tpu.memory_space<semaphore_mem>> -> memref<!tpu.dma_semaphore, #tpu.memory_space<semaphore_mem>>
    tpu.wait_indirect_dma semaphore(%dma_wait3A_209 : memref<!tpu.dma_semaphore, #tpu.memory_space<semaphore_mem>>) src(%dma_wait3A_207 : memref<10112x32xf32, #tpu.memory_space<vmem_shared>>) dst(%dma_wait3A_201 : memref<128x32xf32, #tpu.memory_space<vmem>>)
    %dma_wait3A_210 = arith.constant 4 : i32
    %dma_wait3A_211 = arith.constant 4 : i32
    %dma_wait3A_212 = arith.constant 4 : i32
    %dma_wait3A_213 = arith.constant 0 : i32
    %dma_wait3A_214 = arith.constant 0 : i32
    %dma_wait3A_215 = tpu.memref_slice %arg9[%dma_wait3A_211, %dma_wait3A_213, %dma_wait3A_214] : memref<8x128x32xf32, #tpu.memory_space<vmem>> -> memref<1x128x32xf32, #tpu.memory_space<vmem>>
    %dma_wait3A_216 = tpu.memref_squeeze %dma_wait3A_215 : memref<1x128x32xf32, #tpu.memory_space<vmem>> -> memref<128x32xf32, #tpu.memory_space<vmem>>
    %dma_wait3A_217 = arith.constant 0 : i32
    %dma_wait3A_218 = tpu.memref_slice %arg7[%dma_wait3A_210, %dma_wait3A_217] : memref<80x128xi32, #tpu.memory_space<vmem>> -> memref<1x128xi32, #tpu.memory_space<vmem>>
    %dma_wait3A_219 = tpu.memref_squeeze %dma_wait3A_218 : memref<1x128xi32, #tpu.memory_space<vmem>> -> memref<128xi32, #tpu.memory_space<vmem>>
    %dma_wait3A_220 = arith.constant 0 : i32
    %dma_wait3A_221 = arith.constant 0 : i32
    %dma_wait3A_222 = tpu.memref_slice %arg11[%dma_wait3A_220, %dma_wait3A_221] : memref<10112x32xf32, #tpu.memory_space<vmem_shared>> -> memref<10112x32xf32, #tpu.memory_space<vmem_shared>>
    %dma_wait3A_223 = tpu.memref_slice %arg12[%dma_wait3A_212] : memref<8x!tpu.dma_semaphore, #tpu.memory_space<semaphore_mem>> -> memref<1x!tpu.dma_semaphore, #tpu.memory_space<semaphore_mem>>
    %dma_wait3A_224 = tpu.memref_squeeze %dma_wait3A_223 : memref<1x!tpu.dma_semaphore, #tpu.memory_space<semaphore_mem>> -> memref<!tpu.dma_semaphore, #tpu.memory_space<semaphore_mem>>
    tpu.wait_indirect_dma semaphore(%dma_wait3A_224 : memref<!tpu.dma_semaphore, #tpu.memory_space<semaphore_mem>>) src(%dma_wait3A_222 : memref<10112x32xf32, #tpu.memory_space<vmem_shared>>) dst(%dma_wait3A_216 : memref<128x32xf32, #tpu.memory_space<vmem>>)
    %dma_wait3A_225 = arith.constant 5 : i32
    %dma_wait3A_226 = arith.constant 5 : i32
    %dma_wait3A_227 = arith.constant 5 : i32
    %dma_wait3A_228 = arith.constant 0 : i32
    %dma_wait3A_229 = arith.constant 0 : i32
    %dma_wait3A_230 = tpu.memref_slice %arg9[%dma_wait3A_226, %dma_wait3A_228, %dma_wait3A_229] : memref<8x128x32xf32, #tpu.memory_space<vmem>> -> memref<1x128x32xf32, #tpu.memory_space<vmem>>
    %dma_wait3A_231 = tpu.memref_squeeze %dma_wait3A_230 : memref<1x128x32xf32, #tpu.memory_space<vmem>> -> memref<128x32xf32, #tpu.memory_space<vmem>>
    %dma_wait3A_232 = arith.constant 0 : i32
    %dma_wait3A_233 = tpu.memref_slice %arg7[%dma_wait3A_225, %dma_wait3A_232] : memref<80x128xi32, #tpu.memory_space<vmem>> -> memref<1x128xi32, #tpu.memory_space<vmem>>
    %dma_wait3A_234 = tpu.memref_squeeze %dma_wait3A_233 : memref<1x128xi32, #tpu.memory_space<vmem>> -> memref<128xi32, #tpu.memory_space<vmem>>
    %dma_wait3A_235 = arith.constant 0 : i32
    %dma_wait3A_236 = arith.constant 0 : i32
    %dma_wait3A_237 = tpu.memref_slice %arg11[%dma_wait3A_235, %dma_wait3A_236] : memref<10112x32xf32, #tpu.memory_space<vmem_shared>> -> memref<10112x32xf32, #tpu.memory_space<vmem_shared>>
    %dma_wait3A_238 = tpu.memref_slice %arg12[%dma_wait3A_227] : memref<8x!tpu.dma_semaphore, #tpu.memory_space<semaphore_mem>> -> memref<1x!tpu.dma_semaphore, #tpu.memory_space<semaphore_mem>>
    %dma_wait3A_239 = tpu.memref_squeeze %dma_wait3A_238 : memref<1x!tpu.dma_semaphore, #tpu.memory_space<semaphore_mem>> -> memref<!tpu.dma_semaphore, #tpu.memory_space<semaphore_mem>>
    tpu.wait_indirect_dma semaphore(%dma_wait3A_239 : memref<!tpu.dma_semaphore, #tpu.memory_space<semaphore_mem>>) src(%dma_wait3A_237 : memref<10112x32xf32, #tpu.memory_space<vmem_shared>>) dst(%dma_wait3A_231 : memref<128x32xf32, #tpu.memory_space<vmem>>)
    %dma_wait3A_240 = arith.constant 6 : i32
    %dma_wait3A_241 = arith.constant 6 : i32
    %dma_wait3A_242 = arith.constant 6 : i32
    %dma_wait3A_243 = arith.constant 0 : i32
    %dma_wait3A_244 = arith.constant 0 : i32
    %dma_wait3A_245 = tpu.memref_slice %arg9[%dma_wait3A_241, %dma_wait3A_243, %dma_wait3A_244] : memref<8x128x32xf32, #tpu.memory_space<vmem>> -> memref<1x128x32xf32, #tpu.memory_space<vmem>>
    %dma_wait3A_246 = tpu.memref_squeeze %dma_wait3A_245 : memref<1x128x32xf32, #tpu.memory_space<vmem>> -> memref<128x32xf32, #tpu.memory_space<vmem>>
    %dma_wait3A_247 = arith.constant 0 : i32
    %dma_wait3A_248 = tpu.memref_slice %arg7[%dma_wait3A_240, %dma_wait3A_247] : memref<80x128xi32, #tpu.memory_space<vmem>> -> memref<1x128xi32, #tpu.memory_space<vmem>>
    %dma_wait3A_249 = tpu.memref_squeeze %dma_wait3A_248 : memref<1x128xi32, #tpu.memory_space<vmem>> -> memref<128xi32, #tpu.memory_space<vmem>>
    %dma_wait3A_250 = arith.constant 0 : i32
    %dma_wait3A_251 = arith.constant 0 : i32
    %dma_wait3A_252 = tpu.memref_slice %arg11[%dma_wait3A_250, %dma_wait3A_251] : memref<10112x32xf32, #tpu.memory_space<vmem_shared>> -> memref<10112x32xf32, #tpu.memory_space<vmem_shared>>
    %dma_wait3A_253 = tpu.memref_slice %arg12[%dma_wait3A_242] : memref<8x!tpu.dma_semaphore, #tpu.memory_space<semaphore_mem>> -> memref<1x!tpu.dma_semaphore, #tpu.memory_space<semaphore_mem>>
    %dma_wait3A_254 = tpu.memref_squeeze %dma_wait3A_253 : memref<1x!tpu.dma_semaphore, #tpu.memory_space<semaphore_mem>> -> memref<!tpu.dma_semaphore, #tpu.memory_space<semaphore_mem>>
    tpu.wait_indirect_dma semaphore(%dma_wait3A_254 : memref<!tpu.dma_semaphore, #tpu.memory_space<semaphore_mem>>) src(%dma_wait3A_252 : memref<10112x32xf32, #tpu.memory_space<vmem_shared>>) dst(%dma_wait3A_246 : memref<128x32xf32, #tpu.memory_space<vmem>>)
    %dma_wait3A_255 = arith.constant 7 : i32
    %dma_wait3A_256 = arith.constant 7 : i32
    %dma_wait3A_257 = arith.constant 7 : i32
    %dma_wait3A_258 = arith.constant 0 : i32
    %dma_wait3A_259 = arith.constant 0 : i32
    %dma_wait3A_260 = tpu.memref_slice %arg9[%dma_wait3A_256, %dma_wait3A_258, %dma_wait3A_259] : memref<8x128x32xf32, #tpu.memory_space<vmem>> -> memref<1x128x32xf32, #tpu.memory_space<vmem>>
    %dma_wait3A_261 = tpu.memref_squeeze %dma_wait3A_260 : memref<1x128x32xf32, #tpu.memory_space<vmem>> -> memref<128x32xf32, #tpu.memory_space<vmem>>
    %dma_wait3A_262 = arith.constant 0 : i32
    %dma_wait3A_263 = tpu.memref_slice %arg7[%dma_wait3A_255, %dma_wait3A_262] : memref<80x128xi32, #tpu.memory_space<vmem>> -> memref<1x128xi32, #tpu.memory_space<vmem>>
    %dma_wait3A_264 = tpu.memref_squeeze %dma_wait3A_263 : memref<1x128xi32, #tpu.memory_space<vmem>> -> memref<128xi32, #tpu.memory_space<vmem>>
    %dma_wait3A_265 = arith.constant 0 : i32
    %dma_wait3A_266 = arith.constant 0 : i32
    %dma_wait3A_267 = tpu.memref_slice %arg11[%dma_wait3A_265, %dma_wait3A_266] : memref<10112x32xf32, #tpu.memory_space<vmem_shared>> -> memref<10112x32xf32, #tpu.memory_space<vmem_shared>>
    %dma_wait3A_268 = tpu.memref_slice %arg12[%dma_wait3A_257] : memref<8x!tpu.dma_semaphore, #tpu.memory_space<semaphore_mem>> -> memref<1x!tpu.dma_semaphore, #tpu.memory_space<semaphore_mem>>
    %dma_wait3A_269 = tpu.memref_squeeze %dma_wait3A_268 : memref<1x!tpu.dma_semaphore, #tpu.memory_space<semaphore_mem>> -> memref<!tpu.dma_semaphore, #tpu.memory_space<semaphore_mem>>
    tpu.wait_indirect_dma semaphore(%dma_wait3A_269 : memref<!tpu.dma_semaphore, #tpu.memory_space<semaphore_mem>>) src(%dma_wait3A_267 : memref<10112x32xf32, #tpu.memory_space<vmem_shared>>) dst(%dma_wait3A_261 : memref<128x32xf32, #tpu.memory_space<vmem>>)
    %barrier3A_270 = arith.constant 0 : index
    tpu.barrier barrier_id(%barrier3A_270)
    %mul3A_271 = arith.constant 632 : i32
    %mul3A_272 = arith.muli %arg1, %mul3A_271 : i32
    %mul3A_273 = arith.constant 632 : i32
    %mul3A_274 = arith.muli %arg1, %mul3A_273 : i32
    "tpu.region"() ({
      %run_scoped3A = tpu.sem_alloc : memref<!tpu.dma_semaphore, #tpu.memory_space<semaphore_mem>>
      %dma_start3A_275 = arith.constant 0 : i32
      %dma_start3A_276 = tpu.memref_slice %arg6[%arg0, %mul3A_274, %dma_start3A_275] : memref<2x10112x32xf32, #tpu.memory_space<hbm>> -> memref<1x632x32xf32, #tpu.memory_space<hbm>>
      %dma_start3A_277 = tpu.memref_squeeze %dma_start3A_276 : memref<1x632x32xf32, #tpu.memory_space<hbm>> -> memref<632x32xf32, #tpu.memory_space<hbm>>
      %dma_start3A_278 = arith.constant 0 : i32
      %dma_start3A_279 = tpu.memref_slice %arg10[%mul3A_272, %dma_start3A_278] : memref<10112x32xf32, #tpu.memory_space<vmem_shared>> -> memref<632x32xf32, #tpu.memory_space<vmem_shared>>
      tpu.enqueue_dma source(%dma_start3A_279 : memref<632x32xf32, #tpu.memory_space<vmem_shared>>) target(%dma_start3A_277 : memref<632x32xf32, #tpu.memory_space<hbm>>) target_semaphore(%run_scoped3A : memref<!tpu.dma_semaphore, #tpu.memory_space<semaphore_mem>>)
      %dma_wait3A_280 = arith.constant 0 : i32
      %dma_wait3A_281 = tpu.memref_slice %arg6[%arg0, %mul3A_274, %dma_wait3A_280] : memref<2x10112x32xf32, #tpu.memory_space<hbm>> -> memref<1x632x32xf32, #tpu.memory_space<hbm>>
      %dma_wait3A_282 = tpu.memref_squeeze %dma_wait3A_281 : memref<1x632x32xf32, #tpu.memory_space<hbm>> -> memref<632x32xf32, #tpu.memory_space<hbm>>
      %dma_wait3A_283 = arith.constant 0 : i32
      %dma_wait3A_284 = tpu.memref_slice %arg10[%mul3A_272, %dma_wait3A_283] : memref<10112x32xf32, #tpu.memory_space<vmem_shared>> -> memref<632x32xf32, #tpu.memory_space<vmem_shared>>
      tpu.wait_dma2 semaphore(%run_scoped3A : memref<!tpu.dma_semaphore, #tpu.memory_space<semaphore_mem>>) src(%dma_wait3A_284 : memref<632x32xf32, #tpu.memory_space<vmem_shared>>) dst(%dma_wait3A_282 : memref<632x32xf32, #tpu.memory_space<hbm>>)
      tpu.yield
    }) : () -> ()
    return
  }
}

module attributes {stable_mosaic.version = 14 : i64} {
  func.func @_tc1_body(%arg0: memref<2x10112x16xf32, #tpu.memory_space<vmem>>, %arg1: memref<10000x128xf32, #tpu.memory_space<vmem>>, %arg2: memref<128x32xf32, #tpu.memory_space<vmem>>, %arg3: memref<10112x32xf32, #tpu.memory_space<vmem>>, %arg4: memref<10112x1xf32, #tpu.memory_space<vmem>>) attributes {dimension_semantics = [], scalar_prefetch = 0 : i64, scratch_operands = 0 : i64, tpu.core_type = #tpu.core_type<tc>} {
    %get3A = arith.constant 0 : index
    %get3A_0 = arith.constant 0 : index
    %get3A_1 = arith.constant 0 : index
    %get3A_2 = vector.load %arg0[%get3A, %get3A_0, %get3A_1] : memref<2x10112x16xf32, #tpu.memory_space<vmem>>, vector<1x10000x1xf32>
    %get3A_3 = vector.shape_cast %get3A_2 : vector<1x10000x1xf32> to vector<10000x1xf32>
    %get3A_4 = arith.constant 1 : index
    %get3A_5 = arith.constant 0 : index
    %get3A_6 = arith.constant 0 : index
    %get3A_7 = vector.load %arg0[%get3A_4, %get3A_5, %get3A_6] : memref<2x10112x16xf32, #tpu.memory_space<vmem>>, vector<1x10000x1xf32>
    %get3A_8 = vector.shape_cast %get3A_7 : vector<1x10000x1xf32> to vector<10000x1xf32>
    %add3A = arith.addf %get3A_3, %get3A_8 : vector<10000x1xf32>
    %add3A_9 = arith.constant 1.000000e+00 : f32
    %add3A_10 = vector.broadcast %add3A_9 : f32 to vector<10000x1xf32>
    %add3A_11 = arith.addf %add3A, %add3A_10 : vector<10000x1xf32>
    %max3A = arith.constant 1.000000e+00 : f32
    %max3A_12 = vector.broadcast %max3A : f32 to vector<10000x1xf32>
    %max3A_13 = arith.maximumf %add3A_11, %max3A_12 : vector<10000x1xf32>
    %rsqrt3A = math.rsqrt %max3A_13 : vector<10000x1xf32>
    %get3A_14 = arith.constant 0 : index
    %get3A_15 = arith.constant 0 : index
    %get3A_16 = vector.load %arg1[%get3A_14, %get3A_15] : memref<10000x128xf32, #tpu.memory_space<vmem>>, vector<10000x128xf32>
    %get3A_17 = arith.constant 0 : index
    %get3A_18 = arith.constant 0 : index
    %get3A_19 = vector.load %arg2[%get3A_17, %get3A_18] : memref<128x32xf32, #tpu.memory_space<vmem>>, vector<128x32xf32>
    %dot_general3A = arith.constant dense<0.000000e+00> : vector<10000x32xf32>
    %dot_general3A_20 = tpu.matmul %get3A_16, %get3A_19, %dot_general3A {dimension_numbers = #tpu.dot_dimension_numbers<[1], [0], [0], [1], [0, 0, 1, 1], [], []>, transpose_lhs_hint = false} : vector<10000x128xf32>, vector<128x32xf32>, vector<10000x32xf32> -> vector<10000x32xf32>
    %mul3A = vector.broadcast %rsqrt3A : vector<10000x1xf32> to vector<10000x32xf32>
    %mul3A_21 = arith.mulf %mul3A, %dot_general3A_20 : vector<10000x32xf32>
    %swap3A = arith.constant 0 : index
    %swap3A_22 = arith.constant 0 : index
    %swap3A_23 = vector.load %arg3[%swap3A, %swap3A_22] : memref<10112x32xf32, #tpu.memory_space<vmem>>, vector<10000x32xf32>
    tpu.vector_store %arg3[%swap3A, %swap3A_22], %mul3A_21 {strides = array<i32>} : memref<10112x32xf32, #tpu.memory_space<vmem>>, vector<10000x32xf32>,
    %broadcast_in_dim3A = arith.constant 0.000000e+00 : f32
    %broadcast_in_dim3A_24 = vector.broadcast %broadcast_in_dim3A : f32 to vector<112x32xf32>
    %swap3A_25 = arith.constant 10000 : index
    %swap3A_26 = arith.constant 0 : index
    %swap3A_27 = vector.load %arg3[%swap3A_25, %swap3A_26] : memref<10112x32xf32, #tpu.memory_space<vmem>>, vector<112x32xf32>
    tpu.vector_store %arg3[%swap3A_25, %swap3A_26], %broadcast_in_dim3A_24 {strides = array<i32>} : memref<10112x32xf32, #tpu.memory_space<vmem>>, vector<112x32xf32>,
    %swap3A_28 = arith.constant 0 : index
    %swap3A_29 = arith.constant 0 : index
    %swap3A_30 = vector.load %arg4[%swap3A_28, %swap3A_29] : memref<10112x1xf32, #tpu.memory_space<vmem>>, vector<10000x1xf32>
    tpu.vector_store %arg4[%swap3A_28, %swap3A_29], %rsqrt3A {strides = array<i32>} : memref<10112x1xf32, #tpu.memory_space<vmem>>, vector<10000x1xf32>,
    %broadcast_in_dim3A_31 = arith.constant 0.000000e+00 : f32
    %broadcast_in_dim3A_32 = vector.broadcast %broadcast_in_dim3A_31 : f32 to vector<112x1xf32>
    %swap3A_33 = arith.constant 10000 : index
    %swap3A_34 = arith.constant 0 : index
    %swap3A_35 = vector.load %arg4[%swap3A_33, %swap3A_34] : memref<10112x1xf32, #tpu.memory_space<vmem>>, vector<112x1xf32>
    tpu.vector_store %arg4[%swap3A_33, %swap3A_34], %broadcast_in_dim3A_32 {strides = array<i32>} : memref<10112x1xf32, #tpu.memory_space<vmem>>, vector<112x1xf32>,
    return
  }
}

module attributes {stable_mosaic.version = 14 : i64} {
  func.func @_tc3_body(%arg0: memref<2x10112x32xf32, #tpu.memory_space<vmem>>, %arg1: memref<10112x32xf32, #tpu.memory_space<vmem>>, %arg2: memref<10112x1xf32, #tpu.memory_space<vmem>>, %arg3: memref<32xf32, #tpu.memory_space<vmem>>, %arg4: memref<10000x32xf32, #tpu.memory_space<vmem>>) attributes {dimension_semantics = [], scalar_prefetch = 0 : i64, scratch_operands = 0 : i64, tpu.core_type = #tpu.core_type<tc>} {
    %get3A = arith.constant 0 : index
    %get3A_0 = arith.constant 0 : index
    %get3A_1 = vector.load %arg2[%get3A, %get3A_0] : memref<10112x1xf32, #tpu.memory_space<vmem>>, vector<10000x1xf32>
    %get3A_2 = arith.constant 0 : index
    %get3A_3 = arith.constant 0 : index
    %get3A_4 = arith.constant 0 : index
    %get3A_5 = vector.load %arg0[%get3A_2, %get3A_3, %get3A_4] : memref<2x10112x32xf32, #tpu.memory_space<vmem>>, vector<1x10000x32xf32>
    %get3A_6 = vector.shape_cast %get3A_5 : vector<1x10000x32xf32> to vector<10000x32xf32>
    %get3A_7 = arith.constant 1 : index
    %get3A_8 = arith.constant 0 : index
    %get3A_9 = arith.constant 0 : index
    %get3A_10 = vector.load %arg0[%get3A_7, %get3A_8, %get3A_9] : memref<2x10112x32xf32, #tpu.memory_space<vmem>>, vector<1x10000x32xf32>
    %get3A_11 = vector.shape_cast %get3A_10 : vector<1x10000x32xf32> to vector<10000x32xf32>
    %add3A = arith.addf %get3A_6, %get3A_11 : vector<10000x32xf32>
    %get3A_12 = arith.constant 0 : index
    %get3A_13 = arith.constant 0 : index
    %get3A_14 = vector.load %arg1[%get3A_12, %get3A_13] : memref<10112x32xf32, #tpu.memory_space<vmem>>, vector<10000x32xf32>
    %add3A_15 = arith.addf %add3A, %get3A_14 : vector<10000x32xf32>
    %mul3A = vector.broadcast %get3A_1 : vector<10000x1xf32> to vector<10000x32xf32>
    %mul3A_16 = arith.mulf %mul3A, %add3A_15 : vector<10000x32xf32>
    %get3A_17 = arith.constant 0 : index
    %get3A_18 = vector.load %arg3[%get3A_17] : memref<32xf32, #tpu.memory_space<vmem>>, vector<32xf32>
    %broadcast_in_dim3A = vector.shape_cast %get3A_18 : vector<32xf32> to vector<1x32xf32>
    %add3A_19 = vector.broadcast %broadcast_in_dim3A : vector<1x32xf32> to vector<10000x32xf32>
    %add3A_20 = arith.addf %mul3A_16, %add3A_19 : vector<10000x32xf32>
    %gt3A = arith.constant 0.000000e+00 : f32
    %gt3A_21 = vector.broadcast %gt3A : f32 to vector<10000x32xf32>
    %gt3A_22 = arith.cmpf ogt, %add3A_20, %gt3A_21 : vector<10000x32xf32>
    %min3A = arith.constant 0.000000e+00 : f32
    %min3A_23 = vector.broadcast %min3A : f32 to vector<10000x32xf32>
    %min3A_24 = arith.minimumf %add3A_20, %min3A_23 : vector<10000x32xf32>
    %exp3A = math.exp %min3A_24 : vector<10000x32xf32>
    %sub3A = arith.constant 1.000000e+00 : f32
    %sub3A_25 = vector.broadcast %sub3A : f32 to vector<10000x32xf32>
    %sub3A_26 = arith.subf %exp3A, %sub3A_25 : vector<10000x32xf32>
    %select_n3A = arith.select %gt3A_22, %add3A_20, %sub3A_26 : vector<10000x32xi1>, vector<10000x32xf32>
    %swap3A = arith.constant 0 : index
    %swap3A_27 = arith.constant 0 : index
    %swap3A_28 = vector.load %arg4[%swap3A, %swap3A_27] : memref<10000x32xf32, #tpu.memory_space<vmem>>, vector<10000x32xf32>
    tpu.vector_store %arg4[%swap3A, %swap3A_27], %select_n3A {strides = array<i32>} : memref<10000x32xf32, #tpu.memory_space<vmem>>, vector<10000x32xf32>,
    return
  }
}

module attributes {stable_mosaic.version = 14 : i64} {
  func.func @_tc2_body(%arg0: memref<2x10112x32xf32, #tpu.memory_space<vmem>>, %arg1: memref<10112x32xf32, #tpu.memory_space<vmem>>, %arg2: memref<10112x1xf32, #tpu.memory_space<vmem>>, %arg3: memref<32xf32, #tpu.memory_space<vmem>>, %arg4: memref<32x32xf32, #tpu.memory_space<vmem>>, %arg5: memref<10112x32xf32, #tpu.memory_space<vmem>>) attributes {dimension_semantics = [], scalar_prefetch = 0 : i64, scratch_operands = 0 : i64, tpu.core_type = #tpu.core_type<tc>} {
    %get3A = arith.constant 0 : index
    %get3A_0 = arith.constant 0 : index
    %get3A_1 = vector.load %arg2[%get3A, %get3A_0] : memref<10112x1xf32, #tpu.memory_space<vmem>>, vector<10000x1xf32>
    %get3A_2 = arith.constant 0 : index
    %get3A_3 = arith.constant 0 : index
    %get3A_4 = arith.constant 0 : index
    %get3A_5 = vector.load %arg0[%get3A_2, %get3A_3, %get3A_4] : memref<2x10112x32xf32, #tpu.memory_space<vmem>>, vector<1x10000x32xf32>
    %get3A_6 = vector.shape_cast %get3A_5 : vector<1x10000x32xf32> to vector<10000x32xf32>
    %get3A_7 = arith.constant 1 : index
    %get3A_8 = arith.constant 0 : index
    %get3A_9 = arith.constant 0 : index
    %get3A_10 = vector.load %arg0[%get3A_7, %get3A_8, %get3A_9] : memref<2x10112x32xf32, #tpu.memory_space<vmem>>, vector<1x10000x32xf32>
    %get3A_11 = vector.shape_cast %get3A_10 : vector<1x10000x32xf32> to vector<10000x32xf32>
    %add3A = arith.addf %get3A_6, %get3A_11 : vector<10000x32xf32>
    %get3A_12 = arith.constant 0 : index
    %get3A_13 = arith.constant 0 : index
    %get3A_14 = vector.load %arg1[%get3A_12, %get3A_13] : memref<10112x32xf32, #tpu.memory_space<vmem>>, vector<10000x32xf32>
    %add3A_15 = arith.addf %add3A, %get3A_14 : vector<10000x32xf32>
    %mul3A = vector.broadcast %get3A_1 : vector<10000x1xf32> to vector<10000x32xf32>
    %mul3A_16 = arith.mulf %mul3A, %add3A_15 : vector<10000x32xf32>
    %get3A_17 = arith.constant 0 : index
    %get3A_18 = vector.load %arg3[%get3A_17] : memref<32xf32, #tpu.memory_space<vmem>>, vector<32xf32>
    %broadcast_in_dim3A = vector.shape_cast %get3A_18 : vector<32xf32> to vector<1x32xf32>
    %add3A_19 = vector.broadcast %broadcast_in_dim3A : vector<1x32xf32> to vector<10000x32xf32>
    %add3A_20 = arith.addf %mul3A_16, %add3A_19 : vector<10000x32xf32>
    %gt3A = arith.constant 0.000000e+00 : f32
    %gt3A_21 = vector.broadcast %gt3A : f32 to vector<10000x32xf32>
    %gt3A_22 = arith.cmpf ogt, %add3A_20, %gt3A_21 : vector<10000x32xf32>
    %min3A = arith.constant 0.000000e+00 : f32
    %min3A_23 = vector.broadcast %min3A : f32 to vector<10000x32xf32>
    %min3A_24 = arith.minimumf %add3A_20, %min3A_23 : vector<10000x32xf32>
    %exp3A = math.exp %min3A_24 : vector<10000x32xf32>
    %sub3A = arith.constant 1.000000e+00 : f32
    %sub3A_25 = vector.broadcast %sub3A : f32 to vector<10000x32xf32>
    %sub3A_26 = arith.subf %exp3A, %sub3A_25 : vector<10000x32xf32>
    %select_n3A = arith.select %gt3A_22, %add3A_20, %sub3A_26 : vector<10000x32xi1>, vector<10000x32xf32>
    %get3A_27 = arith.constant 0 : index
    %get3A_28 = arith.constant 0 : index
    %get3A_29 = vector.load %arg4[%get3A_27, %get3A_28] : memref<32x32xf32, #tpu.memory_space<vmem>>, vector<32x32xf32>
    %dot_general3A = arith.constant dense<0.000000e+00> : vector<10000x32xf32>
    %dot_general3A_30 = tpu.matmul %select_n3A, %get3A_29, %dot_general3A {dimension_numbers = #tpu.dot_dimension_numbers<[1], [0], [0], [1], [0, 0, 1, 1], [], []>, transpose_lhs_hint = false} : vector<10000x32xf32>, vector<32x32xf32>, vector<10000x32xf32> -> vector<10000x32xf32>
    %mul3A_31 = vector.broadcast %get3A_1 : vector<10000x1xf32> to vector<10000x32xf32>
    %mul3A_32 = arith.mulf %mul3A_31, %dot_general3A_30 : vector<10000x32xf32>
    %swap3A = arith.constant 0 : index
    %swap3A_33 = arith.constant 0 : index
    %swap3A_34 = vector.load %arg5[%swap3A, %swap3A_33] : memref<10112x32xf32, #tpu.memory_space<vmem>>, vector<10000x32xf32>
    tpu.vector_store %arg5[%swap3A, %swap3A_33], %mul3A_32 {strides = array<i32>} : memref<10112x32xf32, #tpu.memory_space<vmem>>, vector<10000x32xf32>,
    %broadcast_in_dim3A_35 = arith.constant 0.000000e+00 : f32
    %broadcast_in_dim3A_36 = vector.broadcast %broadcast_in_dim3A_35 : f32 to vector<112x32xf32>
    %swap3A_37 = arith.constant 10000 : index
    %swap3A_38 = arith.constant 0 : index
    %swap3A_39 = vector.load %arg5[%swap3A_37, %swap3A_38] : memref<10112x32xf32, #tpu.memory_space<vmem>>, vector<112x32xf32>
    tpu.vector_store %arg5[%swap3A_37, %swap3A_38], %broadcast_in_dim3A_36 {strides = array<i32>} : memref<10112x32xf32, #tpu.memory_space<vmem>>, vector<112x32xf32>,
    return
  }
}

module attributes {stable_mosaic.version = 14 : i64} {
  func.func @_matvec_body(%arg0: i32, %arg1: memref<1x6400xf32, #tpu.memory_space<vmem>>, %arg2: memref<6400x512xf32, #tpu.memory_space<vmem>>, %arg3: memref<1x512xf32, #tpu.memory_space<vmem>>, %arg4: memref<512x10xf32, #tpu.memory_space<vmem>>, %arg5: memref<1x10xf32, #tpu.memory_space<vmem>>, %arg6: memref<1x10xf32, #tpu.memory_space<vmem>>, %arg7: memref<1x512xf32, #tpu.memory_space<vmem>>) attributes {dimension_semantics = [#tpu.dimension_semantics<arbitrary>], iteration_bounds = array<i64: 50>, scalar_prefetch = 0 : i64, scratch_operands = 1 : i64, tpu.core_type = #tpu.core_type<tc>, window_params = [{transform_indices = @transform_0, window_bounds = array<i64: 1, 6400>}, {transform_indices = @transform_1, window_bounds = array<i64: 6400, 512>}, {pipeline_mode = #tpu.pipeline_mode<synchronous>, transform_indices = @transform_2, window_bounds = array<i64: 1, 512>}, {pipeline_mode = #tpu.pipeline_mode<synchronous>, transform_indices = @transform_3, window_bounds = array<i64: 512, 10>}, {pipeline_mode = #tpu.pipeline_mode<synchronous>, transform_indices = @transform_4, window_bounds = array<i64: 1, 10>}, {pipeline_mode = #tpu.pipeline_mode<synchronous>, transform_indices = @transform_5, window_bounds = array<i64: 1, 10>}]} {
    %eq3A = arith.constant 0 : i32
    %eq3A_0 = arith.cmpi eq, %arg0, %eq3A : i32
    %convert_element_type3A = arith.extui %eq3A_0 : i1 to i32
    %cond3A = arith.constant 0 : i32
    %cond3A_1 = arith.cmpi ne, %convert_element_type3A, %cond3A : i32
    scf.if %cond3A_1 {
      %get3A_18 = arith.constant 0 : index
      %get3A_19 = arith.constant 0 : index
      %get3A_20 = vector.load %arg3[%get3A_18, %get3A_19] : memref<1x512xf32, #tpu.memory_space<vmem>>, vector<1x512xf32>
      %swap3A_21 = arith.constant 0 : index
      %swap3A_22 = arith.constant 0 : index
      %swap3A_23 = vector.load %arg7[%swap3A_21, %swap3A_22] : memref<1x512xf32, #tpu.memory_space<vmem>>, vector<1x512xf32>
      tpu.vector_store %arg7[%swap3A_21, %swap3A_22], %get3A_20 {strides = array<i32>} : memref<1x512xf32, #tpu.memory_space<vmem>>, vector<1x512xf32>,
    } else {
    }
    %get3A = arith.constant 0 : index
    %get3A_2 = arith.constant 0 : index
    %get3A_3 = vector.load %arg7[%get3A, %get3A_2] : memref<1x512xf32, #tpu.memory_space<vmem>>, vector<1x512xf32>
    %get3A_4 = arith.constant 0 : index
    %get3A_5 = arith.constant 0 : index
    %get3A_6 = vector.load %arg1[%get3A_4, %get3A_5] : memref<1x6400xf32, #tpu.memory_space<vmem>>, vector<1x6400xf32>
    %get3A_7 = arith.constant 0 : index
    %get3A_8 = arith.constant 0 : index
    %get3A_9 = vector.load %arg2[%get3A_7, %get3A_8] : memref<6400x512xf32, #tpu.memory_space<vmem>>, vector<6400x512xf32>
    %dot_general3A = arith.constant dense<0.000000e+00> : vector<1x512xf32>
    %dot_general3A_10 = tpu.matmul %get3A_6, %get3A_9, %dot_general3A {dimension_numbers = #tpu.dot_dimension_numbers<[1], [0], [0], [1], [0, 0, 1, 1], [], []>, transpose_lhs_hint = false} : vector<1x6400xf32>, vector<6400x512xf32>, vector<1x512xf32> -> vector<1x512xf32>
    %add3A = arith.addf %get3A_3, %dot_general3A_10 : vector<1x512xf32>
    %swap3A = arith.constant 0 : index
    %swap3A_11 = arith.constant 0 : index
    %swap3A_12 = vector.load %arg7[%swap3A, %swap3A_11] : memref<1x512xf32, #tpu.memory_space<vmem>>, vector<1x512xf32>
    tpu.vector_store %arg7[%swap3A, %swap3A_11], %add3A {strides = array<i32>} : memref<1x512xf32, #tpu.memory_space<vmem>>, vector<1x512xf32>,
    %eq3A_13 = arith.constant 49 : i32
    %eq3A_14 = arith.cmpi eq, %arg0, %eq3A_13 : i32
    %convert_element_type3A_15 = arith.extui %eq3A_14 : i1 to i32
    %cond3A_16 = arith.constant 0 : i32
    %cond3A_17 = arith.cmpi ne, %convert_element_type3A_15, %cond3A_16 : i32
    scf.if %cond3A_17 {
      %get3A_18 = arith.constant 0 : index
      %get3A_19 = arith.constant 0 : index
      %get3A_20 = vector.load %arg7[%get3A_18, %get3A_19] : memref<1x512xf32, #tpu.memory_space<vmem>>, vector<1x512xf32>
      %max3A = arith.constant 0.000000e+00 : f32
      %max3A_21 = vector.broadcast %max3A : f32 to vector<1x512xf32>
      %max3A_22 = arith.maximumf %get3A_20, %max3A_21 : vector<1x512xf32>
      %get3A_23 = arith.constant 0 : index
      %get3A_24 = arith.constant 0 : index
      %get3A_25 = vector.load %arg4[%get3A_23, %get3A_24] : memref<512x10xf32, #tpu.memory_space<vmem>>, vector<512x10xf32>
      %dot_general3A_26 = arith.constant dense<0.000000e+00> : vector<1x10xf32>
      %dot_general3A_27 = tpu.matmul %max3A_22, %get3A_25, %dot_general3A_26 {dimension_numbers = #tpu.dot_dimension_numbers<[1], [0], [0], [1], [0, 0, 1, 1], [], []>, transpose_lhs_hint = false} : vector<1x512xf32>, vector<512x10xf32>, vector<1x10xf32> -> vector<1x10xf32>
      %get3A_28 = arith.constant 0 : index
      %get3A_29 = arith.constant 0 : index
      %get3A_30 = vector.load %arg5[%get3A_28, %get3A_29] : memref<1x10xf32, #tpu.memory_space<vmem>>, vector<1x10xf32>
      %add3A_31 = arith.addf %dot_general3A_27, %get3A_30 : vector<1x10xf32>
      %reduce_max3A = arith.constant dense<0xFF800000> : vector<1xf32>
      %reduce_max3A_32 = vector.multi_reduction <maximumf>, %add3A_31, %reduce_max3A [1] : vector<1x10xf32> to vector<1xf32>
      %broadcast_in_dim3A = vector.shape_cast %reduce_max3A_32 : vector<1xf32> to vector<1x1xf32>
      %sub3A = vector.broadcast %broadcast_in_dim3A : vector<1x1xf32> to vector<1x10xf32>
      %sub3A_33 = arith.subf %add3A_31, %sub3A : vector<1x10xf32>
      %exp3A = math.exp %sub3A_33 : vector<1x10xf32>
      %reduce_sum3A = arith.constant dense<0.000000e+00> : vector<1xf32>
      %reduce_sum3A_34 = vector.multi_reduction <add>, %exp3A, %reduce_sum3A [1] : vector<1x10xf32> to vector<1xf32>
      %broadcast_in_dim3A_35 = vector.shape_cast %reduce_sum3A_34 : vector<1xf32> to vector<1x1xf32>
      %div3A = vector.broadcast %broadcast_in_dim3A_35 : vector<1x1xf32> to vector<1x10xf32>
      %div3A_36 = arith.divf %exp3A, %div3A : vector<1x10xf32>
      %swap3A_37 = arith.constant 0 : index
      %swap3A_38 = arith.constant 0 : index
      %swap3A_39 = vector.load %arg6[%swap3A_37, %swap3A_38] : memref<1x10xf32, #tpu.memory_space<vmem>>, vector<1x10xf32>
      tpu.vector_store %arg6[%swap3A_37, %swap3A_38], %div3A_36 {strides = array<i32>} : memref<1x10xf32, #tpu.memory_space<vmem>>, vector<1x10xf32>,
    } else {
    }
    return
  }
  func.func @transform_0(%arg0: i32) -> (i32, i32) {
    %c0_i32 = arith.constant 0 : i32
    %c0_i32_0 = arith.constant 0 : i32
    return %c0_i32, %arg0 : i32, i32
  }
  func.func @transform_1(%arg0: i32) -> (i32, i32) {
    %c0_i32 = arith.constant 0 : i32
    %c0_i32_0 = arith.constant 0 : i32
    return %arg0, %c0_i32 : i32, i32
  }
  func.func @transform_2(%arg0: i32) -> (i32, i32) {
    %c0_i32 = arith.constant 0 : i32
    %c0_i32_0 = arith.constant 0 : i32
    %c0_i32_1 = arith.constant 0 : i32
    return %c0_i32, %c0_i32_0 : i32, i32
  }
  func.func @transform_3(%arg0: i32) -> (i32, i32) {
    %c0_i32 = arith.constant 0 : i32
    %c0_i32_0 = arith.constant 0 : i32
    %c0_i32_1 = arith.constant 0 : i32
    return %c0_i32, %c0_i32_0 : i32, i32
  }
  func.func @transform_4(%arg0: i32) -> (i32, i32) {
    %c0_i32 = arith.constant 0 : i32
    %c0_i32_0 = arith.constant 0 : i32
    %c0_i32_1 = arith.constant 0 : i32
    return %c0_i32, %c0_i32_0 : i32, i32
  }
  func.func @transform_5(%arg0: i32) -> (i32, i32) {
    %c0_i32 = arith.constant 0 : i32
    %c0_i32_0 = arith.constant 0 : i32
    %c0_i32_1 = arith.constant 0 : i32
    return %c0_i32, %c0_i32_0 : i32, i32
  }
}

</mosaic_0001>

<sc_bundles>
// kernel: kernel.12.cloned.1.call-start
scs
__scs_entry_jumppad:
0x0: {  	(pc) =	sbr.rel $0x88, $3  }
0x1: {  	(tag) =	ssettag $0x0;
	lr =	simm.s32 $0x1  }
0x2: {  	[smem:$0x3F97] =	sst lr;
	_ =	strace $0xD0000000  }
0x3: {  	_ = 	snop  }
0x4: {  	_ = 	snop  }
0x5: {  	_ = 	snop  }
0x6: {  	_ = 	snop  }
0x7: {  	_ = 	snop  }
__scs_overlays_trampoline_lowered:
0x8: {  	[smem:$0x3FA6] =	sst s0  }
0x9: {  	[smem:$0x3FA7] =	sst s1  }
0xa: {  	[smem:$0x3FA8] =	sst s2  }
0xb: {  	[smem:$0x3FA9] =	sst s3  }
0xc: {  	[smem:$0x3FAA] =	sst s4  }
0xd: {  	[smem:$0x3FAB] =	sst s5  }
0xe: {  	[smem:$0x3FAC] =	sst s6  }
0xf: {  	[smem:$0x3FAD] =	sst s7  }
0x10: {  	[smem:$0x3FAE] =	sst s8  }
0x11: {  	[smem:$0x3FAF] =	sst s9;
	s0 =	simm.s32 @!p0 $0x0  }
0x12: {  	s1 =	sld [smem:$0x3F95];
	s0 =	simm.s32 @p0 $0x1  }
0x13: {  	[smem:$0x3FB0] =	sst s0;
	s0 =	simm.s32 @!p1 $0x0  }
0x14: {  	s2 =	sld [smem:$0x3F94];
	s0 =	simm.s32 @p1 $0x1  }
0x15: {  	[smem:$0x3FB1] =	sst s0;
	s0 =	simm.s32 @!p2 $0x0  }
0x16: {  	s3 =	sld [smem:$0x3FDB];
	s0 =	simm.s32 @p2 $0x1  }
0x17: {  	s4 =	simm.s32 $0x1BF5;
	[smem:$0x3FB3] =	sst s0  }
0x18: {  	s0 =	sld [smem:$0x3F96];
	_ =	swait.ge [sflag:s4], $0x0  }
0x19: {  	s7 =	sld [smem:$0x3F97]  }
0x1a: {  	s8 =	sadd.s32 $0xFFFFE003, lr  }
0x1b: {  	s9 =	sadd.s32 $0xFFFFFEF7, lr;
	s5 =	simm.s32 $0xFFFFFFFF;
	p2 =	slt.u32 s8, $0xFFFFF086  }
0x1c: {  	p1 =	slt.u32 s9, $0xF7A;
	s5 =	simm.s32 @!p2 $0x0  }
0x1d: {  	s5 =	simm.s32 @p1 $0x1;
	p0 =	seq.s32 s7, s2  }
0x1e: {  	s7 =	smul.u32 @!p0 $0xF7A, s2;
	p2 =	seq.s32 @!p0 s5, $0x0  }
0x1f: {  	s9 =	smul.u32 $0xF7A, s1;
	s8 =	simm.s32 @!p0 $0x1BF5;
	p2 =	por !p2, p0  }
0x20: {  	[sflag:s8] =	ssyncset.s32 @!p0 $0xFFFFF086;
	s6 =	sadd.s32 @!p0 s3, s7;
	s7 =	simm.s32 @!p0 $0x108  }
0x21: {  	s3 =	sadd.s32 s3, s9;
	s6 =	sadd.s32 @!p0 $0x88, s6;
	s7 =	simm.s32 @p2 $0x1082  }
0x22: {  	[simem:s7], [sflag:s8] =	dma.local @!p0 [hbm:s6], $0xF7A  }
0x23: {  	s9 =	sor.u32 $0xD0000000, s2;
	s6 =	simm.s32 $0x108;
	_ =	swait.ge @!p0 [sflag:s8], $0x0  }
0x24: {  	s3 =	sadd.s32 $0x88, s3;
	s6 =	simm.s32 @!p1 $0x1082;
	[sflag:s4] =	ssyncset.s32 $0xFFFFF086  }
0x25: {  	[simem:s6], [sflag:s4] =	dma.local [hbm:s3], $0xF7A  }
0x26: {  	[smem:$0x3F97] =	sst s1;
	(tag) =	ssettag s2;
	_ =	strace s9  }
0x27: {  	s1 =	sld [smem:$0x3FA7]  }
0x28: {  	s2 =	sld [smem:$0x3FA8]  }
0x29: {  	s4 =	sld [smem:$0x3FAA]  }
0x2a: {  	p0 =	seq.s32 s5, $0x0;
	s5 =	sld [smem:$0x3FAB]  }
0x2b: {  	s6 =	sld [smem:$0x3FAC]  }
0x2c: {  	s7 =	sld [smem:$0x3FAD]  }
0x2d: {  	s3 =	simm.s32 $0x108;
	s8 =	sld [smem:$0x3FAE]  }
0x2e: {  	s3 =	simm.s32 @!p0 $0x1082;
	s9 =	sld [smem:$0x3FAF]  }
0x2f: {  	lr =	sadd.s32 s0, s3;
	s0 =	sld [smem:$0x3FA6]  }
0x30: {  	s3 =	sld [smem:$0x3FA9]  }
0x31: {  	[smem:$0x3FB2] =	sst s10  }
0x32: {  	s10 =	sld [smem:$0x3FB0];
	_ =	sdelay $0x3  }
0x33: {  	p0 =	seq.s32 s10, $0x1;
	s10 =	sld [smem:$0x3FB2];
	_ =	sdelay $0x3  }
0x34: {  	[smem:$0x3FB2] =	sst s10  }
0x35: {  	s10 =	sld [smem:$0x3FB1];
	_ =	sdelay $0x3  }
0x36: {  	p1 =	seq.s32 s10, $0x1;
	s10 =	sld [smem:$0x3FB2];
	_ =	sdelay $0x3  }
0x37: {  	[smem:$0x3FB2] =	sst s10  }
0x38: {  	s10 =	sld [smem:$0x3FB3]  }
0x39: {  	_ = 	snop;
	(pc) =	sbr.ind lr, $3  }
0x3a: {  	_ = 	snop  }
0x3b: {  	_ = 	snop  }
0x3c: {  	p2 =	seq.s32 s10, $0x1;
	s10 =	sld [smem:$0x3FB2]  }
0x3d: {  	_ =	shalt  }
0x3e: {  	_ =	shalt  }
0x3f: {  	_ =	shalt  }
0x40: {  	_ =	shalt  }
0x41: {  	_ =	shalt  }
0x42: {  	_ =	shalt  }
0x43: {  	_ =	shalt  }
0x44: {  	_ =	shalt  }
0x45: {  	_ =	shalt  }
0x46: {  	_ =	shalt  }
0x47: {  	_ =	shalt  }
0x48: {  	_ =	shalt  }
0x49: {  	_ =	shalt  }
0x4a: {  	_ =	shalt  }
0x4b: {  	_ =	shalt  }
0x4c: {  	_ =	shalt  }
0x4d: {  	_ =	shalt  }
0x4e: {  	_ =	shalt  }
0x4f: {  	_ =	shalt  }
0x50: {  	_ =	shalt  }
0x51: {  	_ =	shalt  }
0x52: {  	_ =	shalt  }
0x53: {  	_ =	shalt  }
0x54: {  	_ =	shalt  }
0x55: {  	_ =	shalt  }
0x56: {  	_ =	shalt  }
0x57: {  	_ =	shalt  }
0x58: {  	_ =	shalt  }
0x59: {  	_ =	shalt  }
0x5a: {  	_ =	shalt  }
0x5b: {  	_ =	shalt  }
0x5c: {  	_ =	shalt  }
0x5d: {  	_ =	shalt  }
0x5e: {  	_ =	shalt  }
0x5f: {  	_ =	shalt  }
0x60: {  	_ =	shalt  }
0x61: {  	_ =	shalt  }
0x62: {  	_ =	shalt  }
0x63: {  	_ =	shalt  }
0x64: {  	_ =	shalt  }
0x65: {  	_ =	shalt  }
0x66: {  	_ =	shalt  }
0x67: {  	_ =	shalt  }
0x68: {  	_ =	shalt  }
0x69: {  	_ =	shalt  }
0x6a: {  	_ =	shalt  }
0x6b: {  	_ =	shalt  }
0x6c: {  	_ =	shalt  }
0x6d: {  	_ =	shalt  }
0x6e: {  	_ =	shalt  }
0x6f: {  	_ =	shalt  }
0x70: {  	_ =	shalt  }
0x71: {  	_ =	shalt  }
0x72: {  	_ =	shalt  }
0x73: {  	_ =	shalt  }
0x74: {  	_ =	shalt  }
0x75: {  	_ =	shalt  }
0x76: {  	_ =	shalt  }
0x77: {  	_ =	shalt  }
0x78: {  	_ =	shalt  }
0x79: {  	_ =	shalt  }
0x7a: {  	_ =	shalt  }
0x7b: {  	_ =	shalt  }
0x7c: {  	_ =	shalt  }
0x7d: {  	_ =	shalt  }
0x7e: {  	_ =	shalt  }
0x7f: {  	_ =	shalt  }
0x80: {  	_ =	shalt  }
0x81: {  	_ =	shalt  }
0x82: {  	_ =	shalt  }
0x83: {  	_ =	shalt  }
0x84: {  	_ =	shalt  }
0x85: {  	_ =	shalt  }
0x86: {  	_ =	shalt  }
0x87: {  	_ =	shalt  }
.Lfunc_end0:
.L_simem_size_0:
called_computation.1_lowered:
.L_overlay_start_0:
0x88: {  	s2 =	sld [smem:$0x3FD9]  }
0x89: {  	s3 =	sld [smem:$0x3FFE];
	_ =	sdelay $0x1  }
0x8a: {  	s1 =	srdreg.scid  }
0x8b: {  	s0 =	sand.u32 $0x1, s1  }
0x8c: {  	s16 =	sshll.u32 s0, $0xA;
	s2 =	sadd.s32 s3, s2  }
0x8d: {  	s2 =	sadd.s32 s2, s16  }
0x8e: {  	[smem:$0x3FBE] =	sst s2  }
0x8f: {  	_ = 	snop  }
0x90: {  	(tm) =	ssettm $0x1  }
0x91: {  	s17 =	sld [smem:$0x3FFB];
	_ =	sdelay $0x3  }
0x92: {  	_ =	strace s17  }
0x93: {  	s2 =	sld [smem:$0x3FFC];
	_ =	sdelay $0x3  }
0x94: {  	_ =	strace s2  }
0x95: {  	s2 =	sld [smem:$0x3FFD];
	_ =	sdelay $0x3  }
0x96: {  	_ =	strace s2  }
0x97: {  	_ =	strace $0x8FFFFFFF  }
0x98: {  	s18 =	sld [smem:$0x3FDB];
	_ =	sdelay $0x1  }
0x99: {  	s19 =	simm.s32 $_scs_section_size  }
0x9a: {  	s4 =	simm.s32 $_size__tile_overlayer_lowered;
	s5 =	simm.s32 $_tile_overlayer_lowered  }
0x9b: {  	s22 =	simm.s32 $0x1BFF;
	s21 =	sshll.u32 s5, $0x1;
	s2 =	sadd.s32 s19, s18  }
0x9c: {  	s6 =	simm.s32 $0x0;
	s20 =	sshll.u32 s4, $0x1;
	s4 =	sadd.s32 s21, s2  }
0x9d: {  	[timem:s6], [sflag:s22] =	dma.local [hbm:s4], s20  }
0x9e: {  	_ =	swait.ge [sflag:s22], s20  }
0x9f: {  	s3 =	ssub.s32 $0x0, s20;
	[sflag:s22] =	ssyncset.done $0x0  }
0xa0: {  	[sflag:s22] =	ssyncadd.s32 s3;
	_ =	sdelay $0x1  }
0xa1: {  	s23 =	simm.s32 $0x1B8B  }
0xa2: {  	_ =	swait.ge [sflag:s23], $0x1  }
0xa3: {  	[sflag:s23] =	ssyncset.done $0x0  }
0xa4: {  	s25 =	simm.s32 $0x1B8E;
	s24 =	sld [smem:$0x3FFE];
	[sflag:s23] =	ssyncadd.s32 $0xFFFFFFFF  }
0xa5: {  	s26 =	simm.s32 $execute0_lowered;
	[smem:$0x3FD2] =	sst s25  }
0xa6: {  	s4 =	sshll.u32 s26, $0x1;
	_ =	strace $0x80000049;
	[dreg:$0x1] =	wrdreg $0xFFFFFFFF  }
0xa7: {  	s28 =	simm.s32 $_size_execute0_lowered;
	s2 =	sadd.s32 s2, s4;
	[dreg:$0x0] =	wrdreg $0x0  }
0xa8: {  	s4 =	sshll.u32 s28, $0x1;
	[dreg:$0x2] =	wrdreg s2  }
0xa9: {  	[dreg:$0x3] =	wrdreg s4  }
0xaa: {  	[dreg:$0x4] =	wrdreg $0xC0  }
0xab: {  	_ =	task [dreg:s6], $0x5FFFF  }
0xac: {  	[dreg:$0x1] =	wrdreg $0xFFFFFFFF  }
0xad: {  	[dreg:$0x0] =	wrdreg $0x60  }
0xae: {  	[dreg:$0x2] =	wrdreg s24  }
0xaf: {  	[dreg:$0x3] =	wrdreg $0xD0000  }
0xb0: {  	[dreg:$0x4] =	wrdreg $0x11F000  }
0xb1: {  	[dreg:$0x5] =	wrdreg $0x9  }
0xb2: {  	_ =	task.clear_ibuf [dreg:s6], $0x6FFFF;
	_ =	strace $0x90000049  }
0xb3: {  	s29 =	simm.s32 $0x9;
	_ =	strace $0x8000004B  }
0xb4: {  	_ =	swait.ge [sflag:s29], $0x1  }
0xb5: {  	[sflag:s29] =	ssyncadd.s32 $0xFFFFFFFF  }
0xb6: {  	_ =	strace $0x9000004B  }
0xb7: {  	_ =	sfence  }
0xb8: {  	s30 =	sld [smem:$0x0];
	_ =	sdelay $0x2  }
0xb9: {  	s31 =	sshll.u32 s1, $0xD;
	s1 =	sshrl.u32 s1, $0x2  }
0xba: {  	s3 =	sand.u32 $0x4000, s31;
	s1 =	sadd.s32 s1, s30  }
0xbb: {  	s0 =	sor.u32 s3, s0;
	s1 =	sshll.u32 s1, $0x11  }
0xbc: {  	s0 =	sor.u32 s1, s0  }
0xbd: {  	s0 =	sadd.s32 $0x8F2B, s0  }
0xbe: {  	[sflag:s0] =	ssyncadd.remote.s32 $0x1  }
0xbf: {  	_ =	sfence.sel $0xFFFF  }
0xc0: {  	[dreg:$0x0] =	wrdreg $0xFFFFFFFF;
	(pc) =	sbr.abs _section_cstart, $3  }
0xc1: {  	[dreg:$0x1] =	wrdreg $0xFFFFFFFF  }
0xc2: {  	_ =	task.clear_ibuf [dreg:s6], $0x2FFFF;
	_ =	strace $0x9FFFFFFF  }
0xc3: {  	(tm) =	ssettm $0x7FFFFFFF  }
tec
execute0_lowered:
.L_overlay_start_1:
0x0: {  	(tag) =	ssettag $0x1  }
0x1: {  	s0 =	rddreg [dreg:$0x0]  }
0x2: {  	s2 =	rddreg [dreg:$0x1]  }
0x3: {  	s3 =	rddreg [dreg:$0x2]  }
0x4: {  	s10 =	stileid.u32;
	s1 =	srdreg.scid  }
0x5: {  	s5 =	simm.s32 $0x0;
	s9 =	simm.s32 $0x2600;
	s13 =	simm.s32 $0x11  }
0x6: {  	s16 =	simm.s32 $0x80;
	s17 =	simm.s32 $0x5000;
	s18 =	simm.s32 $0x6000  }
0x7: {  	s20 =	simm.s32 $0x7000;
	s29 =	simm.s32 $0xB000;
	s31 =	simm.s32 $0xC000  }
0x8: {  	s15 =	simm.s32 $0x3;
	s19 =	simm.s32 $0x4;
	s28 =	simm.s32 $0x8  }
0x9: {  	s30 =	simm.s32 $0x9;
	s14 =	simm.s32 $0xF;
	s4 =	smul.u32 $0x4F00, s10  }
0xa: {  	s1 =	sand.u32 $0x1, s1;
	[smem:$0x7FF] =	sst s5;
	s23 =	smul.u32 $0x2800, s10  }
0xb: {  	s10 =	sshll.u32 s10, $0x6;
	s21 =	smul.u32 $0x4F000, s1;
	_ =	strace $0x8000004A  }
0xc: {  	s7 =	ssub.s32 $0x2, s1;
	p0 =	seq.s32 s1, $0x1;
	s12 =	sor.u32 $0x1C11, s10  }
0xd: {  	s10 =	simm.s32 $0xD;
	s6 =	sshrl.u32 s4, $0x3;
	s8 =	sshrl.u32 s7, $0x1  }
0xe: {  	s22 =	sadd.s32 s4, s2;
	s9 =	simm.s32 @!p0 $0xC600;
	s1 =	sshrl.u32 s23, $0x3  }
0xf: {  	s23 =	simm.s32 $0x6;
	[dreg:$0x5] =	wrdreg s12;
	s5 =	sadd.s32 s4, s21  }
0x10: {  	s6 =	sadd.s32 s6, s0;
	s7 =	ssub.s32 s7, s8;
	s4 =	sadd.s32 s4, s3  }
0x11: {  	s21 =	simm.s32 $0x5;
	s8 =	simm.s32 $0x10;
	s5 =	sshrl.u32 s5, $0x3  }
0x12: {  	s11 =	sadd.s32 $0x20400, s6;
	s6 =	sadd.s32 $0x16600, s6;
	s25 =	smax.u32 s7, $0x1  }
0x13: {  	s26 =	sshrl.u32 s4, $0x3;
	s7 =	simm.s32 $0xB;
	[dreg:$0x4] =	wrdreg s11  }
0x14: {  	s4 =	simm.s32 $0x0;
	s5 =	sadd.s32 s5, s0;
	[dreg:$0x6] =	wrdreg s6  }
0x15: {  	s0 =	sadd.s32 s9, s0;
	[dreg:$0x9] =	wrdreg s25;
	s6 =	sshrl.u32 s22, $0x3  }
0x16: {  	[dreg:$0xc] =	wrdreg s26;
	s22 =	simm.s32 $0x8000;
	s26 =	simm.s32 $0xA000  }
0x17: {  	s25 =	simm.s32 $0x7;
	s9 =	simm.s32 $0xC;
	[dreg:$0xd] =	wrdreg s4  }
0x18: {  	s11 =	simm.s32 $0xE;
	s24 =	sadd.s32 $0x2A200, s5;
	[dreg:$0xb] =	wrdreg s6  }
0x19: {  	s0 =	sadd.s32 s0, s1;
	s1 =	simm.s32 $0x2;
	[dreg:$0x8] =	wrdreg s24  }
0x1a: {  	s5 =	simm.s32 $0xA;
	[dreg:$0x7] =	wrdreg s0;
	s0 =	sadd.s32 $0x5000, s0  }
0x1b: {  	s24 =	simm.s32 $0x9000;
	[dreg:$0xa] =	wrdreg s0;
	s0 =	simm.s32 $0x1  }
.LBB2_1:
0x1c: {  	s4 =	rddreg [dreg:$0x4]  }
0x1d: {  	[spmem:s6], [sflag:s12] =	dma.local [hbm:s4], $0x9E0  }
0x1e: {  	_ =	swait.ge [sflag:s13], $0x9E0  }
0x1f: {  	[sflag:s13] =	ssyncset.done $0x0;
	s4 =	rddreg [dreg:$0x6]  }
0x20: {  	s6 =	rddreg [dreg:$0xc];
	[sflag:s13] =	ssyncadd.s32 $0xFFFFF620  }
0x21: {  	[spmem:s6], [sflag:s12] =	dma.local [hbm:s4], $0x9E0  }
0x22: {  	_ =	swait.ge [sflag:s13], $0x9E0  }
0x23: {  	[sflag:s13] =	ssyncset.done $0x0  }
0x24: {  	s4 =	simm.s32 $0x0;
	s12 =	rddreg [dreg:$0x7];
	[sflag:s13] =	ssyncadd.s32 $0xFFFFF620  }
0x25: {  	[tilespmem:s4], [sflag:$0x11] =	stream.linear.gather [hbm4b:s12+s4], $0x2800, $0x38;
	[tilespmem:$0x16E00] =	vst v63  }
0x26: {  	_ =	swait.ge [sflag:s13], $0x2800  }
0x27: {  	[sflag:s13] =	ssyncset.done $0x0  }
0x28: {  	s12 =	simm.s32 $0x2800;
	s6 =	rddreg [dreg:$0xa];
	[sflag:s13] =	ssyncadd.s32 $0xFFFFD800  }
0x29: {  	[tilespmem:s12], [sflag:$0x11] =	stream.linear.gather [hbm4b:s6+s4], $0x2800, $0x38;
	[tilespmem:$0x16E00] =	vst v63  }
0x2a: {  	_ =	swait.ge [sflag:s13], $0x2800  }
0x2b: {  	[sflag:s13] =	ssyncset.done $0x0  }
0x2c: {  	[sflag:s13] =	ssyncadd.s32 $0xFFFFD800  }
0x2d: {  	[bflag:$0x0] =	sbarrier.arrive $0xFFFF  }
0x2e: {  	[tilespmem:s17], [sflag:$0x1] =	stream.indirect.gather [spmem:s3], $0x20, s4, s16, $0xb8;
	[tilespmem:$0x16E00] =	vst v63  }
0x2f: {  	_ = 	snop  }
0x30: {  	[tilespmem:s18], [sflag:$0x2] =	stream.indirect.gather [spmem:s3], $0x20, s16, s16, $0xb8;
	[tilespmem:$0x16E00] =	vst v63  }
0x31: {  	s12 =	simm.s32 $0x100  }
0x32: {  	[tilespmem:s20], [sflag:$0x3] =	stream.indirect.gather [spmem:s3], $0x20, s12, s16, $0xb8;
	[tilespmem:$0x16E00] =	vst v63  }
0x33: {  	s13 =	simm.s32 $0x180  }
0x34: {  	[tilespmem:s22], [sflag:$0x4] =	stream.indirect.gather [spmem:s3], $0x20, s13, s16, $0xb8;
	[tilespmem:$0x16E00] =	vst v63  }
0x35: {  	s6 =	simm.s32 $0x200  }
0x36: {  	[tilespmem:s24], [sflag:$0x5] =	stream.indirect.gather [spmem:s3], $0x20, s6, s16, $0xb8;
	[tilespmem:$0x16E00] =	vst v63  }
0x37: {  	s12 =	simm.s32 $0x280  }
0x38: {  	[tilespmem:s26], [sflag:$0x6] =	stream.indirect.gather [spmem:s3], $0x20, s12, s16, $0xb8;
	[tilespmem:$0x16E00] =	vst v63  }
0x39: {  	s13 =	simm.s32 $0x300  }
0x3a: {  	[tilespmem:s29], [sflag:$0x7] =	stream.indirect.gather [spmem:s3], $0x20, s13, s16, $0xb8;
	[tilespmem:$0x16E00] =	vst v63  }
0x3b: {  	s6 =	simm.s32 $0x380  }
0x3c: {  	[tilespmem:s31], [sflag:$0x8] =	stream.indirect.gather [spmem:s3], $0x20, s6, s16, $0xb8;
	[tilespmem:$0x16E00] =	vst v63  }
0x3d: {  	_ =	swait.ge [sflag:s0], $0x1000  }
0x3e: {  	[sflag:s0] =	ssyncset.done $0x0  }
0x3f: {  	s12 =	simm.s32 $0x2800;
	[sflag:s0] =	ssyncadd.s32 $0xFFFFF000  }
0x40: {  	[spmem:s2] =	stream.indirect.scatter.add.f32 [tilespmem:s17], [sflag:$0x9], $0x20, s12, s16, $0xb8;
	[tilespmem:$0x16E00] =	vst v63  }
0x41: {  	_ =	swait.ge [sflag:s1], $0x1000  }
0x42: {  	[sflag:s1] =	ssyncset.done $0x0  }
0x43: {  	s13 =	simm.s32 $0x2880;
	[sflag:s1] =	ssyncadd.s32 $0xFFFFF000  }
0x44: {  	[spmem:s2] =	stream.indirect.scatter.add.f32 [tilespmem:s18], [sflag:$0xA], $0x20, s13, s16, $0xb8;
	[tilespmem:$0x16E00] =	vst v63  }
0x45: {  	_ =	swait.ge [sflag:s15], $0x1000  }
0x46: {  	[sflag:s15] =	ssyncset.done $0x0  }
0x47: {  	s4 =	simm.s32 $0x2900;
	[sflag:s15] =	ssyncadd.s32 $0xFFFFF000  }
0x48: {  	[spmem:s2] =	stream.indirect.scatter.add.f32 [tilespmem:s20], [sflag:$0xB], $0x20, s4, s16, $0xb8;
	[tilespmem:$0x16E00] =	vst v63  }
0x49: {  	_ =	swait.ge [sflag:s19], $0x1000  }
0x4a: {  	[sflag:s19] =	ssyncset.done $0x0  }
0x4b: {  	s12 =	simm.s32 $0x2980;
	[sflag:s19] =	ssyncadd.s32 $0xFFFFF000  }
0x4c: {  	[spmem:s2] =	stream.indirect.scatter.add.f32 [tilespmem:s22], [sflag:$0xC], $0x20, s12, s16, $0xb8;
	[tilespmem:$0x16E00] =	vst v63  }
0x4d: {  	_ =	swait.ge [sflag:s21], $0x1000  }
0x4e: {  	[sflag:s21] =	ssyncset.done $0x0  }
0x4f: {  	s13 =	simm.s32 $0x2A00;
	[sflag:s21] =	ssyncadd.s32 $0xFFFFF000  }
0x50: {  	[spmem:s2] =	stream.indirect.scatter.add.f32 [tilespmem:s24], [sflag:$0xD], $0x20, s13, s16, $0xb8;
	[tilespmem:$0x16E00] =	vst v63  }
0x51: {  	_ =	swait.ge [sflag:s23], $0x1000  }
0x52: {  	[sflag:s23] =	ssyncset.done $0x0  }
0x53: {  	s4 =	simm.s32 $0x2A80;
	[sflag:s23] =	ssyncadd.s32 $0xFFFFF000  }
0x54: {  	[spmem:s2] =	stream.indirect.scatter.add.f32 [tilespmem:s26], [sflag:$0xE], $0x20, s4, s16, $0xb8;
	[tilespmem:$0x16E00] =	vst v63  }
0x55: {  	_ =	swait.ge [sflag:s25], $0x1000  }
0x56: {  	[sflag:s25] =	ssyncset.done $0x0  }
0x57: {  	s12 =	simm.s32 $0x2B00;
	[sflag:s25] =	ssyncadd.s32 $0xFFFFF000  }
0x58: {  	[spmem:s2] =	stream.indirect.scatter.add.f32 [tilespmem:s29], [sflag:$0xF], $0x20, s12, s16, $0xb8;
	[tilespmem:$0x16E00] =	vst v63  }
0x59: {  	_ =	swait.ge [sflag:s28], $0x1000  }
0x5a: {  	[sflag:s28] =	ssyncset.done $0x0  }
0x5b: {  	s13 =	simm.s32 $0x2B80;
	[sflag:s28] =	ssyncadd.s32 $0xFFFFF000  }
0x5c: {  	[spmem:s2] =	stream.indirect.scatter.add.f32 [tilespmem:s31], [sflag:$0x10], $0x20, s13, s16, $0xb8;
	[tilespmem:$0x16E00] =	vst v63  }
0x5d: {  	p0 =	por $0x0, $0x0;
	s6 =	simm.s32 $0x1000;
	_ =	swait.ge [sflag:s30], $0x1000  }
0x5e: {  	s6 =	simm.s32 @p0 $0x0;
	[sflag:s30] =	ssyncset.done $0x0  }
0x5f: {  	s6 =	sshra.s32 s6, $0x2;
	[sflag:s30] =	ssyncadd.s32 $0xFFFFF000  }
0x60: {  	[tilespmem:s17], [sflag:$0x1] =	stream.indirect.gather [spmem:s3], $0x20, s6, s16, $0xb8;
	[tilespmem:$0x16E00] =	vst v63  }
0x61: {  	s6 =	simm.s32 $0x1200;
	_ =	swait.ge [sflag:s5], $0x1000  }
0x62: {  	s6 =	simm.s32 @p0 $0x200;
	[sflag:s5] =	ssyncset.done $0x0  }
0x63: {  	s6 =	sshra.s32 s6, $0x2;
	[sflag:s5] =	ssyncadd.s32 $0xFFFFF000  }
0x64: {  	[tilespmem:s18], [sflag:$0x2] =	stream.indirect.gather [spmem:s3], $0x20, s6, s16, $0xb8;
	[tilespmem:$0x16E00] =	vst v63  }
0x65: {  	s6 =	simm.s32 $0x1400;
	_ =	swait.ge [sflag:s7], $0x1000  }
0x66: {  	s6 =	simm.s32 @p0 $0x400;
	[sflag:s7] =	ssyncset.done $0x0  }
0x67: {  	s6 =	sshra.s32 s6, $0x2;
	[sflag:s7] =	ssyncadd.s32 $0xFFFFF000  }
0x68: {  	[tilespmem:s20], [sflag:$0x3] =	stream.indirect.gather [spmem:s3], $0x20, s6, s16, $0xb8;
	[tilespmem:$0x16E00] =	vst v63  }
0x69: {  	s6 =	simm.s32 $0x1600;
	_ =	swait.ge [sflag:s9], $0x1000  }
0x6a: {  	s6 =	simm.s32 @p0 $0x600;
	[sflag:s9] =	ssyncset.done $0x0  }
0x6b: {  	s6 =	sshra.s32 s6, $0x2;
	[sflag:s9] =	ssyncadd.s32 $0xFFFFF000  }
0x6c: {  	[tilespmem:s22], [sflag:$0x4] =	stream.indirect.gather [spmem:s3], $0x20, s6, s16, $0xb8;
	[tilespmem:$0x16E00] =	vst v63  }
0x6d: {  	s6 =	simm.s32 $0x1800;
	_ =	swait.ge [sflag:s10], $0x1000  }
0x6e: {  	s6 =	simm.s32 @p0 $0x800;
	[sflag:s10] =	ssyncset.done $0x0  }
0x6f: {  	s6 =	sshra.s32 s6, $0x2;
	[sflag:s10] =	ssyncadd.s32 $0xFFFFF000  }
0x70: {  	[tilespmem:s24], [sflag:$0x5] =	stream.indirect.gather [spmem:s3], $0x20, s6, s16, $0xb8;
	[tilespmem:$0x16E00] =	vst v63  }
0x71: {  	s6 =	simm.s32 $0x1A00;
	_ =	swait.ge [sflag:s11], $0x1000  }
0x72: {  	s6 =	simm.s32 @p0 $0xA00;
	[sflag:s11] =	ssyncset.done $0x0  }
0x73: {  	s6 =	sshra.s32 s6, $0x2;
	[sflag:s11] =	ssyncadd.s32 $0xFFFFF000  }
0x74: {  	[tilespmem:s26], [sflag:$0x6] =	stream.indirect.gather [spmem:s3], $0x20, s6, s16, $0xb8;
	[tilespmem:$0x16E00] =	vst v63  }
0x75: {  	s6 =	simm.s32 $0x1C00;
	_ =	swait.ge [sflag:s14], $0x1000  }
0x76: {  	s6 =	simm.s32 @p0 $0xC00;
	[sflag:s14] =	ssyncset.done $0x0  }
0x77: {  	s6 =	sshra.s32 s6, $0x2;
	[sflag:s14] =	ssyncadd.s32 $0xFFFFF000  }
0x78: {  	[tilespmem:s29], [sflag:$0x7] =	stream.indirect.gather [spmem:s3], $0x20, s6, s16, $0xb8;
	[tilespmem:$0x16E00] =	vst v63  }
0x79: {  	s6 =	simm.s32 $0x1E00;
	_ =	swait.ge [sflag:s8], $0x1000  }
0x7a: {  	s6 =	simm.s32 @p0 $0xE00;
	[sflag:s8] =	ssyncset.done $0x0  }
0x7b: {  	s12 =	simm.s32 $0x2E00;
	s6 =	sshra.s32 s6, $0x2;
	[sflag:s8] =	ssyncadd.s32 $0xFFFFF000  }
.LBB2_2:
0x7c: {  	[tilespmem:s31], [sflag:$0x8] =	stream.indirect.gather [spmem:s3], $0x20, s6, s16, $0xb8;
	[tilespmem:$0x16E00] =	vst v63  }
0x7d: {  	s6 =	smov.u32 s12  }
0x7e: {  	p0 =	sne.s32 s12, $0xAE00;
	s12 =	sadd.s32 $0x1000, s12;
	_ =	swait.ge [sflag:s0], $0x1000  }
0x7f: {  	s13 =	sshra.s32 s6, $0x2;
	[sflag:s0] =	ssyncset.done $0x0  }
0x80: {  	s4 =	sadd.s32 $0x2080, s13;
	[sflag:s0] =	ssyncadd.s32 $0xFFFFF000  }
0x81: {  	[spmem:s2] =	stream.indirect.scatter.add.f32 [tilespmem:s17], [sflag:$0x9], $0x20, s4, s16, $0xb8;
	[tilespmem:$0x16E00] =	vst v63  }
0x82: {  	_ =	swait.ge [sflag:s1], $0x1000  }
0x83: {  	[sflag:s1] =	ssyncset.done $0x0  }
0x84: {  	s4 =	sadd.s32 $0x2100, s13;
	[sflag:s1] =	ssyncadd.s32 $0xFFFFF000  }
0x85: {  	[spmem:s2] =	stream.indirect.scatter.add.f32 [tilespmem:s18], [sflag:$0xA], $0x20, s4, s16, $0xb8;
	[tilespmem:$0x16E00] =	vst v63  }
0x86: {  	_ =	swait.ge [sflag:s15], $0x1000  }
0x87: {  	[sflag:s15] =	ssyncset.done $0x0  }
0x88: {  	s4 =	sadd.s32 $0x2180, s13;
	[sflag:s15] =	ssyncadd.s32 $0xFFFFF000  }
0x89: {  	[spmem:s2] =	stream.indirect.scatter.add.f32 [tilespmem:s20], [sflag:$0xB], $0x20, s4, s16, $0xb8;
	[tilespmem:$0x16E00] =	vst v63  }
0x8a: {  	_ =	swait.ge [sflag:s19], $0x1000  }
0x8b: {  	[sflag:s19] =	ssyncset.done $0x0  }
0x8c: {  	s4 =	sadd.s32 $0x2200, s13;
	[sflag:s19] =	ssyncadd.s32 $0xFFFFF000  }
0x8d: {  	[spmem:s2] =	stream.indirect.scatter.add.f32 [tilespmem:s22], [sflag:$0xC], $0x20, s4, s16, $0xb8;
	[tilespmem:$0x16E00] =	vst v63  }
0x8e: {  	_ =	swait.ge [sflag:s21], $0x1000  }
0x8f: {  	[sflag:s21] =	ssyncset.done $0x0  }
0x90: {  	s4 =	sadd.s32 $0x2280, s13;
	[sflag:s21] =	ssyncadd.s32 $0xFFFFF000  }
0x91: {  	[spmem:s2] =	stream.indirect.scatter.add.f32 [tilespmem:s24], [sflag:$0xD], $0x20, s4, s16, $0xb8;
	[tilespmem:$0x16E00] =	vst v63  }
0x92: {  	_ =	swait.ge [sflag:s23], $0x1000  }
0x93: {  	[sflag:s23] =	ssyncset.done $0x0  }
0x94: {  	s4 =	sadd.s32 $0x2300, s13;
	[sflag:s23] =	ssyncadd.s32 $0xFFFFF000  }
0x95: {  	[spmem:s2] =	stream.indirect.scatter.add.f32 [tilespmem:s26], [sflag:$0xE], $0x20, s4, s16, $0xb8;
	[tilespmem:$0x16E00] =	vst v63  }
0x96: {  	_ =	swait.ge [sflag:s25], $0x1000  }
0x97: {  	[sflag:s25] =	ssyncset.done $0x0  }
0x98: {  	s4 =	sadd.s32 $0x2380, s13;
	[sflag:s25] =	ssyncadd.s32 $0xFFFFF000  }
0x99: {  	[spmem:s2] =	stream.indirect.scatter.add.f32 [tilespmem:s29], [sflag:$0xF], $0x20, s4, s16, $0xb8;
	[tilespmem:$0x16E00] =	vst v63  }
0x9a: {  	_ =	swait.ge [sflag:s28], $0x1000  }
0x9b: {  	[sflag:s28] =	ssyncset.done $0x0  }
0x9c: {  	s4 =	sadd.s32 $0x2400, s13;
	s13 =	sadd.s32 $0xFFFFF800, s6;
	[sflag:s28] =	ssyncadd.s32 $0xFFFFF000  }
0x9d: {  	[spmem:s2] =	stream.indirect.scatter.add.f32 [tilespmem:s31], [sflag:$0x10], $0x20, s4, s16, $0xb8;
	[tilespmem:$0x16E00] =	vst v63  }
0x9e: {  	p1 =	seq.s32 s6, $0xAE00;
	s4 =	sadd.s32 $0xFFFFF200, s6;
	_ =	swait.ge [sflag:s30], $0x1000  }
0x9f: {  	s13 =	simm.s32 @p1 $0x600;
	s4 =	simm.s32 @p1 $0x0;
	[sflag:s30] =	ssyncset.done $0x0  }
0xa0: {  	s4 =	sshra.s32 s4, $0x2;
	[sflag:s30] =	ssyncadd.s32 $0xFFFFF000  }
0xa1: {  	[tilespmem:s17], [sflag:$0x1] =	stream.indirect.gather [spmem:s3], $0x20, s4, s16, $0xb8;
	[tilespmem:$0x16E00] =	vst v63  }
0xa2: {  	s4 =	sadd.s32 $0xFFFFF400, s6;
	_ =	swait.ge [sflag:s5], $0x1000  }
0xa3: {  	s4 =	simm.s32 @p1 $0x200;
	[sflag:s5] =	ssyncset.done $0x0  }
0xa4: {  	s4 =	sshra.s32 s4, $0x2;
	[sflag:s5] =	ssyncadd.s32 $0xFFFFF000  }
0xa5: {  	[tilespmem:s18], [sflag:$0x2] =	stream.indirect.gather [spmem:s3], $0x20, s4, s16, $0xb8;
	[tilespmem:$0x16E00] =	vst v63  }
0xa6: {  	s4 =	sadd.s32 $0xFFFFF600, s6;
	_ =	swait.ge [sflag:s7], $0x1000  }
0xa7: {  	s4 =	simm.s32 @p1 $0x400;
	[sflag:s7] =	ssyncset.done $0x0  }
0xa8: {  	s4 =	sshra.s32 s4, $0x2;
	[sflag:s7] =	ssyncadd.s32 $0xFFFFF000  }
0xa9: {  	[tilespmem:s20], [sflag:$0x3] =	stream.indirect.gather [spmem:s3], $0x20, s4, s16, $0xb8;
	[tilespmem:$0x16E00] =	vst v63  }
0xaa: {  	_ =	swait.ge [sflag:s9], $0x1000  }
0xab: {  	[sflag:s9] =	ssyncset.done $0x0  }
0xac: {  	s4 =	sshra.s32 s13, $0x2;
	[sflag:s9] =	ssyncadd.s32 $0xFFFFF000  }
0xad: {  	[tilespmem:s22], [sflag:$0x4] =	stream.indirect.gather [spmem:s3], $0x20, s4, s16, $0xb8;
	[tilespmem:$0x16E00] =	vst v63  }
0xae: {  	s4 =	sadd.s32 $0xFFFFFA00, s6;
	_ =	swait.ge [sflag:s10], $0x1000  }
0xaf: {  	s4 =	simm.s32 @p1 $0x800;
	[sflag:s10] =	ssyncset.done $0x0  }
0xb0: {  	s4 =	sshra.s32 s4, $0x2;
	[sflag:s10] =	ssyncadd.s32 $0xFFFFF000  }
0xb1: {  	[tilespmem:s24], [sflag:$0x5] =	stream.indirect.gather [spmem:s3], $0x20, s4, s16, $0xb8;
	[tilespmem:$0x16E00] =	vst v63  }
0xb2: {  	s4 =	sadd.s32 $0xFFFFFC00, s6;
	_ =	swait.ge [sflag:s11], $0x1000  }
0xb3: {  	s4 =	simm.s32 @p1 $0xA00;
	[sflag:s11] =	ssyncset.done $0x0  }
0xb4: {  	s4 =	sshra.s32 s4, $0x2;
	[sflag:s11] =	ssyncadd.s32 $0xFFFFF000  }
0xb5: {  	[tilespmem:s26], [sflag:$0x6] =	stream.indirect.gather [spmem:s3], $0x20, s4, s16, $0xb8;
	[tilespmem:$0x16E00] =	vst v63  }
0xb6: {  	s4 =	sadd.s32 $0xFFFFFE00, s6;
	_ =	swait.ge [sflag:s14], $0x1000  }
0xb7: {  	s4 =	simm.s32 @p1 $0xC00;
	[sflag:s14] =	ssyncset.done $0x0  }
.Ltmp0:
0xb8: {  	s4 =	sshra.s32 s4, $0x2;
	[sflag:s14] =	ssyncadd.s32 $0xFFFFF000;
	(pc) =	sbr.rel @p0 .LBB2_2-.Ltmp0, $4  }
0xb9: {  	[tilespmem:s29], [sflag:$0x7] =	stream.indirect.gather [spmem:s3], $0x20, s4, s16, $0xb8;
	[tilespmem:$0x16E00] =	vst v63  }
0xba: {  	_ =	swait.ge [sflag:s8], $0x1000  }
0xbb: {  	s6 =	simm.s32 @p1 $0xE00;
	[sflag:s8] =	ssyncset.done $0x0  }
0xbc: {  	s6 =	sshra.s32 s6, $0x2;
	[sflag:s8] =	ssyncadd.s32 $0xFFFFF000  }
0xbd: {  	[tilespmem:s31], [sflag:$0x8] =	stream.indirect.gather [spmem:s3], $0x20, s6, s16, $0xb8;
	[tilespmem:$0x16E00] =	vst v63  }
0xbe: {  	_ =	swait.ge [sflag:s0], $0x1000  }
0xbf: {  	[sflag:s0] =	ssyncset.done $0x0  }
0xc0: {  	[sflag:s0] =	ssyncadd.s32 $0xFFFFF000  }
0xc1: {  	_ =	swait.ge [sflag:s1], $0x1000  }
0xc2: {  	[sflag:s1] =	ssyncset.done $0x0  }
0xc3: {  	[sflag:s1] =	ssyncadd.s32 $0xFFFFF000  }
0xc4: {  	_ =	swait.ge [sflag:s15], $0x1000  }
0xc5: {  	[sflag:s15] =	ssyncset.done $0x0  }
0xc6: {  	[sflag:s15] =	ssyncadd.s32 $0xFFFFF000  }
0xc7: {  	_ =	swait.ge [sflag:s19], $0x1000  }
0xc8: {  	[sflag:s19] =	ssyncset.done $0x0  }
0xc9: {  	[sflag:s19] =	ssyncadd.s32 $0xFFFFF000  }
0xca: {  	_ =	swait.ge [sflag:s21], $0x1000  }
0xcb: {  	[sflag:s21] =	ssyncset.done $0x0  }
0xcc: {  	[sflag:s21] =	ssyncadd.s32 $0xFFFFF000  }
0xcd: {  	_ =	swait.ge [sflag:s23], $0x1000  }
0xce: {  	[sflag:s23] =	ssyncset.done $0x0  }
0xcf: {  	[sflag:s23] =	ssyncadd.s32 $0xFFFFF000  }
0xd0: {  	_ =	swait.ge [sflag:s25], $0x1000  }
0xd1: {  	[sflag:s25] =	ssyncset.done $0x0  }
0xd2: {  	[sflag:s25] =	ssyncadd.s32 $0xFFFFF000  }
0xd3: {  	_ =	swait.ge [sflag:s28], $0x1000  }
0xd4: {  	[sflag:s28] =	ssyncset.done $0x0  }
0xd5: {  	[sflag:s28] =	ssyncadd.s32 $0xFFFFF000  }
0xd6: {  	[bflag:$0x0] =	sbarrier.arrive $0xFFFF  }
0xd7: {  	s12 =	rddreg [dreg:$0x5]  }
0xd8: {  	s4 =	rddreg [dreg:$0x8]  }
0xd9: {  	s13 =	simm.s32 $0x11;
	s6 =	rddreg [dreg:$0xb]  }
0xda: {  	[hbm:s4], [sflag:s12] =	dma.local [spmem:s6], $0x9E0  }
0xdb: {  	_ =	swait.ge [sflag:s13], $0x9E0  }
0xdc: {  	s4 =	rddreg [dreg:$0xd]  }
0xdd: {  	s12 =	sadd.s32 $0x1, s4;
	s4 =	rddreg [dreg:$0x9]  }
0xde: {  	p0 =	sne.s32 s12, s4  }
.Ltmp1:
0xdf: {  	_ = 	snop;
	(pc) =	sbr.rel @p0 .LBB2_1-.Ltmp1, $3  }
0xe0: {  	_ =	sdelay $0x1  }
0xe1: {  	[sflag:s13] =	ssyncset.done $0x0;
	[dreg:$0xd] =	wrdreg s12  }
0xe2: {  	[sflag:s13] =	ssyncadd.s32 $0xFFFFF620;
	s12 =	rddreg [dreg:$0x5]  }
0xe3: {  	_ =	sfence.sel $0x180000  }
0xe4: {  	[bflag:$0x0] =	sbarrier.arrive $0xFFFF  }
0xe5: {  	_ =	strace $0x9000004A  }
0xe6: {  	s0 =	stileid.u32;
	[bflag:$0x2] =	sbarrier.arrive $0xFFFF  }
0xe7: {  	p0 =	sne.s32 s0, $0x0;
	s0 =	rddreg [dreg:$0x3]  }
0xe8: {  	s0 =	sadd.s32 @!p0 $0x100000, s0  }
0xe9: {  	[sflag:s0] =	ssyncadd.tile.s32 @!p0 $0x1;
	_ =	shalt  }
.Lfunc_end2:
_tile_overlayer_lowered:
.L_overlay_start_2:
0xea: {  	(tag) =	ssettag $0x2  }
0xeb: {  	s0 =	rddreg [dreg:$0x0];
	s2 =	stileid.u32  }
0xec: {  	s1 =	rddreg [dreg:$0x1];
	p0 =	sne.s32 s2, $0x0  }
0xed: {  	s3 =	rddreg [dreg:$0x2];
	[bflag:$0x3] =	sbarrier.arrive $0xFFFF;
	s2 =	simm.s32 @!p0 $0x1C11  }
0xee: {  	[timem:s3], [sflag:s2] =	dma.local @!p0 [hbm:s0], s1  }
0xef: {  	s0 =	simm.s32 @!p0 $0x11  }
0xf0: {  	_ =	swait.ge @!p0 [sflag:s0], s1  }
0xf1: {  	s1 =	ssub.s32 @!p0 $0x0, s1;
	[sflag:s0] =	ssyncset.done @!p0 $0x0  }
0xf2: {  	[sflag:s0] =	ssyncadd.s32 @!p0 s1  }
0xf3: {  	[bflag:$0x3] =	sbarrier.arrive $0xFFFF  }
0xf4: {  	_ =	shalt  }

// kernel: kernel.15.cloned.1.call-start
scs
__scs_entry_jumppad:
0x0: {  	(pc) =	sbr.rel $0x88, $3  }
0x1: {  	(tag) =	ssettag $0x0;
	lr =	simm.s32 $0x1  }
0x2: {  	[smem:$0x3F97] =	sst lr;
	_ =	strace $0xD0000000  }
0x3: {  	_ = 	snop  }
0x4: {  	_ = 	snop  }
0x5: {  	_ = 	snop  }
0x6: {  	_ = 	snop  }
0x7: {  	_ = 	snop  }
__scs_overlays_trampoline_lowered:
0x8: {  	[smem:$0x3FA6] =	sst s0  }
0x9: {  	[smem:$0x3FA7] =	sst s1  }
0xa: {  	[smem:$0x3FA8] =	sst s2  }
0xb: {  	[smem:$0x3FA9] =	sst s3  }
0xc: {  	[smem:$0x3FAA] =	sst s4  }
0xd: {  	[smem:$0x3FAB] =	sst s5  }
0xe: {  	[smem:$0x3FAC] =	sst s6  }
0xf: {  	[smem:$0x3FAD] =	sst s7  }
0x10: {  	[smem:$0x3FAE] =	sst s8  }
0x11: {  	[smem:$0x3FAF] =	sst s9;
	s0 =	simm.s32 @!p0 $0x0  }
0x12: {  	s1 =	sld [smem:$0x3F95];
	s0 =	simm.s32 @p0 $0x1  }
0x13: {  	[smem:$0x3FB0] =	sst s0;
	s0 =	simm.s32 @!p1 $0x0  }
0x14: {  	s2 =	sld [smem:$0x3F94];
	s0 =	simm.s32 @p1 $0x1  }
0x15: {  	[smem:$0x3FB1] =	sst s0;
	s0 =	simm.s32 @!p2 $0x0  }
0x16: {  	s3 =	sld [smem:$0x3FDB];
	s0 =	simm.s32 @p2 $0x1  }
0x17: {  	s4 =	simm.s32 $0x1BF5;
	[smem:$0x3FB3] =	sst s0  }
0x18: {  	s0 =	sld [smem:$0x3F96];
	_ =	swait.ge [sflag:s4], $0x0  }
0x19: {  	s7 =	sld [smem:$0x3F97]  }
0x1a: {  	s8 =	sadd.s32 $0xFFFFE003, lr  }
0x1b: {  	s9 =	sadd.s32 $0xFFFFFEF7, lr;
	s5 =	simm.s32 $0xFFFFFFFF;
	p2 =	slt.u32 s8, $0xFFFFF086  }
0x1c: {  	p1 =	slt.u32 s9, $0xF7A;
	s5 =	simm.s32 @!p2 $0x0  }
0x1d: {  	s5 =	simm.s32 @p1 $0x1;
	p0 =	seq.s32 s7, s2  }
0x1e: {  	s7 =	smul.u32 @!p0 $0xF7A, s2;
	p2 =	seq.s32 @!p0 s5, $0x0  }
0x1f: {  	s9 =	smul.u32 $0xF7A, s1;
	s8 =	simm.s32 @!p0 $0x1BF5;
	p2 =	por !p2, p0  }
0x20: {  	[sflag:s8] =	ssyncset.s32 @!p0 $0xFFFFF086;
	s6 =	sadd.s32 @!p0 s3, s7;
	s7 =	simm.s32 @!p0 $0x108  }
0x21: {  	s3 =	sadd.s32 s3, s9;
	s6 =	sadd.s32 @!p0 $0x88, s6;
	s7 =	simm.s32 @p2 $0x1082  }
0x22: {  	[simem:s7], [sflag:s8] =	dma.local @!p0 [hbm:s6], $0xF7A  }
0x23: {  	s9 =	sor.u32 $0xD0000000, s2;
	s6 =	simm.s32 $0x108;
	_ =	swait.ge @!p0 [sflag:s8], $0x0  }
0x24: {  	s3 =	sadd.s32 $0x88, s3;
	s6 =	simm.s32 @!p1 $0x1082;
	[sflag:s4] =	ssyncset.s32 $0xFFFFF086  }
0x25: {  	[simem:s6], [sflag:s4] =	dma.local [hbm:s3], $0xF7A  }
0x26: {  	[smem:$0x3F97] =	sst s1;
	(tag) =	ssettag s2;
	_ =	strace s9  }
0x27: {  	s1 =	sld [smem:$0x3FA7]  }
0x28: {  	s2 =	sld [smem:$0x3FA8]  }
0x29: {  	s4 =	sld [smem:$0x3FAA]  }
0x2a: {  	p0 =	seq.s32 s5, $0x0;
	s5 =	sld [smem:$0x3FAB]  }
0x2b: {  	s6 =	sld [smem:$0x3FAC]  }
0x2c: {  	s7 =	sld [smem:$0x3FAD]  }
0x2d: {  	s3 =	simm.s32 $0x108;
	s8 =	sld [smem:$0x3FAE]  }
0x2e: {  	s3 =	simm.s32 @!p0 $0x1082;
	s9 =	sld [smem:$0x3FAF]  }
0x2f: {  	lr =	sadd.s32 s0, s3;
	s0 =	sld [smem:$0x3FA6]  }
0x30: {  	s3 =	sld [smem:$0x3FA9]  }
0x31: {  	[smem:$0x3FB2] =	sst s10  }
0x32: {  	s10 =	sld [smem:$0x3FB0];
	_ =	sdelay $0x3  }
0x33: {  	p0 =	seq.s32 s10, $0x1;
	s10 =	sld [smem:$0x3FB2];
	_ =	sdelay $0x3  }
0x34: {  	[smem:$0x3FB2] =	sst s10  }
0x35: {  	s10 =	sld [smem:$0x3FB1];
	_ =	sdelay $0x3  }
0x36: {  	p1 =	seq.s32 s10, $0x1;
	s10 =	sld [smem:$0x3FB2];
	_ =	sdelay $0x3  }
0x37: {  	[smem:$0x3FB2] =	sst s10  }
0x38: {  	s10 =	sld [smem:$0x3FB3]  }
0x39: {  	_ = 	snop;
	(pc) =	sbr.ind lr, $3  }
0x3a: {  	_ = 	snop  }
0x3b: {  	_ = 	snop  }
0x3c: {  	p2 =	seq.s32 s10, $0x1;
	s10 =	sld [smem:$0x3FB2]  }
0x3d: {  	_ =	shalt  }
0x3e: {  	_ =	shalt  }
0x3f: {  	_ =	shalt  }
0x40: {  	_ =	shalt  }
0x41: {  	_ =	shalt  }
0x42: {  	_ =	shalt  }
0x43: {  	_ =	shalt  }
0x44: {  	_ =	shalt  }
0x45: {  	_ =	shalt  }
0x46: {  	_ =	shalt  }
0x47: {  	_ =	shalt  }
0x48: {  	_ =	shalt  }
0x49: {  	_ =	shalt  }
0x4a: {  	_ =	shalt  }
0x4b: {  	_ =	shalt  }
0x4c: {  	_ =	shalt  }
0x4d: {  	_ =	shalt  }
0x4e: {  	_ =	shalt  }
0x4f: {  	_ =	shalt  }
0x50: {  	_ =	shalt  }
0x51: {  	_ =	shalt  }
0x52: {  	_ =	shalt  }
0x53: {  	_ =	shalt  }
0x54: {  	_ =	shalt  }
0x55: {  	_ =	shalt  }
0x56: {  	_ =	shalt  }
0x57: {  	_ =	shalt  }
0x58: {  	_ =	shalt  }
0x59: {  	_ =	shalt  }
0x5a: {  	_ =	shalt  }
0x5b: {  	_ =	shalt  }
0x5c: {  	_ =	shalt  }
0x5d: {  	_ =	shalt  }
0x5e: {  	_ =	shalt  }
0x5f: {  	_ =	shalt  }
0x60: {  	_ =	shalt  }
0x61: {  	_ =	shalt  }
0x62: {  	_ =	shalt  }
0x63: {  	_ =	shalt  }
0x64: {  	_ =	shalt  }
0x65: {  	_ =	shalt  }
0x66: {  	_ =	shalt  }
0x67: {  	_ =	shalt  }
0x68: {  	_ =	shalt  }
0x69: {  	_ =	shalt  }
0x6a: {  	_ =	shalt  }
0x6b: {  	_ =	shalt  }
0x6c: {  	_ =	shalt  }
0x6d: {  	_ =	shalt  }
0x6e: {  	_ =	shalt  }
0x6f: {  	_ =	shalt  }
0x70: {  	_ =	shalt  }
0x71: {  	_ =	shalt  }
0x72: {  	_ =	shalt  }
0x73: {  	_ =	shalt  }
0x74: {  	_ =	shalt  }
0x75: {  	_ =	shalt  }
0x76: {  	_ =	shalt  }
0x77: {  	_ =	shalt  }
0x78: {  	_ =	shalt  }
0x79: {  	_ =	shalt  }
0x7a: {  	_ =	shalt  }
0x7b: {  	_ =	shalt  }
0x7c: {  	_ =	shalt  }
0x7d: {  	_ =	shalt  }
0x7e: {  	_ =	shalt  }
0x7f: {  	_ =	shalt  }
0x80: {  	_ =	shalt  }
0x81: {  	_ =	shalt  }
0x82: {  	_ =	shalt  }
0x83: {  	_ =	shalt  }
0x84: {  	_ =	shalt  }
0x85: {  	_ =	shalt  }
0x86: {  	_ =	shalt  }
0x87: {  	_ =	shalt  }
.Lfunc_end0:
.L_simem_size_0:
called_computation.2_lowered:
.L_overlay_start_0:
0x88: {  	s2 =	sld [smem:$0x3FD9]  }
0x89: {  	s3 =	sld [smem:$0x3FFE];
	_ =	sdelay $0x1  }
0x8a: {  	s1 =	srdreg.scid  }
0x8b: {  	s0 =	sand.u32 $0x1, s1  }
0x8c: {  	s16 =	sshll.u32 s0, $0xA;
	s2 =	sadd.s32 s3, s2  }
0x8d: {  	s2 =	sadd.s32 s2, s16  }
0x8e: {  	[smem:$0x3FBE] =	sst s2  }
0x8f: {  	_ = 	snop  }
0x90: {  	(tm) =	ssettm $0x1  }
0x91: {  	s17 =	sld [smem:$0x3FFB];
	_ =	sdelay $0x3  }
0x92: {  	_ =	strace s17  }
0x93: {  	s2 =	sld [smem:$0x3FFC];
	_ =	sdelay $0x3  }
0x94: {  	_ =	strace s2  }
0x95: {  	s2 =	sld [smem:$0x3FFD];
	_ =	sdelay $0x3  }
0x96: {  	_ =	strace s2  }
0x97: {  	_ =	strace $0x8FFFFFFF  }
0x98: {  	s18 =	sld [smem:$0x3FDB];
	_ =	sdelay $0x1  }
0x99: {  	s19 =	simm.s32 $_scs_section_size  }
0x9a: {  	s4 =	simm.s32 $_size__tile_overlayer_lowered;
	s5 =	simm.s32 $_tile_overlayer_lowered  }
0x9b: {  	s22 =	simm.s32 $0x1BFF;
	s21 =	sshll.u32 s5, $0x1;
	s2 =	sadd.s32 s19, s18  }
0x9c: {  	s6 =	simm.s32 $0x0;
	s20 =	sshll.u32 s4, $0x1;
	s4 =	sadd.s32 s21, s2  }
0x9d: {  	[timem:s6], [sflag:s22] =	dma.local [hbm:s4], s20  }
0x9e: {  	_ =	swait.ge [sflag:s22], s20  }
0x9f: {  	s3 =	ssub.s32 $0x0, s20;
	[sflag:s22] =	ssyncset.done $0x0  }
0xa0: {  	[sflag:s22] =	ssyncadd.s32 s3;
	_ =	sdelay $0x1  }
0xa1: {  	s23 =	simm.s32 $0x1B8B  }
0xa2: {  	_ =	swait.ge [sflag:s23], $0x1  }
0xa3: {  	[sflag:s23] =	ssyncset.done $0x0  }
0xa4: {  	s25 =	simm.s32 $0x1B8E;
	s24 =	sld [smem:$0x3FFE];
	[sflag:s23] =	ssyncadd.s32 $0xFFFFFFFF  }
0xa5: {  	s26 =	simm.s32 $execute0_lowered;
	[smem:$0x3FD2] =	sst s25  }
0xa6: {  	s4 =	sshll.u32 s26, $0x1;
	_ =	strace $0x8000004C;
	[dreg:$0x1] =	wrdreg $0xFFFFFFFF  }
0xa7: {  	s28 =	simm.s32 $_size_execute0_lowered;
	s2 =	sadd.s32 s2, s4;
	[dreg:$0x0] =	wrdreg $0x0  }
0xa8: {  	s4 =	sshll.u32 s28, $0x1;
	[dreg:$0x2] =	wrdreg s2  }
0xa9: {  	[dreg:$0x3] =	wrdreg s4  }
0xaa: {  	[dreg:$0x4] =	wrdreg $0xC0  }
0xab: {  	_ =	task [dreg:s6], $0x5FFFF  }
0xac: {  	[dreg:$0x1] =	wrdreg $0xFFFFFFFF  }
0xad: {  	[dreg:$0x0] =	wrdreg $0x60  }
0xae: {  	[dreg:$0x2] =	wrdreg s24  }
0xaf: {  	[dreg:$0x3] =	wrdreg $0xD0000  }
0xb0: {  	[dreg:$0x4] =	wrdreg $0x11F000  }
0xb1: {  	[dreg:$0x5] =	wrdreg $0x9  }
0xb2: {  	_ =	task.clear_ibuf [dreg:s6], $0x6FFFF;
	_ =	strace $0x9000004C  }
0xb3: {  	s29 =	simm.s32 $0x9;
	_ =	strace $0x8000004E  }
0xb4: {  	_ =	swait.ge [sflag:s29], $0x1  }
0xb5: {  	[sflag:s29] =	ssyncadd.s32 $0xFFFFFFFF  }
0xb6: {  	_ =	strace $0x9000004E  }
0xb7: {  	_ =	sfence  }
0xb8: {  	s30 =	sld [smem:$0x0];
	_ =	sdelay $0x2  }
0xb9: {  	s31 =	sshll.u32 s1, $0xD;
	s1 =	sshrl.u32 s1, $0x2  }
0xba: {  	s3 =	sand.u32 $0x4000, s31;
	s1 =	sadd.s32 s1, s30  }
0xbb: {  	s0 =	sor.u32 s3, s0;
	s1 =	sshll.u32 s1, $0x11  }
0xbc: {  	s0 =	sor.u32 s1, s0  }
0xbd: {  	s0 =	sadd.s32 $0x8F2B, s0  }
0xbe: {  	[sflag:s0] =	ssyncadd.remote.s32 $0x1  }
0xbf: {  	_ =	sfence.sel $0xFFFF  }
0xc0: {  	[dreg:$0x0] =	wrdreg $0xFFFFFFFF;
	(pc) =	sbr.abs _section_cstart, $3  }
0xc1: {  	[dreg:$0x1] =	wrdreg $0xFFFFFFFF  }
0xc2: {  	_ =	task.clear_ibuf [dreg:s6], $0x2FFFF;
	_ =	strace $0x9FFFFFFF  }
0xc3: {  	(tm) =	ssettm $0x7FFFFFFF  }
tec
execute0_lowered:
.L_overlay_start_1:
0x0: {  	(tag) =	ssettag $0x1  }
0x1: {  	s0 =	rddreg [dreg:$0x0]  }
0x2: {  	s2 =	rddreg [dreg:$0x1]  }
0x3: {  	s3 =	rddreg [dreg:$0x2]  }
0x4: {  	s10 =	stileid.u32;
	s1 =	srdreg.scid  }
0x5: {  	s5 =	simm.s32 $0x0;
	s9 =	simm.s32 $0x2600;
	s13 =	simm.s32 $0x11  }
0x6: {  	s16 =	simm.s32 $0x80;
	s17 =	simm.s32 $0x5000;
	s18 =	simm.s32 $0x6000  }
0x7: {  	s20 =	simm.s32 $0x7000;
	s29 =	simm.s32 $0xB000;
	s31 =	simm.s32 $0xC000  }
0x8: {  	s15 =	simm.s32 $0x3;
	s19 =	simm.s32 $0x4;
	s28 =	simm.s32 $0x8  }
0x9: {  	s30 =	simm.s32 $0x9;
	s14 =	simm.s32 $0xF;
	s4 =	smul.u32 $0x4F00, s10  }
0xa: {  	s1 =	sand.u32 $0x1, s1;
	[smem:$0x7FF] =	sst s5;
	s23 =	smul.u32 $0x2800, s10  }
0xb: {  	s10 =	sshll.u32 s10, $0x6;
	s21 =	smul.u32 $0x4F000, s1;
	_ =	strace $0x8000004D  }
0xc: {  	s7 =	ssub.s32 $0x2, s1;
	p0 =	seq.s32 s1, $0x1;
	s12 =	sor.u32 $0x1C11, s10  }
0xd: {  	s10 =	simm.s32 $0xD;
	s6 =	sshrl.u32 s4, $0x3;
	s8 =	sshrl.u32 s7, $0x1  }
0xe: {  	s22 =	sadd.s32 s4, s2;
	s9 =	simm.s32 @!p0 $0xC600;
	s1 =	sshrl.u32 s23, $0x3  }
0xf: {  	s23 =	simm.s32 $0x6;
	[dreg:$0x5] =	wrdreg s12;
	s5 =	sadd.s32 s4, s21  }
0x10: {  	s6 =	sadd.s32 s6, s0;
	s7 =	ssub.s32 s7, s8;
	s4 =	sadd.s32 s4, s3  }
0x11: {  	s21 =	simm.s32 $0x5;
	s8 =	simm.s32 $0x10;
	s5 =	sshrl.u32 s5, $0x3  }
0x12: {  	s11 =	sadd.s32 $0x20400, s6;
	s6 =	sadd.s32 $0x16600, s6;
	s25 =	smax.u32 s7, $0x1  }
0x13: {  	s26 =	sshrl.u32 s4, $0x3;
	s7 =	simm.s32 $0xB;
	[dreg:$0x4] =	wrdreg s11  }
0x14: {  	s4 =	simm.s32 $0x0;
	s5 =	sadd.s32 s5, s0;
	[dreg:$0x6] =	wrdreg s6  }
0x15: {  	s0 =	sadd.s32 s9, s0;
	[dreg:$0x9] =	wrdreg s25;
	s6 =	sshrl.u32 s22, $0x3  }
0x16: {  	[dreg:$0xc] =	wrdreg s26;
	s22 =	simm.s32 $0x8000;
	s26 =	simm.s32 $0xA000  }
0x17: {  	s25 =	simm.s32 $0x7;
	s9 =	simm.s32 $0xC;
	[dreg:$0xd] =	wrdreg s4  }
0x18: {  	s11 =	simm.s32 $0xE;
	s24 =	sadd.s32 $0x2A200, s5;
	[dreg:$0xb] =	wrdreg s6  }
0x19: {  	s0 =	sadd.s32 s0, s1;
	s1 =	simm.s32 $0x2;
	[dreg:$0x8] =	wrdreg s24  }
0x1a: {  	s5 =	simm.s32 $0xA;
	[dreg:$0x7] =	wrdreg s0;
	s0 =	sadd.s32 $0x5000, s0  }
0x1b: {  	s24 =	simm.s32 $0x9000;
	[dreg:$0xa] =	wrdreg s0;
	s0 =	simm.s32 $0x1  }
.LBB2_1:
0x1c: {  	s4 =	rddreg [dreg:$0x4]  }
0x1d: {  	[spmem:s6], [sflag:s12] =	dma.local [hbm:s4], $0x9E0  }
0x1e: {  	_ =	swait.ge [sflag:s13], $0x9E0  }
0x1f: {  	[sflag:s13] =	ssyncset.done $0x0;
	s4 =	rddreg [dreg:$0x6]  }
0x20: {  	s6 =	rddreg [dreg:$0xc];
	[sflag:s13] =	ssyncadd.s32 $0xFFFFF620  }
0x21: {  	[spmem:s6], [sflag:s12] =	dma.local [hbm:s4], $0x9E0  }
0x22: {  	_ =	swait.ge [sflag:s13], $0x9E0  }
0x23: {  	[sflag:s13] =	ssyncset.done $0x0  }
0x24: {  	s4 =	simm.s32 $0x0;
	s12 =	rddreg [dreg:$0x7];
	[sflag:s13] =	ssyncadd.s32 $0xFFFFF620  }
0x25: {  	[tilespmem:s4], [sflag:$0x11] =	stream.linear.gather [hbm4b:s12+s4], $0x2800, $0x38;
	[tilespmem:$0x16E00] =	vst v63  }
0x26: {  	_ =	swait.ge [sflag:s13], $0x2800  }
0x27: {  	[sflag:s13] =	ssyncset.done $0x0  }
0x28: {  	s12 =	simm.s32 $0x2800;
	s6 =	rddreg [dreg:$0xa];
	[sflag:s13] =	ssyncadd.s32 $0xFFFFD800  }
0x29: {  	[tilespmem:s12], [sflag:$0x11] =	stream.linear.gather [hbm4b:s6+s4], $0x2800, $0x38;
	[tilespmem:$0x16E00] =	vst v63  }
0x2a: {  	_ =	swait.ge [sflag:s13], $0x2800  }
0x2b: {  	[sflag:s13] =	ssyncset.done $0x0  }
0x2c: {  	[sflag:s13] =	ssyncadd.s32 $0xFFFFD800  }
0x2d: {  	[bflag:$0x0] =	sbarrier.arrive $0xFFFF  }
0x2e: {  	[tilespmem:s17], [sflag:$0x1] =	stream.indirect.gather [spmem:s3], $0x20, s4, s16, $0xb8;
	[tilespmem:$0x16E00] =	vst v63  }
0x2f: {  	_ = 	snop  }
0x30: {  	[tilespmem:s18], [sflag:$0x2] =	stream.indirect.gather [spmem:s3], $0x20, s16, s16, $0xb8;
	[tilespmem:$0x16E00] =	vst v63  }
0x31: {  	s12 =	simm.s32 $0x100  }
0x32: {  	[tilespmem:s20], [sflag:$0x3] =	stream.indirect.gather [spmem:s3], $0x20, s12, s16, $0xb8;
	[tilespmem:$0x16E00] =	vst v63  }
0x33: {  	s13 =	simm.s32 $0x180  }
0x34: {  	[tilespmem:s22], [sflag:$0x4] =	stream.indirect.gather [spmem:s3], $0x20, s13, s16, $0xb8;
	[tilespmem:$0x16E00] =	vst v63  }
0x35: {  	s6 =	simm.s32 $0x200  }
0x36: {  	[tilespmem:s24], [sflag:$0x5] =	stream.indirect.gather [spmem:s3], $0x20, s6, s16, $0xb8;
	[tilespmem:$0x16E00] =	vst v63  }
0x37: {  	s12 =	simm.s32 $0x280  }
0x38: {  	[tilespmem:s26], [sflag:$0x6] =	stream.indirect.gather [spmem:s3], $0x20, s12, s16, $0xb8;
	[tilespmem:$0x16E00] =	vst v63  }
0x39: {  	s13 =	simm.s32 $0x300  }
0x3a: {  	[tilespmem:s29], [sflag:$0x7] =	stream.indirect.gather [spmem:s3], $0x20, s13, s16, $0xb8;
	[tilespmem:$0x16E00] =	vst v63  }
0x3b: {  	s6 =	simm.s32 $0x380  }
0x3c: {  	[tilespmem:s31], [sflag:$0x8] =	stream.indirect.gather [spmem:s3], $0x20, s6, s16, $0xb8;
	[tilespmem:$0x16E00] =	vst v63  }
0x3d: {  	_ =	swait.ge [sflag:s0], $0x1000  }
0x3e: {  	[sflag:s0] =	ssyncset.done $0x0  }
0x3f: {  	s12 =	simm.s32 $0x2800;
	[sflag:s0] =	ssyncadd.s32 $0xFFFFF000  }
0x40: {  	[spmem:s2] =	stream.indirect.scatter.add.f32 [tilespmem:s17], [sflag:$0x9], $0x20, s12, s16, $0xb8;
	[tilespmem:$0x16E00] =	vst v63  }
0x41: {  	_ =	swait.ge [sflag:s1], $0x1000  }
0x42: {  	[sflag:s1] =	ssyncset.done $0x0  }
0x43: {  	s13 =	simm.s32 $0x2880;
	[sflag:s1] =	ssyncadd.s32 $0xFFFFF000  }
0x44: {  	[spmem:s2] =	stream.indirect.scatter.add.f32 [tilespmem:s18], [sflag:$0xA], $0x20, s13, s16, $0xb8;
	[tilespmem:$0x16E00] =	vst v63  }
0x45: {  	_ =	swait.ge [sflag:s15], $0x1000  }
0x46: {  	[sflag:s15] =	ssyncset.done $0x0  }
0x47: {  	s4 =	simm.s32 $0x2900;
	[sflag:s15] =	ssyncadd.s32 $0xFFFFF000  }
0x48: {  	[spmem:s2] =	stream.indirect.scatter.add.f32 [tilespmem:s20], [sflag:$0xB], $0x20, s4, s16, $0xb8;
	[tilespmem:$0x16E00] =	vst v63  }
0x49: {  	_ =	swait.ge [sflag:s19], $0x1000  }
0x4a: {  	[sflag:s19] =	ssyncset.done $0x0  }
0x4b: {  	s12 =	simm.s32 $0x2980;
	[sflag:s19] =	ssyncadd.s32 $0xFFFFF000  }
0x4c: {  	[spmem:s2] =	stream.indirect.scatter.add.f32 [tilespmem:s22], [sflag:$0xC], $0x20, s12, s16, $0xb8;
	[tilespmem:$0x16E00] =	vst v63  }
0x4d: {  	_ =	swait.ge [sflag:s21], $0x1000  }
0x4e: {  	[sflag:s21] =	ssyncset.done $0x0  }
0x4f: {  	s13 =	simm.s32 $0x2A00;
	[sflag:s21] =	ssyncadd.s32 $0xFFFFF000  }
0x50: {  	[spmem:s2] =	stream.indirect.scatter.add.f32 [tilespmem:s24], [sflag:$0xD], $0x20, s13, s16, $0xb8;
	[tilespmem:$0x16E00] =	vst v63  }
0x51: {  	_ =	swait.ge [sflag:s23], $0x1000  }
0x52: {  	[sflag:s23] =	ssyncset.done $0x0  }
0x53: {  	s4 =	simm.s32 $0x2A80;
	[sflag:s23] =	ssyncadd.s32 $0xFFFFF000  }
0x54: {  	[spmem:s2] =	stream.indirect.scatter.add.f32 [tilespmem:s26], [sflag:$0xE], $0x20, s4, s16, $0xb8;
	[tilespmem:$0x16E00] =	vst v63  }
0x55: {  	_ =	swait.ge [sflag:s25], $0x1000  }
0x56: {  	[sflag:s25] =	ssyncset.done $0x0  }
0x57: {  	s12 =	simm.s32 $0x2B00;
	[sflag:s25] =	ssyncadd.s32 $0xFFFFF000  }
0x58: {  	[spmem:s2] =	stream.indirect.scatter.add.f32 [tilespmem:s29], [sflag:$0xF], $0x20, s12, s16, $0xb8;
	[tilespmem:$0x16E00] =	vst v63  }
0x59: {  	_ =	swait.ge [sflag:s28], $0x1000  }
0x5a: {  	[sflag:s28] =	ssyncset.done $0x0  }
0x5b: {  	s13 =	simm.s32 $0x2B80;
	[sflag:s28] =	ssyncadd.s32 $0xFFFFF000  }
0x5c: {  	[spmem:s2] =	stream.indirect.scatter.add.f32 [tilespmem:s31], [sflag:$0x10], $0x20, s13, s16, $0xb8;
	[tilespmem:$0x16E00] =	vst v63  }
0x5d: {  	p0 =	por $0x0, $0x0;
	s6 =	simm.s32 $0x1000;
	_ =	swait.ge [sflag:s30], $0x1000  }
0x5e: {  	s6 =	simm.s32 @p0 $0x0;
	[sflag:s30] =	ssyncset.done $0x0  }
0x5f: {  	s6 =	sshra.s32 s6, $0x2;
	[sflag:s30] =	ssyncadd.s32 $0xFFFFF000  }
0x60: {  	[tilespmem:s17], [sflag:$0x1] =	stream.indirect.gather [spmem:s3], $0x20, s6, s16, $0xb8;
	[tilespmem:$0x16E00] =	vst v63  }
0x61: {  	s6 =	simm.s32 $0x1200;
	_ =	swait.ge [sflag:s5], $0x1000  }
0x62: {  	s6 =	simm.s32 @p0 $0x200;
	[sflag:s5] =	ssyncset.done $0x0  }
0x63: {  	s6 =	sshra.s32 s6, $0x2;
	[sflag:s5] =	ssyncadd.s32 $0xFFFFF000  }
0x64: {  	[tilespmem:s18], [sflag:$0x2] =	stream.indirect.gather [spmem:s3], $0x20, s6, s16, $0xb8;
	[tilespmem:$0x16E00] =	vst v63  }
0x65: {  	s6 =	simm.s32 $0x1400;
	_ =	swait.ge [sflag:s7], $0x1000  }
0x66: {  	s6 =	simm.s32 @p0 $0x400;
	[sflag:s7] =	ssyncset.done $0x0  }
0x67: {  	s6 =	sshra.s32 s6, $0x2;
	[sflag:s7] =	ssyncadd.s32 $0xFFFFF000  }
0x68: {  	[tilespmem:s20], [sflag:$0x3] =	stream.indirect.gather [spmem:s3], $0x20, s6, s16, $0xb8;
	[tilespmem:$0x16E00] =	vst v63  }
0x69: {  	s6 =	simm.s32 $0x1600;
	_ =	swait.ge [sflag:s9], $0x1000  }
0x6a: {  	s6 =	simm.s32 @p0 $0x600;
	[sflag:s9] =	ssyncset.done $0x0  }
0x6b: {  	s6 =	sshra.s32 s6, $0x2;
	[sflag:s9] =	ssyncadd.s32 $0xFFFFF000  }
0x6c: {  	[tilespmem:s22], [sflag:$0x4] =	stream.indirect.gather [spmem:s3], $0x20, s6, s16, $0xb8;
	[tilespmem:$0x16E00] =	vst v63  }
0x6d: {  	s6 =	simm.s32 $0x1800;
	_ =	swait.ge [sflag:s10], $0x1000  }
0x6e: {  	s6 =	simm.s32 @p0 $0x800;
	[sflag:s10] =	ssyncset.done $0x0  }
0x6f: {  	s6 =	sshra.s32 s6, $0x2;
	[sflag:s10] =	ssyncadd.s32 $0xFFFFF000  }
0x70: {  	[tilespmem:s24], [sflag:$0x5] =	stream.indirect.gather [spmem:s3], $0x20, s6, s16, $0xb8;
	[tilespmem:$0x16E00] =	vst v63  }
0x71: {  	s6 =	simm.s32 $0x1A00;
	_ =	swait.ge [sflag:s11], $0x1000  }
0x72: {  	s6 =	simm.s32 @p0 $0xA00;
	[sflag:s11] =	ssyncset.done $0x0  }
0x73: {  	s6 =	sshra.s32 s6, $0x2;
	[sflag:s11] =	ssyncadd.s32 $0xFFFFF000  }
0x74: {  	[tilespmem:s26], [sflag:$0x6] =	stream.indirect.gather [spmem:s3], $0x20, s6, s16, $0xb8;
	[tilespmem:$0x16E00] =	vst v63  }
0x75: {  	s6 =	simm.s32 $0x1C00;
	_ =	swait.ge [sflag:s14], $0x1000  }
0x76: {  	s6 =	simm.s32 @p0 $0xC00;
	[sflag:s14] =	ssyncset.done $0x0  }
0x77: {  	s6 =	sshra.s32 s6, $0x2;
	[sflag:s14] =	ssyncadd.s32 $0xFFFFF000  }
0x78: {  	[tilespmem:s29], [sflag:$0x7] =	stream.indirect.gather [spmem:s3], $0x20, s6, s16, $0xb8;
	[tilespmem:$0x16E00] =	vst v63  }
0x79: {  	s6 =	simm.s32 $0x1E00;
	_ =	swait.ge [sflag:s8], $0x1000  }
0x7a: {  	s6 =	simm.s32 @p0 $0xE00;
	[sflag:s8] =	ssyncset.done $0x0  }
0x7b: {  	s12 =	simm.s32 $0x2E00;
	s6 =	sshra.s32 s6, $0x2;
	[sflag:s8] =	ssyncadd.s32 $0xFFFFF000  }
.LBB2_2:
0x7c: {  	[tilespmem:s31], [sflag:$0x8] =	stream.indirect.gather [spmem:s3], $0x20, s6, s16, $0xb8;
	[tilespmem:$0x16E00] =	vst v63  }
0x7d: {  	s6 =	smov.u32 s12  }
0x7e: {  	p0 =	sne.s32 s12, $0xAE00;
	s12 =	sadd.s32 $0x1000, s12;
	_ =	swait.ge [sflag:s0], $0x1000  }
0x7f: {  	s13 =	sshra.s32 s6, $0x2;
	[sflag:s0] =	ssyncset.done $0x0  }
0x80: {  	s4 =	sadd.s32 $0x2080, s13;
	[sflag:s0] =	ssyncadd.s32 $0xFFFFF000  }
0x81: {  	[spmem:s2] =	stream.indirect.scatter.add.f32 [tilespmem:s17], [sflag:$0x9], $0x20, s4, s16, $0xb8;
	[tilespmem:$0x16E00] =	vst v63  }
0x82: {  	_ =	swait.ge [sflag:s1], $0x1000  }
0x83: {  	[sflag:s1] =	ssyncset.done $0x0  }
0x84: {  	s4 =	sadd.s32 $0x2100, s13;
	[sflag:s1] =	ssyncadd.s32 $0xFFFFF000  }
0x85: {  	[spmem:s2] =	stream.indirect.scatter.add.f32 [tilespmem:s18], [sflag:$0xA], $0x20, s4, s16, $0xb8;
	[tilespmem:$0x16E00] =	vst v63  }
0x86: {  	_ =	swait.ge [sflag:s15], $0x1000  }
0x87: {  	[sflag:s15] =	ssyncset.done $0x0  }
0x88: {  	s4 =	sadd.s32 $0x2180, s13;
	[sflag:s15] =	ssyncadd.s32 $0xFFFFF000  }
0x89: {  	[spmem:s2] =	stream.indirect.scatter.add.f32 [tilespmem:s20], [sflag:$0xB], $0x20, s4, s16, $0xb8;
	[tilespmem:$0x16E00] =	vst v63  }
0x8a: {  	_ =	swait.ge [sflag:s19], $0x1000  }
0x8b: {  	[sflag:s19] =	ssyncset.done $0x0  }
0x8c: {  	s4 =	sadd.s32 $0x2200, s13;
	[sflag:s19] =	ssyncadd.s32 $0xFFFFF000  }
0x8d: {  	[spmem:s2] =	stream.indirect.scatter.add.f32 [tilespmem:s22], [sflag:$0xC], $0x20, s4, s16, $0xb8;
	[tilespmem:$0x16E00] =	vst v63  }
0x8e: {  	_ =	swait.ge [sflag:s21], $0x1000  }
0x8f: {  	[sflag:s21] =	ssyncset.done $0x0  }
0x90: {  	s4 =	sadd.s32 $0x2280, s13;
	[sflag:s21] =	ssyncadd.s32 $0xFFFFF000  }
0x91: {  	[spmem:s2] =	stream.indirect.scatter.add.f32 [tilespmem:s24], [sflag:$0xD], $0x20, s4, s16, $0xb8;
	[tilespmem:$0x16E00] =	vst v63  }
0x92: {  	_ =	swait.ge [sflag:s23], $0x1000  }
0x93: {  	[sflag:s23] =	ssyncset.done $0x0  }
0x94: {  	s4 =	sadd.s32 $0x2300, s13;
	[sflag:s23] =	ssyncadd.s32 $0xFFFFF000  }
0x95: {  	[spmem:s2] =	stream.indirect.scatter.add.f32 [tilespmem:s26], [sflag:$0xE], $0x20, s4, s16, $0xb8;
	[tilespmem:$0x16E00] =	vst v63  }
0x96: {  	_ =	swait.ge [sflag:s25], $0x1000  }
0x97: {  	[sflag:s25] =	ssyncset.done $0x0  }
0x98: {  	s4 =	sadd.s32 $0x2380, s13;
	[sflag:s25] =	ssyncadd.s32 $0xFFFFF000  }
0x99: {  	[spmem:s2] =	stream.indirect.scatter.add.f32 [tilespmem:s29], [sflag:$0xF], $0x20, s4, s16, $0xb8;
	[tilespmem:$0x16E00] =	vst v63  }
0x9a: {  	_ =	swait.ge [sflag:s28], $0x1000  }
0x9b: {  	[sflag:s28] =	ssyncset.done $0x0  }
0x9c: {  	s4 =	sadd.s32 $0x2400, s13;
	s13 =	sadd.s32 $0xFFFFF800, s6;
	[sflag:s28] =	ssyncadd.s32 $0xFFFFF000  }
0x9d: {  	[spmem:s2] =	stream.indirect.scatter.add.f32 [tilespmem:s31], [sflag:$0x10], $0x20, s4, s16, $0xb8;
	[tilespmem:$0x16E00] =	vst v63  }
0x9e: {  	p1 =	seq.s32 s6, $0xAE00;
	s4 =	sadd.s32 $0xFFFFF200, s6;
	_ =	swait.ge [sflag:s30], $0x1000  }
0x9f: {  	s13 =	simm.s32 @p1 $0x600;
	s4 =	simm.s32 @p1 $0x0;
	[sflag:s30] =	ssyncset.done $0x0  }
0xa0: {  	s4 =	sshra.s32 s4, $0x2;
	[sflag:s30] =	ssyncadd.s32 $0xFFFFF000  }
0xa1: {  	[tilespmem:s17], [sflag:$0x1] =	stream.indirect.gather [spmem:s3], $0x20, s4, s16, $0xb8;
	[tilespmem:$0x16E00] =	vst v63  }
0xa2: {  	s4 =	sadd.s32 $0xFFFFF400, s6;
	_ =	swait.ge [sflag:s5], $0x1000  }
0xa3: {  	s4 =	simm.s32 @p1 $0x200;
	[sflag:s5] =	ssyncset.done $0x0  }
0xa4: {  	s4 =	sshra.s32 s4, $0x2;
	[sflag:s5] =	ssyncadd.s32 $0xFFFFF000  }
0xa5: {  	[tilespmem:s18], [sflag:$0x2] =	stream.indirect.gather [spmem:s3], $0x20, s4, s16, $0xb8;
	[tilespmem:$0x16E00] =	vst v63  }
0xa6: {  	s4 =	sadd.s32 $0xFFFFF600, s6;
	_ =	swait.ge [sflag:s7], $0x1000  }
0xa7: {  	s4 =	simm.s32 @p1 $0x400;
	[sflag:s7] =	ssyncset.done $0x0  }
0xa8: {  	s4 =	sshra.s32 s4, $0x2;
	[sflag:s7] =	ssyncadd.s32 $0xFFFFF000  }
0xa9: {  	[tilespmem:s20], [sflag:$0x3] =	stream.indirect.gather [spmem:s3], $0x20, s4, s16, $0xb8;
	[tilespmem:$0x16E00] =	vst v63  }
0xaa: {  	_ =	swait.ge [sflag:s9], $0x1000  }
0xab: {  	[sflag:s9] =	ssyncset.done $0x0  }
0xac: {  	s4 =	sshra.s32 s13, $0x2;
	[sflag:s9] =	ssyncadd.s32 $0xFFFFF000  }
0xad: {  	[tilespmem:s22], [sflag:$0x4] =	stream.indirect.gather [spmem:s3], $0x20, s4, s16, $0xb8;
	[tilespmem:$0x16E00] =	vst v63  }
0xae: {  	s4 =	sadd.s32 $0xFFFFFA00, s6;
	_ =	swait.ge [sflag:s10], $0x1000  }
0xaf: {  	s4 =	simm.s32 @p1 $0x800;
	[sflag:s10] =	ssyncset.done $0x0  }
0xb0: {  	s4 =	sshra.s32 s4, $0x2;
	[sflag:s10] =	ssyncadd.s32 $0xFFFFF000  }
0xb1: {  	[tilespmem:s24], [sflag:$0x5] =	stream.indirect.gather [spmem:s3], $0x20, s4, s16, $0xb8;
	[tilespmem:$0x16E00] =	vst v63  }
0xb2: {  	s4 =	sadd.s32 $0xFFFFFC00, s6;
	_ =	swait.ge [sflag:s11], $0x1000  }
0xb3: {  	s4 =	simm.s32 @p1 $0xA00;
	[sflag:s11] =	ssyncset.done $0x0  }
0xb4: {  	s4 =	sshra.s32 s4, $0x2;
	[sflag:s11] =	ssyncadd.s32 $0xFFFFF000  }
0xb5: {  	[tilespmem:s26], [sflag:$0x6] =	stream.indirect.gather [spmem:s3], $0x20, s4, s16, $0xb8;
	[tilespmem:$0x16E00] =	vst v63  }
0xb6: {  	s4 =	sadd.s32 $0xFFFFFE00, s6;
	_ =	swait.ge [sflag:s14], $0x1000  }
0xb7: {  	s4 =	simm.s32 @p1 $0xC00;
	[sflag:s14] =	ssyncset.done $0x0  }
.Ltmp0:
0xb8: {  	s4 =	sshra.s32 s4, $0x2;
	[sflag:s14] =	ssyncadd.s32 $0xFFFFF000;
	(pc) =	sbr.rel @p0 .LBB2_2-.Ltmp0, $4  }
0xb9: {  	[tilespmem:s29], [sflag:$0x7] =	stream.indirect.gather [spmem:s3], $0x20, s4, s16, $0xb8;
	[tilespmem:$0x16E00] =	vst v63  }
0xba: {  	_ =	swait.ge [sflag:s8], $0x1000  }
0xbb: {  	s6 =	simm.s32 @p1 $0xE00;
	[sflag:s8] =	ssyncset.done $0x0  }
0xbc: {  	s6 =	sshra.s32 s6, $0x2;
	[sflag:s8] =	ssyncadd.s32 $0xFFFFF000  }
0xbd: {  	[tilespmem:s31], [sflag:$0x8] =	stream.indirect.gather [spmem:s3], $0x20, s6, s16, $0xb8;
	[tilespmem:$0x16E00] =	vst v63  }
0xbe: {  	_ =	swait.ge [sflag:s0], $0x1000  }
0xbf: {  	[sflag:s0] =	ssyncset.done $0x0  }
0xc0: {  	[sflag:s0] =	ssyncadd.s32 $0xFFFFF000  }
0xc1: {  	_ =	swait.ge [sflag:s1], $0x1000  }
0xc2: {  	[sflag:s1] =	ssyncset.done $0x0  }
0xc3: {  	[sflag:s1] =	ssyncadd.s32 $0xFFFFF000  }
0xc4: {  	_ =	swait.ge [sflag:s15], $0x1000  }
0xc5: {  	[sflag:s15] =	ssyncset.done $0x0  }
0xc6: {  	[sflag:s15] =	ssyncadd.s32 $0xFFFFF000  }
0xc7: {  	_ =	swait.ge [sflag:s19], $0x1000  }
0xc8: {  	[sflag:s19] =	ssyncset.done $0x0  }
0xc9: {  	[sflag:s19] =	ssyncadd.s32 $0xFFFFF000  }
0xca: {  	_ =	swait.ge [sflag:s21], $0x1000  }
0xcb: {  	[sflag:s21] =	ssyncset.done $0x0  }
0xcc: {  	[sflag:s21] =	ssyncadd.s32 $0xFFFFF000  }
0xcd: {  	_ =	swait.ge [sflag:s23], $0x1000  }
0xce: {  	[sflag:s23] =	ssyncset.done $0x0  }
0xcf: {  	[sflag:s23] =	ssyncadd.s32 $0xFFFFF000  }
0xd0: {  	_ =	swait.ge [sflag:s25], $0x1000  }
0xd1: {  	[sflag:s25] =	ssyncset.done $0x0  }
0xd2: {  	[sflag:s25] =	ssyncadd.s32 $0xFFFFF000  }
0xd3: {  	_ =	swait.ge [sflag:s28], $0x1000  }
0xd4: {  	[sflag:s28] =	ssyncset.done $0x0  }
0xd5: {  	[sflag:s28] =	ssyncadd.s32 $0xFFFFF000  }
0xd6: {  	[bflag:$0x0] =	sbarrier.arrive $0xFFFF  }
0xd7: {  	s12 =	rddreg [dreg:$0x5]  }
0xd8: {  	s4 =	rddreg [dreg:$0x8]  }
0xd9: {  	s13 =	simm.s32 $0x11;
	s6 =	rddreg [dreg:$0xb]  }
0xda: {  	[hbm:s4], [sflag:s12] =	dma.local [spmem:s6], $0x9E0  }
0xdb: {  	_ =	swait.ge [sflag:s13], $0x9E0  }
0xdc: {  	s4 =	rddreg [dreg:$0xd]  }
0xdd: {  	s12 =	sadd.s32 $0x1, s4;
	s4 =	rddreg [dreg:$0x9]  }
0xde: {  	p0 =	sne.s32 s12, s4  }
.Ltmp1:
0xdf: {  	_ = 	snop;
	(pc) =	sbr.rel @p0 .LBB2_1-.Ltmp1, $3  }
0xe0: {  	_ =	sdelay $0x1  }
0xe1: {  	[sflag:s13] =	ssyncset.done $0x0;
	[dreg:$0xd] =	wrdreg s12  }
0xe2: {  	[sflag:s13] =	ssyncadd.s32 $0xFFFFF620;
	s12 =	rddreg [dreg:$0x5]  }
0xe3: {  	_ =	sfence.sel $0x180000  }
0xe4: {  	[bflag:$0x0] =	sbarrier.arrive $0xFFFF  }
0xe5: {  	_ =	strace $0x9000004D  }
0xe6: {  	s0 =	stileid.u32;
	[bflag:$0x2] =	sbarrier.arrive $0xFFFF  }
0xe7: {  	p0 =	sne.s32 s0, $0x0;
	s0 =	rddreg [dreg:$0x3]  }
0xe8: {  	s0 =	sadd.s32 @!p0 $0x100000, s0  }
0xe9: {  	[sflag:s0] =	ssyncadd.tile.s32 @!p0 $0x1;
	_ =	shalt  }
.Lfunc_end2:
_tile_overlayer_lowered:
.L_overlay_start_2:
0xea: {  	(tag) =	ssettag $0x2  }
0xeb: {  	s0 =	rddreg [dreg:$0x0];
	s2 =	stileid.u32  }
0xec: {  	s1 =	rddreg [dreg:$0x1];
	p0 =	sne.s32 s2, $0x0  }
0xed: {  	s3 =	rddreg [dreg:$0x2];
	[bflag:$0x3] =	sbarrier.arrive $0xFFFF;
	s2 =	simm.s32 @!p0 $0x1C11  }
0xee: {  	[timem:s3], [sflag:s2] =	dma.local @!p0 [hbm:s0], s1  }
0xef: {  	s0 =	simm.s32 @!p0 $0x11  }
0xf0: {  	_ =	swait.ge @!p0 [sflag:s0], s1  }
0xf1: {  	s1 =	ssub.s32 @!p0 $0x0, s1;
	[sflag:s0] =	ssyncset.done @!p0 $0x0  }
0xf2: {  	[sflag:s0] =	ssyncadd.s32 @!p0 s1  }
0xf3: {  	[bflag:$0x3] =	sbarrier.arrive $0xFFFF  }
0xf4: {  	_ =	shalt  }

// kernel: kernel.9.cloned.1.call-start
scs
__scs_entry_jumppad:
0x0: {  	(pc) =	sbr.rel $0x88, $3  }
0x1: {  	(tag) =	ssettag $0x0;
	lr =	simm.s32 $0x1  }
0x2: {  	[smem:$0x3F97] =	sst lr;
	_ =	strace $0xD0000000  }
0x3: {  	_ = 	snop  }
0x4: {  	_ = 	snop  }
0x5: {  	_ = 	snop  }
0x6: {  	_ = 	snop  }
0x7: {  	_ = 	snop  }
__scs_overlays_trampoline_lowered:
0x8: {  	[smem:$0x3FA6] =	sst s0  }
0x9: {  	[smem:$0x3FA7] =	sst s1  }
0xa: {  	[smem:$0x3FA8] =	sst s2  }
0xb: {  	[smem:$0x3FA9] =	sst s3  }
0xc: {  	[smem:$0x3FAA] =	sst s4  }
0xd: {  	[smem:$0x3FAB] =	sst s5  }
0xe: {  	[smem:$0x3FAC] =	sst s6  }
0xf: {  	[smem:$0x3FAD] =	sst s7  }
0x10: {  	[smem:$0x3FAE] =	sst s8  }
0x11: {  	[smem:$0x3FAF] =	sst s9;
	s0 =	simm.s32 @!p0 $0x0  }
0x12: {  	s1 =	sld [smem:$0x3F95];
	s0 =	simm.s32 @p0 $0x1  }
0x13: {  	[smem:$0x3FB0] =	sst s0;
	s0 =	simm.s32 @!p1 $0x0  }
0x14: {  	s2 =	sld [smem:$0x3F94];
	s0 =	simm.s32 @p1 $0x1  }
0x15: {  	[smem:$0x3FB1] =	sst s0;
	s0 =	simm.s32 @!p2 $0x0  }
0x16: {  	s3 =	sld [smem:$0x3FDB];
	s0 =	simm.s32 @p2 $0x1  }
0x17: {  	s4 =	simm.s32 $0x1BF5;
	[smem:$0x3FB3] =	sst s0  }
0x18: {  	s0 =	sld [smem:$0x3F96];
	_ =	swait.ge [sflag:s4], $0x0  }
0x19: {  	s7 =	sld [smem:$0x3F97]  }
0x1a: {  	s8 =	sadd.s32 $0xFFFFE003, lr  }
0x1b: {  	s9 =	sadd.s32 $0xFFFFFEF7, lr;
	s5 =	simm.s32 $0xFFFFFFFF;
	p2 =	slt.u32 s8, $0xFFFFF086  }
0x1c: {  	p1 =	slt.u32 s9, $0xF7A;
	s5 =	simm.s32 @!p2 $0x0  }
0x1d: {  	s5 =	simm.s32 @p1 $0x1;
	p0 =	seq.s32 s7, s2  }
0x1e: {  	s7 =	smul.u32 @!p0 $0xF7A, s2;
	p2 =	seq.s32 @!p0 s5, $0x0  }
0x1f: {  	s9 =	smul.u32 $0xF7A, s1;
	s8 =	simm.s32 @!p0 $0x1BF5;
	p2 =	por !p2, p0  }
0x20: {  	[sflag:s8] =	ssyncset.s32 @!p0 $0xFFFFF086;
	s6 =	sadd.s32 @!p0 s3, s7;
	s7 =	simm.s32 @!p0 $0x108  }
0x21: {  	s3 =	sadd.s32 s3, s9;
	s6 =	sadd.s32 @!p0 $0x88, s6;
	s7 =	simm.s32 @p2 $0x1082  }
0x22: {  	[simem:s7], [sflag:s8] =	dma.local @!p0 [hbm:s6], $0xF7A  }
0x23: {  	s9 =	sor.u32 $0xD0000000, s2;
	s6 =	simm.s32 $0x108;
	_ =	swait.ge @!p0 [sflag:s8], $0x0  }
0x24: {  	s3 =	sadd.s32 $0x88, s3;
	s6 =	simm.s32 @!p1 $0x1082;
	[sflag:s4] =	ssyncset.s32 $0xFFFFF086  }
0x25: {  	[simem:s6], [sflag:s4] =	dma.local [hbm:s3], $0xF7A  }
0x26: {  	[smem:$0x3F97] =	sst s1;
	(tag) =	ssettag s2;
	_ =	strace s9  }
0x27: {  	s1 =	sld [smem:$0x3FA7]  }
0x28: {  	s2 =	sld [smem:$0x3FA8]  }
0x29: {  	s4 =	sld [smem:$0x3FAA]  }
0x2a: {  	p0 =	seq.s32 s5, $0x0;
	s5 =	sld [smem:$0x3FAB]  }
0x2b: {  	s6 =	sld [smem:$0x3FAC]  }
0x2c: {  	s7 =	sld [smem:$0x3FAD]  }
0x2d: {  	s3 =	simm.s32 $0x108;
	s8 =	sld [smem:$0x3FAE]  }
0x2e: {  	s3 =	simm.s32 @!p0 $0x1082;
	s9 =	sld [smem:$0x3FAF]  }
0x2f: {  	lr =	sadd.s32 s0, s3;
	s0 =	sld [smem:$0x3FA6]  }
0x30: {  	s3 =	sld [smem:$0x3FA9]  }
0x31: {  	[smem:$0x3FB2] =	sst s10  }
0x32: {  	s10 =	sld [smem:$0x3FB0];
	_ =	sdelay $0x3  }
0x33: {  	p0 =	seq.s32 s10, $0x1;
	s10 =	sld [smem:$0x3FB2];
	_ =	sdelay $0x3  }
0x34: {  	[smem:$0x3FB2] =	sst s10  }
0x35: {  	s10 =	sld [smem:$0x3FB1];
	_ =	sdelay $0x3  }
0x36: {  	p1 =	seq.s32 s10, $0x1;
	s10 =	sld [smem:$0x3FB2];
	_ =	sdelay $0x3  }
0x37: {  	[smem:$0x3FB2] =	sst s10  }
0x38: {  	s10 =	sld [smem:$0x3FB3]  }
0x39: {  	_ = 	snop;
	(pc) =	sbr.ind lr, $3  }
0x3a: {  	_ = 	snop  }
0x3b: {  	_ = 	snop  }
0x3c: {  	p2 =	seq.s32 s10, $0x1;
	s10 =	sld [smem:$0x3FB2]  }
0x3d: {  	_ =	shalt  }
0x3e: {  	_ =	shalt  }
0x3f: {  	_ =	shalt  }
0x40: {  	_ =	shalt  }
0x41: {  	_ =	shalt  }
0x42: {  	_ =	shalt  }
0x43: {  	_ =	shalt  }
0x44: {  	_ =	shalt  }
0x45: {  	_ =	shalt  }
0x46: {  	_ =	shalt  }
0x47: {  	_ =	shalt  }
0x48: {  	_ =	shalt  }
0x49: {  	_ =	shalt  }
0x4a: {  	_ =	shalt  }
0x4b: {  	_ =	shalt  }
0x4c: {  	_ =	shalt  }
0x4d: {  	_ =	shalt  }
0x4e: {  	_ =	shalt  }
0x4f: {  	_ =	shalt  }
0x50: {  	_ =	shalt  }
0x51: {  	_ =	shalt  }
0x52: {  	_ =	shalt  }
0x53: {  	_ =	shalt  }
0x54: {  	_ =	shalt  }
0x55: {  	_ =	shalt  }
0x56: {  	_ =	shalt  }
0x57: {  	_ =	shalt  }
0x58: {  	_ =	shalt  }
0x59: {  	_ =	shalt  }
0x5a: {  	_ =	shalt  }
0x5b: {  	_ =	shalt  }
0x5c: {  	_ =	shalt  }
0x5d: {  	_ =	shalt  }
0x5e: {  	_ =	shalt  }
0x5f: {  	_ =	shalt  }
0x60: {  	_ =	shalt  }
0x61: {  	_ =	shalt  }
0x62: {  	_ =	shalt  }
0x63: {  	_ =	shalt  }
0x64: {  	_ =	shalt  }
0x65: {  	_ =	shalt  }
0x66: {  	_ =	shalt  }
0x67: {  	_ =	shalt  }
0x68: {  	_ =	shalt  }
0x69: {  	_ =	shalt  }
0x6a: {  	_ =	shalt  }
0x6b: {  	_ =	shalt  }
0x6c: {  	_ =	shalt  }
0x6d: {  	_ =	shalt  }
0x6e: {  	_ =	shalt  }
0x6f: {  	_ =	shalt  }
0x70: {  	_ =	shalt  }
0x71: {  	_ =	shalt  }
0x72: {  	_ =	shalt  }
0x73: {  	_ =	shalt  }
0x74: {  	_ =	shalt  }
0x75: {  	_ =	shalt  }
0x76: {  	_ =	shalt  }
0x77: {  	_ =	shalt  }
0x78: {  	_ =	shalt  }
0x79: {  	_ =	shalt  }
0x7a: {  	_ =	shalt  }
0x7b: {  	_ =	shalt  }
0x7c: {  	_ =	shalt  }
0x7d: {  	_ =	shalt  }
0x7e: {  	_ =	shalt  }
0x7f: {  	_ =	shalt  }
0x80: {  	_ =	shalt  }
0x81: {  	_ =	shalt  }
0x82: {  	_ =	shalt  }
0x83: {  	_ =	shalt  }
0x84: {  	_ =	shalt  }
0x85: {  	_ =	shalt  }
0x86: {  	_ =	shalt  }
0x87: {  	_ =	shalt  }
.Lfunc_end0:
.L_simem_size_0:
called_computation_lowered:
.L_overlay_start_0:
0x88: {  	s2 =	sld [smem:$0x3FD9]  }
0x89: {  	s3 =	sld [smem:$0x3FFE];
	_ =	sdelay $0x1  }
0x8a: {  	s1 =	srdreg.scid  }
0x8b: {  	s0 =	sand.u32 $0x1, s1  }
0x8c: {  	s16 =	sshll.u32 s0, $0xA;
	s2 =	sadd.s32 s3, s2  }
0x8d: {  	s2 =	sadd.s32 s2, s16  }
0x8e: {  	[smem:$0x3FBE] =	sst s2  }
0x8f: {  	_ = 	snop  }
0x90: {  	(tm) =	ssettm $0x1  }
0x91: {  	s17 =	sld [smem:$0x3FFB];
	_ =	sdelay $0x3  }
0x92: {  	_ =	strace s17  }
0x93: {  	s2 =	sld [smem:$0x3FFC];
	_ =	sdelay $0x3  }
0x94: {  	_ =	strace s2  }
0x95: {  	s2 =	sld [smem:$0x3FFD];
	_ =	sdelay $0x3  }
0x96: {  	_ =	strace s2  }
0x97: {  	_ =	strace $0x8FFFFFFF  }
0x98: {  	s18 =	sld [smem:$0x3FDB];
	_ =	sdelay $0x1  }
0x99: {  	s19 =	simm.s32 $_scs_section_size  }
0x9a: {  	s4 =	simm.s32 $_size__tile_overlayer_lowered;
	s5 =	simm.s32 $_tile_overlayer_lowered  }
0x9b: {  	s22 =	simm.s32 $0x1BFF;
	s21 =	sshll.u32 s5, $0x1;
	s2 =	sadd.s32 s19, s18  }
0x9c: {  	s6 =	simm.s32 $0x0;
	s20 =	sshll.u32 s4, $0x1;
	s4 =	sadd.s32 s21, s2  }
0x9d: {  	[timem:s6], [sflag:s22] =	dma.local [hbm:s4], s20  }
0x9e: {  	_ =	swait.ge [sflag:s22], s20  }
0x9f: {  	s3 =	ssub.s32 $0x0, s20;
	[sflag:s22] =	ssyncset.done $0x0  }
0xa0: {  	[sflag:s22] =	ssyncadd.s32 s3;
	_ =	sdelay $0x1  }
0xa1: {  	s23 =	simm.s32 $0x1B8B  }
0xa2: {  	_ =	swait.ge [sflag:s23], $0x1  }
0xa3: {  	[sflag:s23] =	ssyncset.done $0x0  }
0xa4: {  	s25 =	simm.s32 $0x1B8E;
	s24 =	sld [smem:$0x3FFE];
	[sflag:s23] =	ssyncadd.s32 $0xFFFFFFFF  }
0xa5: {  	s26 =	simm.s32 $execute0_lowered;
	[smem:$0x3FD2] =	sst s25  }
0xa6: {  	s4 =	sshll.u32 s26, $0x1;
	_ =	strace $0x80000046;
	[dreg:$0x1] =	wrdreg $0xFFFFFFFF  }
0xa7: {  	s28 =	simm.s32 $_size_execute0_lowered;
	s2 =	sadd.s32 s2, s4;
	[dreg:$0x0] =	wrdreg $0x0  }
0xa8: {  	s4 =	sshll.u32 s28, $0x1;
	[dreg:$0x2] =	wrdreg s2  }
0xa9: {  	[dreg:$0x3] =	wrdreg s4  }
0xaa: {  	[dreg:$0x4] =	wrdreg $0xC0  }
0xab: {  	_ =	task [dreg:s6], $0x5FFFF  }
0xac: {  	[dreg:$0x1] =	wrdreg $0xFFFFFFFF  }
0xad: {  	[dreg:$0x0] =	wrdreg $0x60  }
0xae: {  	[dreg:$0x2] =	wrdreg s24  }
0xaf: {  	[dreg:$0x3] =	wrdreg $0x30000  }
0xb0: {  	[dreg:$0x4] =	wrdreg $0x9  }
0xb1: {  	_ =	task.clear_ibuf [dreg:s6], $0x5FFFF;
	_ =	strace $0x90000046  }
0xb2: {  	s29 =	simm.s32 $0x9;
	_ =	strace $0x80000048  }
0xb3: {  	_ =	swait.ge [sflag:s29], $0x1  }
0xb4: {  	[sflag:s29] =	ssyncadd.s32 $0xFFFFFFFF  }
0xb5: {  	_ =	strace $0x90000048  }
0xb6: {  	_ =	sfence  }
0xb7: {  	s30 =	sld [smem:$0x0];
	_ =	sdelay $0x2  }
0xb8: {  	s31 =	sshll.u32 s1, $0xD;
	s1 =	sshrl.u32 s1, $0x2  }
0xb9: {  	s3 =	sand.u32 $0x4000, s31;
	s1 =	sadd.s32 s1, s30  }
0xba: {  	s0 =	sor.u32 s3, s0;
	s1 =	sshll.u32 s1, $0x11  }
0xbb: {  	s0 =	sor.u32 s1, s0  }
0xbc: {  	s0 =	sadd.s32 $0x8F2B, s0  }
0xbd: {  	[sflag:s0] =	ssyncadd.remote.s32 $0x1  }
0xbe: {  	_ =	sfence.sel $0xFFFF  }
0xbf: {  	[dreg:$0x0] =	wrdreg $0xFFFFFFFF;
	(pc) =	sbr.abs _section_cstart, $3  }
0xc0: {  	[dreg:$0x1] =	wrdreg $0xFFFFFFFF  }
0xc1: {  	_ =	task.clear_ibuf [dreg:s6], $0x2FFFF;
	_ =	strace $0x9FFFFFFF  }
0xc2: {  	(tm) =	ssettm $0x7FFFFFFF  }
0xc3: {  	_ =	shalt  }
tec
execute0_lowered:
.L_overlay_start_1:
0x0: {  	(tag) =	ssettag $0x1  }
0x1: {  	s7 =	rddreg [dreg:$0x0]  }
0x2: {  	s2 =	rddreg [dreg:$0x1]  }
0x3: {  	s0 =	rddreg [dreg:$0x2]  }
0x4: {  	s1 =	stileid.u32;
	s4 =	srdreg.scid;
	s3 =	simm.s32 $0x0  }
0x5: {  	s13 =	simm.s32 $0x2600;
	s14 =	simm.s32 $0x0;
	s5 =	smul.u32 $0x2780, s1  }
0x6: {  	s6 =	sand.u32 $0x1, s4;
	[smem:$0x7FF] =	sst s3;
	s12 =	smul.u32 $0x2800, s1  }
0x7: {  	s30 =	sshll.u32 s1, $0x6;
	s4 =	smul.u32 $0x27800, s6;
	_ =	strace $0x80000047  }
0x8: {  	s10 =	ssub.s32 $0x2, s6;
	p0 =	seq.s32 s6, $0x1;
	s6 =	sor.u32 $0x1C01, s30  }
0x9: {  	s8 =	sshrl.u32 s5, $0x3;
	s11 =	sshrl.u32 s10, $0x1;
	s29 =	sadd.s32 s5, s2  }
0xa: {  	s13 =	simm.s32 @!p0 $0xC600;
	s31 =	sshrl.u32 s12, $0x3;
	s8 =	sadd.s32 s8, s7  }
0xb: {  	s9 =	sadd.s32 s5, s4;
	s4 =	sadd.s32 $0x1B600, s7;
	s10 =	ssub.s32 s10, s11  }
0xc: {  	s11 =	simm.s32 $0x1;
	s9 =	sshrl.u32 s9, $0x3;
	s5 =	sadd.s32 $0x16600, s8  }
0xd: {  	s8 =	smax.u32 s10, $0x1;
	s9 =	sadd.s32 s9, s7;
	s7 =	sadd.s32 s13, s7  }
0xe: {  	s10 =	sshrl.u32 s29, $0x3;
	s13 =	simm.s32 $0x80;
	s12 =	sadd.s32 s7, s31  }
0xf: {  	s7 =	sadd.s32 $0x1B800, s9;
	s9 =	sadd.s32 $0x5000, s12;
	s12 =	simm.s32 $0x2800  }
.LBB2_1:
0x10: {  	[spmem:s10], [sflag:s6] =	dma.local [hbm:s5], $0x4F0  }
0x11: {  	_ =	swait.ge [sflag:s11], $0x4F0  }
0x12: {  	[sflag:s11] =	ssyncset.done $0x0  }
0x13: {  	[sflag:s11] =	ssyncadd.s32 $0xFFFFFB10  }
0x14: {  	[tilespmem:s3], [sflag:$0x1] =	stream.linear.gather [hbm4b:s9+s3], $0x2800, $0x38;
	[tilespmem:$0x5780] =	vst v63  }
0x15: {  	_ =	swait.ge [sflag:s11], $0x2800  }
0x16: {  	[sflag:s11] =	ssyncset.done $0x0  }
0x17: {  	[sflag:s11] =	ssyncadd.s32 $0xFFFFD800  }
0x18: {  	[tilespmem:s12], [sflag:$0x1] =	stream.linear.gather [hbm4b:s4+s3], $0x800, $0x38;
	[tilespmem:$0x5780] =	vst v63  }
0x19: {  	_ =	swait.ge [sflag:s11], $0x800  }
0x1a: {  	[sflag:s11] =	ssyncset.done $0x0  }
0x1b: {  	[sflag:s11] =	ssyncadd.s32 $0xFFFFF800  }
0x1c: {  	s15 =	simm.s32 $0x0;
	[bflag:$0x0] =	sbarrier.arrive $0xFFFF  }
0x1d: {  	[spmem:s2] =	stream.indirect.scatter.add.f32 [tilespmem:s12], [sflag:$0x1], $0x10, s15, s13, $0xb8;
	[tilespmem:$0x5780] =	vst v63  }
0x1e: {  	_ =	swait.ge [sflag:s11], $0x800  }
0x1f: {  	s15 =	simm.s32 $0x200;
	[sflag:s11] =	ssyncset.done $0x0  }
.LBB2_2:
0x20: {  	s16 =	sshra.s32 s15, $0x2;
	[sflag:s11] =	ssyncadd.s32 $0xFFFFF800;
	p0 =	sne.s32 s15, $0x9E00  }
0x21: {  	[spmem:s2] =	stream.indirect.scatter.add.f32 [tilespmem:s12], [sflag:$0x1], $0x10, s16, s13, $0xb8;
	[tilespmem:$0x5780] =	vst v63  }
.Ltmp0:
0x22: {  	_ = 	snop;
	(pc) =	sbr.rel @p0 .LBB2_2-.Ltmp0, $4  }
0x23: {  	_ = 	snop  }
0x24: {  	s15 =	sadd.s32 $0x200, s15  }
0x25: {  	_ =	swait.ge [sflag:s11], $0x800  }
0x26: {  	[sflag:s11] =	ssyncset.done $0x0  }
0x27: {  	s14 =	sadd.s32 $0x1, s14  }
0x28: {  	[sflag:s11] =	ssyncadd.s32 $0xFFFFF800;
	p0 =	sne.s32 s14, s8  }
.Ltmp1:
0x29: {  	[bflag:$0x0] =	sbarrier.arrive $0xFFFF;
	(pc) =	sbr.rel @p0 .LBB2_1-.Ltmp1, $4  }
0x2a: {  	[hbm:s7], [sflag:s6] =	dma.local [spmem:s10], $0x4F0  }
0x2b: {  	_ =	swait.ge [sflag:s11], $0x4F0  }
0x2c: {  	[sflag:s11] =	ssyncset.done $0x0  }
0x2d: {  	[sflag:s11] =	ssyncadd.s32 $0xFFFFFB10  }
0x2e: {  	_ =	sfence.sel $0x180000  }
0x2f: {  	[bflag:$0x0] =	sbarrier.arrive $0xFFFF  }
0x30: {  	p0 =	sne.s32 s1, $0x0;
	_ =	strace $0x90000047  }
0x31: {  	s0 =	sadd.s32 @!p0 $0x100000, s0;
	[bflag:$0x2] =	sbarrier.arrive $0xFFFF  }
0x32: {  	[sflag:s0] =	ssyncadd.tile.s32 @!p0 $0x1;
	_ =	shalt  }
.Lfunc_end2:
_tile_overlayer_lowered:
.L_overlay_start_2:
0x33: {  	(tag) =	ssettag $0x2  }
0x34: {  	s0 =	rddreg [dreg:$0x0];
	s2 =	stileid.u32  }
0x35: {  	s1 =	rddreg [dreg:$0x1];
	p0 =	sne.s32 s2, $0x0  }
0x36: {  	s3 =	rddreg [dreg:$0x2];
	[bflag:$0x3] =	sbarrier.arrive $0xFFFF;
	s2 =	simm.s32 @!p0 $0x1C01  }
0x37: {  	[timem:s3], [sflag:s2] =	dma.local @!p0 [hbm:s0], s1  }
0x38: {  	s0 =	simm.s32 @!p0 $0x1  }
0x39: {  	_ =	swait.ge @!p0 [sflag:s0], s1  }
0x3a: {  	s1 =	ssub.s32 @!p0 $0x0, s1;
	[sflag:s0] =	ssyncset.done @!p0 $0x0  }
0x3b: {  	[sflag:s0] =	ssyncadd.s32 @!p0 s1  }
0x3c: {  	[bflag:$0x3] =	sbarrier.arrive $0xFFFF  }
0x3d: {  	_ =	shalt  }

</sc_bundles>
